<compile_context>
chip_gen: v7x
topology: tpu7x:2x2x1
jax: 0.10.2.dev20260603
libtpu: 0.0.44.dev20260713+nightly
codegen_flags: <defaults>
</compile_context>

<pallas_src>
import functools

import numpy as np
import jax
import jax.numpy as jnp
from jax import lax
from jax.experimental import pallas as pl
from jax.experimental.pallas import tpu as pltpu
from jax.experimental.pallas import tpu_sc as plsc

_LANES = 16
_SCHUNK = 400
_GBATCH = 80

_LO = float(np.log(np.float32(0.01)) - np.log1p(np.float32(-0.01)))
_HI = float(np.log(np.float32(0.99)) - np.log1p(np.float32(-0.99)))


def _tc_tables_body(emb, w1a, w1b, b1r, p_out, q_out):
    x = emb[...]
    p_out[...] = jnp.dot(x, w1a[...], preferred_element_type=jnp.float32)
    q_out[...] = jnp.dot(x, w1b[...], preferred_element_type=jnp.float32) + b1r[...]


def _make_tables(node_emb, W1, b1):
    n, d = node_emb.shape
    h = W1.shape[1]
    w1a = W1[:d]
    w1b = W1[d:]
    b1r = b1.reshape(1, h)
    bm = 1000 if n % 1000 == 0 else n
    grid = n // bm
    return pl.pallas_call(
        _tc_tables_body,
        grid=(grid,),
        in_specs=[
            pl.BlockSpec((bm, d), lambda i: (i, 0)),
            pl.BlockSpec((d, h), lambda i: (0, 0)),
            pl.BlockSpec((d, h), lambda i: (0, 0)),
            pl.BlockSpec((1, h), lambda i: (0, 0)),
        ],
        out_specs=[
            pl.BlockSpec((bm, h), lambda i: (i, 0)),
            pl.BlockSpec((bm, h), lambda i: (i, 0)),
        ],
        out_shape=[
            jax.ShapeDtypeStruct((n, h), jnp.float32),
            jax.ShapeDtypeStruct((n, h), jnp.float32),
        ],
    )(node_emb, w1a, w1b, b1r)


@functools.cache
def _make_sc_kernel(e, h, nc, ns, chunk):
    nw = nc * ns
    per_w = e // nw
    nchunks = per_w // chunk
    ngroups = chunk // _LANES
    nbatch = chunk // _GBATCH
    npairs = (nchunks - 1) // 2
    ilen = 4 * chunk
    olen = 3 * chunk
    mesh = plsc.VectorSubcoreMesh(core_axis_name="c", subcore_axis_name="s")

    @functools.partial(
        pl.kernel,
        out_type=jax.ShapeDtypeStruct((3 * e,), jnp.int32),
        mesh=mesh,
        compiler_params=pltpu.CompilerParams(
            needs_layout_passes=False, use_tc_tiling_on_sc=False),
        scratch_types=[
            pltpu.VMEM((ilen,), jnp.int32),
            pltpu.VMEM((ilen,), jnp.int32),
            pltpu.VMEM((chunk, h), jnp.float32),
            pltpu.VMEM((chunk, h), jnp.float32),
            pltpu.VMEM((chunk, h), jnp.float32),
            pltpu.VMEM((chunk, h), jnp.float32),
            pltpu.VMEM((olen,), jnp.int32),
            pltpu.VMEM((olen,), jnp.int32),
            pltpu.VMEM((h * _LANES,), jnp.float32),
            pltpu.SemaphoreType.DMA,
            pltpu.SemaphoreType.DMA,
            pltpu.SemaphoreType.DMA,
            pltpu.SemaphoreType.DMA,
            pltpu.SemaphoreType.DMA,
            pltpu.SemaphoreType.DMA,
            pltpu.SemaphoreType.DMA,
            pltpu.SemaphoreType.DMA,
        ],
    )
    def sc_kernel(p_hbm, q_hbm, in_hbm, w2_hbm, out_hbm,
                  inb0, inb1, pb0, pb1, qb0, qb1, ob0, ob1, w2v,
                  si0, si1, sp0, sp1, sq0, sq1, so0, so1):
        wid = lax.axis_index("s") * nc + lax.axis_index("c")
        cbase = wid * nchunks
        pltpu.sync_copy(w2_hbm, w2v)
        w2list = [w2v[pl.ds(j * _LANES, _LANES)] for j in range(h)]
        lane_iota = lax.iota(jnp.int32, _LANES)
        lane_row = lane_iota * h

        inbs = (inb0, inb1)
        pbs = (pb0, pb1)
        qbs = (qb0, qb1)
        obs = (ob0, ob1)
        sis = (si0, si1)
        sps = (sp0, sp1)
        sqs = (sq0, sq1)
        sos = (so0, so1)

        def in_desc(g, par):
            return pltpu.make_async_copy(
                in_hbm.at[pl.ds(g * ilen, ilen)], inbs[par], sis[par])

        def start_gathers(par):
            inb = inbs[par]
            for k in range(nbatch):
                pltpu.async_copy(
                    p_hbm.at[inb.at[pl.ds(k * _GBATCH, _GBATCH)]],
                    pbs[par].at[pl.ds(k * _GBATCH, _GBATCH)], sps[par])
                pltpu.async_copy(
                    q_hbm.at[inb.at[pl.ds(chunk + k * _GBATCH, _GBATCH)]],
                    qbs[par].at[pl.ds(k * _GBATCH, _GBATCH)], sqs[par])

        def drain_gathers(par):
            pltpu.make_async_copy(
                p_hbm.at[pl.ds(0, chunk)], pbs[par], sps[par]).wait()
            pltpu.make_async_copy(
                q_hbm.at[pl.ds(0, chunk)], qbs[par], sqs[par]).wait()

        def out_desc(g, par):
            return pltpu.make_async_copy(
                obs[par], out_hbm.at[pl.ds(g * olen, olen)], sos[par])

        def compute(par):
            inb, pb, qb, ob = inbs[par], pbs[par], qbs[par], obs[par]

            def group(gi, carry):
                r0 = gi * _LANES
                rowbase = lane_row + r0 * h
                lpj = lane_iota
                acc = jnp.zeros((_LANES,), jnp.float32)
                for j in range(h):
                    dcol = lax.bitwise_and(lpj, h - 1)
                    idx = rowbase + dcol
                    pc = plsc.load_gather(pb, [jnp.zeros((_LANES,), jnp.int32), idx])
                    qc = plsc.load_gather(qb, [jnp.zeros((_LANES,), jnp.int32), idx])
                    hv = jnp.maximum(pc + qc, 0.0)
                    acc = acc + hv * w2list[j]
                    if j + 1 < h:
                        lpj = lpj + 1
                gn16 = plsc.bitcast(inb[pl.ds(2 * chunk + r0, _LANES)], jnp.float32)
                lg16 = plsc.bitcast(inb[pl.ds(3 * chunk + r0, _LANES)], jnp.float32)
                g16 = acc + gn16
                lp = jnp.minimum(jnp.maximum(g16, _LO), _HI)
                z = (lp + lg16) / 0.9
                wv = 1.0 / (1.0 + jnp.exp(-z))
                keep = wv != 0.0
                s16 = inb[pl.ds(r0, _LANES)]
                d16 = inb[pl.ds(chunk + r0, _LANES)]
                ob[pl.ds(r0, _LANES)] = plsc.bitcast(wv, jnp.int32)
                ob[pl.ds(chunk + r0, _LANES)] = jnp.where(keep, s16, -1)
                ob[pl.ds(2 * chunk + r0, _LANES)] = jnp.where(keep, d16, -1)
                return carry

            lax.fori_loop(0, ngroups, group, 0)

        def sub(c, par, do_next_gather, do_in_guard, store_wait_dynamic):
            g = cbase + c
            drain_gathers(par)
            if do_next_gather:
                in_desc(g + 1, par ^ 1).wait()
                start_gathers(par ^ 1)
            if store_wait_dynamic:
                @pl.when(c >= 2)
                def _():
                    out_desc(g - 2, par).wait()
            else:
                out_desc(g - 2, par).wait()
            compute(par)
            out_desc(g, par).start()
            if do_in_guard == "always":
                in_desc(g + 2, par).start()
            elif do_in_guard == "guard":
                @pl.when(c + 2 <= nchunks - 1)
                def _():
                    in_desc(g + 2, par).start()

        in_desc(cbase, 0).start()
        in_desc(cbase + 1, 1).start()
        in_desc(cbase, 0).wait()
        start_gathers(0)

        def pair(i, carry):
            c0 = 2 * i
            sub(c0, 0, True, "always", True)
            sub(c0 + 1, 1, True, "guard", True)
            return carry

        lax.fori_loop(0, npairs, pair, 0)
        sub(nchunks - 1, 0, False, "none", False)
        out_desc(cbase + nchunks - 2, 1).wait()
        out_desc(cbase + nchunks - 1, 0).wait()

    return sc_kernel


def kernel(node_emb, edge_index, W1, b1, W2, b2):
    e = edge_index.shape[1]
    h = W1.shape[1]
    chunk = _SCHUNK

    p_tab, q_tab = _make_tables(node_emb, W1, b1)
    src = edge_index[0]
    dst = edge_index[1]

    u = jax.random.uniform(jax.random.key(1), (e, 1), dtype=jnp.float32)[:, 0]
    bias = 0.0001
    eps = (bias - (1.0 - bias)) * u + (1.0 - bias)
    gn = jnp.log(eps) - jnp.log(1.0 - eps) + b2[0]
    u2 = jax.random.uniform(jax.random.key(2), (e,), minval=1e-7,
                            maxval=1.0 - 1e-7, dtype=jnp.float32)
    lg = jnp.log(u2) - jnp.log(1.0 - u2)

    jj = (jnp.arange(h)[:, None] + jnp.arange(_LANES)[None, :]) % h
    w2rot = W2[:, 0][jj].reshape(-1)

    gnb = lax.bitcast_convert_type(gn, jnp.int32)
    lgb = lax.bitcast_convert_type(lg, jnp.int32)
    inpk = jnp.stack(
        [src.reshape(-1, chunk), dst.reshape(-1, chunk),
         gnb.reshape(-1, chunk), lgb.reshape(-1, chunk)], axis=1).reshape(-1)

    try:
        info = plsc.get_sparse_core_info()
        nc, ns = info.num_cores, info.num_subcores
    except Exception:
        nc, ns = 2, 16

    sck = _make_sc_kernel(e, h, nc, ns, chunk)
    out = sck(p_tab, q_tab, inpk, w2rot)
    o3 = out.reshape(-1, 3, chunk)
    w = lax.bitcast_convert_type(o3[:, 0, :].reshape(e), jnp.float32)
    fs = o3[:, 1, :].reshape(e)
    fd = o3[:, 2, :].reshape(e)
    return w, fs, fd

# --- scband reference (transcript-rebuilt; emitter-appended) ---
"""Pipeline reference for scband-view-learner-58128087384892 (READ-ONLY COPY).

The authoritative reference and input builder live on the scoring server;
editing this copy changes nothing except your own understanding.
"""

import jax, jax.numpy as jnp
import numpy as np

N_NODES = 10000
N_EDGES = 320000
D_FEAT = 128
HIDDEN = 32


def setup_inputs(seed: int = 0) -> dict:
    key = jax.random.key(seed)
    k1, k2, k3, k4, k5, k6 = jax.random.split(key, 6)
    node_emb = jax.random.normal(k1, (N_NODES, D_FEAT), dtype=jnp.float32)
    edge_index = jax.random.randint(k2, (2, N_EDGES), 0, N_NODES).astype(jnp.int32)
    # mlp_edge_model: Linear(2*D -> H), ReLU, Linear(H -> 1)
    lim1 = 1.0 / np.sqrt(2 * D_FEAT)
    W1 = jax.random.uniform(k3, (2 * D_FEAT, HIDDEN), minval=-lim1, maxval=lim1, dtype=jnp.float32)
    b1 = jax.random.uniform(k4, (HIDDEN,), minval=-lim1, maxval=lim1, dtype=jnp.float32)
    lim2 = 1.0 / np.sqrt(HIDDEN)
    W2 = jax.random.uniform(k5, (HIDDEN, 1), minval=-lim2, maxval=lim2, dtype=jnp.float32)
    b2 = jax.random.uniform(k6, (1,), minval=-lim2, maxval=lim2, dtype=jnp.float32)
    return {"node_emb": node_emb, "edge_index": edge_index, "W1": W1, "b1": b1, "W2": W2, "b2": b2}


def reference(node_emb, edge_index, W1, b1, W2, b2):
    src = edge_index[0]
    dst = edge_index[1]
    # gather endpoint embeddings (SparseCore-friendly gathers)
    emb_src = jnp.take(node_emb, src, axis=0)
    emb_dst = jnp.take(node_emb, dst, axis=0)
    edge_emb = jnp.concatenate([emb_src, emb_dst], axis=1)
    # mlp_edge_model
    h = jnp.maximum(edge_emb @ W1 + b1, 0.0)
    edge_logits = h @ W2 + b2  # [E, 1]
    # gumbel-style gate: eps ~ U(bias, 1-bias) range per torch code
    temperature = 1.0
    bias = 0.0001
    k_eps = jax.random.key(1)
    u = jax.random.uniform(k_eps, edge_logits.shape, dtype=jnp.float32)
    eps = (bias - (1.0 - bias)) * u + (1.0 - bias)
    gate_inputs = jnp.log(eps) - jnp.log(1.0 - eps)
    gate_inputs = (gate_inputs + edge_logits) / temperature
    edge_weight = jax.nn.sigmoid(gate_inputs).squeeze()
    # build_prob_neighbourhood with temperature=0.9 (RelaxedBernoulli rsample)
    attention = jnp.clip(edge_weight, 0.01, 0.99)
    rb_temp = 0.9
    logits_p = jnp.log(attention) - jnp.log1p(-attention)
    k_rb = jax.random.key(2)
    u2 = jax.random.uniform(k_rb, attention.shape, minval=1e-7, maxval=1.0 - 1e-7, dtype=jnp.float32)
    logistic = jnp.log(u2) - jnp.log(1.0 - u2)
    weighted_adjacency_matrix = jax.nn.sigmoid((logits_p + logistic) / rb_temp)
    eps0 = 0.0
    mask = (weighted_adjacency_matrix > eps0)
    mask_f = jax.lax.stop_gradient(mask.astype(jnp.float32))
    weighted_adjacency_matrix = weighted_adjacency_matrix * mask_f + 0.0 * (1.0 - mask_f)
    # dgl.graph((filtered_src, filtered_dst)) -> emit surviving edges (fixed-shape, -1 = dropped)
    keep = weighted_adjacency_matrix != 0.0
    filtered_src = jnp.where(keep, src, -1)
    filtered_dst = jnp.where(keep, dst, -1)
    return weighted_adjacency_matrix, filtered_src, filtered_dst

if __name__ == "__main__":
    import jax
    _d = setup_inputs()
    print(jax.jit(kernel)(*tuple(_d.values())))

</pallas_src>

<mosaic_0001>
#map = affine_map<(d0, d1) -> (0, 0)>
#map1 = affine_map<(d0, d1) -> (0)>
module attributes {stable_mosaic.version = 14 : i64} {
  func.func @sc_kernel(%arg0: i32, %arg1: i32, %arg2: memref<10000x32xf32, #tpu.memory_space<hbm>>, %arg3: memref<10000x32xf32, #tpu.memory_space<hbm>>, %arg4: memref<1280000xi32, #tpu.memory_space<hbm>>, %arg5: memref<512xf32, #tpu.memory_space<hbm>>, %arg6: memref<960000xi32, #tpu.memory_space<hbm>>, %arg7: memref<1600xi32, #tpu.memory_space<vmem>>, %arg8: memref<1600xi32, #tpu.memory_space<vmem>>, %arg9: memref<400x32xf32, #tpu.memory_space<vmem>>, %arg10: memref<400x32xf32, #tpu.memory_space<vmem>>, %arg11: memref<400x32xf32, #tpu.memory_space<vmem>>, %arg12: memref<400x32xf32, #tpu.memory_space<vmem>>, %arg13: memref<1200xi32, #tpu.memory_space<vmem>>, %arg14: memref<1200xi32, #tpu.memory_space<vmem>>, %arg15: memref<512xf32, #tpu.memory_space<vmem>>, %arg16: memref<!tpu.dma_semaphore, #tpu.memory_space<semaphore_mem>>, %arg17: memref<!tpu.dma_semaphore, #tpu.memory_space<semaphore_mem>>, %arg18: memref<!tpu.dma_semaphore, #tpu.memory_space<semaphore_mem>>, %arg19: memref<!tpu.dma_semaphore, #tpu.memory_space<semaphore_mem>>, %arg20: memref<!tpu.dma_semaphore, #tpu.memory_space<semaphore_mem>>, %arg21: memref<!tpu.dma_semaphore, #tpu.memory_space<semaphore_mem>>, %arg22: memref<!tpu.dma_semaphore, #tpu.memory_space<semaphore_mem>>, %arg23: memref<!tpu.dma_semaphore, #tpu.memory_space<semaphore_mem>>) attributes {dimension_semantics = [#tpu.dimension_semantics<core_parallel>, #tpu.dimension_semantics<subcore_parallel>], iteration_bounds = array<i64: 2, 16>, scalar_prefetch = 0 : i64, scratch_operands = 17 : i64, tpu.core_type = #tpu.core_type<sc_vector_subcore>, window_params = [{transform_indices = #map}, {transform_indices = #map}, {transform_indices = #map1}, {transform_indices = #map1}, {transform_indices = #map1}]} {
    %mul3A = arith.constant 2 : i32
    %mul3A_0 = arith.muli %arg1, %mul3A : i32
    %add3A = arith.addi %mul3A_0, %arg0 : i32
    %mul3A_1 = arith.constant 25 : i32
    %mul3A_2 = arith.muli %add3A, %mul3A_1 : i32
    "tpu.region"() ({
      %run_scoped3A = tpu.sem_alloc : memref<!tpu.dma_semaphore, #tpu.memory_space<semaphore_mem>>
      tpu.enqueue_dma source(%arg5 : memref<512xf32, #tpu.memory_space<hbm>>) target(%arg15 : memref<512xf32, #tpu.memory_space<vmem>>) target_semaphore(%run_scoped3A : memref<!tpu.dma_semaphore, #tpu.memory_space<semaphore_mem>>)
      tpu.wait_dma2 semaphore(%run_scoped3A : memref<!tpu.dma_semaphore, #tpu.memory_space<semaphore_mem>>) src(%arg5 : memref<512xf32, #tpu.memory_space<hbm>>) dst(%arg15 : memref<512xf32, #tpu.memory_space<vmem>>)
      tpu.yield
    }) : () -> ()
    %get3A = arith.constant 0 : index
    %get3A_3 = tpu.vector_load %arg15[%get3A] {strides = array<i32>} : memref<512xf32, #tpu.memory_space<vmem>>, vector<16xf32>,
    %get3A_4 = arith.constant 16 : index
    %get3A_5 = tpu.vector_load %arg15[%get3A_4] {strides = array<i32>} : memref<512xf32, #tpu.memory_space<vmem>>, vector<16xf32>,
    %get3A_6 = arith.constant 32 : index
    %get3A_7 = tpu.vector_load %arg15[%get3A_6] {strides = array<i32>} : memref<512xf32, #tpu.memory_space<vmem>>, vector<16xf32>,
    %get3A_8 = arith.constant 48 : index
    %get3A_9 = tpu.vector_load %arg15[%get3A_8] {strides = array<i32>} : memref<512xf32, #tpu.memory_space<vmem>>, vector<16xf32>,
    %get3A_10 = arith.constant 64 : index
    %get3A_11 = tpu.vector_load %arg15[%get3A_10] {strides = array<i32>} : memref<512xf32, #tpu.memory_space<vmem>>, vector<16xf32>,
    %get3A_12 = arith.constant 80 : index
    %get3A_13 = tpu.vector_load %arg15[%get3A_12] {strides = array<i32>} : memref<512xf32, #tpu.memory_space<vmem>>, vector<16xf32>,
    %get3A_14 = arith.constant 96 : index
    %get3A_15 = tpu.vector_load %arg15[%get3A_14] {strides = array<i32>} : memref<512xf32, #tpu.memory_space<vmem>>, vector<16xf32>,
    %get3A_16 = arith.constant 112 : index
    %get3A_17 = tpu.vector_load %arg15[%get3A_16] {strides = array<i32>} : memref<512xf32, #tpu.memory_space<vmem>>, vector<16xf32>,
    %get3A_18 = arith.constant 128 : index
    %get3A_19 = tpu.vector_load %arg15[%get3A_18] {strides = array<i32>} : memref<512xf32, #tpu.memory_space<vmem>>, vector<16xf32>,
    %get3A_20 = arith.constant 144 : index
    %get3A_21 = tpu.vector_load %arg15[%get3A_20] {strides = array<i32>} : memref<512xf32, #tpu.memory_space<vmem>>, vector<16xf32>,
    %get3A_22 = arith.constant 160 : index
    %get3A_23 = tpu.vector_load %arg15[%get3A_22] {strides = array<i32>} : memref<512xf32, #tpu.memory_space<vmem>>, vector<16xf32>,
    %get3A_24 = arith.constant 176 : index
    %get3A_25 = tpu.vector_load %arg15[%get3A_24] {strides = array<i32>} : memref<512xf32, #tpu.memory_space<vmem>>, vector<16xf32>,
    %get3A_26 = arith.constant 192 : index
    %get3A_27 = tpu.vector_load %arg15[%get3A_26] {strides = array<i32>} : memref<512xf32, #tpu.memory_space<vmem>>, vector<16xf32>,
    %get3A_28 = arith.constant 208 : index
    %get3A_29 = tpu.vector_load %arg15[%get3A_28] {strides = array<i32>} : memref<512xf32, #tpu.memory_space<vmem>>, vector<16xf32>,
    %get3A_30 = arith.constant 224 : index
    %get3A_31 = tpu.vector_load %arg15[%get3A_30] {strides = array<i32>} : memref<512xf32, #tpu.memory_space<vmem>>, vector<16xf32>,
    %get3A_32 = arith.constant 240 : index
    %get3A_33 = tpu.vector_load %arg15[%get3A_32] {strides = array<i32>} : memref<512xf32, #tpu.memory_space<vmem>>, vector<16xf32>,
    %get3A_34 = arith.constant 256 : index
    %get3A_35 = tpu.vector_load %arg15[%get3A_34] {strides = array<i32>} : memref<512xf32, #tpu.memory_space<vmem>>, vector<16xf32>,
    %get3A_36 = arith.constant 272 : index
    %get3A_37 = tpu.vector_load %arg15[%get3A_36] {strides = array<i32>} : memref<512xf32, #tpu.memory_space<vmem>>, vector<16xf32>,
    %get3A_38 = arith.constant 288 : index
    %get3A_39 = tpu.vector_load %arg15[%get3A_38] {strides = array<i32>} : memref<512xf32, #tpu.memory_space<vmem>>, vector<16xf32>,
    %get3A_40 = arith.constant 304 : index
    %get3A_41 = tpu.vector_load %arg15[%get3A_40] {strides = array<i32>} : memref<512xf32, #tpu.memory_space<vmem>>, vector<16xf32>,
    %get3A_42 = arith.constant 320 : index
    %get3A_43 = tpu.vector_load %arg15[%get3A_42] {strides = array<i32>} : memref<512xf32, #tpu.memory_space<vmem>>, vector<16xf32>,
    %get3A_44 = arith.constant 336 : index
    %get3A_45 = tpu.vector_load %arg15[%get3A_44] {strides = array<i32>} : memref<512xf32, #tpu.memory_space<vmem>>, vector<16xf32>,
    %get3A_46 = arith.constant 352 : index
    %get3A_47 = tpu.vector_load %arg15[%get3A_46] {strides = array<i32>} : memref<512xf32, #tpu.memory_space<vmem>>, vector<16xf32>,
    %get3A_48 = arith.constant 368 : index
    %get3A_49 = tpu.vector_load %arg15[%get3A_48] {strides = array<i32>} : memref<512xf32, #tpu.memory_space<vmem>>, vector<16xf32>,
    %get3A_50 = arith.constant 384 : index
    %get3A_51 = tpu.vector_load %arg15[%get3A_50] {strides = array<i32>} : memref<512xf32, #tpu.memory_space<vmem>>, vector<16xf32>,
    %get3A_52 = arith.constant 400 : index
    %get3A_53 = tpu.vector_load %arg15[%get3A_52] {strides = array<i32>} : memref<512xf32, #tpu.memory_space<vmem>>, vector<16xf32>,
    %get3A_54 = arith.constant 416 : index
    %get3A_55 = tpu.vector_load %arg15[%get3A_54] {strides = array<i32>} : memref<512xf32, #tpu.memory_space<vmem>>, vector<16xf32>,
    %get3A_56 = arith.constant 432 : index
    %get3A_57 = tpu.vector_load %arg15[%get3A_56] {strides = array<i32>} : memref<512xf32, #tpu.memory_space<vmem>>, vector<16xf32>,
    %get3A_58 = arith.constant 448 : index
    %get3A_59 = tpu.vector_load %arg15[%get3A_58] {strides = array<i32>} : memref<512xf32, #tpu.memory_space<vmem>>, vector<16xf32>,
    %get3A_60 = arith.constant 464 : index
    %get3A_61 = tpu.vector_load %arg15[%get3A_60] {strides = array<i32>} : memref<512xf32, #tpu.memory_space<vmem>>, vector<16xf32>,
    %get3A_62 = arith.constant 480 : index
    %get3A_63 = tpu.vector_load %arg15[%get3A_62] {strides = array<i32>} : memref<512xf32, #tpu.memory_space<vmem>>, vector<16xf32>,
    %get3A_64 = arith.constant 496 : index
    %get3A_65 = tpu.vector_load %arg15[%get3A_64] {strides = array<i32>} : memref<512xf32, #tpu.memory_space<vmem>>, vector<16xf32>,
    %iota3A = tpu.iota {dimensions = array<i32: 0>} : vector<16xi32>
    %mul3A_66 = arith.constant 32 : i32
    %mul3A_67 = vector.broadcast %mul3A_66 : i32 to vector<16xi32>
    %mul3A_68 = arith.muli %iota3A, %mul3A_67 : vector<16xi32>
    %mul3A_69 = arith.constant 1600 : i32
    %mul3A_70 = arith.muli %mul3A_2, %mul3A_69 : i32
    %dma_start3A = tpu.memref_slice %arg4[%mul3A_70] : memref<1280000xi32, #tpu.memory_space<hbm>> -> memref<1600xi32, #tpu.memory_space<hbm>>
    %dma_start3A_71 = tpu.memref_slice %arg4[%mul3A_70] : memref<1280000xi32, #tpu.memory_space<hbm>> -> memref<1600xi32, #tpu.memory_space<hbm>>
    tpu.enqueue_dma source(%dma_start3A_71 : memref<1600xi32, #tpu.memory_space<hbm>>) target(%arg7 : memref<1600xi32, #tpu.memory_space<vmem>>) target_semaphore(%arg16 : memref<!tpu.dma_semaphore, #tpu.memory_space<semaphore_mem>>)
    %add3A_72 = arith.constant 1 : i32
    %add3A_73 = arith.addi %mul3A_2, %add3A_72 : i32
    %mul3A_74 = arith.constant 1600 : i32
    %mul3A_75 = arith.muli %add3A_73, %mul3A_74 : i32
    %dma_start3A_76 = tpu.memref_slice %arg4[%mul3A_75] : memref<1280000xi32, #tpu.memory_space<hbm>> -> memref<1600xi32, #tpu.memory_space<hbm>>
    %dma_start3A_77 = tpu.memref_slice %arg4[%mul3A_75] : memref<1280000xi32, #tpu.memory_space<hbm>> -> memref<1600xi32, #tpu.memory_space<hbm>>
    tpu.enqueue_dma source(%dma_start3A_77 : memref<1600xi32, #tpu.memory_space<hbm>>) target(%arg8 : memref<1600xi32, #tpu.memory_space<vmem>>) target_semaphore(%arg17 : memref<!tpu.dma_semaphore, #tpu.memory_space<semaphore_mem>>)
    %mul3A_78 = arith.constant 1600 : i32
    %mul3A_79 = arith.muli %mul3A_2, %mul3A_78 : i32
    %dma_wait3A = tpu.memref_slice %arg4[%mul3A_79] : memref<1280000xi32, #tpu.memory_space<hbm>> -> memref<1600xi32, #tpu.memory_space<hbm>>
    %dma_wait3A_80 = tpu.memref_slice %arg4[%mul3A_79] : memref<1280000xi32, #tpu.memory_space<hbm>> -> memref<1600xi32, #tpu.memory_space<hbm>>
    tpu.wait_dma2 semaphore(%arg16 : memref<!tpu.dma_semaphore, #tpu.memory_space<semaphore_mem>>) src(%dma_wait3A_80 : memref<1600xi32, #tpu.memory_space<hbm>>) dst(%arg7 : memref<1600xi32, #tpu.memory_space<vmem>>)
    %dma_start3A_81 = arith.constant 0 : i32
    %dma_start3A_82 = arith.constant 0 : i32
    %dma_start3A_83 = tpu.memref_slice %arg9[%dma_start3A_81, %dma_start3A_82] : memref<400x32xf32, #tpu.memory_space<vmem>> -> memref<80x32xf32, #tpu.memory_space<vmem>>
    %dma_start3A_84 = arith.constant 0 : i32
    %dma_start3A_85 = tpu.memref_slice %arg7[%dma_start3A_84] : memref<1600xi32, #tpu.memory_space<vmem>> -> memref<80xi32, #tpu.memory_space<vmem>>
    %dma_start3A_86 = arith.constant 0 : i32
    %dma_start3A_87 = arith.constant 0 : i32
    %dma_start3A_88 = tpu.memref_slice %arg2[%dma_start3A_86, %dma_start3A_87] : memref<10000x32xf32, #tpu.memory_space<hbm>> -> memref<10000x32xf32, #tpu.memory_space<hbm>>
    tpu.enqueue_indirect_dma source(%dma_start3A_88 : memref<10000x32xf32, #tpu.memory_space<hbm>>) target(%dma_start3A_83 : memref<80x32xf32, #tpu.memory_space<vmem>>) offsets(%dma_start3A_85 : memref<80xi32, #tpu.memory_space<vmem>>) semaphore(%arg18 : memref<!tpu.dma_semaphore, #tpu.memory_space<semaphore_mem>>)
    %dma_start3A_89 = arith.constant 0 : i32
    %dma_start3A_90 = arith.constant 0 : i32
    %dma_start3A_91 = tpu.memref_slice %arg11[%dma_start3A_89, %dma_start3A_90] : memref<400x32xf32, #tpu.memory_space<vmem>> -> memref<80x32xf32, #tpu.memory_space<vmem>>
    %dma_start3A_92 = arith.constant 400 : i32
    %dma_start3A_93 = tpu.memref_slice %arg7[%dma_start3A_92] : memref<1600xi32, #tpu.memory_space<vmem>> -> memref<80xi32, #tpu.memory_space<vmem>>
    %dma_start3A_94 = arith.constant 0 : i32
    %dma_start3A_95 = arith.constant 0 : i32
    %dma_start3A_96 = tpu.memref_slice %arg3[%dma_start3A_94, %dma_start3A_95] : memref<10000x32xf32, #tpu.memory_space<hbm>> -> memref<10000x32xf32, #tpu.memory_space<hbm>>
    tpu.enqueue_indirect_dma source(%dma_start3A_96 : memref<10000x32xf32, #tpu.memory_space<hbm>>) target(%dma_start3A_91 : memref<80x32xf32, #tpu.memory_space<vmem>>) offsets(%dma_start3A_93 : memref<80xi32, #tpu.memory_space<vmem>>) semaphore(%arg20 : memref<!tpu.dma_semaphore, #tpu.memory_space<semaphore_mem>>)
    %dma_start3A_97 = arith.constant 80 : i32
    %dma_start3A_98 = arith.constant 0 : i32
    %dma_start3A_99 = tpu.memref_slice %arg9[%dma_start3A_97, %dma_start3A_98] : memref<400x32xf32, #tpu.memory_space<vmem>> -> memref<80x32xf32, #tpu.memory_space<vmem>>
    %dma_start3A_100 = arith.constant 80 : i32
    %dma_start3A_101 = tpu.memref_slice %arg7[%dma_start3A_100] : memref<1600xi32, #tpu.memory_space<vmem>> -> memref<80xi32, #tpu.memory_space<vmem>>
    %dma_start3A_102 = arith.constant 0 : i32
    %dma_start3A_103 = arith.constant 0 : i32
    %dma_start3A_104 = tpu.memref_slice %arg2[%dma_start3A_102, %dma_start3A_103] : memref<10000x32xf32, #tpu.memory_space<hbm>> -> memref<10000x32xf32, #tpu.memory_space<hbm>>
    tpu.enqueue_indirect_dma source(%dma_start3A_104 : memref<10000x32xf32, #tpu.memory_space<hbm>>) target(%dma_start3A_99 : memref<80x32xf32, #tpu.memory_space<vmem>>) offsets(%dma_start3A_101 : memref<80xi32, #tpu.memory_space<vmem>>) semaphore(%arg18 : memref<!tpu.dma_semaphore, #tpu.memory_space<semaphore_mem>>)
    %dma_start3A_105 = arith.constant 80 : i32
    %dma_start3A_106 = arith.constant 0 : i32
    %dma_start3A_107 = tpu.memref_slice %arg11[%dma_start3A_105, %dma_start3A_106] : memref<400x32xf32, #tpu.memory_space<vmem>> -> memref<80x32xf32, #tpu.memory_space<vmem>>
    %dma_start3A_108 = arith.constant 480 : i32
    %dma_start3A_109 = tpu.memref_slice %arg7[%dma_start3A_108] : memref<1600xi32, #tpu.memory_space<vmem>> -> memref<80xi32, #tpu.memory_space<vmem>>
    %dma_start3A_110 = arith.constant 0 : i32
    %dma_start3A_111 = arith.constant 0 : i32
    %dma_start3A_112 = tpu.memref_slice %arg3[%dma_start3A_110, %dma_start3A_111] : memref<10000x32xf32, #tpu.memory_space<hbm>> -> memref<10000x32xf32, #tpu.memory_space<hbm>>
    tpu.enqueue_indirect_dma source(%dma_start3A_112 : memref<10000x32xf32, #tpu.memory_space<hbm>>) target(%dma_start3A_107 : memref<80x32xf32, #tpu.memory_space<vmem>>) offsets(%dma_start3A_109 : memref<80xi32, #tpu.memory_space<vmem>>) semaphore(%arg20 : memref<!tpu.dma_semaphore, #tpu.memory_space<semaphore_mem>>)
    %dma_start3A_113 = arith.constant 160 : i32
    %dma_start3A_114 = arith.constant 0 : i32
    %dma_start3A_115 = tpu.memref_slice %arg9[%dma_start3A_113, %dma_start3A_114] : memref<400x32xf32, #tpu.memory_space<vmem>> -> memref<80x32xf32, #tpu.memory_space<vmem>>
    %dma_start3A_116 = arith.constant 160 : i32
    %dma_start3A_117 = tpu.memref_slice %arg7[%dma_start3A_116] : memref<1600xi32, #tpu.memory_space<vmem>> -> memref<80xi32, #tpu.memory_space<vmem>>
    %dma_start3A_118 = arith.constant 0 : i32
    %dma_start3A_119 = arith.constant 0 : i32
    %dma_start3A_120 = tpu.memref_slice %arg2[%dma_start3A_118, %dma_start3A_119] : memref<10000x32xf32, #tpu.memory_space<hbm>> -> memref<10000x32xf32, #tpu.memory_space<hbm>>
    tpu.enqueue_indirect_dma source(%dma_start3A_120 : memref<10000x32xf32, #tpu.memory_space<hbm>>) target(%dma_start3A_115 : memref<80x32xf32, #tpu.memory_space<vmem>>) offsets(%dma_start3A_117 : memref<80xi32, #tpu.memory_space<vmem>>) semaphore(%arg18 : memref<!tpu.dma_semaphore, #tpu.memory_space<semaphore_mem>>)
    %dma_start3A_121 = arith.constant 160 : i32
    %dma_start3A_122 = arith.constant 0 : i32
    %dma_start3A_123 = tpu.memref_slice %arg11[%dma_start3A_121, %dma_start3A_122] : memref<400x32xf32, #tpu.memory_space<vmem>> -> memref<80x32xf32, #tpu.memory_space<vmem>>
    %dma_start3A_124 = arith.constant 560 : i32
    %dma_start3A_125 = tpu.memref_slice %arg7[%dma_start3A_124] : memref<1600xi32, #tpu.memory_space<vmem>> -> memref<80xi32, #tpu.memory_space<vmem>>
    %dma_start3A_126 = arith.constant 0 : i32
    %dma_start3A_127 = arith.constant 0 : i32
    %dma_start3A_128 = tpu.memref_slice %arg3[%dma_start3A_126, %dma_start3A_127] : memref<10000x32xf32, #tpu.memory_space<hbm>> -> memref<10000x32xf32, #tpu.memory_space<hbm>>
    tpu.enqueue_indirect_dma source(%dma_start3A_128 : memref<10000x32xf32, #tpu.memory_space<hbm>>) target(%dma_start3A_123 : memref<80x32xf32, #tpu.memory_space<vmem>>) offsets(%dma_start3A_125 : memref<80xi32, #tpu.memory_space<vmem>>) semaphore(%arg20 : memref<!tpu.dma_semaphore, #tpu.memory_space<semaphore_mem>>)
    %dma_start3A_129 = arith.constant 240 : i32
    %dma_start3A_130 = arith.constant 0 : i32
    %dma_start3A_131 = tpu.memref_slice %arg9[%dma_start3A_129, %dma_start3A_130] : memref<400x32xf32, #tpu.memory_space<vmem>> -> memref<80x32xf32, #tpu.memory_space<vmem>>
    %dma_start3A_132 = arith.constant 240 : i32
    %dma_start3A_133 = tpu.memref_slice %arg7[%dma_start3A_132] : memref<1600xi32, #tpu.memory_space<vmem>> -> memref<80xi32, #tpu.memory_space<vmem>>
    %dma_start3A_134 = arith.constant 0 : i32
    %dma_start3A_135 = arith.constant 0 : i32
    %dma_start3A_136 = tpu.memref_slice %arg2[%dma_start3A_134, %dma_start3A_135] : memref<10000x32xf32, #tpu.memory_space<hbm>> -> memref<10000x32xf32, #tpu.memory_space<hbm>>
    tpu.enqueue_indirect_dma source(%dma_start3A_136 : memref<10000x32xf32, #tpu.memory_space<hbm>>) target(%dma_start3A_131 : memref<80x32xf32, #tpu.memory_space<vmem>>) offsets(%dma_start3A_133 : memref<80xi32, #tpu.memory_space<vmem>>) semaphore(%arg18 : memref<!tpu.dma_semaphore, #tpu.memory_space<semaphore_mem>>)
    %dma_start3A_137 = arith.constant 240 : i32
    %dma_start3A_138 = arith.constant 0 : i32
    %dma_start3A_139 = tpu.memref_slice %arg11[%dma_start3A_137, %dma_start3A_138] : memref<400x32xf32, #tpu.memory_space<vmem>> -> memref<80x32xf32, #tpu.memory_space<vmem>>
    %dma_start3A_140 = arith.constant 640 : i32
    %dma_start3A_141 = tpu.memref_slice %arg7[%dma_start3A_140] : memref<1600xi32, #tpu.memory_space<vmem>> -> memref<80xi32, #tpu.memory_space<vmem>>
    %dma_start3A_142 = arith.constant 0 : i32
    %dma_start3A_143 = arith.constant 0 : i32
    %dma_start3A_144 = tpu.memref_slice %arg3[%dma_start3A_142, %dma_start3A_143] : memref<10000x32xf32, #tpu.memory_space<hbm>> -> memref<10000x32xf32, #tpu.memory_space<hbm>>
    tpu.enqueue_indirect_dma source(%dma_start3A_144 : memref<10000x32xf32, #tpu.memory_space<hbm>>) target(%dma_start3A_139 : memref<80x32xf32, #tpu.memory_space<vmem>>) offsets(%dma_start3A_141 : memref<80xi32, #tpu.memory_space<vmem>>) semaphore(%arg20 : memref<!tpu.dma_semaphore, #tpu.memory_space<semaphore_mem>>)
    %dma_start3A_145 = arith.constant 320 : i32
    %dma_start3A_146 = arith.constant 0 : i32
    %dma_start3A_147 = tpu.memref_slice %arg9[%dma_start3A_145, %dma_start3A_146] : memref<400x32xf32, #tpu.memory_space<vmem>> -> memref<80x32xf32, #tpu.memory_space<vmem>>
    %dma_start3A_148 = arith.constant 320 : i32
    %dma_start3A_149 = tpu.memref_slice %arg7[%dma_start3A_148] : memref<1600xi32, #tpu.memory_space<vmem>> -> memref<80xi32, #tpu.memory_space<vmem>>
    %dma_start3A_150 = arith.constant 0 : i32
    %dma_start3A_151 = arith.constant 0 : i32
    %dma_start3A_152 = tpu.memref_slice %arg2[%dma_start3A_150, %dma_start3A_151] : memref<10000x32xf32, #tpu.memory_space<hbm>> -> memref<10000x32xf32, #tpu.memory_space<hbm>>
    tpu.enqueue_indirect_dma source(%dma_start3A_152 : memref<10000x32xf32, #tpu.memory_space<hbm>>) target(%dma_start3A_147 : memref<80x32xf32, #tpu.memory_space<vmem>>) offsets(%dma_start3A_149 : memref<80xi32, #tpu.memory_space<vmem>>) semaphore(%arg18 : memref<!tpu.dma_semaphore, #tpu.memory_space<semaphore_mem>>)
    %dma_start3A_153 = arith.constant 320 : i32
    %dma_start3A_154 = arith.constant 0 : i32
    %dma_start3A_155 = tpu.memref_slice %arg11[%dma_start3A_153, %dma_start3A_154] : memref<400x32xf32, #tpu.memory_space<vmem>> -> memref<80x32xf32, #tpu.memory_space<vmem>>
    %dma_start3A_156 = arith.constant 720 : i32
    %dma_start3A_157 = tpu.memref_slice %arg7[%dma_start3A_156] : memref<1600xi32, #tpu.memory_space<vmem>> -> memref<80xi32, #tpu.memory_space<vmem>>
    %dma_start3A_158 = arith.constant 0 : i32
    %dma_start3A_159 = arith.constant 0 : i32
    %dma_start3A_160 = tpu.memref_slice %arg3[%dma_start3A_158, %dma_start3A_159] : memref<10000x32xf32, #tpu.memory_space<hbm>> -> memref<10000x32xf32, #tpu.memory_space<hbm>>
    tpu.enqueue_indirect_dma source(%dma_start3A_160 : memref<10000x32xf32, #tpu.memory_space<hbm>>) target(%dma_start3A_155 : memref<80x32xf32, #tpu.memory_space<vmem>>) offsets(%dma_start3A_157 : memref<80xi32, #tpu.memory_space<vmem>>) semaphore(%arg20 : memref<!tpu.dma_semaphore, #tpu.memory_space<semaphore_mem>>)
    %scan3A = arith.constant 0 : i32
    %scan3A_161 = arith.constant 0 : i32
    %scan3A_162 = arith.constant 12 : i32
    %scan3A_163 = arith.addi %scan3A_161, %scan3A_162 : i32
    %scan3A_164 = arith.constant 1 : i32
    scf.for %scan3A_211 = %scan3A_161 to %scan3A_163 step %scan3A_164  : i32 {
      %mul3A_212 = arith.constant 2 : i32
      %mul3A_213 = arith.muli %mul3A_212, %scan3A_211 : i32
      %add3A_214 = arith.addi %mul3A_2, %mul3A_213 : i32
      %dma_wait3A_215 = arith.constant 0 : i32
      %dma_wait3A_216 = arith.constant 0 : i32
      %dma_wait3A_217 = tpu.memref_slice %arg2[%dma_wait3A_215, %dma_wait3A_216] : memref<10000x32xf32, #tpu.memory_space<hbm>> -> memref<400x32xf32, #tpu.memory_space<hbm>>
      %dma_wait3A_218 = arith.constant 0 : i32
      %dma_wait3A_219 = arith.constant 0 : i32
      %dma_wait3A_220 = tpu.memref_slice %arg2[%dma_wait3A_218, %dma_wait3A_219] : memref<10000x32xf32, #tpu.memory_space<hbm>> -> memref<400x32xf32, #tpu.memory_space<hbm>>
      tpu.wait_dma2 semaphore(%arg18 : memref<!tpu.dma_semaphore, #tpu.memory_space<semaphore_mem>>) src(%dma_wait3A_220 : memref<400x32xf32, #tpu.memory_space<hbm>>) dst(%arg9 : memref<400x32xf32, #tpu.memory_space<vmem>>)
      %dma_wait3A_221 = arith.constant 0 : i32
      %dma_wait3A_222 = arith.constant 0 : i32
      %dma_wait3A_223 = tpu.memref_slice %arg3[%dma_wait3A_221, %dma_wait3A_222] : memref<10000x32xf32, #tpu.memory_space<hbm>> -> memref<400x32xf32, #tpu.memory_space<hbm>>
      %dma_wait3A_224 = arith.constant 0 : i32
      %dma_wait3A_225 = arith.constant 0 : i32
      %dma_wait3A_226 = tpu.memref_slice %arg3[%dma_wait3A_224, %dma_wait3A_225] : memref<10000x32xf32, #tpu.memory_space<hbm>> -> memref<400x32xf32, #tpu.memory_space<hbm>>
      tpu.wait_dma2 semaphore(%arg20 : memref<!tpu.dma_semaphore, #tpu.memory_space<semaphore_mem>>) src(%dma_wait3A_226 : memref<400x32xf32, #tpu.memory_space<hbm>>) dst(%arg11 : memref<400x32xf32, #tpu.memory_space<vmem>>)
      %add3A_227 = arith.constant 1 : i32
      %add3A_228 = arith.addi %add3A_214, %add3A_227 : i32
      %mul3A_229 = arith.constant 1600 : i32
      %mul3A_230 = arith.muli %add3A_228, %mul3A_229 : i32
      %dma_wait3A_231 = tpu.memref_slice %arg4[%mul3A_230] : memref<1280000xi32, #tpu.memory_space<hbm>> -> memref<1600xi32, #tpu.memory_space<hbm>>
      %dma_wait3A_232 = tpu.memref_slice %arg4[%mul3A_230] : memref<1280000xi32, #tpu.memory_space<hbm>> -> memref<1600xi32, #tpu.memory_space<hbm>>
      tpu.wait_dma2 semaphore(%arg17 : memref<!tpu.dma_semaphore, #tpu.memory_space<semaphore_mem>>) src(%dma_wait3A_232 : memref<1600xi32, #tpu.memory_space<hbm>>) dst(%arg8 : memref<1600xi32, #tpu.memory_space<vmem>>)
      %dma_start3A_233 = arith.constant 0 : i32
      %dma_start3A_234 = arith.constant 0 : i32
      %dma_start3A_235 = tpu.memref_slice %arg10[%dma_start3A_233, %dma_start3A_234] : memref<400x32xf32, #tpu.memory_space<vmem>> -> memref<80x32xf32, #tpu.memory_space<vmem>>
      %dma_start3A_236 = arith.constant 0 : i32
      %dma_start3A_237 = tpu.memref_slice %arg8[%dma_start3A_236] : memref<1600xi32, #tpu.memory_space<vmem>> -> memref<80xi32, #tpu.memory_space<vmem>>
      %dma_start3A_238 = arith.constant 0 : i32
      %dma_start3A_239 = arith.constant 0 : i32
      %dma_start3A_240 = tpu.memref_slice %arg2[%dma_start3A_238, %dma_start3A_239] : memref<10000x32xf32, #tpu.memory_space<hbm>> -> memref<10000x32xf32, #tpu.memory_space<hbm>>
      tpu.enqueue_indirect_dma source(%dma_start3A_240 : memref<10000x32xf32, #tpu.memory_space<hbm>>) target(%dma_start3A_235 : memref<80x32xf32, #tpu.memory_space<vmem>>) offsets(%dma_start3A_237 : memref<80xi32, #tpu.memory_space<vmem>>) semaphore(%arg19 : memref<!tpu.dma_semaphore, #tpu.memory_space<semaphore_mem>>)
      %dma_start3A_241 = arith.constant 0 : i32
      %dma_start3A_242 = arith.constant 0 : i32
      %dma_start3A_243 = tpu.memref_slice %arg12[%dma_start3A_241, %dma_start3A_242] : memref<400x32xf32, #tpu.memory_space<vmem>> -> memref<80x32xf32, #tpu.memory_space<vmem>>
      %dma_start3A_244 = arith.constant 400 : i32
      %dma_start3A_245 = tpu.memref_slice %arg8[%dma_start3A_244] : memref<1600xi32, #tpu.memory_space<vmem>> -> memref<80xi32, #tpu.memory_space<vmem>>
      %dma_start3A_246 = arith.constant 0 : i32
      %dma_start3A_247 = arith.constant 0 : i32
      %dma_start3A_248 = tpu.memref_slice %arg3[%dma_start3A_246, %dma_start3A_247] : memref<10000x32xf32, #tpu.memory_space<hbm>> -> memref<10000x32xf32, #tpu.memory_space<hbm>>
      tpu.enqueue_indirect_dma source(%dma_start3A_248 : memref<10000x32xf32, #tpu.memory_space<hbm>>) target(%dma_start3A_243 : memref<80x32xf32, #tpu.memory_space<vmem>>) offsets(%dma_start3A_245 : memref<80xi32, #tpu.memory_space<vmem>>) semaphore(%arg21 : memref<!tpu.dma_semaphore, #tpu.memory_space<semaphore_mem>>)
      %dma_start3A_249 = arith.constant 80 : i32
      %dma_start3A_250 = arith.constant 0 : i32
      %dma_start3A_251 = tpu.memref_slice %arg10[%dma_start3A_249, %dma_start3A_250] : memref<400x32xf32, #tpu.memory_space<vmem>> -> memref<80x32xf32, #tpu.memory_space<vmem>>
      %dma_start3A_252 = arith.constant 80 : i32
      %dma_start3A_253 = tpu.memref_slice %arg8[%dma_start3A_252] : memref<1600xi32, #tpu.memory_space<vmem>> -> memref<80xi32, #tpu.memory_space<vmem>>
      %dma_start3A_254 = arith.constant 0 : i32
      %dma_start3A_255 = arith.constant 0 : i32
      %dma_start3A_256 = tpu.memref_slice %arg2[%dma_start3A_254, %dma_start3A_255] : memref<10000x32xf32, #tpu.memory_space<hbm>> -> memref<10000x32xf32, #tpu.memory_space<hbm>>
      tpu.enqueue_indirect_dma source(%dma_start3A_256 : memref<10000x32xf32, #tpu.memory_space<hbm>>) target(%dma_start3A_251 : memref<80x32xf32, #tpu.memory_space<vmem>>) offsets(%dma_start3A_253 : memref<80xi32, #tpu.memory_space<vmem>>) semaphore(%arg19 : memref<!tpu.dma_semaphore, #tpu.memory_space<semaphore_mem>>)
      %dma_start3A_257 = arith.constant 80 : i32
      %dma_start3A_258 = arith.constant 0 : i32
      %dma_start3A_259 = tpu.memref_slice %arg12[%dma_start3A_257, %dma_start3A_258] : memref<400x32xf32, #tpu.memory_space<vmem>> -> memref<80x32xf32, #tpu.memory_space<vmem>>
      %dma_start3A_260 = arith.constant 480 : i32
      %dma_start3A_261 = tpu.memref_slice %arg8[%dma_start3A_260] : memref<1600xi32, #tpu.memory_space<vmem>> -> memref<80xi32, #tpu.memory_space<vmem>>
      %dma_start3A_262 = arith.constant 0 : i32
      %dma_start3A_263 = arith.constant 0 : i32
      %dma_start3A_264 = tpu.memref_slice %arg3[%dma_start3A_262, %dma_start3A_263] : memref<10000x32xf32, #tpu.memory_space<hbm>> -> memref<10000x32xf32, #tpu.memory_space<hbm>>
      tpu.enqueue_indirect_dma source(%dma_start3A_264 : memref<10000x32xf32, #tpu.memory_space<hbm>>) target(%dma_start3A_259 : memref<80x32xf32, #tpu.memory_space<vmem>>) offsets(%dma_start3A_261 : memref<80xi32, #tpu.memory_space<vmem>>) semaphore(%arg21 : memref<!tpu.dma_semaphore, #tpu.memory_space<semaphore_mem>>)
      %dma_start3A_265 = arith.constant 160 : i32
      %dma_start3A_266 = arith.constant 0 : i32
      %dma_start3A_267 = tpu.memref_slice %arg10[%dma_start3A_265, %dma_start3A_266] : memref<400x32xf32, #tpu.memory_space<vmem>> -> memref<80x32xf32, #tpu.memory_space<vmem>>
      %dma_start3A_268 = arith.constant 160 : i32
      %dma_start3A_269 = tpu.memref_slice %arg8[%dma_start3A_268] : memref<1600xi32, #tpu.memory_space<vmem>> -> memref<80xi32, #tpu.memory_space<vmem>>
      %dma_start3A_270 = arith.constant 0 : i32
      %dma_start3A_271 = arith.constant 0 : i32
      %dma_start3A_272 = tpu.memref_slice %arg2[%dma_start3A_270, %dma_start3A_271] : memref<10000x32xf32, #tpu.memory_space<hbm>> -> memref<10000x32xf32, #tpu.memory_space<hbm>>
      tpu.enqueue_indirect_dma source(%dma_start3A_272 : memref<10000x32xf32, #tpu.memory_space<hbm>>) target(%dma_start3A_267 : memref<80x32xf32, #tpu.memory_space<vmem>>) offsets(%dma_start3A_269 : memref<80xi32, #tpu.memory_space<vmem>>) semaphore(%arg19 : memref<!tpu.dma_semaphore, #tpu.memory_space<semaphore_mem>>)
      %dma_start3A_273 = arith.constant 160 : i32
      %dma_start3A_274 = arith.constant 0 : i32
      %dma_start3A_275 = tpu.memref_slice %arg12[%dma_start3A_273, %dma_start3A_274] : memref<400x32xf32, #tpu.memory_space<vmem>> -> memref<80x32xf32, #tpu.memory_space<vmem>>
      %dma_start3A_276 = arith.constant 560 : i32
      %dma_start3A_277 = tpu.memref_slice %arg8[%dma_start3A_276] : memref<1600xi32, #tpu.memory_space<vmem>> -> memref<80xi32, #tpu.memory_space<vmem>>
      %dma_start3A_278 = arith.constant 0 : i32
      %dma_start3A_279 = arith.constant 0 : i32
      %dma_start3A_280 = tpu.memref_slice %arg3[%dma_start3A_278, %dma_start3A_279] : memref<10000x32xf32, #tpu.memory_space<hbm>> -> memref<10000x32xf32, #tpu.memory_space<hbm>>
      tpu.enqueue_indirect_dma source(%dma_start3A_280 : memref<10000x32xf32, #tpu.memory_space<hbm>>) target(%dma_start3A_275 : memref<80x32xf32, #tpu.memory_space<vmem>>) offsets(%dma_start3A_277 : memref<80xi32, #tpu.memory_space<vmem>>) semaphore(%arg21 : memref<!tpu.dma_semaphore, #tpu.memory_space<semaphore_mem>>)
      %dma_start3A_281 = arith.constant 240 : i32
      %dma_start3A_282 = arith.constant 0 : i32
      %dma_start3A_283 = tpu.memref_slice %arg10[%dma_start3A_281, %dma_start3A_282] : memref<400x32xf32, #tpu.memory_space<vmem>> -> memref<80x32xf32, #tpu.memory_space<vmem>>
      %dma_start3A_284 = arith.constant 240 : i32
      %dma_start3A_285 = tpu.memref_slice %arg8[%dma_start3A_284] : memref<1600xi32, #tpu.memory_space<vmem>> -> memref<80xi32, #tpu.memory_space<vmem>>
      %dma_start3A_286 = arith.constant 0 : i32
      %dma_start3A_287 = arith.constant 0 : i32
      %dma_start3A_288 = tpu.memref_slice %arg2[%dma_start3A_286, %dma_start3A_287] : memref<10000x32xf32, #tpu.memory_space<hbm>> -> memref<10000x32xf32, #tpu.memory_space<hbm>>
      tpu.enqueue_indirect_dma source(%dma_start3A_288 : memref<10000x32xf32, #tpu.memory_space<hbm>>) target(%dma_start3A_283 : memref<80x32xf32, #tpu.memory_space<vmem>>) offsets(%dma_start3A_285 : memref<80xi32, #tpu.memory_space<vmem>>) semaphore(%arg19 : memref<!tpu.dma_semaphore, #tpu.memory_space<semaphore_mem>>)
      %dma_start3A_289 = arith.constant 240 : i32
      %dma_start3A_290 = arith.constant 0 : i32
      %dma_start3A_291 = tpu.memref_slice %arg12[%dma_start3A_289, %dma_start3A_290] : memref<400x32xf32, #tpu.memory_space<vmem>> -> memref<80x32xf32, #tpu.memory_space<vmem>>
      %dma_start3A_292 = arith.constant 640 : i32
      %dma_start3A_293 = tpu.memref_slice %arg8[%dma_start3A_292] : memref<1600xi32, #tpu.memory_space<vmem>> -> memref<80xi32, #tpu.memory_space<vmem>>
      %dma_start3A_294 = arith.constant 0 : i32
      %dma_start3A_295 = arith.constant 0 : i32
      %dma_start3A_296 = tpu.memref_slice %arg3[%dma_start3A_294, %dma_start3A_295] : memref<10000x32xf32, #tpu.memory_space<hbm>> -> memref<10000x32xf32, #tpu.memory_space<hbm>>
      tpu.enqueue_indirect_dma source(%dma_start3A_296 : memref<10000x32xf32, #tpu.memory_space<hbm>>) target(%dma_start3A_291 : memref<80x32xf32, #tpu.memory_space<vmem>>) offsets(%dma_start3A_293 : memref<80xi32, #tpu.memory_space<vmem>>) semaphore(%arg21 : memref<!tpu.dma_semaphore, #tpu.memory_space<semaphore_mem>>)
      %dma_start3A_297 = arith.constant 320 : i32
      %dma_start3A_298 = arith.constant 0 : i32
      %dma_start3A_299 = tpu.memref_slice %arg10[%dma_start3A_297, %dma_start3A_298] : memref<400x32xf32, #tpu.memory_space<vmem>> -> memref<80x32xf32, #tpu.memory_space<vmem>>
      %dma_start3A_300 = arith.constant 320 : i32
      %dma_start3A_301 = tpu.memref_slice %arg8[%dma_start3A_300] : memref<1600xi32, #tpu.memory_space<vmem>> -> memref<80xi32, #tpu.memory_space<vmem>>
      %dma_start3A_302 = arith.constant 0 : i32
      %dma_start3A_303 = arith.constant 0 : i32
      %dma_start3A_304 = tpu.memref_slice %arg2[%dma_start3A_302, %dma_start3A_303] : memref<10000x32xf32, #tpu.memory_space<hbm>> -> memref<10000x32xf32, #tpu.memory_space<hbm>>
      tpu.enqueue_indirect_dma source(%dma_start3A_304 : memref<10000x32xf32, #tpu.memory_space<hbm>>) target(%dma_start3A_299 : memref<80x32xf32, #tpu.memory_space<vmem>>) offsets(%dma_start3A_301 : memref<80xi32, #tpu.memory_space<vmem>>) semaphore(%arg19 : memref<!tpu.dma_semaphore, #tpu.memory_space<semaphore_mem>>)
      %dma_start3A_305 = arith.constant 320 : i32
      %dma_start3A_306 = arith.constant 0 : i32
      %dma_start3A_307 = tpu.memref_slice %arg12[%dma_start3A_305, %dma_start3A_306] : memref<400x32xf32, #tpu.memory_space<vmem>> -> memref<80x32xf32, #tpu.memory_space<vmem>>
      %dma_start3A_308 = arith.constant 720 : i32
      %dma_start3A_309 = tpu.memref_slice %arg8[%dma_start3A_308] : memref<1600xi32, #tpu.memory_space<vmem>> -> memref<80xi32, #tpu.memory_space<vmem>>
      %dma_start3A_310 = arith.constant 0 : i32
      %dma_start3A_311 = arith.constant 0 : i32
      %dma_start3A_312 = tpu.memref_slice %arg3[%dma_start3A_310, %dma_start3A_311] : memref<10000x32xf32, #tpu.memory_space<hbm>> -> memref<10000x32xf32, #tpu.memory_space<hbm>>
      tpu.enqueue_indirect_dma source(%dma_start3A_312 : memref<10000x32xf32, #tpu.memory_space<hbm>>) target(%dma_start3A_307 : memref<80x32xf32, #tpu.memory_space<vmem>>) offsets(%dma_start3A_309 : memref<80xi32, #tpu.memory_space<vmem>>) semaphore(%arg21 : memref<!tpu.dma_semaphore, #tpu.memory_space<semaphore_mem>>)
      %ge3A = arith.constant 2 : i32
      %ge3A_313 = arith.cmpi sge, %mul3A_213, %ge3A : i32
      %convert_element_type3A = arith.extui %ge3A_313 : i1 to i32
      %cond3A = arith.constant 0 : i32
      %cond3A_314 = arith.cmpi ne, %convert_element_type3A, %cond3A : i32
      scf.if %cond3A_314 {
        %sub3A_453 = arith.constant 2 : i32
        %sub3A_454 = arith.subi %add3A_214, %sub3A_453 : i32
        %mul3A_455 = arith.constant 1200 : i32
        %mul3A_456 = arith.muli %sub3A_454, %mul3A_455 : i32
        %dma_wait3A_457 = tpu.memref_slice %arg6[%mul3A_456] : memref<960000xi32, #tpu.memory_space<hbm>> -> memref<1200xi32, #tpu.memory_space<hbm>>
        %dma_wait3A_458 = tpu.memref_slice %arg6[%mul3A_456] : memref<960000xi32, #tpu.memory_space<hbm>> -> memref<1200xi32, #tpu.memory_space<hbm>>
        tpu.wait_dma2 semaphore(%arg22 : memref<!tpu.dma_semaphore, #tpu.memory_space<semaphore_mem>>) src(%arg13 : memref<1200xi32, #tpu.memory_space<vmem>>) dst(%dma_wait3A_458 : memref<1200xi32, #tpu.memory_space<hbm>>)
      } else {
      }
      %scan3A_315 = arith.constant 0 : i32
      %scan3A_316 = arith.constant 0 : i32
      %scan3A_317 = arith.constant 25 : i32
      %scan3A_318 = arith.addi %scan3A_316, %scan3A_317 : i32
      %scan3A_319 = arith.constant 1 : i32
      scf.for %scan3A_453 = %scan3A_316 to %scan3A_318 step %scan3A_319  : i32 {
        %mul3A_454 = arith.constant 16 : i32
        %mul3A_455 = arith.muli %scan3A_453, %mul3A_454 : i32
        %mul3A_456 = arith.constant 32 : i32
        %mul3A_457 = arith.muli %mul3A_455, %mul3A_456 : i32
        %add3A_458 = vector.broadcast %mul3A_457 : i32 to vector<16xi32>
        %add3A_459 = arith.addi %mul3A_68, %add3A_458 : vector<16xi32>
        %broadcast_in_dim3A = arith.constant 0.000000e+00 : f32
        %broadcast_in_dim3A_460 = vector.broadcast %broadcast_in_dim3A : f32 to vector<16xf32>
        %and3A = arith.constant 31 : i32
        %and3A_461 = vector.broadcast %and3A : i32 to vector<16xi32>
        %and3A_462 = arith.andi %iota3A, %and3A_461 : vector<16xi32>
        %add3A_463 = arith.addi %add3A_459, %and3A_462 : vector<16xi32>
        %broadcast_in_dim3A_464 = arith.constant 0 : i32
        %broadcast_in_dim3A_465 = vector.broadcast %broadcast_in_dim3A_464 : i32 to vector<16xi32>
        %gather3A = tpu.vector_load_idx %arg9[%broadcast_in_dim3A_465, %add3A_463] : memref<400x32xf32, #tpu.memory_space<vmem>>[vector<16xi32>, vector<16xi32>], vector<16xf32>,
        %broadcast_in_dim3A_466 = arith.constant 0 : i32
        %broadcast_in_dim3A_467 = vector.broadcast %broadcast_in_dim3A_466 : i32 to vector<16xi32>
        %gather3A_468 = tpu.vector_load_idx %arg11[%broadcast_in_dim3A_467, %add3A_463] : memref<400x32xf32, #tpu.memory_space<vmem>>[vector<16xi32>, vector<16xi32>], vector<16xf32>,
        %add3A_469 = arith.addf %gather3A, %gather3A_468 : vector<16xf32>
        %max3A = arith.constant 0.000000e+00 : f32
        %max3A_470 = vector.broadcast %max3A : f32 to vector<16xf32>
        %max3A_471 = arith.maximumf %add3A_469, %max3A_470 : vector<16xf32>
        %mul3A_472 = arith.mulf %max3A_471, %get3A_3 : vector<16xf32>
        %add3A_473 = arith.addf %broadcast_in_dim3A_460, %mul3A_472 : vector<16xf32>
        %add3A_474 = arith.constant 1 : i32
        %add3A_475 = vector.broadcast %add3A_474 : i32 to vector<16xi32>
        %add3A_476 = arith.addi %iota3A, %add3A_475 : vector<16xi32>
        %and3A_477 = arith.constant 31 : i32
        %and3A_478 = vector.broadcast %and3A_477 : i32 to vector<16xi32>
        %and3A_479 = arith.andi %add3A_476, %and3A_478 : vector<16xi32>
        %add3A_480 = arith.addi %add3A_459, %and3A_479 : vector<16xi32>
        %broadcast_in_dim3A_481 = arith.constant 0 : i32
        %broadcast_in_dim3A_482 = vector.broadcast %broadcast_in_dim3A_481 : i32 to vector<16xi32>
        %gather3A_483 = tpu.vector_load_idx %arg9[%broadcast_in_dim3A_482, %add3A_480] : memref<400x32xf32, #tpu.memory_space<vmem>>[vector<16xi32>, vector<16xi32>], vector<16xf32>,
        %broadcast_in_dim3A_484 = arith.constant 0 : i32
        %broadcast_in_dim3A_485 = vector.broadcast %broadcast_in_dim3A_484 : i32 to vector<16xi32>
        %gather3A_486 = tpu.vector_load_idx %arg11[%broadcast_in_dim3A_485, %add3A_480] : memref<400x32xf32, #tpu.memory_space<vmem>>[vector<16xi32>, vector<16xi32>], vector<16xf32>,
        %add3A_487 = arith.addf %gather3A_483, %gather3A_486 : vector<16xf32>
        %max3A_488 = arith.constant 0.000000e+00 : f32
        %max3A_489 = vector.broadcast %max3A_488 : f32 to vector<16xf32>
        %max3A_490 = arith.maximumf %add3A_487, %max3A_489 : vector<16xf32>
        %mul3A_491 = arith.mulf %max3A_490, %get3A_5 : vector<16xf32>
        %add3A_492 = arith.addf %add3A_473, %mul3A_491 : vector<16xf32>
        %add3A_493 = arith.constant 1 : i32
        %add3A_494 = vector.broadcast %add3A_493 : i32 to vector<16xi32>
        %add3A_495 = arith.addi %add3A_476, %add3A_494 : vector<16xi32>
        %and3A_496 = arith.constant 31 : i32
        %and3A_497 = vector.broadcast %and3A_496 : i32 to vector<16xi32>
        %and3A_498 = arith.andi %add3A_495, %and3A_497 : vector<16xi32>
        %add3A_499 = arith.addi %add3A_459, %and3A_498 : vector<16xi32>
        %broadcast_in_dim3A_500 = arith.constant 0 : i32
        %broadcast_in_dim3A_501 = vector.broadcast %broadcast_in_dim3A_500 : i32 to vector<16xi32>
        %gather3A_502 = tpu.vector_load_idx %arg9[%broadcast_in_dim3A_501, %add3A_499] : memref<400x32xf32, #tpu.memory_space<vmem>>[vector<16xi32>, vector<16xi32>], vector<16xf32>,
        %broadcast_in_dim3A_503 = arith.constant 0 : i32
        %broadcast_in_dim3A_504 = vector.broadcast %broadcast_in_dim3A_503 : i32 to vector<16xi32>
        %gather3A_505 = tpu.vector_load_idx %arg11[%broadcast_in_dim3A_504, %add3A_499] : memref<400x32xf32, #tpu.memory_space<vmem>>[vector<16xi32>, vector<16xi32>], vector<16xf32>,
        %add3A_506 = arith.addf %gather3A_502, %gather3A_505 : vector<16xf32>
        %max3A_507 = arith.constant 0.000000e+00 : f32
        %max3A_508 = vector.broadcast %max3A_507 : f32 to vector<16xf32>
        %max3A_509 = arith.maximumf %add3A_506, %max3A_508 : vector<16xf32>
        %mul3A_510 = arith.mulf %max3A_509, %get3A_7 : vector<16xf32>
        %add3A_511 = arith.addf %add3A_492, %mul3A_510 : vector<16xf32>
        %add3A_512 = arith.constant 1 : i32
        %add3A_513 = vector.broadcast %add3A_512 : i32 to vector<16xi32>
        %add3A_514 = arith.addi %add3A_495, %add3A_513 : vector<16xi32>
        %and3A_515 = arith.constant 31 : i32
        %and3A_516 = vector.broadcast %and3A_515 : i32 to vector<16xi32>
        %and3A_517 = arith.andi %add3A_514, %and3A_516 : vector<16xi32>
        %add3A_518 = arith.addi %add3A_459, %and3A_517 : vector<16xi32>
        %broadcast_in_dim3A_519 = arith.constant 0 : i32
        %broadcast_in_dim3A_520 = vector.broadcast %broadcast_in_dim3A_519 : i32 to vector<16xi32>
        %gather3A_521 = tpu.vector_load_idx %arg9[%broadcast_in_dim3A_520, %add3A_518] : memref<400x32xf32, #tpu.memory_space<vmem>>[vector<16xi32>, vector<16xi32>], vector<16xf32>,
        %broadcast_in_dim3A_522 = arith.constant 0 : i32
        %broadcast_in_dim3A_523 = vector.broadcast %broadcast_in_dim3A_522 : i32 to vector<16xi32>
        %gather3A_524 = tpu.vector_load_idx %arg11[%broadcast_in_dim3A_523, %add3A_518] : memref<400x32xf32, #tpu.memory_space<vmem>>[vector<16xi32>, vector<16xi32>], vector<16xf32>,
        %add3A_525 = arith.addf %gather3A_521, %gather3A_524 : vector<16xf32>
        %max3A_526 = arith.constant 0.000000e+00 : f32
        %max3A_527 = vector.broadcast %max3A_526 : f32 to vector<16xf32>
        %max3A_528 = arith.maximumf %add3A_525, %max3A_527 : vector<16xf32>
        %mul3A_529 = arith.mulf %max3A_528, %get3A_9 : vector<16xf32>
        %add3A_530 = arith.addf %add3A_511, %mul3A_529 : vector<16xf32>
        %add3A_531 = arith.constant 1 : i32
        %add3A_532 = vector.broadcast %add3A_531 : i32 to vector<16xi32>
        %add3A_533 = arith.addi %add3A_514, %add3A_532 : vector<16xi32>
        %and3A_534 = arith.constant 31 : i32
        %and3A_535 = vector.broadcast %and3A_534 : i32 to vector<16xi32>
        %and3A_536 = arith.andi %add3A_533, %and3A_535 : vector<16xi32>
        %add3A_537 = arith.addi %add3A_459, %and3A_536 : vector<16xi32>
        %broadcast_in_dim3A_538 = arith.constant 0 : i32
        %broadcast_in_dim3A_539 = vector.broadcast %broadcast_in_dim3A_538 : i32 to vector<16xi32>
        %gather3A_540 = tpu.vector_load_idx %arg9[%broadcast_in_dim3A_539, %add3A_537] : memref<400x32xf32, #tpu.memory_space<vmem>>[vector<16xi32>, vector<16xi32>], vector<16xf32>,
        %broadcast_in_dim3A_541 = arith.constant 0 : i32
        %broadcast_in_dim3A_542 = vector.broadcast %broadcast_in_dim3A_541 : i32 to vector<16xi32>
        %gather3A_543 = tpu.vector_load_idx %arg11[%broadcast_in_dim3A_542, %add3A_537] : memref<400x32xf32, #tpu.memory_space<vmem>>[vector<16xi32>, vector<16xi32>], vector<16xf32>,
        %add3A_544 = arith.addf %gather3A_540, %gather3A_543 : vector<16xf32>
        %max3A_545 = arith.constant 0.000000e+00 : f32
        %max3A_546 = vector.broadcast %max3A_545 : f32 to vector<16xf32>
        %max3A_547 = arith.maximumf %add3A_544, %max3A_546 : vector<16xf32>
        %mul3A_548 = arith.mulf %max3A_547, %get3A_11 : vector<16xf32>
        %add3A_549 = arith.addf %add3A_530, %mul3A_548 : vector<16xf32>
        %add3A_550 = arith.constant 1 : i32
        %add3A_551 = vector.broadcast %add3A_550 : i32 to vector<16xi32>
        %add3A_552 = arith.addi %add3A_533, %add3A_551 : vector<16xi32>
        %and3A_553 = arith.constant 31 : i32
        %and3A_554 = vector.broadcast %and3A_553 : i32 to vector<16xi32>
        %and3A_555 = arith.andi %add3A_552, %and3A_554 : vector<16xi32>
        %add3A_556 = arith.addi %add3A_459, %and3A_555 : vector<16xi32>
        %broadcast_in_dim3A_557 = arith.constant 0 : i32
        %broadcast_in_dim3A_558 = vector.broadcast %broadcast_in_dim3A_557 : i32 to vector<16xi32>
        %gather3A_559 = tpu.vector_load_idx %arg9[%broadcast_in_dim3A_558, %add3A_556] : memref<400x32xf32, #tpu.memory_space<vmem>>[vector<16xi32>, vector<16xi32>], vector<16xf32>,
        %broadcast_in_dim3A_560 = arith.constant 0 : i32
        %broadcast_in_dim3A_561 = vector.broadcast %broadcast_in_dim3A_560 : i32 to vector<16xi32>
        %gather3A_562 = tpu.vector_load_idx %arg11[%broadcast_in_dim3A_561, %add3A_556] : memref<400x32xf32, #tpu.memory_space<vmem>>[vector<16xi32>, vector<16xi32>], vector<16xf32>,
        %add3A_563 = arith.addf %gather3A_559, %gather3A_562 : vector<16xf32>
        %max3A_564 = arith.constant 0.000000e+00 : f32
        %max3A_565 = vector.broadcast %max3A_564 : f32 to vector<16xf32>
        %max3A_566 = arith.maximumf %add3A_563, %max3A_565 : vector<16xf32>
        %mul3A_567 = arith.mulf %max3A_566, %get3A_13 : vector<16xf32>
        %add3A_568 = arith.addf %add3A_549, %mul3A_567 : vector<16xf32>
        %add3A_569 = arith.constant 1 : i32
        %add3A_570 = vector.broadcast %add3A_569 : i32 to vector<16xi32>
        %add3A_571 = arith.addi %add3A_552, %add3A_570 : vector<16xi32>
        %and3A_572 = arith.constant 31 : i32
        %and3A_573 = vector.broadcast %and3A_572 : i32 to vector<16xi32>
        %and3A_574 = arith.andi %add3A_571, %and3A_573 : vector<16xi32>
        %add3A_575 = arith.addi %add3A_459, %and3A_574 : vector<16xi32>
        %broadcast_in_dim3A_576 = arith.constant 0 : i32
        %broadcast_in_dim3A_577 = vector.broadcast %broadcast_in_dim3A_576 : i32 to vector<16xi32>
        %gather3A_578 = tpu.vector_load_idx %arg9[%broadcast_in_dim3A_577, %add3A_575] : memref<400x32xf32, #tpu.memory_space<vmem>>[vector<16xi32>, vector<16xi32>], vector<16xf32>,
        %broadcast_in_dim3A_579 = arith.constant 0 : i32
        %broadcast_in_dim3A_580 = vector.broadcast %broadcast_in_dim3A_579 : i32 to vector<16xi32>
        %gather3A_581 = tpu.vector_load_idx %arg11[%broadcast_in_dim3A_580, %add3A_575] : memref<400x32xf32, #tpu.memory_space<vmem>>[vector<16xi32>, vector<16xi32>], vector<16xf32>,
        %add3A_582 = arith.addf %gather3A_578, %gather3A_581 : vector<16xf32>
        %max3A_583 = arith.constant 0.000000e+00 : f32
        %max3A_584 = vector.broadcast %max3A_583 : f32 to vector<16xf32>
        %max3A_585 = arith.maximumf %add3A_582, %max3A_584 : vector<16xf32>
        %mul3A_586 = arith.mulf %max3A_585, %get3A_15 : vector<16xf32>
        %add3A_587 = arith.addf %add3A_568, %mul3A_586 : vector<16xf32>
        %add3A_588 = arith.constant 1 : i32
        %add3A_589 = vector.broadcast %add3A_588 : i32 to vector<16xi32>
        %add3A_590 = arith.addi %add3A_571, %add3A_589 : vector<16xi32>
        %and3A_591 = arith.constant 31 : i32
        %and3A_592 = vector.broadcast %and3A_591 : i32 to vector<16xi32>
        %and3A_593 = arith.andi %add3A_590, %and3A_592 : vector<16xi32>
        %add3A_594 = arith.addi %add3A_459, %and3A_593 : vector<16xi32>
        %broadcast_in_dim3A_595 = arith.constant 0 : i32
        %broadcast_in_dim3A_596 = vector.broadcast %broadcast_in_dim3A_595 : i32 to vector<16xi32>
        %gather3A_597 = tpu.vector_load_idx %arg9[%broadcast_in_dim3A_596, %add3A_594] : memref<400x32xf32, #tpu.memory_space<vmem>>[vector<16xi32>, vector<16xi32>], vector<16xf32>,
        %broadcast_in_dim3A_598 = arith.constant 0 : i32
        %broadcast_in_dim3A_599 = vector.broadcast %broadcast_in_dim3A_598 : i32 to vector<16xi32>
        %gather3A_600 = tpu.vector_load_idx %arg11[%broadcast_in_dim3A_599, %add3A_594] : memref<400x32xf32, #tpu.memory_space<vmem>>[vector<16xi32>, vector<16xi32>], vector<16xf32>,
        %add3A_601 = arith.addf %gather3A_597, %gather3A_600 : vector<16xf32>
        %max3A_602 = arith.constant 0.000000e+00 : f32
        %max3A_603 = vector.broadcast %max3A_602 : f32 to vector<16xf32>
        %max3A_604 = arith.maximumf %add3A_601, %max3A_603 : vector<16xf32>
        %mul3A_605 = arith.mulf %max3A_604, %get3A_17 : vector<16xf32>
        %add3A_606 = arith.addf %add3A_587, %mul3A_605 : vector<16xf32>
        %add3A_607 = arith.constant 1 : i32
        %add3A_608 = vector.broadcast %add3A_607 : i32 to vector<16xi32>
        %add3A_609 = arith.addi %add3A_590, %add3A_608 : vector<16xi32>
        %and3A_610 = arith.constant 31 : i32
        %and3A_611 = vector.broadcast %and3A_610 : i32 to vector<16xi32>
        %and3A_612 = arith.andi %add3A_609, %and3A_611 : vector<16xi32>
        %add3A_613 = arith.addi %add3A_459, %and3A_612 : vector<16xi32>
        %broadcast_in_dim3A_614 = arith.constant 0 : i32
        %broadcast_in_dim3A_615 = vector.broadcast %broadcast_in_dim3A_614 : i32 to vector<16xi32>
        %gather3A_616 = tpu.vector_load_idx %arg9[%broadcast_in_dim3A_615, %add3A_613] : memref<400x32xf32, #tpu.memory_space<vmem>>[vector<16xi32>, vector<16xi32>], vector<16xf32>,
        %broadcast_in_dim3A_617 = arith.constant 0 : i32
        %broadcast_in_dim3A_618 = vector.broadcast %broadcast_in_dim3A_617 : i32 to vector<16xi32>
        %gather3A_619 = tpu.vector_load_idx %arg11[%broadcast_in_dim3A_618, %add3A_613] : memref<400x32xf32, #tpu.memory_space<vmem>>[vector<16xi32>, vector<16xi32>], vector<16xf32>,
        %add3A_620 = arith.addf %gather3A_616, %gather3A_619 : vector<16xf32>
        %max3A_621 = arith.constant 0.000000e+00 : f32
        %max3A_622 = vector.broadcast %max3A_621 : f32 to vector<16xf32>
        %max3A_623 = arith.maximumf %add3A_620, %max3A_622 : vector<16xf32>
        %mul3A_624 = arith.mulf %max3A_623, %get3A_19 : vector<16xf32>
        %add3A_625 = arith.addf %add3A_606, %mul3A_624 : vector<16xf32>
        %add3A_626 = arith.constant 1 : i32
        %add3A_627 = vector.broadcast %add3A_626 : i32 to vector<16xi32>
        %add3A_628 = arith.addi %add3A_609, %add3A_627 : vector<16xi32>
        %and3A_629 = arith.constant 31 : i32
        %and3A_630 = vector.broadcast %and3A_629 : i32 to vector<16xi32>
        %and3A_631 = arith.andi %add3A_628, %and3A_630 : vector<16xi32>
        %add3A_632 = arith.addi %add3A_459, %and3A_631 : vector<16xi32>
        %broadcast_in_dim3A_633 = arith.constant 0 : i32
        %broadcast_in_dim3A_634 = vector.broadcast %broadcast_in_dim3A_633 : i32 to vector<16xi32>
        %gather3A_635 = tpu.vector_load_idx %arg9[%broadcast_in_dim3A_634, %add3A_632] : memref<400x32xf32, #tpu.memory_space<vmem>>[vector<16xi32>, vector<16xi32>], vector<16xf32>,
        %broadcast_in_dim3A_636 = arith.constant 0 : i32
        %broadcast_in_dim3A_637 = vector.broadcast %broadcast_in_dim3A_636 : i32 to vector<16xi32>
        %gather3A_638 = tpu.vector_load_idx %arg11[%broadcast_in_dim3A_637, %add3A_632] : memref<400x32xf32, #tpu.memory_space<vmem>>[vector<16xi32>, vector<16xi32>], vector<16xf32>,
        %add3A_639 = arith.addf %gather3A_635, %gather3A_638 : vector<16xf32>
        %max3A_640 = arith.constant 0.000000e+00 : f32
        %max3A_641 = vector.broadcast %max3A_640 : f32 to vector<16xf32>
        %max3A_642 = arith.maximumf %add3A_639, %max3A_641 : vector<16xf32>
        %mul3A_643 = arith.mulf %max3A_642, %get3A_21 : vector<16xf32>
        %add3A_644 = arith.addf %add3A_625, %mul3A_643 : vector<16xf32>
        %add3A_645 = arith.constant 1 : i32
        %add3A_646 = vector.broadcast %add3A_645 : i32 to vector<16xi32>
        %add3A_647 = arith.addi %add3A_628, %add3A_646 : vector<16xi32>
        %and3A_648 = arith.constant 31 : i32
        %and3A_649 = vector.broadcast %and3A_648 : i32 to vector<16xi32>
        %and3A_650 = arith.andi %add3A_647, %and3A_649 : vector<16xi32>
        %add3A_651 = arith.addi %add3A_459, %and3A_650 : vector<16xi32>
        %broadcast_in_dim3A_652 = arith.constant 0 : i32
        %broadcast_in_dim3A_653 = vector.broadcast %broadcast_in_dim3A_652 : i32 to vector<16xi32>
        %gather3A_654 = tpu.vector_load_idx %arg9[%broadcast_in_dim3A_653, %add3A_651] : memref<400x32xf32, #tpu.memory_space<vmem>>[vector<16xi32>, vector<16xi32>], vector<16xf32>,
        %broadcast_in_dim3A_655 = arith.constant 0 : i32
        %broadcast_in_dim3A_656 = vector.broadcast %broadcast_in_dim3A_655 : i32 to vector<16xi32>
        %gather3A_657 = tpu.vector_load_idx %arg11[%broadcast_in_dim3A_656, %add3A_651] : memref<400x32xf32, #tpu.memory_space<vmem>>[vector<16xi32>, vector<16xi32>], vector<16xf32>,
        %add3A_658 = arith.addf %gather3A_654, %gather3A_657 : vector<16xf32>
        %max3A_659 = arith.constant 0.000000e+00 : f32
        %max3A_660 = vector.broadcast %max3A_659 : f32 to vector<16xf32>
        %max3A_661 = arith.maximumf %add3A_658, %max3A_660 : vector<16xf32>
        %mul3A_662 = arith.mulf %max3A_661, %get3A_23 : vector<16xf32>
        %add3A_663 = arith.addf %add3A_644, %mul3A_662 : vector<16xf32>
        %add3A_664 = arith.constant 1 : i32
        %add3A_665 = vector.broadcast %add3A_664 : i32 to vector<16xi32>
        %add3A_666 = arith.addi %add3A_647, %add3A_665 : vector<16xi32>
        %and3A_667 = arith.constant 31 : i32
        %and3A_668 = vector.broadcast %and3A_667 : i32 to vector<16xi32>
        %and3A_669 = arith.andi %add3A_666, %and3A_668 : vector<16xi32>
        %add3A_670 = arith.addi %add3A_459, %and3A_669 : vector<16xi32>
        %broadcast_in_dim3A_671 = arith.constant 0 : i32
        %broadcast_in_dim3A_672 = vector.broadcast %broadcast_in_dim3A_671 : i32 to vector<16xi32>
        %gather3A_673 = tpu.vector_load_idx %arg9[%broadcast_in_dim3A_672, %add3A_670] : memref<400x32xf32, #tpu.memory_space<vmem>>[vector<16xi32>, vector<16xi32>], vector<16xf32>,
        %broadcast_in_dim3A_674 = arith.constant 0 : i32
        %broadcast_in_dim3A_675 = vector.broadcast %broadcast_in_dim3A_674 : i32 to vector<16xi32>
        %gather3A_676 = tpu.vector_load_idx %arg11[%broadcast_in_dim3A_675, %add3A_670] : memref<400x32xf32, #tpu.memory_space<vmem>>[vector<16xi32>, vector<16xi32>], vector<16xf32>,
        %add3A_677 = arith.addf %gather3A_673, %gather3A_676 : vector<16xf32>
        %max3A_678 = arith.constant 0.000000e+00 : f32
        %max3A_679 = vector.broadcast %max3A_678 : f32 to vector<16xf32>
        %max3A_680 = arith.maximumf %add3A_677, %max3A_679 : vector<16xf32>
        %mul3A_681 = arith.mulf %max3A_680, %get3A_25 : vector<16xf32>
        %add3A_682 = arith.addf %add3A_663, %mul3A_681 : vector<16xf32>
        %add3A_683 = arith.constant 1 : i32
        %add3A_684 = vector.broadcast %add3A_683 : i32 to vector<16xi32>
        %add3A_685 = arith.addi %add3A_666, %add3A_684 : vector<16xi32>
        %and3A_686 = arith.constant 31 : i32
        %and3A_687 = vector.broadcast %and3A_686 : i32 to vector<16xi32>
        %and3A_688 = arith.andi %add3A_685, %and3A_687 : vector<16xi32>
        %add3A_689 = arith.addi %add3A_459, %and3A_688 : vector<16xi32>
        %broadcast_in_dim3A_690 = arith.constant 0 : i32
        %broadcast_in_dim3A_691 = vector.broadcast %broadcast_in_dim3A_690 : i32 to vector<16xi32>
        %gather3A_692 = tpu.vector_load_idx %arg9[%broadcast_in_dim3A_691, %add3A_689] : memref<400x32xf32, #tpu.memory_space<vmem>>[vector<16xi32>, vector<16xi32>], vector<16xf32>,
        %broadcast_in_dim3A_693 = arith.constant 0 : i32
        %broadcast_in_dim3A_694 = vector.broadcast %broadcast_in_dim3A_693 : i32 to vector<16xi32>
        %gather3A_695 = tpu.vector_load_idx %arg11[%broadcast_in_dim3A_694, %add3A_689] : memref<400x32xf32, #tpu.memory_space<vmem>>[vector<16xi32>, vector<16xi32>], vector<16xf32>,
        %add3A_696 = arith.addf %gather3A_692, %gather3A_695 : vector<16xf32>
        %max3A_697 = arith.constant 0.000000e+00 : f32
        %max3A_698 = vector.broadcast %max3A_697 : f32 to vector<16xf32>
        %max3A_699 = arith.maximumf %add3A_696, %max3A_698 : vector<16xf32>
        %mul3A_700 = arith.mulf %max3A_699, %get3A_27 : vector<16xf32>
        %add3A_701 = arith.addf %add3A_682, %mul3A_700 : vector<16xf32>
        %add3A_702 = arith.constant 1 : i32
        %add3A_703 = vector.broadcast %add3A_702 : i32 to vector<16xi32>
        %add3A_704 = arith.addi %add3A_685, %add3A_703 : vector<16xi32>
        %and3A_705 = arith.constant 31 : i32
        %and3A_706 = vector.broadcast %and3A_705 : i32 to vector<16xi32>
        %and3A_707 = arith.andi %add3A_704, %and3A_706 : vector<16xi32>
        %add3A_708 = arith.addi %add3A_459, %and3A_707 : vector<16xi32>
        %broadcast_in_dim3A_709 = arith.constant 0 : i32
        %broadcast_in_dim3A_710 = vector.broadcast %broadcast_in_dim3A_709 : i32 to vector<16xi32>
        %gather3A_711 = tpu.vector_load_idx %arg9[%broadcast_in_dim3A_710, %add3A_708] : memref<400x32xf32, #tpu.memory_space<vmem>>[vector<16xi32>, vector<16xi32>], vector<16xf32>,
        %broadcast_in_dim3A_712 = arith.constant 0 : i32
        %broadcast_in_dim3A_713 = vector.broadcast %broadcast_in_dim3A_712 : i32 to vector<16xi32>
        %gather3A_714 = tpu.vector_load_idx %arg11[%broadcast_in_dim3A_713, %add3A_708] : memref<400x32xf32, #tpu.memory_space<vmem>>[vector<16xi32>, vector<16xi32>], vector<16xf32>,
        %add3A_715 = arith.addf %gather3A_711, %gather3A_714 : vector<16xf32>
        %max3A_716 = arith.constant 0.000000e+00 : f32
        %max3A_717 = vector.broadcast %max3A_716 : f32 to vector<16xf32>
        %max3A_718 = arith.maximumf %add3A_715, %max3A_717 : vector<16xf32>
        %mul3A_719 = arith.mulf %max3A_718, %get3A_29 : vector<16xf32>
        %add3A_720 = arith.addf %add3A_701, %mul3A_719 : vector<16xf32>
        %add3A_721 = arith.constant 1 : i32
        %add3A_722 = vector.broadcast %add3A_721 : i32 to vector<16xi32>
        %add3A_723 = arith.addi %add3A_704, %add3A_722 : vector<16xi32>
        %and3A_724 = arith.constant 31 : i32
        %and3A_725 = vector.broadcast %and3A_724 : i32 to vector<16xi32>
        %and3A_726 = arith.andi %add3A_723, %and3A_725 : vector<16xi32>
        %add3A_727 = arith.addi %add3A_459, %and3A_726 : vector<16xi32>
        %broadcast_in_dim3A_728 = arith.constant 0 : i32
        %broadcast_in_dim3A_729 = vector.broadcast %broadcast_in_dim3A_728 : i32 to vector<16xi32>
        %gather3A_730 = tpu.vector_load_idx %arg9[%broadcast_in_dim3A_729, %add3A_727] : memref<400x32xf32, #tpu.memory_space<vmem>>[vector<16xi32>, vector<16xi32>], vector<16xf32>,
        %broadcast_in_dim3A_731 = arith.constant 0 : i32
        %broadcast_in_dim3A_732 = vector.broadcast %broadcast_in_dim3A_731 : i32 to vector<16xi32>
        %gather3A_733 = tpu.vector_load_idx %arg11[%broadcast_in_dim3A_732, %add3A_727] : memref<400x32xf32, #tpu.memory_space<vmem>>[vector<16xi32>, vector<16xi32>], vector<16xf32>,
        %add3A_734 = arith.addf %gather3A_730, %gather3A_733 : vector<16xf32>
        %max3A_735 = arith.constant 0.000000e+00 : f32
        %max3A_736 = vector.broadcast %max3A_735 : f32 to vector<16xf32>
        %max3A_737 = arith.maximumf %add3A_734, %max3A_736 : vector<16xf32>
        %mul3A_738 = arith.mulf %max3A_737, %get3A_31 : vector<16xf32>
        %add3A_739 = arith.addf %add3A_720, %mul3A_738 : vector<16xf32>
        %add3A_740 = arith.constant 1 : i32
        %add3A_741 = vector.broadcast %add3A_740 : i32 to vector<16xi32>
        %add3A_742 = arith.addi %add3A_723, %add3A_741 : vector<16xi32>
        %and3A_743 = arith.constant 31 : i32
        %and3A_744 = vector.broadcast %and3A_743 : i32 to vector<16xi32>
        %and3A_745 = arith.andi %add3A_742, %and3A_744 : vector<16xi32>
        %add3A_746 = arith.addi %add3A_459, %and3A_745 : vector<16xi32>
        %broadcast_in_dim3A_747 = arith.constant 0 : i32
        %broadcast_in_dim3A_748 = vector.broadcast %broadcast_in_dim3A_747 : i32 to vector<16xi32>
        %gather3A_749 = tpu.vector_load_idx %arg9[%broadcast_in_dim3A_748, %add3A_746] : memref<400x32xf32, #tpu.memory_space<vmem>>[vector<16xi32>, vector<16xi32>], vector<16xf32>,
        %broadcast_in_dim3A_750 = arith.constant 0 : i32
        %broadcast_in_dim3A_751 = vector.broadcast %broadcast_in_dim3A_750 : i32 to vector<16xi32>
        %gather3A_752 = tpu.vector_load_idx %arg11[%broadcast_in_dim3A_751, %add3A_746] : memref<400x32xf32, #tpu.memory_space<vmem>>[vector<16xi32>, vector<16xi32>], vector<16xf32>,
        %add3A_753 = arith.addf %gather3A_749, %gather3A_752 : vector<16xf32>
        %max3A_754 = arith.constant 0.000000e+00 : f32
        %max3A_755 = vector.broadcast %max3A_754 : f32 to vector<16xf32>
        %max3A_756 = arith.maximumf %add3A_753, %max3A_755 : vector<16xf32>
        %mul3A_757 = arith.mulf %max3A_756, %get3A_33 : vector<16xf32>
        %add3A_758 = arith.addf %add3A_739, %mul3A_757 : vector<16xf32>
        %add3A_759 = arith.constant 1 : i32
        %add3A_760 = vector.broadcast %add3A_759 : i32 to vector<16xi32>
        %add3A_761 = arith.addi %add3A_742, %add3A_760 : vector<16xi32>
        %and3A_762 = arith.constant 31 : i32
        %and3A_763 = vector.broadcast %and3A_762 : i32 to vector<16xi32>
        %and3A_764 = arith.andi %add3A_761, %and3A_763 : vector<16xi32>
        %add3A_765 = arith.addi %add3A_459, %and3A_764 : vector<16xi32>
        %broadcast_in_dim3A_766 = arith.constant 0 : i32
        %broadcast_in_dim3A_767 = vector.broadcast %broadcast_in_dim3A_766 : i32 to vector<16xi32>
        %gather3A_768 = tpu.vector_load_idx %arg9[%broadcast_in_dim3A_767, %add3A_765] : memref<400x32xf32, #tpu.memory_space<vmem>>[vector<16xi32>, vector<16xi32>], vector<16xf32>,
        %broadcast_in_dim3A_769 = arith.constant 0 : i32
        %broadcast_in_dim3A_770 = vector.broadcast %broadcast_in_dim3A_769 : i32 to vector<16xi32>
        %gather3A_771 = tpu.vector_load_idx %arg11[%broadcast_in_dim3A_770, %add3A_765] : memref<400x32xf32, #tpu.memory_space<vmem>>[vector<16xi32>, vector<16xi32>], vector<16xf32>,
        %add3A_772 = arith.addf %gather3A_768, %gather3A_771 : vector<16xf32>
        %max3A_773 = arith.constant 0.000000e+00 : f32
        %max3A_774 = vector.broadcast %max3A_773 : f32 to vector<16xf32>
        %max3A_775 = arith.maximumf %add3A_772, %max3A_774 : vector<16xf32>
        %mul3A_776 = arith.mulf %max3A_775, %get3A_35 : vector<16xf32>
        %add3A_777 = arith.addf %add3A_758, %mul3A_776 : vector<16xf32>
        %add3A_778 = arith.constant 1 : i32
        %add3A_779 = vector.broadcast %add3A_778 : i32 to vector<16xi32>
        %add3A_780 = arith.addi %add3A_761, %add3A_779 : vector<16xi32>
        %and3A_781 = arith.constant 31 : i32
        %and3A_782 = vector.broadcast %and3A_781 : i32 to vector<16xi32>
        %and3A_783 = arith.andi %add3A_780, %and3A_782 : vector<16xi32>
        %add3A_784 = arith.addi %add3A_459, %and3A_783 : vector<16xi32>
        %broadcast_in_dim3A_785 = arith.constant 0 : i32
        %broadcast_in_dim3A_786 = vector.broadcast %broadcast_in_dim3A_785 : i32 to vector<16xi32>
        %gather3A_787 = tpu.vector_load_idx %arg9[%broadcast_in_dim3A_786, %add3A_784] : memref<400x32xf32, #tpu.memory_space<vmem>>[vector<16xi32>, vector<16xi32>], vector<16xf32>,
        %broadcast_in_dim3A_788 = arith.constant 0 : i32
        %broadcast_in_dim3A_789 = vector.broadcast %broadcast_in_dim3A_788 : i32 to vector<16xi32>
        %gather3A_790 = tpu.vector_load_idx %arg11[%broadcast_in_dim3A_789, %add3A_784] : memref<400x32xf32, #tpu.memory_space<vmem>>[vector<16xi32>, vector<16xi32>], vector<16xf32>,
        %add3A_791 = arith.addf %gather3A_787, %gather3A_790 : vector<16xf32>
        %max3A_792 = arith.constant 0.000000e+00 : f32
        %max3A_793 = vector.broadcast %max3A_792 : f32 to vector<16xf32>
        %max3A_794 = arith.maximumf %add3A_791, %max3A_793 : vector<16xf32>
        %mul3A_795 = arith.mulf %max3A_794, %get3A_37 : vector<16xf32>
        %add3A_796 = arith.addf %add3A_777, %mul3A_795 : vector<16xf32>
        %add3A_797 = arith.constant 1 : i32
        %add3A_798 = vector.broadcast %add3A_797 : i32 to vector<16xi32>
        %add3A_799 = arith.addi %add3A_780, %add3A_798 : vector<16xi32>
        %and3A_800 = arith.constant 31 : i32
        %and3A_801 = vector.broadcast %and3A_800 : i32 to vector<16xi32>
        %and3A_802 = arith.andi %add3A_799, %and3A_801 : vector<16xi32>
        %add3A_803 = arith.addi %add3A_459, %and3A_802 : vector<16xi32>
        %broadcast_in_dim3A_804 = arith.constant 0 : i32
        %broadcast_in_dim3A_805 = vector.broadcast %broadcast_in_dim3A_804 : i32 to vector<16xi32>
        %gather3A_806 = tpu.vector_load_idx %arg9[%broadcast_in_dim3A_805, %add3A_803] : memref<400x32xf32, #tpu.memory_space<vmem>>[vector<16xi32>, vector<16xi32>], vector<16xf32>,
        %broadcast_in_dim3A_807 = arith.constant 0 : i32
        %broadcast_in_dim3A_808 = vector.broadcast %broadcast_in_dim3A_807 : i32 to vector<16xi32>
        %gather3A_809 = tpu.vector_load_idx %arg11[%broadcast_in_dim3A_808, %add3A_803] : memref<400x32xf32, #tpu.memory_space<vmem>>[vector<16xi32>, vector<16xi32>], vector<16xf32>,
        %add3A_810 = arith.addf %gather3A_806, %gather3A_809 : vector<16xf32>
        %max3A_811 = arith.constant 0.000000e+00 : f32
        %max3A_812 = vector.broadcast %max3A_811 : f32 to vector<16xf32>
        %max3A_813 = arith.maximumf %add3A_810, %max3A_812 : vector<16xf32>
        %mul3A_814 = arith.mulf %max3A_813, %get3A_39 : vector<16xf32>
        %add3A_815 = arith.addf %add3A_796, %mul3A_814 : vector<16xf32>
        %add3A_816 = arith.constant 1 : i32
        %add3A_817 = vector.broadcast %add3A_816 : i32 to vector<16xi32>
        %add3A_818 = arith.addi %add3A_799, %add3A_817 : vector<16xi32>
        %and3A_819 = arith.constant 31 : i32
        %and3A_820 = vector.broadcast %and3A_819 : i32 to vector<16xi32>
        %and3A_821 = arith.andi %add3A_818, %and3A_820 : vector<16xi32>
        %add3A_822 = arith.addi %add3A_459, %and3A_821 : vector<16xi32>
        %broadcast_in_dim3A_823 = arith.constant 0 : i32
        %broadcast_in_dim3A_824 = vector.broadcast %broadcast_in_dim3A_823 : i32 to vector<16xi32>
        %gather3A_825 = tpu.vector_load_idx %arg9[%broadcast_in_dim3A_824, %add3A_822] : memref<400x32xf32, #tpu.memory_space<vmem>>[vector<16xi32>, vector<16xi32>], vector<16xf32>,
        %broadcast_in_dim3A_826 = arith.constant 0 : i32
        %broadcast_in_dim3A_827 = vector.broadcast %broadcast_in_dim3A_826 : i32 to vector<16xi32>
        %gather3A_828 = tpu.vector_load_idx %arg11[%broadcast_in_dim3A_827, %add3A_822] : memref<400x32xf32, #tpu.memory_space<vmem>>[vector<16xi32>, vector<16xi32>], vector<16xf32>,
        %add3A_829 = arith.addf %gather3A_825, %gather3A_828 : vector<16xf32>
        %max3A_830 = arith.constant 0.000000e+00 : f32
        %max3A_831 = vector.broadcast %max3A_830 : f32 to vector<16xf32>
        %max3A_832 = arith.maximumf %add3A_829, %max3A_831 : vector<16xf32>
        %mul3A_833 = arith.mulf %max3A_832, %get3A_41 : vector<16xf32>
        %add3A_834 = arith.addf %add3A_815, %mul3A_833 : vector<16xf32>
        %add3A_835 = arith.constant 1 : i32
        %add3A_836 = vector.broadcast %add3A_835 : i32 to vector<16xi32>
        %add3A_837 = arith.addi %add3A_818, %add3A_836 : vector<16xi32>
        %and3A_838 = arith.constant 31 : i32
        %and3A_839 = vector.broadcast %and3A_838 : i32 to vector<16xi32>
        %and3A_840 = arith.andi %add3A_837, %and3A_839 : vector<16xi32>
        %add3A_841 = arith.addi %add3A_459, %and3A_840 : vector<16xi32>
        %broadcast_in_dim3A_842 = arith.constant 0 : i32
        %broadcast_in_dim3A_843 = vector.broadcast %broadcast_in_dim3A_842 : i32 to vector<16xi32>
        %gather3A_844 = tpu.vector_load_idx %arg9[%broadcast_in_dim3A_843, %add3A_841] : memref<400x32xf32, #tpu.memory_space<vmem>>[vector<16xi32>, vector<16xi32>], vector<16xf32>,
        %broadcast_in_dim3A_845 = arith.constant 0 : i32
        %broadcast_in_dim3A_846 = vector.broadcast %broadcast_in_dim3A_845 : i32 to vector<16xi32>
        %gather3A_847 = tpu.vector_load_idx %arg11[%broadcast_in_dim3A_846, %add3A_841] : memref<400x32xf32, #tpu.memory_space<vmem>>[vector<16xi32>, vector<16xi32>], vector<16xf32>,
        %add3A_848 = arith.addf %gather3A_844, %gather3A_847 : vector<16xf32>
        %max3A_849 = arith.constant 0.000000e+00 : f32
        %max3A_850 = vector.broadcast %max3A_849 : f32 to vector<16xf32>
        %max3A_851 = arith.maximumf %add3A_848, %max3A_850 : vector<16xf32>
        %mul3A_852 = arith.mulf %max3A_851, %get3A_43 : vector<16xf32>
        %add3A_853 = arith.addf %add3A_834, %mul3A_852 : vector<16xf32>
        %add3A_854 = arith.constant 1 : i32
        %add3A_855 = vector.broadcast %add3A_854 : i32 to vector<16xi32>
        %add3A_856 = arith.addi %add3A_837, %add3A_855 : vector<16xi32>
        %and3A_857 = arith.constant 31 : i32
        %and3A_858 = vector.broadcast %and3A_857 : i32 to vector<16xi32>
        %and3A_859 = arith.andi %add3A_856, %and3A_858 : vector<16xi32>
        %add3A_860 = arith.addi %add3A_459, %and3A_859 : vector<16xi32>
        %broadcast_in_dim3A_861 = arith.constant 0 : i32
        %broadcast_in_dim3A_862 = vector.broadcast %broadcast_in_dim3A_861 : i32 to vector<16xi32>
        %gather3A_863 = tpu.vector_load_idx %arg9[%broadcast_in_dim3A_862, %add3A_860] : memref<400x32xf32, #tpu.memory_space<vmem>>[vector<16xi32>, vector<16xi32>], vector<16xf32>,
        %broadcast_in_dim3A_864 = arith.constant 0 : i32
        %broadcast_in_dim3A_865 = vector.broadcast %broadcast_in_dim3A_864 : i32 to vector<16xi32>
        %gather3A_866 = tpu.vector_load_idx %arg11[%broadcast_in_dim3A_865, %add3A_860] : memref<400x32xf32, #tpu.memory_space<vmem>>[vector<16xi32>, vector<16xi32>], vector<16xf32>,
        %add3A_867 = arith.addf %gather3A_863, %gather3A_866 : vector<16xf32>
        %max3A_868 = arith.constant 0.000000e+00 : f32
        %max3A_869 = vector.broadcast %max3A_868 : f32 to vector<16xf32>
        %max3A_870 = arith.maximumf %add3A_867, %max3A_869 : vector<16xf32>
        %mul3A_871 = arith.mulf %max3A_870, %get3A_45 : vector<16xf32>
        %add3A_872 = arith.addf %add3A_853, %mul3A_871 : vector<16xf32>
        %add3A_873 = arith.constant 1 : i32
        %add3A_874 = vector.broadcast %add3A_873 : i32 to vector<16xi32>
        %add3A_875 = arith.addi %add3A_856, %add3A_874 : vector<16xi32>
        %and3A_876 = arith.constant 31 : i32
        %and3A_877 = vector.broadcast %and3A_876 : i32 to vector<16xi32>
        %and3A_878 = arith.andi %add3A_875, %and3A_877 : vector<16xi32>
        %add3A_879 = arith.addi %add3A_459, %and3A_878 : vector<16xi32>
        %broadcast_in_dim3A_880 = arith.constant 0 : i32
        %broadcast_in_dim3A_881 = vector.broadcast %broadcast_in_dim3A_880 : i32 to vector<16xi32>
        %gather3A_882 = tpu.vector_load_idx %arg9[%broadcast_in_dim3A_881, %add3A_879] : memref<400x32xf32, #tpu.memory_space<vmem>>[vector<16xi32>, vector<16xi32>], vector<16xf32>,
        %broadcast_in_dim3A_883 = arith.constant 0 : i32
        %broadcast_in_dim3A_884 = vector.broadcast %broadcast_in_dim3A_883 : i32 to vector<16xi32>
        %gather3A_885 = tpu.vector_load_idx %arg11[%broadcast_in_dim3A_884, %add3A_879] : memref<400x32xf32, #tpu.memory_space<vmem>>[vector<16xi32>, vector<16xi32>], vector<16xf32>,
        %add3A_886 = arith.addf %gather3A_882, %gather3A_885 : vector<16xf32>
        %max3A_887 = arith.constant 0.000000e+00 : f32
        %max3A_888 = vector.broadcast %max3A_887 : f32 to vector<16xf32>
        %max3A_889 = arith.maximumf %add3A_886, %max3A_888 : vector<16xf32>
        %mul3A_890 = arith.mulf %max3A_889, %get3A_47 : vector<16xf32>
        %add3A_891 = arith.addf %add3A_872, %mul3A_890 : vector<16xf32>
        %add3A_892 = arith.constant 1 : i32
        %add3A_893 = vector.broadcast %add3A_892 : i32 to vector<16xi32>
        %add3A_894 = arith.addi %add3A_875, %add3A_893 : vector<16xi32>
        %and3A_895 = arith.constant 31 : i32
        %and3A_896 = vector.broadcast %and3A_895 : i32 to vector<16xi32>
        %and3A_897 = arith.andi %add3A_894, %and3A_896 : vector<16xi32>
        %add3A_898 = arith.addi %add3A_459, %and3A_897 : vector<16xi32>
        %broadcast_in_dim3A_899 = arith.constant 0 : i32
        %broadcast_in_dim3A_900 = vector.broadcast %broadcast_in_dim3A_899 : i32 to vector<16xi32>
        %gather3A_901 = tpu.vector_load_idx %arg9[%broadcast_in_dim3A_900, %add3A_898] : memref<400x32xf32, #tpu.memory_space<vmem>>[vector<16xi32>, vector<16xi32>], vector<16xf32>,
        %broadcast_in_dim3A_902 = arith.constant 0 : i32
        %broadcast_in_dim3A_903 = vector.broadcast %broadcast_in_dim3A_902 : i32 to vector<16xi32>
        %gather3A_904 = tpu.vector_load_idx %arg11[%broadcast_in_dim3A_903, %add3A_898] : memref<400x32xf32, #tpu.memory_space<vmem>>[vector<16xi32>, vector<16xi32>], vector<16xf32>,
        %add3A_905 = arith.addf %gather3A_901, %gather3A_904 : vector<16xf32>
        %max3A_906 = arith.constant 0.000000e+00 : f32
        %max3A_907 = vector.broadcast %max3A_906 : f32 to vector<16xf32>
        %max3A_908 = arith.maximumf %add3A_905, %max3A_907 : vector<16xf32>
        %mul3A_909 = arith.mulf %max3A_908, %get3A_49 : vector<16xf32>
        %add3A_910 = arith.addf %add3A_891, %mul3A_909 : vector<16xf32>
        %add3A_911 = arith.constant 1 : i32
        %add3A_912 = vector.broadcast %add3A_911 : i32 to vector<16xi32>
        %add3A_913 = arith.addi %add3A_894, %add3A_912 : vector<16xi32>
        %and3A_914 = arith.constant 31 : i32
        %and3A_915 = vector.broadcast %and3A_914 : i32 to vector<16xi32>
        %and3A_916 = arith.andi %add3A_913, %and3A_915 : vector<16xi32>
        %add3A_917 = arith.addi %add3A_459, %and3A_916 : vector<16xi32>
        %broadcast_in_dim3A_918 = arith.constant 0 : i32
        %broadcast_in_dim3A_919 = vector.broadcast %broadcast_in_dim3A_918 : i32 to vector<16xi32>
        %gather3A_920 = tpu.vector_load_idx %arg9[%broadcast_in_dim3A_919, %add3A_917] : memref<400x32xf32, #tpu.memory_space<vmem>>[vector<16xi32>, vector<16xi32>], vector<16xf32>,
        %broadcast_in_dim3A_921 = arith.constant 0 : i32
        %broadcast_in_dim3A_922 = vector.broadcast %broadcast_in_dim3A_921 : i32 to vector<16xi32>
        %gather3A_923 = tpu.vector_load_idx %arg11[%broadcast_in_dim3A_922, %add3A_917] : memref<400x32xf32, #tpu.memory_space<vmem>>[vector<16xi32>, vector<16xi32>], vector<16xf32>,
        %add3A_924 = arith.addf %gather3A_920, %gather3A_923 : vector<16xf32>
        %max3A_925 = arith.constant 0.000000e+00 : f32
        %max3A_926 = vector.broadcast %max3A_925 : f32 to vector<16xf32>
        %max3A_927 = arith.maximumf %add3A_924, %max3A_926 : vector<16xf32>
        %mul3A_928 = arith.mulf %max3A_927, %get3A_51 : vector<16xf32>
        %add3A_929 = arith.addf %add3A_910, %mul3A_928 : vector<16xf32>
        %add3A_930 = arith.constant 1 : i32
        %add3A_931 = vector.broadcast %add3A_930 : i32 to vector<16xi32>
        %add3A_932 = arith.addi %add3A_913, %add3A_931 : vector<16xi32>
        %and3A_933 = arith.constant 31 : i32
        %and3A_934 = vector.broadcast %and3A_933 : i32 to vector<16xi32>
        %and3A_935 = arith.andi %add3A_932, %and3A_934 : vector<16xi32>
        %add3A_936 = arith.addi %add3A_459, %and3A_935 : vector<16xi32>
        %broadcast_in_dim3A_937 = arith.constant 0 : i32
        %broadcast_in_dim3A_938 = vector.broadcast %broadcast_in_dim3A_937 : i32 to vector<16xi32>
        %gather3A_939 = tpu.vector_load_idx %arg9[%broadcast_in_dim3A_938, %add3A_936] : memref<400x32xf32, #tpu.memory_space<vmem>>[vector<16xi32>, vector<16xi32>], vector<16xf32>,
        %broadcast_in_dim3A_940 = arith.constant 0 : i32
        %broadcast_in_dim3A_941 = vector.broadcast %broadcast_in_dim3A_940 : i32 to vector<16xi32>
        %gather3A_942 = tpu.vector_load_idx %arg11[%broadcast_in_dim3A_941, %add3A_936] : memref<400x32xf32, #tpu.memory_space<vmem>>[vector<16xi32>, vector<16xi32>], vector<16xf32>,
        %add3A_943 = arith.addf %gather3A_939, %gather3A_942 : vector<16xf32>
        %max3A_944 = arith.constant 0.000000e+00 : f32
        %max3A_945 = vector.broadcast %max3A_944 : f32 to vector<16xf32>
        %max3A_946 = arith.maximumf %add3A_943, %max3A_945 : vector<16xf32>
        %mul3A_947 = arith.mulf %max3A_946, %get3A_53 : vector<16xf32>
        %add3A_948 = arith.addf %add3A_929, %mul3A_947 : vector<16xf32>
        %add3A_949 = arith.constant 1 : i32
        %add3A_950 = vector.broadcast %add3A_949 : i32 to vector<16xi32>
        %add3A_951 = arith.addi %add3A_932, %add3A_950 : vector<16xi32>
        %and3A_952 = arith.constant 31 : i32
        %and3A_953 = vector.broadcast %and3A_952 : i32 to vector<16xi32>
        %and3A_954 = arith.andi %add3A_951, %and3A_953 : vector<16xi32>
        %add3A_955 = arith.addi %add3A_459, %and3A_954 : vector<16xi32>
        %broadcast_in_dim3A_956 = arith.constant 0 : i32
        %broadcast_in_dim3A_957 = vector.broadcast %broadcast_in_dim3A_956 : i32 to vector<16xi32>
        %gather3A_958 = tpu.vector_load_idx %arg9[%broadcast_in_dim3A_957, %add3A_955] : memref<400x32xf32, #tpu.memory_space<vmem>>[vector<16xi32>, vector<16xi32>], vector<16xf32>,
        %broadcast_in_dim3A_959 = arith.constant 0 : i32
        %broadcast_in_dim3A_960 = vector.broadcast %broadcast_in_dim3A_959 : i32 to vector<16xi32>
        %gather3A_961 = tpu.vector_load_idx %arg11[%broadcast_in_dim3A_960, %add3A_955] : memref<400x32xf32, #tpu.memory_space<vmem>>[vector<16xi32>, vector<16xi32>], vector<16xf32>,
        %add3A_962 = arith.addf %gather3A_958, %gather3A_961 : vector<16xf32>
        %max3A_963 = arith.constant 0.000000e+00 : f32
        %max3A_964 = vector.broadcast %max3A_963 : f32 to vector<16xf32>
        %max3A_965 = arith.maximumf %add3A_962, %max3A_964 : vector<16xf32>
        %mul3A_966 = arith.mulf %max3A_965, %get3A_55 : vector<16xf32>
        %add3A_967 = arith.addf %add3A_948, %mul3A_966 : vector<16xf32>
        %add3A_968 = arith.constant 1 : i32
        %add3A_969 = vector.broadcast %add3A_968 : i32 to vector<16xi32>
        %add3A_970 = arith.addi %add3A_951, %add3A_969 : vector<16xi32>
        %and3A_971 = arith.constant 31 : i32
        %and3A_972 = vector.broadcast %and3A_971 : i32 to vector<16xi32>
        %and3A_973 = arith.andi %add3A_970, %and3A_972 : vector<16xi32>
        %add3A_974 = arith.addi %add3A_459, %and3A_973 : vector<16xi32>
        %broadcast_in_dim3A_975 = arith.constant 0 : i32
        %broadcast_in_dim3A_976 = vector.broadcast %broadcast_in_dim3A_975 : i32 to vector<16xi32>
        %gather3A_977 = tpu.vector_load_idx %arg9[%broadcast_in_dim3A_976, %add3A_974] : memref<400x32xf32, #tpu.memory_space<vmem>>[vector<16xi32>, vector<16xi32>], vector<16xf32>,
        %broadcast_in_dim3A_978 = arith.constant 0 : i32
        %broadcast_in_dim3A_979 = vector.broadcast %broadcast_in_dim3A_978 : i32 to vector<16xi32>
        %gather3A_980 = tpu.vector_load_idx %arg11[%broadcast_in_dim3A_979, %add3A_974] : memref<400x32xf32, #tpu.memory_space<vmem>>[vector<16xi32>, vector<16xi32>], vector<16xf32>,
        %add3A_981 = arith.addf %gather3A_977, %gather3A_980 : vector<16xf32>
        %max3A_982 = arith.constant 0.000000e+00 : f32
        %max3A_983 = vector.broadcast %max3A_982 : f32 to vector<16xf32>
        %max3A_984 = arith.maximumf %add3A_981, %max3A_983 : vector<16xf32>
        %mul3A_985 = arith.mulf %max3A_984, %get3A_57 : vector<16xf32>
        %add3A_986 = arith.addf %add3A_967, %mul3A_985 : vector<16xf32>
        %add3A_987 = arith.constant 1 : i32
        %add3A_988 = vector.broadcast %add3A_987 : i32 to vector<16xi32>
        %add3A_989 = arith.addi %add3A_970, %add3A_988 : vector<16xi32>
        %and3A_990 = arith.constant 31 : i32
        %and3A_991 = vector.broadcast %and3A_990 : i32 to vector<16xi32>
        %and3A_992 = arith.andi %add3A_989, %and3A_991 : vector<16xi32>
        %add3A_993 = arith.addi %add3A_459, %and3A_992 : vector<16xi32>
        %broadcast_in_dim3A_994 = arith.constant 0 : i32
        %broadcast_in_dim3A_995 = vector.broadcast %broadcast_in_dim3A_994 : i32 to vector<16xi32>
        %gather3A_996 = tpu.vector_load_idx %arg9[%broadcast_in_dim3A_995, %add3A_993] : memref<400x32xf32, #tpu.memory_space<vmem>>[vector<16xi32>, vector<16xi32>], vector<16xf32>,
        %broadcast_in_dim3A_997 = arith.constant 0 : i32
        %broadcast_in_dim3A_998 = vector.broadcast %broadcast_in_dim3A_997 : i32 to vector<16xi32>
        %gather3A_999 = tpu.vector_load_idx %arg11[%broadcast_in_dim3A_998, %add3A_993] : memref<400x32xf32, #tpu.memory_space<vmem>>[vector<16xi32>, vector<16xi32>], vector<16xf32>,
        %add3A_1000 = arith.addf %gather3A_996, %gather3A_999 : vector<16xf32>
        %max3A_1001 = arith.constant 0.000000e+00 : f32
        %max3A_1002 = vector.broadcast %max3A_1001 : f32 to vector<16xf32>
        %max3A_1003 = arith.maximumf %add3A_1000, %max3A_1002 : vector<16xf32>
        %mul3A_1004 = arith.mulf %max3A_1003, %get3A_59 : vector<16xf32>
        %add3A_1005 = arith.addf %add3A_986, %mul3A_1004 : vector<16xf32>
        %add3A_1006 = arith.constant 1 : i32
        %add3A_1007 = vector.broadcast %add3A_1006 : i32 to vector<16xi32>
        %add3A_1008 = arith.addi %add3A_989, %add3A_1007 : vector<16xi32>
        %and3A_1009 = arith.constant 31 : i32
        %and3A_1010 = vector.broadcast %and3A_1009 : i32 to vector<16xi32>
        %and3A_1011 = arith.andi %add3A_1008, %and3A_1010 : vector<16xi32>
        %add3A_1012 = arith.addi %add3A_459, %and3A_1011 : vector<16xi32>
        %broadcast_in_dim3A_1013 = arith.constant 0 : i32
        %broadcast_in_dim3A_1014 = vector.broadcast %broadcast_in_dim3A_1013 : i32 to vector<16xi32>
        %gather3A_1015 = tpu.vector_load_idx %arg9[%broadcast_in_dim3A_1014, %add3A_1012] : memref<400x32xf32, #tpu.memory_space<vmem>>[vector<16xi32>, vector<16xi32>], vector<16xf32>,
        %broadcast_in_dim3A_1016 = arith.constant 0 : i32
        %broadcast_in_dim3A_1017 = vector.broadcast %broadcast_in_dim3A_1016 : i32 to vector<16xi32>
        %gather3A_1018 = tpu.vector_load_idx %arg11[%broadcast_in_dim3A_1017, %add3A_1012] : memref<400x32xf32, #tpu.memory_space<vmem>>[vector<16xi32>, vector<16xi32>], vector<16xf32>,
        %add3A_1019 = arith.addf %gather3A_1015, %gather3A_1018 : vector<16xf32>
        %max3A_1020 = arith.constant 0.000000e+00 : f32
        %max3A_1021 = vector.broadcast %max3A_1020 : f32 to vector<16xf32>
        %max3A_1022 = arith.maximumf %add3A_1019, %max3A_1021 : vector<16xf32>
        %mul3A_1023 = arith.mulf %max3A_1022, %get3A_61 : vector<16xf32>
        %add3A_1024 = arith.addf %add3A_1005, %mul3A_1023 : vector<16xf32>
        %add3A_1025 = arith.constant 1 : i32
        %add3A_1026 = vector.broadcast %add3A_1025 : i32 to vector<16xi32>
        %add3A_1027 = arith.addi %add3A_1008, %add3A_1026 : vector<16xi32>
        %and3A_1028 = arith.constant 31 : i32
        %and3A_1029 = vector.broadcast %and3A_1028 : i32 to vector<16xi32>
        %and3A_1030 = arith.andi %add3A_1027, %and3A_1029 : vector<16xi32>
        %add3A_1031 = arith.addi %add3A_459, %and3A_1030 : vector<16xi32>
        %broadcast_in_dim3A_1032 = arith.constant 0 : i32
        %broadcast_in_dim3A_1033 = vector.broadcast %broadcast_in_dim3A_1032 : i32 to vector<16xi32>
        %gather3A_1034 = tpu.vector_load_idx %arg9[%broadcast_in_dim3A_1033, %add3A_1031] : memref<400x32xf32, #tpu.memory_space<vmem>>[vector<16xi32>, vector<16xi32>], vector<16xf32>,
        %broadcast_in_dim3A_1035 = arith.constant 0 : i32
        %broadcast_in_dim3A_1036 = vector.broadcast %broadcast_in_dim3A_1035 : i32 to vector<16xi32>
        %gather3A_1037 = tpu.vector_load_idx %arg11[%broadcast_in_dim3A_1036, %add3A_1031] : memref<400x32xf32, #tpu.memory_space<vmem>>[vector<16xi32>, vector<16xi32>], vector<16xf32>,
        %add3A_1038 = arith.addf %gather3A_1034, %gather3A_1037 : vector<16xf32>
        %max3A_1039 = arith.constant 0.000000e+00 : f32
        %max3A_1040 = vector.broadcast %max3A_1039 : f32 to vector<16xf32>
        %max3A_1041 = arith.maximumf %add3A_1038, %max3A_1040 : vector<16xf32>
        %mul3A_1042 = arith.mulf %max3A_1041, %get3A_63 : vector<16xf32>
        %add3A_1043 = arith.addf %add3A_1024, %mul3A_1042 : vector<16xf32>
        %add3A_1044 = arith.constant 1 : i32
        %add3A_1045 = vector.broadcast %add3A_1044 : i32 to vector<16xi32>
        %add3A_1046 = arith.addi %add3A_1027, %add3A_1045 : vector<16xi32>
        %and3A_1047 = arith.constant 31 : i32
        %and3A_1048 = vector.broadcast %and3A_1047 : i32 to vector<16xi32>
        %and3A_1049 = arith.andi %add3A_1046, %and3A_1048 : vector<16xi32>
        %add3A_1050 = arith.addi %add3A_459, %and3A_1049 : vector<16xi32>
        %broadcast_in_dim3A_1051 = arith.constant 0 : i32
        %broadcast_in_dim3A_1052 = vector.broadcast %broadcast_in_dim3A_1051 : i32 to vector<16xi32>
        %gather3A_1053 = tpu.vector_load_idx %arg9[%broadcast_in_dim3A_1052, %add3A_1050] : memref<400x32xf32, #tpu.memory_space<vmem>>[vector<16xi32>, vector<16xi32>], vector<16xf32>,
        %broadcast_in_dim3A_1054 = arith.constant 0 : i32
        %broadcast_in_dim3A_1055 = vector.broadcast %broadcast_in_dim3A_1054 : i32 to vector<16xi32>
        %gather3A_1056 = tpu.vector_load_idx %arg11[%broadcast_in_dim3A_1055, %add3A_1050] : memref<400x32xf32, #tpu.memory_space<vmem>>[vector<16xi32>, vector<16xi32>], vector<16xf32>,
        %add3A_1057 = arith.addf %gather3A_1053, %gather3A_1056 : vector<16xf32>
        %max3A_1058 = arith.constant 0.000000e+00 : f32
        %max3A_1059 = vector.broadcast %max3A_1058 : f32 to vector<16xf32>
        %max3A_1060 = arith.maximumf %add3A_1057, %max3A_1059 : vector<16xf32>
        %mul3A_1061 = arith.mulf %max3A_1060, %get3A_65 : vector<16xf32>
        %add3A_1062 = arith.addf %add3A_1043, %mul3A_1061 : vector<16xf32>
        %add3A_1063 = arith.constant 800 : i32
        %add3A_1064 = arith.addi %add3A_1063, %mul3A_455 : i32
        %get3A_1065 = arith.index_cast %add3A_1064 : i32 to index
        %get3A_1066 = tpu.vector_load %arg7[%get3A_1065] {strides = array<i32>} : memref<1600xi32, #tpu.memory_space<vmem>>, vector<16xi32>,
        %bitcast3A = vector.bitcast %get3A_1066 : vector<16xi32> to vector<16xf32>
        %add3A_1067 = arith.constant 1200 : i32
        %add3A_1068 = arith.addi %add3A_1067, %mul3A_455 : i32
        %get3A_1069 = arith.index_cast %add3A_1068 : i32 to index
        %get3A_1070 = tpu.vector_load %arg7[%get3A_1069] {strides = array<i32>} : memref<1600xi32, #tpu.memory_space<vmem>>, vector<16xi32>,
        %bitcast3A_1071 = vector.bitcast %get3A_1070 : vector<16xi32> to vector<16xf32>
        %add3A_1072 = arith.addf %add3A_1062, %bitcast3A : vector<16xf32>
        %max3A_1073 = arith.constant -4.595120e+00 : f32
        %max3A_1074 = vector.broadcast %max3A_1073 : f32 to vector<16xf32>
        %max3A_1075 = arith.maximumf %add3A_1072, %max3A_1074 : vector<16xf32>
        %min3A = arith.constant 4.59512091 : f32
        %min3A_1076 = vector.broadcast %min3A : f32 to vector<16xf32>
        %min3A_1077 = arith.minimumf %max3A_1075, %min3A_1076 : vector<16xf32>
        %add3A_1078 = arith.addf %min3A_1077, %bitcast3A_1071 : vector<16xf32>
        %div3A = arith.constant 0.899999976 : f32
        %div3A_1079 = vector.broadcast %div3A : f32 to vector<16xf32>
        %div3A_1080 = arith.divf %add3A_1078, %div3A_1079 : vector<16xf32>
        %neg3A = arith.constant 0.000000e+00 : f32
        %neg3A_1081 = vector.broadcast %neg3A : f32 to vector<16xf32>
        %neg3A_1082 = arith.subf %neg3A_1081, %div3A_1080 : vector<16xf32>
        %exp3A = math.exp %neg3A_1082 : vector<16xf32>
        %add3A_1083 = arith.constant 1.000000e+00 : f32
        %add3A_1084 = vector.broadcast %add3A_1083 : f32 to vector<16xf32>
        %add3A_1085 = arith.addf %add3A_1084, %exp3A : vector<16xf32>
        %div3A_1086 = arith.constant 1.000000e+00 : f32
        %div3A_1087 = vector.broadcast %div3A_1086 : f32 to vector<16xf32>
        %div3A_1088 = arith.divf %div3A_1087, %add3A_1085 : vector<16xf32>
        %ne3A = arith.constant 0.000000e+00 : f32
        %ne3A_1089 = vector.broadcast %ne3A : f32 to vector<16xf32>
        %ne3A_1090 = arith.cmpf one, %div3A_1088, %ne3A_1089 : vector<16xf32>
        %get3A_1091 = arith.index_cast %mul3A_455 : i32 to index
        %get3A_1092 = tpu.vector_load %arg7[%get3A_1091] {strides = array<i32>} : memref<1600xi32, #tpu.memory_space<vmem>>, vector<16xi32>,
        %add3A_1093 = arith.constant 400 : i32
        %add3A_1094 = arith.addi %add3A_1093, %mul3A_455 : i32
        %get3A_1095 = arith.index_cast %add3A_1094 : i32 to index
        %get3A_1096 = tpu.vector_load %arg7[%get3A_1095] {strides = array<i32>} : memref<1600xi32, #tpu.memory_space<vmem>>, vector<16xi32>,
        %bitcast3A_1097 = vector.bitcast %div3A_1088 : vector<16xf32> to vector<16xi32>
        %swap3A = arith.index_cast %mul3A_455 : i32 to index
        %swap3A_1098 = tpu.vector_load %arg13[%swap3A] {strides = array<i32>} : memref<1200xi32, #tpu.memory_space<vmem>>, vector<16xi32>,
        tpu.vector_store %arg13[%swap3A], %bitcast3A_1097 {strides = array<i32>} : memref<1200xi32, #tpu.memory_space<vmem>>, vector<16xi32>,
        %jit3A = arith.constant -1 : i32
        %broadcast_in_dim3A_1099 = vector.broadcast %jit3A : i32 to vector<16xi32>
        %select_n3A = arith.select %ne3A_1090, %get3A_1092, %broadcast_in_dim3A_1099 : vector<16xi1>, vector<16xi32>
        %add3A_1100 = arith.constant 400 : i32
        %add3A_1101 = arith.addi %add3A_1100, %mul3A_455 : i32
        %swap3A_1102 = arith.index_cast %add3A_1101 : i32 to index
        %swap3A_1103 = tpu.vector_load %arg13[%swap3A_1102] {strides = array<i32>} : memref<1200xi32, #tpu.memory_space<vmem>>, vector<16xi32>,
        tpu.vector_store %arg13[%swap3A_1102], %select_n3A {strides = array<i32>} : memref<1200xi32, #tpu.memory_space<vmem>>, vector<16xi32>,
        %jit3A_1104 = arith.constant -1 : i32
        %broadcast_in_dim3A_1105 = vector.broadcast %jit3A_1104 : i32 to vector<16xi32>
        %select_n3A_1106 = arith.select %ne3A_1090, %get3A_1096, %broadcast_in_dim3A_1105 : vector<16xi1>, vector<16xi32>
        %add3A_1107 = arith.constant 800 : i32
        %add3A_1108 = arith.addi %add3A_1107, %mul3A_455 : i32
        %swap3A_1109 = arith.index_cast %add3A_1108 : i32 to index
        %swap3A_1110 = tpu.vector_load %arg13[%swap3A_1109] {strides = array<i32>} : memref<1200xi32, #tpu.memory_space<vmem>>, vector<16xi32>,
        tpu.vector_store %arg13[%swap3A_1109], %select_n3A_1106 {strides = array<i32>} : memref<1200xi32, #tpu.memory_space<vmem>>, vector<16xi32>,
      }
      %scan3A_320 = arith.constant 25 : i32
      %mul3A_321 = arith.constant 1200 : i32
      %mul3A_322 = arith.muli %add3A_214, %mul3A_321 : i32
      %dma_start3A_323 = tpu.memref_slice %arg6[%mul3A_322] : memref<960000xi32, #tpu.memory_space<hbm>> -> memref<1200xi32, #tpu.memory_space<hbm>>
      %dma_start3A_324 = tpu.memref_slice %arg6[%mul3A_322] : memref<960000xi32, #tpu.memory_space<hbm>> -> memref<1200xi32, #tpu.memory_space<hbm>>
      tpu.enqueue_dma source(%arg13 : memref<1200xi32, #tpu.memory_space<vmem>>) target(%dma_start3A_324 : memref<1200xi32, #tpu.memory_space<hbm>>) target_semaphore(%arg22 : memref<!tpu.dma_semaphore, #tpu.memory_space<semaphore_mem>>)
      %add3A_325 = arith.constant 2 : i32
      %add3A_326 = arith.addi %add3A_214, %add3A_325 : i32
      %mul3A_327 = arith.constant 1600 : i32
      %mul3A_328 = arith.muli %add3A_326, %mul3A_327 : i32
      %dma_start3A_329 = tpu.memref_slice %arg4[%mul3A_328] : memref<1280000xi32, #tpu.memory_space<hbm>> -> memref<1600xi32, #tpu.memory_space<hbm>>
      %dma_start3A_330 = tpu.memref_slice %arg4[%mul3A_328] : memref<1280000xi32, #tpu.memory_space<hbm>> -> memref<1600xi32, #tpu.memory_space<hbm>>
      tpu.enqueue_dma source(%dma_start3A_330 : memref<1600xi32, #tpu.memory_space<hbm>>) target(%arg7 : memref<1600xi32, #tpu.memory_space<vmem>>) target_semaphore(%arg16 : memref<!tpu.dma_semaphore, #tpu.memory_space<semaphore_mem>>)
      %add3A_331 = arith.constant 1 : i32
      %add3A_332 = arith.addi %mul3A_213, %add3A_331 : i32
      %add3A_333 = arith.addi %mul3A_2, %add3A_332 : i32
      %dma_wait3A_334 = arith.constant 0 : i32
      %dma_wait3A_335 = arith.constant 0 : i32
      %dma_wait3A_336 = tpu.memref_slice %arg2[%dma_wait3A_334, %dma_wait3A_335] : memref<10000x32xf32, #tpu.memory_space<hbm>> -> memref<400x32xf32, #tpu.memory_space<hbm>>
      %dma_wait3A_337 = arith.constant 0 : i32
      %dma_wait3A_338 = arith.constant 0 : i32
      %dma_wait3A_339 = tpu.memref_slice %arg2[%dma_wait3A_337, %dma_wait3A_338] : memref<10000x32xf32, #tpu.memory_space<hbm>> -> memref<400x32xf32, #tpu.memory_space<hbm>>
      tpu.wait_dma2 semaphore(%arg19 : memref<!tpu.dma_semaphore, #tpu.memory_space<semaphore_mem>>) src(%dma_wait3A_339 : memref<400x32xf32, #tpu.memory_space<hbm>>) dst(%arg10 : memref<400x32xf32, #tpu.memory_space<vmem>>)
      %dma_wait3A_340 = arith.constant 0 : i32
      %dma_wait3A_341 = arith.constant 0 : i32
      %dma_wait3A_342 = tpu.memref_slice %arg3[%dma_wait3A_340, %dma_wait3A_341] : memref<10000x32xf32, #tpu.memory_space<hbm>> -> memref<400x32xf32, #tpu.memory_space<hbm>>
      %dma_wait3A_343 = arith.constant 0 : i32
      %dma_wait3A_344 = arith.constant 0 : i32
      %dma_wait3A_345 = tpu.memref_slice %arg3[%dma_wait3A_343, %dma_wait3A_344] : memref<10000x32xf32, #tpu.memory_space<hbm>> -> memref<400x32xf32, #tpu.memory_space<hbm>>
      tpu.wait_dma2 semaphore(%arg21 : memref<!tpu.dma_semaphore, #tpu.memory_space<semaphore_mem>>) src(%dma_wait3A_345 : memref<400x32xf32, #tpu.memory_space<hbm>>) dst(%arg12 : memref<400x32xf32, #tpu.memory_space<vmem>>)
      %add3A_346 = arith.constant 1 : i32
      %add3A_347 = arith.addi %add3A_333, %add3A_346 : i32
      %mul3A_348 = arith.constant 1600 : i32
      %mul3A_349 = arith.muli %add3A_347, %mul3A_348 : i32
      %dma_wait3A_350 = tpu.memref_slice %arg4[%mul3A_349] : memref<1280000xi32, #tpu.memory_space<hbm>> -> memref<1600xi32, #tpu.memory_space<hbm>>
      %dma_wait3A_351 = tpu.memref_slice %arg4[%mul3A_349] : memref<1280000xi32, #tpu.memory_space<hbm>> -> memref<1600xi32, #tpu.memory_space<hbm>>
      tpu.wait_dma2 semaphore(%arg16 : memref<!tpu.dma_semaphore, #tpu.memory_space<semaphore_mem>>) src(%dma_wait3A_351 : memref<1600xi32, #tpu.memory_space<hbm>>) dst(%arg7 : memref<1600xi32, #tpu.memory_space<vmem>>)
      %dma_start3A_352 = arith.constant 0 : i32
      %dma_start3A_353 = arith.constant 0 : i32
      %dma_start3A_354 = tpu.memref_slice %arg9[%dma_start3A_352, %dma_start3A_353] : memref<400x32xf32, #tpu.memory_space<vmem>> -> memref<80x32xf32, #tpu.memory_space<vmem>>
      %dma_start3A_355 = arith.constant 0 : i32
      %dma_start3A_356 = tpu.memref_slice %arg7[%dma_start3A_355] : memref<1600xi32, #tpu.memory_space<vmem>> -> memref<80xi32, #tpu.memory_space<vmem>>
      %dma_start3A_357 = arith.constant 0 : i32
      %dma_start3A_358 = arith.constant 0 : i32
      %dma_start3A_359 = tpu.memref_slice %arg2[%dma_start3A_357, %dma_start3A_358] : memref<10000x32xf32, #tpu.memory_space<hbm>> -> memref<10000x32xf32, #tpu.memory_space<hbm>>
      tpu.enqueue_indirect_dma source(%dma_start3A_359 : memref<10000x32xf32, #tpu.memory_space<hbm>>) target(%dma_start3A_354 : memref<80x32xf32, #tpu.memory_space<vmem>>) offsets(%dma_start3A_356 : memref<80xi32, #tpu.memory_space<vmem>>) semaphore(%arg18 : memref<!tpu.dma_semaphore, #tpu.memory_space<semaphore_mem>>)
      %dma_start3A_360 = arith.constant 0 : i32
      %dma_start3A_361 = arith.constant 0 : i32
      %dma_start3A_362 = tpu.memref_slice %arg11[%dma_start3A_360, %dma_start3A_361] : memref<400x32xf32, #tpu.memory_space<vmem>> -> memref<80x32xf32, #tpu.memory_space<vmem>>
      %dma_start3A_363 = arith.constant 400 : i32
      %dma_start3A_364 = tpu.memref_slice %arg7[%dma_start3A_363] : memref<1600xi32, #tpu.memory_space<vmem>> -> memref<80xi32, #tpu.memory_space<vmem>>
      %dma_start3A_365 = arith.constant 0 : i32
      %dma_start3A_366 = arith.constant 0 : i32
      %dma_start3A_367 = tpu.memref_slice %arg3[%dma_start3A_365, %dma_start3A_366] : memref<10000x32xf32, #tpu.memory_space<hbm>> -> memref<10000x32xf32, #tpu.memory_space<hbm>>
      tpu.enqueue_indirect_dma source(%dma_start3A_367 : memref<10000x32xf32, #tpu.memory_space<hbm>>) target(%dma_start3A_362 : memref<80x32xf32, #tpu.memory_space<vmem>>) offsets(%dma_start3A_364 : memref<80xi32, #tpu.memory_space<vmem>>) semaphore(%arg20 : memref<!tpu.dma_semaphore, #tpu.memory_space<semaphore_mem>>)
      %dma_start3A_368 = arith.constant 80 : i32
      %dma_start3A_369 = arith.constant 0 : i32
      %dma_start3A_370 = tpu.memref_slice %arg9[%dma_start3A_368, %dma_start3A_369] : memref<400x32xf32, #tpu.memory_space<vmem>> -> memref<80x32xf32, #tpu.memory_space<vmem>>
      %dma_start3A_371 = arith.constant 80 : i32
      %dma_start3A_372 = tpu.memref_slice %arg7[%dma_start3A_371] : memref<1600xi32, #tpu.memory_space<vmem>> -> memref<80xi32, #tpu.memory_space<vmem>>
      %dma_start3A_373 = arith.constant 0 : i32
      %dma_start3A_374 = arith.constant 0 : i32
      %dma_start3A_375 = tpu.memref_slice %arg2[%dma_start3A_373, %dma_start3A_374] : memref<10000x32xf32, #tpu.memory_space<hbm>> -> memref<10000x32xf32, #tpu.memory_space<hbm>>
      tpu.enqueue_indirect_dma source(%dma_start3A_375 : memref<10000x32xf32, #tpu.memory_space<hbm>>) target(%dma_start3A_370 : memref<80x32xf32, #tpu.memory_space<vmem>>) offsets(%dma_start3A_372 : memref<80xi32, #tpu.memory_space<vmem>>) semaphore(%arg18 : memref<!tpu.dma_semaphore, #tpu.memory_space<semaphore_mem>>)
      %dma_start3A_376 = arith.constant 80 : i32
      %dma_start3A_377 = arith.constant 0 : i32
      %dma_start3A_378 = tpu.memref_slice %arg11[%dma_start3A_376, %dma_start3A_377] : memref<400x32xf32, #tpu.memory_space<vmem>> -> memref<80x32xf32, #tpu.memory_space<vmem>>
      %dma_start3A_379 = arith.constant 480 : i32
      %dma_start3A_380 = tpu.memref_slice %arg7[%dma_start3A_379] : memref<1600xi32, #tpu.memory_space<vmem>> -> memref<80xi32, #tpu.memory_space<vmem>>
      %dma_start3A_381 = arith.constant 0 : i32
      %dma_start3A_382 = arith.constant 0 : i32
      %dma_start3A_383 = tpu.memref_slice %arg3[%dma_start3A_381, %dma_start3A_382] : memref<10000x32xf32, #tpu.memory_space<hbm>> -> memref<10000x32xf32, #tpu.memory_space<hbm>>
      tpu.enqueue_indirect_dma source(%dma_start3A_383 : memref<10000x32xf32, #tpu.memory_space<hbm>>) target(%dma_start3A_378 : memref<80x32xf32, #tpu.memory_space<vmem>>) offsets(%dma_start3A_380 : memref<80xi32, #tpu.memory_space<vmem>>) semaphore(%arg20 : memref<!tpu.dma_semaphore, #tpu.memory_space<semaphore_mem>>)
      %dma_start3A_384 = arith.constant 160 : i32
      %dma_start3A_385 = arith.constant 0 : i32
      %dma_start3A_386 = tpu.memref_slice %arg9[%dma_start3A_384, %dma_start3A_385] : memref<400x32xf32, #tpu.memory_space<vmem>> -> memref<80x32xf32, #tpu.memory_space<vmem>>
      %dma_start3A_387 = arith.constant 160 : i32
      %dma_start3A_388 = tpu.memref_slice %arg7[%dma_start3A_387] : memref<1600xi32, #tpu.memory_space<vmem>> -> memref<80xi32, #tpu.memory_space<vmem>>
      %dma_start3A_389 = arith.constant 0 : i32
      %dma_start3A_390 = arith.constant 0 : i32
      %dma_start3A_391 = tpu.memref_slice %arg2[%dma_start3A_389, %dma_start3A_390] : memref<10000x32xf32, #tpu.memory_space<hbm>> -> memref<10000x32xf32, #tpu.memory_space<hbm>>
      tpu.enqueue_indirect_dma source(%dma_start3A_391 : memref<10000x32xf32, #tpu.memory_space<hbm>>) target(%dma_start3A_386 : memref<80x32xf32, #tpu.memory_space<vmem>>) offsets(%dma_start3A_388 : memref<80xi32, #tpu.memory_space<vmem>>) semaphore(%arg18 : memref<!tpu.dma_semaphore, #tpu.memory_space<semaphore_mem>>)
      %dma_start3A_392 = arith.constant 160 : i32
      %dma_start3A_393 = arith.constant 0 : i32
      %dma_start3A_394 = tpu.memref_slice %arg11[%dma_start3A_392, %dma_start3A_393] : memref<400x32xf32, #tpu.memory_space<vmem>> -> memref<80x32xf32, #tpu.memory_space<vmem>>
      %dma_start3A_395 = arith.constant 560 : i32
      %dma_start3A_396 = tpu.memref_slice %arg7[%dma_start3A_395] : memref<1600xi32, #tpu.memory_space<vmem>> -> memref<80xi32, #tpu.memory_space<vmem>>
      %dma_start3A_397 = arith.constant 0 : i32
      %dma_start3A_398 = arith.constant 0 : i32
      %dma_start3A_399 = tpu.memref_slice %arg3[%dma_start3A_397, %dma_start3A_398] : memref<10000x32xf32, #tpu.memory_space<hbm>> -> memref<10000x32xf32, #tpu.memory_space<hbm>>
      tpu.enqueue_indirect_dma source(%dma_start3A_399 : memref<10000x32xf32, #tpu.memory_space<hbm>>) target(%dma_start3A_394 : memref<80x32xf32, #tpu.memory_space<vmem>>) offsets(%dma_start3A_396 : memref<80xi32, #tpu.memory_space<vmem>>) semaphore(%arg20 : memref<!tpu.dma_semaphore, #tpu.memory_space<semaphore_mem>>)
      %dma_start3A_400 = arith.constant 240 : i32
      %dma_start3A_401 = arith.constant 0 : i32
      %dma_start3A_402 = tpu.memref_slice %arg9[%dma_start3A_400, %dma_start3A_401] : memref<400x32xf32, #tpu.memory_space<vmem>> -> memref<80x32xf32, #tpu.memory_space<vmem>>
      %dma_start3A_403 = arith.constant 240 : i32
      %dma_start3A_404 = tpu.memref_slice %arg7[%dma_start3A_403] : memref<1600xi32, #tpu.memory_space<vmem>> -> memref<80xi32, #tpu.memory_space<vmem>>
      %dma_start3A_405 = arith.constant 0 : i32
      %dma_start3A_406 = arith.constant 0 : i32
      %dma_start3A_407 = tpu.memref_slice %arg2[%dma_start3A_405, %dma_start3A_406] : memref<10000x32xf32, #tpu.memory_space<hbm>> -> memref<10000x32xf32, #tpu.memory_space<hbm>>
      tpu.enqueue_indirect_dma source(%dma_start3A_407 : memref<10000x32xf32, #tpu.memory_space<hbm>>) target(%dma_start3A_402 : memref<80x32xf32, #tpu.memory_space<vmem>>) offsets(%dma_start3A_404 : memref<80xi32, #tpu.memory_space<vmem>>) semaphore(%arg18 : memref<!tpu.dma_semaphore, #tpu.memory_space<semaphore_mem>>)
      %dma_start3A_408 = arith.constant 240 : i32
      %dma_start3A_409 = arith.constant 0 : i32
      %dma_start3A_410 = tpu.memref_slice %arg11[%dma_start3A_408, %dma_start3A_409] : memref<400x32xf32, #tpu.memory_space<vmem>> -> memref<80x32xf32, #tpu.memory_space<vmem>>
      %dma_start3A_411 = arith.constant 640 : i32
      %dma_start3A_412 = tpu.memref_slice %arg7[%dma_start3A_411] : memref<1600xi32, #tpu.memory_space<vmem>> -> memref<80xi32, #tpu.memory_space<vmem>>
      %dma_start3A_413 = arith.constant 0 : i32
      %dma_start3A_414 = arith.constant 0 : i32
      %dma_start3A_415 = tpu.memref_slice %arg3[%dma_start3A_413, %dma_start3A_414] : memref<10000x32xf32, #tpu.memory_space<hbm>> -> memref<10000x32xf32, #tpu.memory_space<hbm>>
      tpu.enqueue_indirect_dma source(%dma_start3A_415 : memref<10000x32xf32, #tpu.memory_space<hbm>>) target(%dma_start3A_410 : memref<80x32xf32, #tpu.memory_space<vmem>>) offsets(%dma_start3A_412 : memref<80xi32, #tpu.memory_space<vmem>>) semaphore(%arg20 : memref<!tpu.dma_semaphore, #tpu.memory_space<semaphore_mem>>)
      %dma_start3A_416 = arith.constant 320 : i32
      %dma_start3A_417 = arith.constant 0 : i32
      %dma_start3A_418 = tpu.memref_slice %arg9[%dma_start3A_416, %dma_start3A_417] : memref<400x32xf32, #tpu.memory_space<vmem>> -> memref<80x32xf32, #tpu.memory_space<vmem>>
      %dma_start3A_419 = arith.constant 320 : i32
      %dma_start3A_420 = tpu.memref_slice %arg7[%dma_start3A_419] : memref<1600xi32, #tpu.memory_space<vmem>> -> memref<80xi32, #tpu.memory_space<vmem>>
      %dma_start3A_421 = arith.constant 0 : i32
      %dma_start3A_422 = arith.constant 0 : i32
      %dma_start3A_423 = tpu.memref_slice %arg2[%dma_start3A_421, %dma_start3A_422] : memref<10000x32xf32, #tpu.memory_space<hbm>> -> memref<10000x32xf32, #tpu.memory_space<hbm>>
      tpu.enqueue_indirect_dma source(%dma_start3A_423 : memref<10000x32xf32, #tpu.memory_space<hbm>>) target(%dma_start3A_418 : memref<80x32xf32, #tpu.memory_space<vmem>>) offsets(%dma_start3A_420 : memref<80xi32, #tpu.memory_space<vmem>>) semaphore(%arg18 : memref<!tpu.dma_semaphore, #tpu.memory_space<semaphore_mem>>)
      %dma_start3A_424 = arith.constant 320 : i32
      %dma_start3A_425 = arith.constant 0 : i32
      %dma_start3A_426 = tpu.memref_slice %arg11[%dma_start3A_424, %dma_start3A_425] : memref<400x32xf32, #tpu.memory_space<vmem>> -> memref<80x32xf32, #tpu.memory_space<vmem>>
      %dma_start3A_427 = arith.constant 720 : i32
      %dma_start3A_428 = tpu.memref_slice %arg7[%dma_start3A_427] : memref<1600xi32, #tpu.memory_space<vmem>> -> memref<80xi32, #tpu.memory_space<vmem>>
      %dma_start3A_429 = arith.constant 0 : i32
      %dma_start3A_430 = arith.constant 0 : i32
      %dma_start3A_431 = tpu.memref_slice %arg3[%dma_start3A_429, %dma_start3A_430] : memref<10000x32xf32, #tpu.memory_space<hbm>> -> memref<10000x32xf32, #tpu.memory_space<hbm>>
      tpu.enqueue_indirect_dma source(%dma_start3A_431 : memref<10000x32xf32, #tpu.memory_space<hbm>>) target(%dma_start3A_426 : memref<80x32xf32, #tpu.memory_space<vmem>>) offsets(%dma_start3A_428 : memref<80xi32, #tpu.memory_space<vmem>>) semaphore(%arg20 : memref<!tpu.dma_semaphore, #tpu.memory_space<semaphore_mem>>)
      %ge3A_432 = arith.constant 2 : i32
      %ge3A_433 = arith.cmpi sge, %add3A_332, %ge3A_432 : i32
      %convert_element_type3A_434 = arith.extui %ge3A_433 : i1 to i32
      %cond3A_435 = arith.constant 0 : i32
      %cond3A_436 = arith.cmpi ne, %convert_element_type3A_434, %cond3A_435 : i32
      scf.if %cond3A_436 {
        %sub3A_453 = arith.constant 2 : i32
        %sub3A_454 = arith.subi %add3A_333, %sub3A_453 : i32
        %mul3A_455 = arith.constant 1200 : i32
        %mul3A_456 = arith.muli %sub3A_454, %mul3A_455 : i32
        %dma_wait3A_457 = tpu.memref_slice %arg6[%mul3A_456] : memref<960000xi32, #tpu.memory_space<hbm>> -> memref<1200xi32, #tpu.memory_space<hbm>>
        %dma_wait3A_458 = tpu.memref_slice %arg6[%mul3A_456] : memref<960000xi32, #tpu.memory_space<hbm>> -> memref<1200xi32, #tpu.memory_space<hbm>>
        tpu.wait_dma2 semaphore(%arg23 : memref<!tpu.dma_semaphore, #tpu.memory_space<semaphore_mem>>) src(%arg14 : memref<1200xi32, #tpu.memory_space<vmem>>) dst(%dma_wait3A_458 : memref<1200xi32, #tpu.memory_space<hbm>>)
      } else {
      }
      %scan3A_437 = arith.constant 0 : i32
      %scan3A_438 = arith.constant 0 : i32
      %scan3A_439 = arith.constant 25 : i32
      %scan3A_440 = arith.addi %scan3A_438, %scan3A_439 : i32
      %scan3A_441 = arith.constant 1 : i32
      scf.for %scan3A_453 = %scan3A_438 to %scan3A_440 step %scan3A_441  : i32 {
        %mul3A_454 = arith.constant 16 : i32
        %mul3A_455 = arith.muli %scan3A_453, %mul3A_454 : i32
        %mul3A_456 = arith.constant 32 : i32
        %mul3A_457 = arith.muli %mul3A_455, %mul3A_456 : i32
        %add3A_458 = vector.broadcast %mul3A_457 : i32 to vector<16xi32>
        %add3A_459 = arith.addi %mul3A_68, %add3A_458 : vector<16xi32>
        %broadcast_in_dim3A = arith.constant 0.000000e+00 : f32
        %broadcast_in_dim3A_460 = vector.broadcast %broadcast_in_dim3A : f32 to vector<16xf32>
        %and3A = arith.constant 31 : i32
        %and3A_461 = vector.broadcast %and3A : i32 to vector<16xi32>
        %and3A_462 = arith.andi %iota3A, %and3A_461 : vector<16xi32>
        %add3A_463 = arith.addi %add3A_459, %and3A_462 : vector<16xi32>
        %broadcast_in_dim3A_464 = arith.constant 0 : i32
        %broadcast_in_dim3A_465 = vector.broadcast %broadcast_in_dim3A_464 : i32 to vector<16xi32>
        %gather3A = tpu.vector_load_idx %arg10[%broadcast_in_dim3A_465, %add3A_463] : memref<400x32xf32, #tpu.memory_space<vmem>>[vector<16xi32>, vector<16xi32>], vector<16xf32>,
        %broadcast_in_dim3A_466 = arith.constant 0 : i32
        %broadcast_in_dim3A_467 = vector.broadcast %broadcast_in_dim3A_466 : i32 to vector<16xi32>
        %gather3A_468 = tpu.vector_load_idx %arg12[%broadcast_in_dim3A_467, %add3A_463] : memref<400x32xf32, #tpu.memory_space<vmem>>[vector<16xi32>, vector<16xi32>], vector<16xf32>,
        %add3A_469 = arith.addf %gather3A, %gather3A_468 : vector<16xf32>
        %max3A = arith.constant 0.000000e+00 : f32
        %max3A_470 = vector.broadcast %max3A : f32 to vector<16xf32>
        %max3A_471 = arith.maximumf %add3A_469, %max3A_470 : vector<16xf32>
        %mul3A_472 = arith.mulf %max3A_471, %get3A_3 : vector<16xf32>
        %add3A_473 = arith.addf %broadcast_in_dim3A_460, %mul3A_472 : vector<16xf32>
        %add3A_474 = arith.constant 1 : i32
        %add3A_475 = vector.broadcast %add3A_474 : i32 to vector<16xi32>
        %add3A_476 = arith.addi %iota3A, %add3A_475 : vector<16xi32>
        %and3A_477 = arith.constant 31 : i32
        %and3A_478 = vector.broadcast %and3A_477 : i32 to vector<16xi32>
        %and3A_479 = arith.andi %add3A_476, %and3A_478 : vector<16xi32>
        %add3A_480 = arith.addi %add3A_459, %and3A_479 : vector<16xi32>
        %broadcast_in_dim3A_481 = arith.constant 0 : i32
        %broadcast_in_dim3A_482 = vector.broadcast %broadcast_in_dim3A_481 : i32 to vector<16xi32>
        %gather3A_483 = tpu.vector_load_idx %arg10[%broadcast_in_dim3A_482, %add3A_480] : memref<400x32xf32, #tpu.memory_space<vmem>>[vector<16xi32>, vector<16xi32>], vector<16xf32>,
        %broadcast_in_dim3A_484 = arith.constant 0 : i32
        %broadcast_in_dim3A_485 = vector.broadcast %broadcast_in_dim3A_484 : i32 to vector<16xi32>
        %gather3A_486 = tpu.vector_load_idx %arg12[%broadcast_in_dim3A_485, %add3A_480] : memref<400x32xf32, #tpu.memory_space<vmem>>[vector<16xi32>, vector<16xi32>], vector<16xf32>,
        %add3A_487 = arith.addf %gather3A_483, %gather3A_486 : vector<16xf32>
        %max3A_488 = arith.constant 0.000000e+00 : f32
        %max3A_489 = vector.broadcast %max3A_488 : f32 to vector<16xf32>
        %max3A_490 = arith.maximumf %add3A_487, %max3A_489 : vector<16xf32>
        %mul3A_491 = arith.mulf %max3A_490, %get3A_5 : vector<16xf32>
        %add3A_492 = arith.addf %add3A_473, %mul3A_491 : vector<16xf32>
        %add3A_493 = arith.constant 1 : i32
        %add3A_494 = vector.broadcast %add3A_493 : i32 to vector<16xi32>
        %add3A_495 = arith.addi %add3A_476, %add3A_494 : vector<16xi32>
        %and3A_496 = arith.constant 31 : i32
        %and3A_497 = vector.broadcast %and3A_496 : i32 to vector<16xi32>
        %and3A_498 = arith.andi %add3A_495, %and3A_497 : vector<16xi32>
        %add3A_499 = arith.addi %add3A_459, %and3A_498 : vector<16xi32>
        %broadcast_in_dim3A_500 = arith.constant 0 : i32
        %broadcast_in_dim3A_501 = vector.broadcast %broadcast_in_dim3A_500 : i32 to vector<16xi32>
        %gather3A_502 = tpu.vector_load_idx %arg10[%broadcast_in_dim3A_501, %add3A_499] : memref<400x32xf32, #tpu.memory_space<vmem>>[vector<16xi32>, vector<16xi32>], vector<16xf32>,
        %broadcast_in_dim3A_503 = arith.constant 0 : i32
        %broadcast_in_dim3A_504 = vector.broadcast %broadcast_in_dim3A_503 : i32 to vector<16xi32>
        %gather3A_505 = tpu.vector_load_idx %arg12[%broadcast_in_dim3A_504, %add3A_499] : memref<400x32xf32, #tpu.memory_space<vmem>>[vector<16xi32>, vector<16xi32>], vector<16xf32>,
        %add3A_506 = arith.addf %gather3A_502, %gather3A_505 : vector<16xf32>
        %max3A_507 = arith.constant 0.000000e+00 : f32
        %max3A_508 = vector.broadcast %max3A_507 : f32 to vector<16xf32>
        %max3A_509 = arith.maximumf %add3A_506, %max3A_508 : vector<16xf32>
        %mul3A_510 = arith.mulf %max3A_509, %get3A_7 : vector<16xf32>
        %add3A_511 = arith.addf %add3A_492, %mul3A_510 : vector<16xf32>
        %add3A_512 = arith.constant 1 : i32
        %add3A_513 = vector.broadcast %add3A_512 : i32 to vector<16xi32>
        %add3A_514 = arith.addi %add3A_495, %add3A_513 : vector<16xi32>
        %and3A_515 = arith.constant 31 : i32
        %and3A_516 = vector.broadcast %and3A_515 : i32 to vector<16xi32>
        %and3A_517 = arith.andi %add3A_514, %and3A_516 : vector<16xi32>
        %add3A_518 = arith.addi %add3A_459, %and3A_517 : vector<16xi32>
        %broadcast_in_dim3A_519 = arith.constant 0 : i32
        %broadcast_in_dim3A_520 = vector.broadcast %broadcast_in_dim3A_519 : i32 to vector<16xi32>
        %gather3A_521 = tpu.vector_load_idx %arg10[%broadcast_in_dim3A_520, %add3A_518] : memref<400x32xf32, #tpu.memory_space<vmem>>[vector<16xi32>, vector<16xi32>], vector<16xf32>,
        %broadcast_in_dim3A_522 = arith.constant 0 : i32
        %broadcast_in_dim3A_523 = vector.broadcast %broadcast_in_dim3A_522 : i32 to vector<16xi32>
        %gather3A_524 = tpu.vector_load_idx %arg12[%broadcast_in_dim3A_523, %add3A_518] : memref<400x32xf32, #tpu.memory_space<vmem>>[vector<16xi32>, vector<16xi32>], vector<16xf32>,
        %add3A_525 = arith.addf %gather3A_521, %gather3A_524 : vector<16xf32>
        %max3A_526 = arith.constant 0.000000e+00 : f32
        %max3A_527 = vector.broadcast %max3A_526 : f32 to vector<16xf32>
        %max3A_528 = arith.maximumf %add3A_525, %max3A_527 : vector<16xf32>
        %mul3A_529 = arith.mulf %max3A_528, %get3A_9 : vector<16xf32>
        %add3A_530 = arith.addf %add3A_511, %mul3A_529 : vector<16xf32>
        %add3A_531 = arith.constant 1 : i32
        %add3A_532 = vector.broadcast %add3A_531 : i32 to vector<16xi32>
        %add3A_533 = arith.addi %add3A_514, %add3A_532 : vector<16xi32>
        %and3A_534 = arith.constant 31 : i32
        %and3A_535 = vector.broadcast %and3A_534 : i32 to vector<16xi32>
        %and3A_536 = arith.andi %add3A_533, %and3A_535 : vector<16xi32>
        %add3A_537 = arith.addi %add3A_459, %and3A_536 : vector<16xi32>
        %broadcast_in_dim3A_538 = arith.constant 0 : i32
        %broadcast_in_dim3A_539 = vector.broadcast %broadcast_in_dim3A_538 : i32 to vector<16xi32>
        %gather3A_540 = tpu.vector_load_idx %arg10[%broadcast_in_dim3A_539, %add3A_537] : memref<400x32xf32, #tpu.memory_space<vmem>>[vector<16xi32>, vector<16xi32>], vector<16xf32>,
        %broadcast_in_dim3A_541 = arith.constant 0 : i32
        %broadcast_in_dim3A_542 = vector.broadcast %broadcast_in_dim3A_541 : i32 to vector<16xi32>
        %gather3A_543 = tpu.vector_load_idx %arg12[%broadcast_in_dim3A_542, %add3A_537] : memref<400x32xf32, #tpu.memory_space<vmem>>[vector<16xi32>, vector<16xi32>], vector<16xf32>,
        %add3A_544 = arith.addf %gather3A_540, %gather3A_543 : vector<16xf32>
        %max3A_545 = arith.constant 0.000000e+00 : f32
        %max3A_546 = vector.broadcast %max3A_545 : f32 to vector<16xf32>
        %max3A_547 = arith.maximumf %add3A_544, %max3A_546 : vector<16xf32>
        %mul3A_548 = arith.mulf %max3A_547, %get3A_11 : vector<16xf32>
        %add3A_549 = arith.addf %add3A_530, %mul3A_548 : vector<16xf32>
        %add3A_550 = arith.constant 1 : i32
        %add3A_551 = vector.broadcast %add3A_550 : i32 to vector<16xi32>
        %add3A_552 = arith.addi %add3A_533, %add3A_551 : vector<16xi32>
        %and3A_553 = arith.constant 31 : i32
        %and3A_554 = vector.broadcast %and3A_553 : i32 to vector<16xi32>
        %and3A_555 = arith.andi %add3A_552, %and3A_554 : vector<16xi32>
        %add3A_556 = arith.addi %add3A_459, %and3A_555 : vector<16xi32>
        %broadcast_in_dim3A_557 = arith.constant 0 : i32
        %broadcast_in_dim3A_558 = vector.broadcast %broadcast_in_dim3A_557 : i32 to vector<16xi32>
        %gather3A_559 = tpu.vector_load_idx %arg10[%broadcast_in_dim3A_558, %add3A_556] : memref<400x32xf32, #tpu.memory_space<vmem>>[vector<16xi32>, vector<16xi32>], vector<16xf32>,
        %broadcast_in_dim3A_560 = arith.constant 0 : i32
        %broadcast_in_dim3A_561 = vector.broadcast %broadcast_in_dim3A_560 : i32 to vector<16xi32>
        %gather3A_562 = tpu.vector_load_idx %arg12[%broadcast_in_dim3A_561, %add3A_556] : memref<400x32xf32, #tpu.memory_space<vmem>>[vector<16xi32>, vector<16xi32>], vector<16xf32>,
        %add3A_563 = arith.addf %gather3A_559, %gather3A_562 : vector<16xf32>
        %max3A_564 = arith.constant 0.000000e+00 : f32
        %max3A_565 = vector.broadcast %max3A_564 : f32 to vector<16xf32>
        %max3A_566 = arith.maximumf %add3A_563, %max3A_565 : vector<16xf32>
        %mul3A_567 = arith.mulf %max3A_566, %get3A_13 : vector<16xf32>
        %add3A_568 = arith.addf %add3A_549, %mul3A_567 : vector<16xf32>
        %add3A_569 = arith.constant 1 : i32
        %add3A_570 = vector.broadcast %add3A_569 : i32 to vector<16xi32>
        %add3A_571 = arith.addi %add3A_552, %add3A_570 : vector<16xi32>
        %and3A_572 = arith.constant 31 : i32
        %and3A_573 = vector.broadcast %and3A_572 : i32 to vector<16xi32>
        %and3A_574 = arith.andi %add3A_571, %and3A_573 : vector<16xi32>
        %add3A_575 = arith.addi %add3A_459, %and3A_574 : vector<16xi32>
        %broadcast_in_dim3A_576 = arith.constant 0 : i32
        %broadcast_in_dim3A_577 = vector.broadcast %broadcast_in_dim3A_576 : i32 to vector<16xi32>
        %gather3A_578 = tpu.vector_load_idx %arg10[%broadcast_in_dim3A_577, %add3A_575] : memref<400x32xf32, #tpu.memory_space<vmem>>[vector<16xi32>, vector<16xi32>], vector<16xf32>,
        %broadcast_in_dim3A_579 = arith.constant 0 : i32
        %broadcast_in_dim3A_580 = vector.broadcast %broadcast_in_dim3A_579 : i32 to vector<16xi32>
        %gather3A_581 = tpu.vector_load_idx %arg12[%broadcast_in_dim3A_580, %add3A_575] : memref<400x32xf32, #tpu.memory_space<vmem>>[vector<16xi32>, vector<16xi32>], vector<16xf32>,
        %add3A_582 = arith.addf %gather3A_578, %gather3A_581 : vector<16xf32>
        %max3A_583 = arith.constant 0.000000e+00 : f32
        %max3A_584 = vector.broadcast %max3A_583 : f32 to vector<16xf32>
        %max3A_585 = arith.maximumf %add3A_582, %max3A_584 : vector<16xf32>
        %mul3A_586 = arith.mulf %max3A_585, %get3A_15 : vector<16xf32>
        %add3A_587 = arith.addf %add3A_568, %mul3A_586 : vector<16xf32>
        %add3A_588 = arith.constant 1 : i32
        %add3A_589 = vector.broadcast %add3A_588 : i32 to vector<16xi32>
        %add3A_590 = arith.addi %add3A_571, %add3A_589 : vector<16xi32>
        %and3A_591 = arith.constant 31 : i32
        %and3A_592 = vector.broadcast %and3A_591 : i32 to vector<16xi32>
        %and3A_593 = arith.andi %add3A_590, %and3A_592 : vector<16xi32>
        %add3A_594 = arith.addi %add3A_459, %and3A_593 : vector<16xi32>
        %broadcast_in_dim3A_595 = arith.constant 0 : i32
        %broadcast_in_dim3A_596 = vector.broadcast %broadcast_in_dim3A_595 : i32 to vector<16xi32>
        %gather3A_597 = tpu.vector_load_idx %arg10[%broadcast_in_dim3A_596, %add3A_594] : memref<400x32xf32, #tpu.memory_space<vmem>>[vector<16xi32>, vector<16xi32>], vector<16xf32>,
        %broadcast_in_dim3A_598 = arith.constant 0 : i32
        %broadcast_in_dim3A_599 = vector.broadcast %broadcast_in_dim3A_598 : i32 to vector<16xi32>
        %gather3A_600 = tpu.vector_load_idx %arg12[%broadcast_in_dim3A_599, %add3A_594] : memref<400x32xf32, #tpu.memory_space<vmem>>[vector<16xi32>, vector<16xi32>], vector<16xf32>,
        %add3A_601 = arith.addf %gather3A_597, %gather3A_600 : vector<16xf32>
        %max3A_602 = arith.constant 0.000000e+00 : f32
        %max3A_603 = vector.broadcast %max3A_602 : f32 to vector<16xf32>
        %max3A_604 = arith.maximumf %add3A_601, %max3A_603 : vector<16xf32>
        %mul3A_605 = arith.mulf %max3A_604, %get3A_17 : vector<16xf32>
        %add3A_606 = arith.addf %add3A_587, %mul3A_605 : vector<16xf32>
        %add3A_607 = arith.constant 1 : i32
        %add3A_608 = vector.broadcast %add3A_607 : i32 to vector<16xi32>
        %add3A_609 = arith.addi %add3A_590, %add3A_608 : vector<16xi32>
        %and3A_610 = arith.constant 31 : i32
        %and3A_611 = vector.broadcast %and3A_610 : i32 to vector<16xi32>
        %and3A_612 = arith.andi %add3A_609, %and3A_611 : vector<16xi32>
        %add3A_613 = arith.addi %add3A_459, %and3A_612 : vector<16xi32>
        %broadcast_in_dim3A_614 = arith.constant 0 : i32
        %broadcast_in_dim3A_615 = vector.broadcast %broadcast_in_dim3A_614 : i32 to vector<16xi32>
        %gather3A_616 = tpu.vector_load_idx %arg10[%broadcast_in_dim3A_615, %add3A_613] : memref<400x32xf32, #tpu.memory_space<vmem>>[vector<16xi32>, vector<16xi32>], vector<16xf32>,
        %broadcast_in_dim3A_617 = arith.constant 0 : i32
        %broadcast_in_dim3A_618 = vector.broadcast %broadcast_in_dim3A_617 : i32 to vector<16xi32>
        %gather3A_619 = tpu.vector_load_idx %arg12[%broadcast_in_dim3A_618, %add3A_613] : memref<400x32xf32, #tpu.memory_space<vmem>>[vector<16xi32>, vector<16xi32>], vector<16xf32>,
        %add3A_620 = arith.addf %gather3A_616, %gather3A_619 : vector<16xf32>
        %max3A_621 = arith.constant 0.000000e+00 : f32
        %max3A_622 = vector.broadcast %max3A_621 : f32 to vector<16xf32>
        %max3A_623 = arith.maximumf %add3A_620, %max3A_622 : vector<16xf32>
        %mul3A_624 = arith.mulf %max3A_623, %get3A_19 : vector<16xf32>
        %add3A_625 = arith.addf %add3A_606, %mul3A_624 : vector<16xf32>
        %add3A_626 = arith.constant 1 : i32
        %add3A_627 = vector.broadcast %add3A_626 : i32 to vector<16xi32>
        %add3A_628 = arith.addi %add3A_609, %add3A_627 : vector<16xi32>
        %and3A_629 = arith.constant 31 : i32
        %and3A_630 = vector.broadcast %and3A_629 : i32 to vector<16xi32>
        %and3A_631 = arith.andi %add3A_628, %and3A_630 : vector<16xi32>
        %add3A_632 = arith.addi %add3A_459, %and3A_631 : vector<16xi32>
        %broadcast_in_dim3A_633 = arith.constant 0 : i32
        %broadcast_in_dim3A_634 = vector.broadcast %broadcast_in_dim3A_633 : i32 to vector<16xi32>
        %gather3A_635 = tpu.vector_load_idx %arg10[%broadcast_in_dim3A_634, %add3A_632] : memref<400x32xf32, #tpu.memory_space<vmem>>[vector<16xi32>, vector<16xi32>], vector<16xf32>,
        %broadcast_in_dim3A_636 = arith.constant 0 : i32
        %broadcast_in_dim3A_637 = vector.broadcast %broadcast_in_dim3A_636 : i32 to vector<16xi32>
        %gather3A_638 = tpu.vector_load_idx %arg12[%broadcast_in_dim3A_637, %add3A_632] : memref<400x32xf32, #tpu.memory_space<vmem>>[vector<16xi32>, vector<16xi32>], vector<16xf32>,
        %add3A_639 = arith.addf %gather3A_635, %gather3A_638 : vector<16xf32>
        %max3A_640 = arith.constant 0.000000e+00 : f32
        %max3A_641 = vector.broadcast %max3A_640 : f32 to vector<16xf32>
        %max3A_642 = arith.maximumf %add3A_639, %max3A_641 : vector<16xf32>
        %mul3A_643 = arith.mulf %max3A_642, %get3A_21 : vector<16xf32>
        %add3A_644 = arith.addf %add3A_625, %mul3A_643 : vector<16xf32>
        %add3A_645 = arith.constant 1 : i32
        %add3A_646 = vector.broadcast %add3A_645 : i32 to vector<16xi32>
        %add3A_647 = arith.addi %add3A_628, %add3A_646 : vector<16xi32>
        %and3A_648 = arith.constant 31 : i32
        %and3A_649 = vector.broadcast %and3A_648 : i32 to vector<16xi32>
        %and3A_650 = arith.andi %add3A_647, %and3A_649 : vector<16xi32>
        %add3A_651 = arith.addi %add3A_459, %and3A_650 : vector<16xi32>
        %broadcast_in_dim3A_652 = arith.constant 0 : i32
        %broadcast_in_dim3A_653 = vector.broadcast %broadcast_in_dim3A_652 : i32 to vector<16xi32>
        %gather3A_654 = tpu.vector_load_idx %arg10[%broadcast_in_dim3A_653, %add3A_651] : memref<400x32xf32, #tpu.memory_space<vmem>>[vector<16xi32>, vector<16xi32>], vector<16xf32>,
        %broadcast_in_dim3A_655 = arith.constant 0 : i32
        %broadcast_in_dim3A_656 = vector.broadcast %broadcast_in_dim3A_655 : i32 to vector<16xi32>
        %gather3A_657 = tpu.vector_load_idx %arg12[%broadcast_in_dim3A_656, %add3A_651] : memref<400x32xf32, #tpu.memory_space<vmem>>[vector<16xi32>, vector<16xi32>], vector<16xf32>,
        %add3A_658 = arith.addf %gather3A_654, %gather3A_657 : vector<16xf32>
        %max3A_659 = arith.constant 0.000000e+00 : f32
        %max3A_660 = vector.broadcast %max3A_659 : f32 to vector<16xf32>
        %max3A_661 = arith.maximumf %add3A_658, %max3A_660 : vector<16xf32>
        %mul3A_662 = arith.mulf %max3A_661, %get3A_23 : vector<16xf32>
        %add3A_663 = arith.addf %add3A_644, %mul3A_662 : vector<16xf32>
        %add3A_664 = arith.constant 1 : i32
        %add3A_665 = vector.broadcast %add3A_664 : i32 to vector<16xi32>
        %add3A_666 = arith.addi %add3A_647, %add3A_665 : vector<16xi32>
        %and3A_667 = arith.constant 31 : i32
        %and3A_668 = vector.broadcast %and3A_667 : i32 to vector<16xi32>
        %and3A_669 = arith.andi %add3A_666, %and3A_668 : vector<16xi32>
        %add3A_670 = arith.addi %add3A_459, %and3A_669 : vector<16xi32>
        %broadcast_in_dim3A_671 = arith.constant 0 : i32
        %broadcast_in_dim3A_672 = vector.broadcast %broadcast_in_dim3A_671 : i32 to vector<16xi32>
        %gather3A_673 = tpu.vector_load_idx %arg10[%broadcast_in_dim3A_672, %add3A_670] : memref<400x32xf32, #tpu.memory_space<vmem>>[vector<16xi32>, vector<16xi32>], vector<16xf32>,
        %broadcast_in_dim3A_674 = arith.constant 0 : i32
        %broadcast_in_dim3A_675 = vector.broadcast %broadcast_in_dim3A_674 : i32 to vector<16xi32>
        %gather3A_676 = tpu.vector_load_idx %arg12[%broadcast_in_dim3A_675, %add3A_670] : memref<400x32xf32, #tpu.memory_space<vmem>>[vector<16xi32>, vector<16xi32>], vector<16xf32>,
        %add3A_677 = arith.addf %gather3A_673, %gather3A_676 : vector<16xf32>
        %max3A_678 = arith.constant 0.000000e+00 : f32
        %max3A_679 = vector.broadcast %max3A_678 : f32 to vector<16xf32>
        %max3A_680 = arith.maximumf %add3A_677, %max3A_679 : vector<16xf32>
        %mul3A_681 = arith.mulf %max3A_680, %get3A_25 : vector<16xf32>
        %add3A_682 = arith.addf %add3A_663, %mul3A_681 : vector<16xf32>
        %add3A_683 = arith.constant 1 : i32
        %add3A_684 = vector.broadcast %add3A_683 : i32 to vector<16xi32>
        %add3A_685 = arith.addi %add3A_666, %add3A_684 : vector<16xi32>
        %and3A_686 = arith.constant 31 : i32
        %and3A_687 = vector.broadcast %and3A_686 : i32 to vector<16xi32>
        %and3A_688 = arith.andi %add3A_685, %and3A_687 : vector<16xi32>
        %add3A_689 = arith.addi %add3A_459, %and3A_688 : vector<16xi32>
        %broadcast_in_dim3A_690 = arith.constant 0 : i32
        %broadcast_in_dim3A_691 = vector.broadcast %broadcast_in_dim3A_690 : i32 to vector<16xi32>
        %gather3A_692 = tpu.vector_load_idx %arg10[%broadcast_in_dim3A_691, %add3A_689] : memref<400x32xf32, #tpu.memory_space<vmem>>[vector<16xi32>, vector<16xi32>], vector<16xf32>,
        %broadcast_in_dim3A_693 = arith.constant 0 : i32
        %broadcast_in_dim3A_694 = vector.broadcast %broadcast_in_dim3A_693 : i32 to vector<16xi32>
        %gather3A_695 = tpu.vector_load_idx %arg12[%broadcast_in_dim3A_694, %add3A_689] : memref<400x32xf32, #tpu.memory_space<vmem>>[vector<16xi32>, vector<16xi32>], vector<16xf32>,
        %add3A_696 = arith.addf %gather3A_692, %gather3A_695 : vector<16xf32>
        %max3A_697 = arith.constant 0.000000e+00 : f32
        %max3A_698 = vector.broadcast %max3A_697 : f32 to vector<16xf32>
        %max3A_699 = arith.maximumf %add3A_696, %max3A_698 : vector<16xf32>
        %mul3A_700 = arith.mulf %max3A_699, %get3A_27 : vector<16xf32>
        %add3A_701 = arith.addf %add3A_682, %mul3A_700 : vector<16xf32>
        %add3A_702 = arith.constant 1 : i32
        %add3A_703 = vector.broadcast %add3A_702 : i32 to vector<16xi32>
        %add3A_704 = arith.addi %add3A_685, %add3A_703 : vector<16xi32>
        %and3A_705 = arith.constant 31 : i32
        %and3A_706 = vector.broadcast %and3A_705 : i32 to vector<16xi32>
        %and3A_707 = arith.andi %add3A_704, %and3A_706 : vector<16xi32>
        %add3A_708 = arith.addi %add3A_459, %and3A_707 : vector<16xi32>
        %broadcast_in_dim3A_709 = arith.constant 0 : i32
        %broadcast_in_dim3A_710 = vector.broadcast %broadcast_in_dim3A_709 : i32 to vector<16xi32>
        %gather3A_711 = tpu.vector_load_idx %arg10[%broadcast_in_dim3A_710, %add3A_708] : memref<400x32xf32, #tpu.memory_space<vmem>>[vector<16xi32>, vector<16xi32>], vector<16xf32>,
        %broadcast_in_dim3A_712 = arith.constant 0 : i32
        %broadcast_in_dim3A_713 = vector.broadcast %broadcast_in_dim3A_712 : i32 to vector<16xi32>
        %gather3A_714 = tpu.vector_load_idx %arg12[%broadcast_in_dim3A_713, %add3A_708] : memref<400x32xf32, #tpu.memory_space<vmem>>[vector<16xi32>, vector<16xi32>], vector<16xf32>,
        %add3A_715 = arith.addf %gather3A_711, %gather3A_714 : vector<16xf32>
        %max3A_716 = arith.constant 0.000000e+00 : f32
        %max3A_717 = vector.broadcast %max3A_716 : f32 to vector<16xf32>
        %max3A_718 = arith.maximumf %add3A_715, %max3A_717 : vector<16xf32>
        %mul3A_719 = arith.mulf %max3A_718, %get3A_29 : vector<16xf32>
        %add3A_720 = arith.addf %add3A_701, %mul3A_719 : vector<16xf32>
        %add3A_721 = arith.constant 1 : i32
        %add3A_722 = vector.broadcast %add3A_721 : i32 to vector<16xi32>
        %add3A_723 = arith.addi %add3A_704, %add3A_722 : vector<16xi32>
        %and3A_724 = arith.constant 31 : i32
        %and3A_725 = vector.broadcast %and3A_724 : i32 to vector<16xi32>
        %and3A_726 = arith.andi %add3A_723, %and3A_725 : vector<16xi32>
        %add3A_727 = arith.addi %add3A_459, %and3A_726 : vector<16xi32>
        %broadcast_in_dim3A_728 = arith.constant 0 : i32
        %broadcast_in_dim3A_729 = vector.broadcast %broadcast_in_dim3A_728 : i32 to vector<16xi32>
        %gather3A_730 = tpu.vector_load_idx %arg10[%broadcast_in_dim3A_729, %add3A_727] : memref<400x32xf32, #tpu.memory_space<vmem>>[vector<16xi32>, vector<16xi32>], vector<16xf32>,
        %broadcast_in_dim3A_731 = arith.constant 0 : i32
        %broadcast_in_dim3A_732 = vector.broadcast %broadcast_in_dim3A_731 : i32 to vector<16xi32>
        %gather3A_733 = tpu.vector_load_idx %arg12[%broadcast_in_dim3A_732, %add3A_727] : memref<400x32xf32, #tpu.memory_space<vmem>>[vector<16xi32>, vector<16xi32>], vector<16xf32>,
        %add3A_734 = arith.addf %gather3A_730, %gather3A_733 : vector<16xf32>
        %max3A_735 = arith.constant 0.000000e+00 : f32
        %max3A_736 = vector.broadcast %max3A_735 : f32 to vector<16xf32>
        %max3A_737 = arith.maximumf %add3A_734, %max3A_736 : vector<16xf32>
        %mul3A_738 = arith.mulf %max3A_737, %get3A_31 : vector<16xf32>
        %add3A_739 = arith.addf %add3A_720, %mul3A_738 : vector<16xf32>
        %add3A_740 = arith.constant 1 : i32
        %add3A_741 = vector.broadcast %add3A_740 : i32 to vector<16xi32>
        %add3A_742 = arith.addi %add3A_723, %add3A_741 : vector<16xi32>
        %and3A_743 = arith.constant 31 : i32
        %and3A_744 = vector.broadcast %and3A_743 : i32 to vector<16xi32>
        %and3A_745 = arith.andi %add3A_742, %and3A_744 : vector<16xi32>
        %add3A_746 = arith.addi %add3A_459, %and3A_745 : vector<16xi32>
        %broadcast_in_dim3A_747 = arith.constant 0 : i32
        %broadcast_in_dim3A_748 = vector.broadcast %broadcast_in_dim3A_747 : i32 to vector<16xi32>
        %gather3A_749 = tpu.vector_load_idx %arg10[%broadcast_in_dim3A_748, %add3A_746] : memref<400x32xf32, #tpu.memory_space<vmem>>[vector<16xi32>, vector<16xi32>], vector<16xf32>,
        %broadcast_in_dim3A_750 = arith.constant 0 : i32
        %broadcast_in_dim3A_751 = vector.broadcast %broadcast_in_dim3A_750 : i32 to vector<16xi32>
        %gather3A_752 = tpu.vector_load_idx %arg12[%broadcast_in_dim3A_751, %add3A_746] : memref<400x32xf32, #tpu.memory_space<vmem>>[vector<16xi32>, vector<16xi32>], vector<16xf32>,
        %add3A_753 = arith.addf %gather3A_749, %gather3A_752 : vector<16xf32>
        %max3A_754 = arith.constant 0.000000e+00 : f32
        %max3A_755 = vector.broadcast %max3A_754 : f32 to vector<16xf32>
        %max3A_756 = arith.maximumf %add3A_753, %max3A_755 : vector<16xf32>
        %mul3A_757 = arith.mulf %max3A_756, %get3A_33 : vector<16xf32>
        %add3A_758 = arith.addf %add3A_739, %mul3A_757 : vector<16xf32>
        %add3A_759 = arith.constant 1 : i32
        %add3A_760 = vector.broadcast %add3A_759 : i32 to vector<16xi32>
        %add3A_761 = arith.addi %add3A_742, %add3A_760 : vector<16xi32>
        %and3A_762 = arith.constant 31 : i32
        %and3A_763 = vector.broadcast %and3A_762 : i32 to vector<16xi32>
        %and3A_764 = arith.andi %add3A_761, %and3A_763 : vector<16xi32>
        %add3A_765 = arith.addi %add3A_459, %and3A_764 : vector<16xi32>
        %broadcast_in_dim3A_766 = arith.constant 0 : i32
        %broadcast_in_dim3A_767 = vector.broadcast %broadcast_in_dim3A_766 : i32 to vector<16xi32>
        %gather3A_768 = tpu.vector_load_idx %arg10[%broadcast_in_dim3A_767, %add3A_765] : memref<400x32xf32, #tpu.memory_space<vmem>>[vector<16xi32>, vector<16xi32>], vector<16xf32>,
        %broadcast_in_dim3A_769 = arith.constant 0 : i32
        %broadcast_in_dim3A_770 = vector.broadcast %broadcast_in_dim3A_769 : i32 to vector<16xi32>
        %gather3A_771 = tpu.vector_load_idx %arg12[%broadcast_in_dim3A_770, %add3A_765] : memref<400x32xf32, #tpu.memory_space<vmem>>[vector<16xi32>, vector<16xi32>], vector<16xf32>,
        %add3A_772 = arith.addf %gather3A_768, %gather3A_771 : vector<16xf32>
        %max3A_773 = arith.constant 0.000000e+00 : f32
        %max3A_774 = vector.broadcast %max3A_773 : f32 to vector<16xf32>
        %max3A_775 = arith.maximumf %add3A_772, %max3A_774 : vector<16xf32>
        %mul3A_776 = arith.mulf %max3A_775, %get3A_35 : vector<16xf32>
        %add3A_777 = arith.addf %add3A_758, %mul3A_776 : vector<16xf32>
        %add3A_778 = arith.constant 1 : i32
        %add3A_779 = vector.broadcast %add3A_778 : i32 to vector<16xi32>
        %add3A_780 = arith.addi %add3A_761, %add3A_779 : vector<16xi32>
        %and3A_781 = arith.constant 31 : i32
        %and3A_782 = vector.broadcast %and3A_781 : i32 to vector<16xi32>
        %and3A_783 = arith.andi %add3A_780, %and3A_782 : vector<16xi32>
        %add3A_784 = arith.addi %add3A_459, %and3A_783 : vector<16xi32>
        %broadcast_in_dim3A_785 = arith.constant 0 : i32
        %broadcast_in_dim3A_786 = vector.broadcast %broadcast_in_dim3A_785 : i32 to vector<16xi32>
        %gather3A_787 = tpu.vector_load_idx %arg10[%broadcast_in_dim3A_786, %add3A_784] : memref<400x32xf32, #tpu.memory_space<vmem>>[vector<16xi32>, vector<16xi32>], vector<16xf32>,
        %broadcast_in_dim3A_788 = arith.constant 0 : i32
        %broadcast_in_dim3A_789 = vector.broadcast %broadcast_in_dim3A_788 : i32 to vector<16xi32>
        %gather3A_790 = tpu.vector_load_idx %arg12[%broadcast_in_dim3A_789, %add3A_784] : memref<400x32xf32, #tpu.memory_space<vmem>>[vector<16xi32>, vector<16xi32>], vector<16xf32>,
        %add3A_791 = arith.addf %gather3A_787, %gather3A_790 : vector<16xf32>
        %max3A_792 = arith.constant 0.000000e+00 : f32
        %max3A_793 = vector.broadcast %max3A_792 : f32 to vector<16xf32>
        %max3A_794 = arith.maximumf %add3A_791, %max3A_793 : vector<16xf32>
        %mul3A_795 = arith.mulf %max3A_794, %get3A_37 : vector<16xf32>
        %add3A_796 = arith.addf %add3A_777, %mul3A_795 : vector<16xf32>
        %add3A_797 = arith.constant 1 : i32
        %add3A_798 = vector.broadcast %add3A_797 : i32 to vector<16xi32>
        %add3A_799 = arith.addi %add3A_780, %add3A_798 : vector<16xi32>
        %and3A_800 = arith.constant 31 : i32
        %and3A_801 = vector.broadcast %and3A_800 : i32 to vector<16xi32>
        %and3A_802 = arith.andi %add3A_799, %and3A_801 : vector<16xi32>
        %add3A_803 = arith.addi %add3A_459, %and3A_802 : vector<16xi32>
        %broadcast_in_dim3A_804 = arith.constant 0 : i32
        %broadcast_in_dim3A_805 = vector.broadcast %broadcast_in_dim3A_804 : i32 to vector<16xi32>
        %gather3A_806 = tpu.vector_load_idx %arg10[%broadcast_in_dim3A_805, %add3A_803] : memref<400x32xf32, #tpu.memory_space<vmem>>[vector<16xi32>, vector<16xi32>], vector<16xf32>,
        %broadcast_in_dim3A_807 = arith.constant 0 : i32
        %broadcast_in_dim3A_808 = vector.broadcast %broadcast_in_dim3A_807 : i32 to vector<16xi32>
        %gather3A_809 = tpu.vector_load_idx %arg12[%broadcast_in_dim3A_808, %add3A_803] : memref<400x32xf32, #tpu.memory_space<vmem>>[vector<16xi32>, vector<16xi32>], vector<16xf32>,
        %add3A_810 = arith.addf %gather3A_806, %gather3A_809 : vector<16xf32>
        %max3A_811 = arith.constant 0.000000e+00 : f32
        %max3A_812 = vector.broadcast %max3A_811 : f32 to vector<16xf32>
        %max3A_813 = arith.maximumf %add3A_810, %max3A_812 : vector<16xf32>
        %mul3A_814 = arith.mulf %max3A_813, %get3A_39 : vector<16xf32>
        %add3A_815 = arith.addf %add3A_796, %mul3A_814 : vector<16xf32>
        %add3A_816 = arith.constant 1 : i32
        %add3A_817 = vector.broadcast %add3A_816 : i32 to vector<16xi32>
        %add3A_818 = arith.addi %add3A_799, %add3A_817 : vector<16xi32>
        %and3A_819 = arith.constant 31 : i32
        %and3A_820 = vector.broadcast %and3A_819 : i32 to vector<16xi32>
        %and3A_821 = arith.andi %add3A_818, %and3A_820 : vector<16xi32>
        %add3A_822 = arith.addi %add3A_459, %and3A_821 : vector<16xi32>
        %broadcast_in_dim3A_823 = arith.constant 0 : i32
        %broadcast_in_dim3A_824 = vector.broadcast %broadcast_in_dim3A_823 : i32 to vector<16xi32>
        %gather3A_825 = tpu.vector_load_idx %arg10[%broadcast_in_dim3A_824, %add3A_822] : memref<400x32xf32, #tpu.memory_space<vmem>>[vector<16xi32>, vector<16xi32>], vector<16xf32>,
        %broadcast_in_dim3A_826 = arith.constant 0 : i32
        %broadcast_in_dim3A_827 = vector.broadcast %broadcast_in_dim3A_826 : i32 to vector<16xi32>
        %gather3A_828 = tpu.vector_load_idx %arg12[%broadcast_in_dim3A_827, %add3A_822] : memref<400x32xf32, #tpu.memory_space<vmem>>[vector<16xi32>, vector<16xi32>], vector<16xf32>,
        %add3A_829 = arith.addf %gather3A_825, %gather3A_828 : vector<16xf32>
        %max3A_830 = arith.constant 0.000000e+00 : f32
        %max3A_831 = vector.broadcast %max3A_830 : f32 to vector<16xf32>
        %max3A_832 = arith.maximumf %add3A_829, %max3A_831 : vector<16xf32>
        %mul3A_833 = arith.mulf %max3A_832, %get3A_41 : vector<16xf32>
        %add3A_834 = arith.addf %add3A_815, %mul3A_833 : vector<16xf32>
        %add3A_835 = arith.constant 1 : i32
        %add3A_836 = vector.broadcast %add3A_835 : i32 to vector<16xi32>
        %add3A_837 = arith.addi %add3A_818, %add3A_836 : vector<16xi32>
        %and3A_838 = arith.constant 31 : i32
        %and3A_839 = vector.broadcast %and3A_838 : i32 to vector<16xi32>
        %and3A_840 = arith.andi %add3A_837, %and3A_839 : vector<16xi32>
        %add3A_841 = arith.addi %add3A_459, %and3A_840 : vector<16xi32>
        %broadcast_in_dim3A_842 = arith.constant 0 : i32
        %broadcast_in_dim3A_843 = vector.broadcast %broadcast_in_dim3A_842 : i32 to vector<16xi32>
        %gather3A_844 = tpu.vector_load_idx %arg10[%broadcast_in_dim3A_843, %add3A_841] : memref<400x32xf32, #tpu.memory_space<vmem>>[vector<16xi32>, vector<16xi32>], vector<16xf32>,
        %broadcast_in_dim3A_845 = arith.constant 0 : i32
        %broadcast_in_dim3A_846 = vector.broadcast %broadcast_in_dim3A_845 : i32 to vector<16xi32>
        %gather3A_847 = tpu.vector_load_idx %arg12[%broadcast_in_dim3A_846, %add3A_841] : memref<400x32xf32, #tpu.memory_space<vmem>>[vector<16xi32>, vector<16xi32>], vector<16xf32>,
        %add3A_848 = arith.addf %gather3A_844, %gather3A_847 : vector<16xf32>
        %max3A_849 = arith.constant 0.000000e+00 : f32
        %max3A_850 = vector.broadcast %max3A_849 : f32 to vector<16xf32>
        %max3A_851 = arith.maximumf %add3A_848, %max3A_850 : vector<16xf32>
        %mul3A_852 = arith.mulf %max3A_851, %get3A_43 : vector<16xf32>
        %add3A_853 = arith.addf %add3A_834, %mul3A_852 : vector<16xf32>
        %add3A_854 = arith.constant 1 : i32
        %add3A_855 = vector.broadcast %add3A_854 : i32 to vector<16xi32>
        %add3A_856 = arith.addi %add3A_837, %add3A_855 : vector<16xi32>
        %and3A_857 = arith.constant 31 : i32
        %and3A_858 = vector.broadcast %and3A_857 : i32 to vector<16xi32>
        %and3A_859 = arith.andi %add3A_856, %and3A_858 : vector<16xi32>
        %add3A_860 = arith.addi %add3A_459, %and3A_859 : vector<16xi32>
        %broadcast_in_dim3A_861 = arith.constant 0 : i32
        %broadcast_in_dim3A_862 = vector.broadcast %broadcast_in_dim3A_861 : i32 to vector<16xi32>
        %gather3A_863 = tpu.vector_load_idx %arg10[%broadcast_in_dim3A_862, %add3A_860] : memref<400x32xf32, #tpu.memory_space<vmem>>[vector<16xi32>, vector<16xi32>], vector<16xf32>,
        %broadcast_in_dim3A_864 = arith.constant 0 : i32
        %broadcast_in_dim3A_865 = vector.broadcast %broadcast_in_dim3A_864 : i32 to vector<16xi32>
        %gather3A_866 = tpu.vector_load_idx %arg12[%broadcast_in_dim3A_865, %add3A_860] : memref<400x32xf32, #tpu.memory_space<vmem>>[vector<16xi32>, vector<16xi32>], vector<16xf32>,
        %add3A_867 = arith.addf %gather3A_863, %gather3A_866 : vector<16xf32>
        %max3A_868 = arith.constant 0.000000e+00 : f32
        %max3A_869 = vector.broadcast %max3A_868 : f32 to vector<16xf32>
        %max3A_870 = arith.maximumf %add3A_867, %max3A_869 : vector<16xf32>
        %mul3A_871 = arith.mulf %max3A_870, %get3A_45 : vector<16xf32>
        %add3A_872 = arith.addf %add3A_853, %mul3A_871 : vector<16xf32>
        %add3A_873 = arith.constant 1 : i32
        %add3A_874 = vector.broadcast %add3A_873 : i32 to vector<16xi32>
        %add3A_875 = arith.addi %add3A_856, %add3A_874 : vector<16xi32>
        %and3A_876 = arith.constant 31 : i32
        %and3A_877 = vector.broadcast %and3A_876 : i32 to vector<16xi32>
        %and3A_878 = arith.andi %add3A_875, %and3A_877 : vector<16xi32>
        %add3A_879 = arith.addi %add3A_459, %and3A_878 : vector<16xi32>
        %broadcast_in_dim3A_880 = arith.constant 0 : i32
        %broadcast_in_dim3A_881 = vector.broadcast %broadcast_in_dim3A_880 : i32 to vector<16xi32>
        %gather3A_882 = tpu.vector_load_idx %arg10[%broadcast_in_dim3A_881, %add3A_879] : memref<400x32xf32, #tpu.memory_space<vmem>>[vector<16xi32>, vector<16xi32>], vector<16xf32>,
        %broadcast_in_dim3A_883 = arith.constant 0 : i32
        %broadcast_in_dim3A_884 = vector.broadcast %broadcast_in_dim3A_883 : i32 to vector<16xi32>
        %gather3A_885 = tpu.vector_load_idx %arg12[%broadcast_in_dim3A_884, %add3A_879] : memref<400x32xf32, #tpu.memory_space<vmem>>[vector<16xi32>, vector<16xi32>], vector<16xf32>,
        %add3A_886 = arith.addf %gather3A_882, %gather3A_885 : vector<16xf32>
        %max3A_887 = arith.constant 0.000000e+00 : f32
        %max3A_888 = vector.broadcast %max3A_887 : f32 to vector<16xf32>
        %max3A_889 = arith.maximumf %add3A_886, %max3A_888 : vector<16xf32>
        %mul3A_890 = arith.mulf %max3A_889, %get3A_47 : vector<16xf32>
        %add3A_891 = arith.addf %add3A_872, %mul3A_890 : vector<16xf32>
        %add3A_892 = arith.constant 1 : i32
        %add3A_893 = vector.broadcast %add3A_892 : i32 to vector<16xi32>
        %add3A_894 = arith.addi %add3A_875, %add3A_893 : vector<16xi32>
        %and3A_895 = arith.constant 31 : i32
        %and3A_896 = vector.broadcast %and3A_895 : i32 to vector<16xi32>
        %and3A_897 = arith.andi %add3A_894, %and3A_896 : vector<16xi32>
        %add3A_898 = arith.addi %add3A_459, %and3A_897 : vector<16xi32>
        %broadcast_in_dim3A_899 = arith.constant 0 : i32
        %broadcast_in_dim3A_900 = vector.broadcast %broadcast_in_dim3A_899 : i32 to vector<16xi32>
        %gather3A_901 = tpu.vector_load_idx %arg10[%broadcast_in_dim3A_900, %add3A_898] : memref<400x32xf32, #tpu.memory_space<vmem>>[vector<16xi32>, vector<16xi32>], vector<16xf32>,
        %broadcast_in_dim3A_902 = arith.constant 0 : i32
        %broadcast_in_dim3A_903 = vector.broadcast %broadcast_in_dim3A_902 : i32 to vector<16xi32>
        %gather3A_904 = tpu.vector_load_idx %arg12[%broadcast_in_dim3A_903, %add3A_898] : memref<400x32xf32, #tpu.memory_space<vmem>>[vector<16xi32>, vector<16xi32>], vector<16xf32>,
        %add3A_905 = arith.addf %gather3A_901, %gather3A_904 : vector<16xf32>
        %max3A_906 = arith.constant 0.000000e+00 : f32
        %max3A_907 = vector.broadcast %max3A_906 : f32 to vector<16xf32>
        %max3A_908 = arith.maximumf %add3A_905, %max3A_907 : vector<16xf32>
        %mul3A_909 = arith.mulf %max3A_908, %get3A_49 : vector<16xf32>
        %add3A_910 = arith.addf %add3A_891, %mul3A_909 : vector<16xf32>
        %add3A_911 = arith.constant 1 : i32
        %add3A_912 = vector.broadcast %add3A_911 : i32 to vector<16xi32>
        %add3A_913 = arith.addi %add3A_894, %add3A_912 : vector<16xi32>
        %and3A_914 = arith.constant 31 : i32
        %and3A_915 = vector.broadcast %and3A_914 : i32 to vector<16xi32>
        %and3A_916 = arith.andi %add3A_913, %and3A_915 : vector<16xi32>
        %add3A_917 = arith.addi %add3A_459, %and3A_916 : vector<16xi32>
        %broadcast_in_dim3A_918 = arith.constant 0 : i32
        %broadcast_in_dim3A_919 = vector.broadcast %broadcast_in_dim3A_918 : i32 to vector<16xi32>
        %gather3A_920 = tpu.vector_load_idx %arg10[%broadcast_in_dim3A_919, %add3A_917] : memref<400x32xf32, #tpu.memory_space<vmem>>[vector<16xi32>, vector<16xi32>], vector<16xf32>,
        %broadcast_in_dim3A_921 = arith.constant 0 : i32
        %broadcast_in_dim3A_922 = vector.broadcast %broadcast_in_dim3A_921 : i32 to vector<16xi32>
        %gather3A_923 = tpu.vector_load_idx %arg12[%broadcast_in_dim3A_922, %add3A_917] : memref<400x32xf32, #tpu.memory_space<vmem>>[vector<16xi32>, vector<16xi32>], vector<16xf32>,
        %add3A_924 = arith.addf %gather3A_920, %gather3A_923 : vector<16xf32>
        %max3A_925 = arith.constant 0.000000e+00 : f32
        %max3A_926 = vector.broadcast %max3A_925 : f32 to vector<16xf32>
        %max3A_927 = arith.maximumf %add3A_924, %max3A_926 : vector<16xf32>
        %mul3A_928 = arith.mulf %max3A_927, %get3A_51 : vector<16xf32>
        %add3A_929 = arith.addf %add3A_910, %mul3A_928 : vector<16xf32>
        %add3A_930 = arith.constant 1 : i32
        %add3A_931 = vector.broadcast %add3A_930 : i32 to vector<16xi32>
        %add3A_932 = arith.addi %add3A_913, %add3A_931 : vector<16xi32>
        %and3A_933 = arith.constant 31 : i32
        %and3A_934 = vector.broadcast %and3A_933 : i32 to vector<16xi32>
        %and3A_935 = arith.andi %add3A_932, %and3A_934 : vector<16xi32>
        %add3A_936 = arith.addi %add3A_459, %and3A_935 : vector<16xi32>
        %broadcast_in_dim3A_937 = arith.constant 0 : i32
        %broadcast_in_dim3A_938 = vector.broadcast %broadcast_in_dim3A_937 : i32 to vector<16xi32>
        %gather3A_939 = tpu.vector_load_idx %arg10[%broadcast_in_dim3A_938, %add3A_936] : memref<400x32xf32, #tpu.memory_space<vmem>>[vector<16xi32>, vector<16xi32>], vector<16xf32>,
        %broadcast_in_dim3A_940 = arith.constant 0 : i32
        %broadcast_in_dim3A_941 = vector.broadcast %broadcast_in_dim3A_940 : i32 to vector<16xi32>
        %gather3A_942 = tpu.vector_load_idx %arg12[%broadcast_in_dim3A_941, %add3A_936] : memref<400x32xf32, #tpu.memory_space<vmem>>[vector<16xi32>, vector<16xi32>], vector<16xf32>,
        %add3A_943 = arith.addf %gather3A_939, %gather3A_942 : vector<16xf32>
        %max3A_944 = arith.constant 0.000000e+00 : f32
        %max3A_945 = vector.broadcast %max3A_944 : f32 to vector<16xf32>
        %max3A_946 = arith.maximumf %add3A_943, %max3A_945 : vector<16xf32>
        %mul3A_947 = arith.mulf %max3A_946, %get3A_53 : vector<16xf32>
        %add3A_948 = arith.addf %add3A_929, %mul3A_947 : vector<16xf32>
        %add3A_949 = arith.constant 1 : i32
        %add3A_950 = vector.broadcast %add3A_949 : i32 to vector<16xi32>
        %add3A_951 = arith.addi %add3A_932, %add3A_950 : vector<16xi32>
        %and3A_952 = arith.constant 31 : i32
        %and3A_953 = vector.broadcast %and3A_952 : i32 to vector<16xi32>
        %and3A_954 = arith.andi %add3A_951, %and3A_953 : vector<16xi32>
        %add3A_955 = arith.addi %add3A_459, %and3A_954 : vector<16xi32>
        %broadcast_in_dim3A_956 = arith.constant 0 : i32
        %broadcast_in_dim3A_957 = vector.broadcast %broadcast_in_dim3A_956 : i32 to vector<16xi32>
        %gather3A_958 = tpu.vector_load_idx %arg10[%broadcast_in_dim3A_957, %add3A_955] : memref<400x32xf32, #tpu.memory_space<vmem>>[vector<16xi32>, vector<16xi32>], vector<16xf32>,
        %broadcast_in_dim3A_959 = arith.constant 0 : i32
        %broadcast_in_dim3A_960 = vector.broadcast %broadcast_in_dim3A_959 : i32 to vector<16xi32>
        %gather3A_961 = tpu.vector_load_idx %arg12[%broadcast_in_dim3A_960, %add3A_955] : memref<400x32xf32, #tpu.memory_space<vmem>>[vector<16xi32>, vector<16xi32>], vector<16xf32>,
        %add3A_962 = arith.addf %gather3A_958, %gather3A_961 : vector<16xf32>
        %max3A_963 = arith.constant 0.000000e+00 : f32
        %max3A_964 = vector.broadcast %max3A_963 : f32 to vector<16xf32>
        %max3A_965 = arith.maximumf %add3A_962, %max3A_964 : vector<16xf32>
        %mul3A_966 = arith.mulf %max3A_965, %get3A_55 : vector<16xf32>
        %add3A_967 = arith.addf %add3A_948, %mul3A_966 : vector<16xf32>
        %add3A_968 = arith.constant 1 : i32
        %add3A_969 = vector.broadcast %add3A_968 : i32 to vector<16xi32>
        %add3A_970 = arith.addi %add3A_951, %add3A_969 : vector<16xi32>
        %and3A_971 = arith.constant 31 : i32
        %and3A_972 = vector.broadcast %and3A_971 : i32 to vector<16xi32>
        %and3A_973 = arith.andi %add3A_970, %and3A_972 : vector<16xi32>
        %add3A_974 = arith.addi %add3A_459, %and3A_973 : vector<16xi32>
        %broadcast_in_dim3A_975 = arith.constant 0 : i32
        %broadcast_in_dim3A_976 = vector.broadcast %broadcast_in_dim3A_975 : i32 to vector<16xi32>
        %gather3A_977 = tpu.vector_load_idx %arg10[%broadcast_in_dim3A_976, %add3A_974] : memref<400x32xf32, #tpu.memory_space<vmem>>[vector<16xi32>, vector<16xi32>], vector<16xf32>,
        %broadcast_in_dim3A_978 = arith.constant 0 : i32
        %broadcast_in_dim3A_979 = vector.broadcast %broadcast_in_dim3A_978 : i32 to vector<16xi32>
        %gather3A_980 = tpu.vector_load_idx %arg12[%broadcast_in_dim3A_979, %add3A_974] : memref<400x32xf32, #tpu.memory_space<vmem>>[vector<16xi32>, vector<16xi32>], vector<16xf32>,
        %add3A_981 = arith.addf %gather3A_977, %gather3A_980 : vector<16xf32>
        %max3A_982 = arith.constant 0.000000e+00 : f32
        %max3A_983 = vector.broadcast %max3A_982 : f32 to vector<16xf32>
        %max3A_984 = arith.maximumf %add3A_981, %max3A_983 : vector<16xf32>
        %mul3A_985 = arith.mulf %max3A_984, %get3A_57 : vector<16xf32>
        %add3A_986 = arith.addf %add3A_967, %mul3A_985 : vector<16xf32>
        %add3A_987 = arith.constant 1 : i32
        %add3A_988 = vector.broadcast %add3A_987 : i32 to vector<16xi32>
        %add3A_989 = arith.addi %add3A_970, %add3A_988 : vector<16xi32>
        %and3A_990 = arith.constant 31 : i32
        %and3A_991 = vector.broadcast %and3A_990 : i32 to vector<16xi32>
        %and3A_992 = arith.andi %add3A_989, %and3A_991 : vector<16xi32>
        %add3A_993 = arith.addi %add3A_459, %and3A_992 : vector<16xi32>
        %broadcast_in_dim3A_994 = arith.constant 0 : i32
        %broadcast_in_dim3A_995 = vector.broadcast %broadcast_in_dim3A_994 : i32 to vector<16xi32>
        %gather3A_996 = tpu.vector_load_idx %arg10[%broadcast_in_dim3A_995, %add3A_993] : memref<400x32xf32, #tpu.memory_space<vmem>>[vector<16xi32>, vector<16xi32>], vector<16xf32>,
        %broadcast_in_dim3A_997 = arith.constant 0 : i32
        %broadcast_in_dim3A_998 = vector.broadcast %broadcast_in_dim3A_997 : i32 to vector<16xi32>
        %gather3A_999 = tpu.vector_load_idx %arg12[%broadcast_in_dim3A_998, %add3A_993] : memref<400x32xf32, #tpu.memory_space<vmem>>[vector<16xi32>, vector<16xi32>], vector<16xf32>,
        %add3A_1000 = arith.addf %gather3A_996, %gather3A_999 : vector<16xf32>
        %max3A_1001 = arith.constant 0.000000e+00 : f32
        %max3A_1002 = vector.broadcast %max3A_1001 : f32 to vector<16xf32>
        %max3A_1003 = arith.maximumf %add3A_1000, %max3A_1002 : vector<16xf32>
        %mul3A_1004 = arith.mulf %max3A_1003, %get3A_59 : vector<16xf32>
        %add3A_1005 = arith.addf %add3A_986, %mul3A_1004 : vector<16xf32>
        %add3A_1006 = arith.constant 1 : i32
        %add3A_1007 = vector.broadcast %add3A_1006 : i32 to vector<16xi32>
        %add3A_1008 = arith.addi %add3A_989, %add3A_1007 : vector<16xi32>
        %and3A_1009 = arith.constant 31 : i32
        %and3A_1010 = vector.broadcast %and3A_1009 : i32 to vector<16xi32>
        %and3A_1011 = arith.andi %add3A_1008, %and3A_1010 : vector<16xi32>
        %add3A_1012 = arith.addi %add3A_459, %and3A_1011 : vector<16xi32>
        %broadcast_in_dim3A_1013 = arith.constant 0 : i32
        %broadcast_in_dim3A_1014 = vector.broadcast %broadcast_in_dim3A_1013 : i32 to vector<16xi32>
        %gather3A_1015 = tpu.vector_load_idx %arg10[%broadcast_in_dim3A_1014, %add3A_1012] : memref<400x32xf32, #tpu.memory_space<vmem>>[vector<16xi32>, vector<16xi32>], vector<16xf32>,
        %broadcast_in_dim3A_1016 = arith.constant 0 : i32
        %broadcast_in_dim3A_1017 = vector.broadcast %broadcast_in_dim3A_1016 : i32 to vector<16xi32>
        %gather3A_1018 = tpu.vector_load_idx %arg12[%broadcast_in_dim3A_1017, %add3A_1012] : memref<400x32xf32, #tpu.memory_space<vmem>>[vector<16xi32>, vector<16xi32>], vector<16xf32>,
        %add3A_1019 = arith.addf %gather3A_1015, %gather3A_1018 : vector<16xf32>
        %max3A_1020 = arith.constant 0.000000e+00 : f32
        %max3A_1021 = vector.broadcast %max3A_1020 : f32 to vector<16xf32>
        %max3A_1022 = arith.maximumf %add3A_1019, %max3A_1021 : vector<16xf32>
        %mul3A_1023 = arith.mulf %max3A_1022, %get3A_61 : vector<16xf32>
        %add3A_1024 = arith.addf %add3A_1005, %mul3A_1023 : vector<16xf32>
        %add3A_1025 = arith.constant 1 : i32
        %add3A_1026 = vector.broadcast %add3A_1025 : i32 to vector<16xi32>
        %add3A_1027 = arith.addi %add3A_1008, %add3A_1026 : vector<16xi32>
        %and3A_1028 = arith.constant 31 : i32
        %and3A_1029 = vector.broadcast %and3A_1028 : i32 to vector<16xi32>
        %and3A_1030 = arith.andi %add3A_1027, %and3A_1029 : vector<16xi32>
        %add3A_1031 = arith.addi %add3A_459, %and3A_1030 : vector<16xi32>
        %broadcast_in_dim3A_1032 = arith.constant 0 : i32
        %broadcast_in_dim3A_1033 = vector.broadcast %broadcast_in_dim3A_1032 : i32 to vector<16xi32>
        %gather3A_1034 = tpu.vector_load_idx %arg10[%broadcast_in_dim3A_1033, %add3A_1031] : memref<400x32xf32, #tpu.memory_space<vmem>>[vector<16xi32>, vector<16xi32>], vector<16xf32>,
        %broadcast_in_dim3A_1035 = arith.constant 0 : i32
        %broadcast_in_dim3A_1036 = vector.broadcast %broadcast_in_dim3A_1035 : i32 to vector<16xi32>
        %gather3A_1037 = tpu.vector_load_idx %arg12[%broadcast_in_dim3A_1036, %add3A_1031] : memref<400x32xf32, #tpu.memory_space<vmem>>[vector<16xi32>, vector<16xi32>], vector<16xf32>,
        %add3A_1038 = arith.addf %gather3A_1034, %gather3A_1037 : vector<16xf32>
        %max3A_1039 = arith.constant 0.000000e+00 : f32
        %max3A_1040 = vector.broadcast %max3A_1039 : f32 to vector<16xf32>
        %max3A_1041 = arith.maximumf %add3A_1038, %max3A_1040 : vector<16xf32>
        %mul3A_1042 = arith.mulf %max3A_1041, %get3A_63 : vector<16xf32>
        %add3A_1043 = arith.addf %add3A_1024, %mul3A_1042 : vector<16xf32>
        %add3A_1044 = arith.constant 1 : i32
        %add3A_1045 = vector.broadcast %add3A_1044 : i32 to vector<16xi32>
        %add3A_1046 = arith.addi %add3A_1027, %add3A_1045 : vector<16xi32>
        %and3A_1047 = arith.constant 31 : i32
        %and3A_1048 = vector.broadcast %and3A_1047 : i32 to vector<16xi32>
        %and3A_1049 = arith.andi %add3A_1046, %and3A_1048 : vector<16xi32>
        %add3A_1050 = arith.addi %add3A_459, %and3A_1049 : vector<16xi32>
        %broadcast_in_dim3A_1051 = arith.constant 0 : i32
        %broadcast_in_dim3A_1052 = vector.broadcast %broadcast_in_dim3A_1051 : i32 to vector<16xi32>
        %gather3A_1053 = tpu.vector_load_idx %arg10[%broadcast_in_dim3A_1052, %add3A_1050] : memref<400x32xf32, #tpu.memory_space<vmem>>[vector<16xi32>, vector<16xi32>], vector<16xf32>,
        %broadcast_in_dim3A_1054 = arith.constant 0 : i32
        %broadcast_in_dim3A_1055 = vector.broadcast %broadcast_in_dim3A_1054 : i32 to vector<16xi32>
        %gather3A_1056 = tpu.vector_load_idx %arg12[%broadcast_in_dim3A_1055, %add3A_1050] : memref<400x32xf32, #tpu.memory_space<vmem>>[vector<16xi32>, vector<16xi32>], vector<16xf32>,
        %add3A_1057 = arith.addf %gather3A_1053, %gather3A_1056 : vector<16xf32>
        %max3A_1058 = arith.constant 0.000000e+00 : f32
        %max3A_1059 = vector.broadcast %max3A_1058 : f32 to vector<16xf32>
        %max3A_1060 = arith.maximumf %add3A_1057, %max3A_1059 : vector<16xf32>
        %mul3A_1061 = arith.mulf %max3A_1060, %get3A_65 : vector<16xf32>
        %add3A_1062 = arith.addf %add3A_1043, %mul3A_1061 : vector<16xf32>
        %add3A_1063 = arith.constant 800 : i32
        %add3A_1064 = arith.addi %add3A_1063, %mul3A_455 : i32
        %get3A_1065 = arith.index_cast %add3A_1064 : i32 to index
        %get3A_1066 = tpu.vector_load %arg8[%get3A_1065] {strides = array<i32>} : memref<1600xi32, #tpu.memory_space<vmem>>, vector<16xi32>,
        %bitcast3A = vector.bitcast %get3A_1066 : vector<16xi32> to vector<16xf32>
        %add3A_1067 = arith.constant 1200 : i32
        %add3A_1068 = arith.addi %add3A_1067, %mul3A_455 : i32
        %get3A_1069 = arith.index_cast %add3A_1068 : i32 to index
        %get3A_1070 = tpu.vector_load %arg8[%get3A_1069] {strides = array<i32>} : memref<1600xi32, #tpu.memory_space<vmem>>, vector<16xi32>,
        %bitcast3A_1071 = vector.bitcast %get3A_1070 : vector<16xi32> to vector<16xf32>
        %add3A_1072 = arith.addf %add3A_1062, %bitcast3A : vector<16xf32>
        %max3A_1073 = arith.constant -4.595120e+00 : f32
        %max3A_1074 = vector.broadcast %max3A_1073 : f32 to vector<16xf32>
        %max3A_1075 = arith.maximumf %add3A_1072, %max3A_1074 : vector<16xf32>
        %min3A = arith.constant 4.59512091 : f32
        %min3A_1076 = vector.broadcast %min3A : f32 to vector<16xf32>
        %min3A_1077 = arith.minimumf %max3A_1075, %min3A_1076 : vector<16xf32>
        %add3A_1078 = arith.addf %min3A_1077, %bitcast3A_1071 : vector<16xf32>
        %div3A = arith.constant 0.899999976 : f32
        %div3A_1079 = vector.broadcast %div3A : f32 to vector<16xf32>
        %div3A_1080 = arith.divf %add3A_1078, %div3A_1079 : vector<16xf32>
        %neg3A = arith.constant 0.000000e+00 : f32
        %neg3A_1081 = vector.broadcast %neg3A : f32 to vector<16xf32>
        %neg3A_1082 = arith.subf %neg3A_1081, %div3A_1080 : vector<16xf32>
        %exp3A = math.exp %neg3A_1082 : vector<16xf32>
        %add3A_1083 = arith.constant 1.000000e+00 : f32
        %add3A_1084 = vector.broadcast %add3A_1083 : f32 to vector<16xf32>
        %add3A_1085 = arith.addf %add3A_1084, %exp3A : vector<16xf32>
        %div3A_1086 = arith.constant 1.000000e+00 : f32
        %div3A_1087 = vector.broadcast %div3A_1086 : f32 to vector<16xf32>
        %div3A_1088 = arith.divf %div3A_1087, %add3A_1085 : vector<16xf32>
        %ne3A = arith.constant 0.000000e+00 : f32
        %ne3A_1089 = vector.broadcast %ne3A : f32 to vector<16xf32>
        %ne3A_1090 = arith.cmpf one, %div3A_1088, %ne3A_1089 : vector<16xf32>
        %get3A_1091 = arith.index_cast %mul3A_455 : i32 to index
        %get3A_1092 = tpu.vector_load %arg8[%get3A_1091] {strides = array<i32>} : memref<1600xi32, #tpu.memory_space<vmem>>, vector<16xi32>,
        %add3A_1093 = arith.constant 400 : i32
        %add3A_1094 = arith.addi %add3A_1093, %mul3A_455 : i32
        %get3A_1095 = arith.index_cast %add3A_1094 : i32 to index
        %get3A_1096 = tpu.vector_load %arg8[%get3A_1095] {strides = array<i32>} : memref<1600xi32, #tpu.memory_space<vmem>>, vector<16xi32>,
        %bitcast3A_1097 = vector.bitcast %div3A_1088 : vector<16xf32> to vector<16xi32>
        %swap3A = arith.index_cast %mul3A_455 : i32 to index
        %swap3A_1098 = tpu.vector_load %arg14[%swap3A] {strides = array<i32>} : memref<1200xi32, #tpu.memory_space<vmem>>, vector<16xi32>,
        tpu.vector_store %arg14[%swap3A], %bitcast3A_1097 {strides = array<i32>} : memref<1200xi32, #tpu.memory_space<vmem>>, vector<16xi32>,
        %jit3A = arith.constant -1 : i32
        %broadcast_in_dim3A_1099 = vector.broadcast %jit3A : i32 to vector<16xi32>
        %select_n3A = arith.select %ne3A_1090, %get3A_1092, %broadcast_in_dim3A_1099 : vector<16xi1>, vector<16xi32>
        %add3A_1100 = arith.constant 400 : i32
        %add3A_1101 = arith.addi %add3A_1100, %mul3A_455 : i32
        %swap3A_1102 = arith.index_cast %add3A_1101 : i32 to index
        %swap3A_1103 = tpu.vector_load %arg14[%swap3A_1102] {strides = array<i32>} : memref<1200xi32, #tpu.memory_space<vmem>>, vector<16xi32>,
        tpu.vector_store %arg14[%swap3A_1102], %select_n3A {strides = array<i32>} : memref<1200xi32, #tpu.memory_space<vmem>>, vector<16xi32>,
        %jit3A_1104 = arith.constant -1 : i32
        %broadcast_in_dim3A_1105 = vector.broadcast %jit3A_1104 : i32 to vector<16xi32>
        %select_n3A_1106 = arith.select %ne3A_1090, %get3A_1096, %broadcast_in_dim3A_1105 : vector<16xi1>, vector<16xi32>
        %add3A_1107 = arith.constant 800 : i32
        %add3A_1108 = arith.addi %add3A_1107, %mul3A_455 : i32
        %swap3A_1109 = arith.index_cast %add3A_1108 : i32 to index
        %swap3A_1110 = tpu.vector_load %arg14[%swap3A_1109] {strides = array<i32>} : memref<1200xi32, #tpu.memory_space<vmem>>, vector<16xi32>,
        tpu.vector_store %arg14[%swap3A_1109], %select_n3A_1106 {strides = array<i32>} : memref<1200xi32, #tpu.memory_space<vmem>>, vector<16xi32>,
      }
      %scan3A_442 = arith.constant 25 : i32
      %mul3A_443 = arith.constant 1200 : i32
      %mul3A_444 = arith.muli %add3A_333, %mul3A_443 : i32
      %dma_start3A_445 = tpu.memref_slice %arg6[%mul3A_444] : memref<960000xi32, #tpu.memory_space<hbm>> -> memref<1200xi32, #tpu.memory_space<hbm>>
      %dma_start3A_446 = tpu.memref_slice %arg6[%mul3A_444] : memref<960000xi32, #tpu.memory_space<hbm>> -> memref<1200xi32, #tpu.memory_space<hbm>>
      tpu.enqueue_dma source(%arg14 : memref<1200xi32, #tpu.memory_space<vmem>>) target(%dma_start3A_446 : memref<1200xi32, #tpu.memory_space<hbm>>) target_semaphore(%arg23 : memref<!tpu.dma_semaphore, #tpu.memory_space<semaphore_mem>>)
      %add3A_447 = arith.constant 2 : i32
      %add3A_448 = arith.addi %add3A_332, %add3A_447 : i32
      %le3A = arith.constant 24 : i32
      %le3A_449 = arith.cmpi sle, %add3A_448, %le3A : i32
      %convert_element_type3A_450 = arith.extui %le3A_449 : i1 to i32
      %cond3A_451 = arith.constant 0 : i32
      %cond3A_452 = arith.cmpi ne, %convert_element_type3A_450, %cond3A_451 : i32
      scf.if %cond3A_452 {
        %add3A_453 = arith.constant 2 : i32
        %add3A_454 = arith.addi %add3A_333, %add3A_453 : i32
        %mul3A_455 = arith.constant 1600 : i32
        %mul3A_456 = arith.muli %add3A_454, %mul3A_455 : i32
        %dma_start3A_457 = tpu.memref_slice %arg4[%mul3A_456] : memref<1280000xi32, #tpu.memory_space<hbm>> -> memref<1600xi32, #tpu.memory_space<hbm>>
        %dma_start3A_458 = tpu.memref_slice %arg4[%mul3A_456] : memref<1280000xi32, #tpu.memory_space<hbm>> -> memref<1600xi32, #tpu.memory_space<hbm>>
        tpu.enqueue_dma source(%dma_start3A_458 : memref<1600xi32, #tpu.memory_space<hbm>>) target(%arg8 : memref<1600xi32, #tpu.memory_space<vmem>>) target_semaphore(%arg17 : memref<!tpu.dma_semaphore, #tpu.memory_space<semaphore_mem>>)
      } else {
      }
    }
    %scan3A_165 = arith.constant 12 : i32
    %add3A_166 = arith.constant 24 : i32
    %add3A_167 = arith.addi %mul3A_2, %add3A_166 : i32
    %dma_wait3A_168 = arith.constant 0 : i32
    %dma_wait3A_169 = arith.constant 0 : i32
    %dma_wait3A_170 = tpu.memref_slice %arg2[%dma_wait3A_168, %dma_wait3A_169] : memref<10000x32xf32, #tpu.memory_space<hbm>> -> memref<400x32xf32, #tpu.memory_space<hbm>>
    %dma_wait3A_171 = arith.constant 0 : i32
    %dma_wait3A_172 = arith.constant 0 : i32
    %dma_wait3A_173 = tpu.memref_slice %arg2[%dma_wait3A_171, %dma_wait3A_172] : memref<10000x32xf32, #tpu.memory_space<hbm>> -> memref<400x32xf32, #tpu.memory_space<hbm>>
    tpu.wait_dma2 semaphore(%arg18 : memref<!tpu.dma_semaphore, #tpu.memory_space<semaphore_mem>>) src(%dma_wait3A_173 : memref<400x32xf32, #tpu.memory_space<hbm>>) dst(%arg9 : memref<400x32xf32, #tpu.memory_space<vmem>>)
    %dma_wait3A_174 = arith.constant 0 : i32
    %dma_wait3A_175 = arith.constant 0 : i32
    %dma_wait3A_176 = tpu.memref_slice %arg3[%dma_wait3A_174, %dma_wait3A_175] : memref<10000x32xf32, #tpu.memory_space<hbm>> -> memref<400x32xf32, #tpu.memory_space<hbm>>
    %dma_wait3A_177 = arith.constant 0 : i32
    %dma_wait3A_178 = arith.constant 0 : i32
    %dma_wait3A_179 = tpu.memref_slice %arg3[%dma_wait3A_177, %dma_wait3A_178] : memref<10000x32xf32, #tpu.memory_space<hbm>> -> memref<400x32xf32, #tpu.memory_space<hbm>>
    tpu.wait_dma2 semaphore(%arg20 : memref<!tpu.dma_semaphore, #tpu.memory_space<semaphore_mem>>) src(%dma_wait3A_179 : memref<400x32xf32, #tpu.memory_space<hbm>>) dst(%arg11 : memref<400x32xf32, #tpu.memory_space<vmem>>)
    %sub3A = arith.constant 2 : i32
    %sub3A_180 = arith.subi %add3A_167, %sub3A : i32
    %mul3A_181 = arith.constant 1200 : i32
    %mul3A_182 = arith.muli %sub3A_180, %mul3A_181 : i32
    %dma_wait3A_183 = tpu.memref_slice %arg6[%mul3A_182] : memref<960000xi32, #tpu.memory_space<hbm>> -> memref<1200xi32, #tpu.memory_space<hbm>>
    %dma_wait3A_184 = tpu.memref_slice %arg6[%mul3A_182] : memref<960000xi32, #tpu.memory_space<hbm>> -> memref<1200xi32, #tpu.memory_space<hbm>>
    tpu.wait_dma2 semaphore(%arg22 : memref<!tpu.dma_semaphore, #tpu.memory_space<semaphore_mem>>) src(%arg13 : memref<1200xi32, #tpu.memory_space<vmem>>) dst(%dma_wait3A_184 : memref<1200xi32, #tpu.memory_space<hbm>>)
    %scan3A_185 = arith.constant 0 : i32
    %scan3A_186 = arith.constant 0 : i32
    %scan3A_187 = arith.constant 25 : i32
    %scan3A_188 = arith.addi %scan3A_186, %scan3A_187 : i32
    %scan3A_189 = arith.constant 1 : i32
    scf.for %scan3A_211 = %scan3A_186 to %scan3A_188 step %scan3A_189  : i32 {
      %mul3A_212 = arith.constant 16 : i32
      %mul3A_213 = arith.muli %scan3A_211, %mul3A_212 : i32
      %mul3A_214 = arith.constant 32 : i32
      %mul3A_215 = arith.muli %mul3A_213, %mul3A_214 : i32
      %add3A_216 = vector.broadcast %mul3A_215 : i32 to vector<16xi32>
      %add3A_217 = arith.addi %mul3A_68, %add3A_216 : vector<16xi32>
      %broadcast_in_dim3A = arith.constant 0.000000e+00 : f32
      %broadcast_in_dim3A_218 = vector.broadcast %broadcast_in_dim3A : f32 to vector<16xf32>
      %and3A = arith.constant 31 : i32
      %and3A_219 = vector.broadcast %and3A : i32 to vector<16xi32>
      %and3A_220 = arith.andi %iota3A, %and3A_219 : vector<16xi32>
      %add3A_221 = arith.addi %add3A_217, %and3A_220 : vector<16xi32>
      %broadcast_in_dim3A_222 = arith.constant 0 : i32
      %broadcast_in_dim3A_223 = vector.broadcast %broadcast_in_dim3A_222 : i32 to vector<16xi32>
      %gather3A = tpu.vector_load_idx %arg9[%broadcast_in_dim3A_223, %add3A_221] : memref<400x32xf32, #tpu.memory_space<vmem>>[vector<16xi32>, vector<16xi32>], vector<16xf32>,
      %broadcast_in_dim3A_224 = arith.constant 0 : i32
      %broadcast_in_dim3A_225 = vector.broadcast %broadcast_in_dim3A_224 : i32 to vector<16xi32>
      %gather3A_226 = tpu.vector_load_idx %arg11[%broadcast_in_dim3A_225, %add3A_221] : memref<400x32xf32, #tpu.memory_space<vmem>>[vector<16xi32>, vector<16xi32>], vector<16xf32>,
      %add3A_227 = arith.addf %gather3A, %gather3A_226 : vector<16xf32>
      %max3A = arith.constant 0.000000e+00 : f32
      %max3A_228 = vector.broadcast %max3A : f32 to vector<16xf32>
      %max3A_229 = arith.maximumf %add3A_227, %max3A_228 : vector<16xf32>
      %mul3A_230 = arith.mulf %max3A_229, %get3A_3 : vector<16xf32>
      %add3A_231 = arith.addf %broadcast_in_dim3A_218, %mul3A_230 : vector<16xf32>
      %add3A_232 = arith.constant 1 : i32
      %add3A_233 = vector.broadcast %add3A_232 : i32 to vector<16xi32>
      %add3A_234 = arith.addi %iota3A, %add3A_233 : vector<16xi32>
      %and3A_235 = arith.constant 31 : i32
      %and3A_236 = vector.broadcast %and3A_235 : i32 to vector<16xi32>
      %and3A_237 = arith.andi %add3A_234, %and3A_236 : vector<16xi32>
      %add3A_238 = arith.addi %add3A_217, %and3A_237 : vector<16xi32>
      %broadcast_in_dim3A_239 = arith.constant 0 : i32
      %broadcast_in_dim3A_240 = vector.broadcast %broadcast_in_dim3A_239 : i32 to vector<16xi32>
      %gather3A_241 = tpu.vector_load_idx %arg9[%broadcast_in_dim3A_240, %add3A_238] : memref<400x32xf32, #tpu.memory_space<vmem>>[vector<16xi32>, vector<16xi32>], vector<16xf32>,
      %broadcast_in_dim3A_242 = arith.constant 0 : i32
      %broadcast_in_dim3A_243 = vector.broadcast %broadcast_in_dim3A_242 : i32 to vector<16xi32>
      %gather3A_244 = tpu.vector_load_idx %arg11[%broadcast_in_dim3A_243, %add3A_238] : memref<400x32xf32, #tpu.memory_space<vmem>>[vector<16xi32>, vector<16xi32>], vector<16xf32>,
      %add3A_245 = arith.addf %gather3A_241, %gather3A_244 : vector<16xf32>
      %max3A_246 = arith.constant 0.000000e+00 : f32
      %max3A_247 = vector.broadcast %max3A_246 : f32 to vector<16xf32>
      %max3A_248 = arith.maximumf %add3A_245, %max3A_247 : vector<16xf32>
      %mul3A_249 = arith.mulf %max3A_248, %get3A_5 : vector<16xf32>
      %add3A_250 = arith.addf %add3A_231, %mul3A_249 : vector<16xf32>
      %add3A_251 = arith.constant 1 : i32
      %add3A_252 = vector.broadcast %add3A_251 : i32 to vector<16xi32>
      %add3A_253 = arith.addi %add3A_234, %add3A_252 : vector<16xi32>
      %and3A_254 = arith.constant 31 : i32
      %and3A_255 = vector.broadcast %and3A_254 : i32 to vector<16xi32>
      %and3A_256 = arith.andi %add3A_253, %and3A_255 : vector<16xi32>
      %add3A_257 = arith.addi %add3A_217, %and3A_256 : vector<16xi32>
      %broadcast_in_dim3A_258 = arith.constant 0 : i32
      %broadcast_in_dim3A_259 = vector.broadcast %broadcast_in_dim3A_258 : i32 to vector<16xi32>
      %gather3A_260 = tpu.vector_load_idx %arg9[%broadcast_in_dim3A_259, %add3A_257] : memref<400x32xf32, #tpu.memory_space<vmem>>[vector<16xi32>, vector<16xi32>], vector<16xf32>,
      %broadcast_in_dim3A_261 = arith.constant 0 : i32
      %broadcast_in_dim3A_262 = vector.broadcast %broadcast_in_dim3A_261 : i32 to vector<16xi32>
      %gather3A_263 = tpu.vector_load_idx %arg11[%broadcast_in_dim3A_262, %add3A_257] : memref<400x32xf32, #tpu.memory_space<vmem>>[vector<16xi32>, vector<16xi32>], vector<16xf32>,
      %add3A_264 = arith.addf %gather3A_260, %gather3A_263 : vector<16xf32>
      %max3A_265 = arith.constant 0.000000e+00 : f32
      %max3A_266 = vector.broadcast %max3A_265 : f32 to vector<16xf32>
      %max3A_267 = arith.maximumf %add3A_264, %max3A_266 : vector<16xf32>
      %mul3A_268 = arith.mulf %max3A_267, %get3A_7 : vector<16xf32>
      %add3A_269 = arith.addf %add3A_250, %mul3A_268 : vector<16xf32>
      %add3A_270 = arith.constant 1 : i32
      %add3A_271 = vector.broadcast %add3A_270 : i32 to vector<16xi32>
      %add3A_272 = arith.addi %add3A_253, %add3A_271 : vector<16xi32>
      %and3A_273 = arith.constant 31 : i32
      %and3A_274 = vector.broadcast %and3A_273 : i32 to vector<16xi32>
      %and3A_275 = arith.andi %add3A_272, %and3A_274 : vector<16xi32>
      %add3A_276 = arith.addi %add3A_217, %and3A_275 : vector<16xi32>
      %broadcast_in_dim3A_277 = arith.constant 0 : i32
      %broadcast_in_dim3A_278 = vector.broadcast %broadcast_in_dim3A_277 : i32 to vector<16xi32>
      %gather3A_279 = tpu.vector_load_idx %arg9[%broadcast_in_dim3A_278, %add3A_276] : memref<400x32xf32, #tpu.memory_space<vmem>>[vector<16xi32>, vector<16xi32>], vector<16xf32>,
      %broadcast_in_dim3A_280 = arith.constant 0 : i32
      %broadcast_in_dim3A_281 = vector.broadcast %broadcast_in_dim3A_280 : i32 to vector<16xi32>
      %gather3A_282 = tpu.vector_load_idx %arg11[%broadcast_in_dim3A_281, %add3A_276] : memref<400x32xf32, #tpu.memory_space<vmem>>[vector<16xi32>, vector<16xi32>], vector<16xf32>,
      %add3A_283 = arith.addf %gather3A_279, %gather3A_282 : vector<16xf32>
      %max3A_284 = arith.constant 0.000000e+00 : f32
      %max3A_285 = vector.broadcast %max3A_284 : f32 to vector<16xf32>
      %max3A_286 = arith.maximumf %add3A_283, %max3A_285 : vector<16xf32>
      %mul3A_287 = arith.mulf %max3A_286, %get3A_9 : vector<16xf32>
      %add3A_288 = arith.addf %add3A_269, %mul3A_287 : vector<16xf32>
      %add3A_289 = arith.constant 1 : i32
      %add3A_290 = vector.broadcast %add3A_289 : i32 to vector<16xi32>
      %add3A_291 = arith.addi %add3A_272, %add3A_290 : vector<16xi32>
      %and3A_292 = arith.constant 31 : i32
      %and3A_293 = vector.broadcast %and3A_292 : i32 to vector<16xi32>
      %and3A_294 = arith.andi %add3A_291, %and3A_293 : vector<16xi32>
      %add3A_295 = arith.addi %add3A_217, %and3A_294 : vector<16xi32>
      %broadcast_in_dim3A_296 = arith.constant 0 : i32
      %broadcast_in_dim3A_297 = vector.broadcast %broadcast_in_dim3A_296 : i32 to vector<16xi32>
      %gather3A_298 = tpu.vector_load_idx %arg9[%broadcast_in_dim3A_297, %add3A_295] : memref<400x32xf32, #tpu.memory_space<vmem>>[vector<16xi32>, vector<16xi32>], vector<16xf32>,
      %broadcast_in_dim3A_299 = arith.constant 0 : i32
      %broadcast_in_dim3A_300 = vector.broadcast %broadcast_in_dim3A_299 : i32 to vector<16xi32>
      %gather3A_301 = tpu.vector_load_idx %arg11[%broadcast_in_dim3A_300, %add3A_295] : memref<400x32xf32, #tpu.memory_space<vmem>>[vector<16xi32>, vector<16xi32>], vector<16xf32>,
      %add3A_302 = arith.addf %gather3A_298, %gather3A_301 : vector<16xf32>
      %max3A_303 = arith.constant 0.000000e+00 : f32
      %max3A_304 = vector.broadcast %max3A_303 : f32 to vector<16xf32>
      %max3A_305 = arith.maximumf %add3A_302, %max3A_304 : vector<16xf32>
      %mul3A_306 = arith.mulf %max3A_305, %get3A_11 : vector<16xf32>
      %add3A_307 = arith.addf %add3A_288, %mul3A_306 : vector<16xf32>
      %add3A_308 = arith.constant 1 : i32
      %add3A_309 = vector.broadcast %add3A_308 : i32 to vector<16xi32>
      %add3A_310 = arith.addi %add3A_291, %add3A_309 : vector<16xi32>
      %and3A_311 = arith.constant 31 : i32
      %and3A_312 = vector.broadcast %and3A_311 : i32 to vector<16xi32>
      %and3A_313 = arith.andi %add3A_310, %and3A_312 : vector<16xi32>
      %add3A_314 = arith.addi %add3A_217, %and3A_313 : vector<16xi32>
      %broadcast_in_dim3A_315 = arith.constant 0 : i32
      %broadcast_in_dim3A_316 = vector.broadcast %broadcast_in_dim3A_315 : i32 to vector<16xi32>
      %gather3A_317 = tpu.vector_load_idx %arg9[%broadcast_in_dim3A_316, %add3A_314] : memref<400x32xf32, #tpu.memory_space<vmem>>[vector<16xi32>, vector<16xi32>], vector<16xf32>,
      %broadcast_in_dim3A_318 = arith.constant 0 : i32
      %broadcast_in_dim3A_319 = vector.broadcast %broadcast_in_dim3A_318 : i32 to vector<16xi32>
      %gather3A_320 = tpu.vector_load_idx %arg11[%broadcast_in_dim3A_319, %add3A_314] : memref<400x32xf32, #tpu.memory_space<vmem>>[vector<16xi32>, vector<16xi32>], vector<16xf32>,
      %add3A_321 = arith.addf %gather3A_317, %gather3A_320 : vector<16xf32>
      %max3A_322 = arith.constant 0.000000e+00 : f32
      %max3A_323 = vector.broadcast %max3A_322 : f32 to vector<16xf32>
      %max3A_324 = arith.maximumf %add3A_321, %max3A_323 : vector<16xf32>
      %mul3A_325 = arith.mulf %max3A_324, %get3A_13 : vector<16xf32>
      %add3A_326 = arith.addf %add3A_307, %mul3A_325 : vector<16xf32>
      %add3A_327 = arith.constant 1 : i32
      %add3A_328 = vector.broadcast %add3A_327 : i32 to vector<16xi32>
      %add3A_329 = arith.addi %add3A_310, %add3A_328 : vector<16xi32>
      %and3A_330 = arith.constant 31 : i32
      %and3A_331 = vector.broadcast %and3A_330 : i32 to vector<16xi32>
      %and3A_332 = arith.andi %add3A_329, %and3A_331 : vector<16xi32>
      %add3A_333 = arith.addi %add3A_217, %and3A_332 : vector<16xi32>
      %broadcast_in_dim3A_334 = arith.constant 0 : i32
      %broadcast_in_dim3A_335 = vector.broadcast %broadcast_in_dim3A_334 : i32 to vector<16xi32>
      %gather3A_336 = tpu.vector_load_idx %arg9[%broadcast_in_dim3A_335, %add3A_333] : memref<400x32xf32, #tpu.memory_space<vmem>>[vector<16xi32>, vector<16xi32>], vector<16xf32>,
      %broadcast_in_dim3A_337 = arith.constant 0 : i32
      %broadcast_in_dim3A_338 = vector.broadcast %broadcast_in_dim3A_337 : i32 to vector<16xi32>
      %gather3A_339 = tpu.vector_load_idx %arg11[%broadcast_in_dim3A_338, %add3A_333] : memref<400x32xf32, #tpu.memory_space<vmem>>[vector<16xi32>, vector<16xi32>], vector<16xf32>,
      %add3A_340 = arith.addf %gather3A_336, %gather3A_339 : vector<16xf32>
      %max3A_341 = arith.constant 0.000000e+00 : f32
      %max3A_342 = vector.broadcast %max3A_341 : f32 to vector<16xf32>
      %max3A_343 = arith.maximumf %add3A_340, %max3A_342 : vector<16xf32>
      %mul3A_344 = arith.mulf %max3A_343, %get3A_15 : vector<16xf32>
      %add3A_345 = arith.addf %add3A_326, %mul3A_344 : vector<16xf32>
      %add3A_346 = arith.constant 1 : i32
      %add3A_347 = vector.broadcast %add3A_346 : i32 to vector<16xi32>
      %add3A_348 = arith.addi %add3A_329, %add3A_347 : vector<16xi32>
      %and3A_349 = arith.constant 31 : i32
      %and3A_350 = vector.broadcast %and3A_349 : i32 to vector<16xi32>
      %and3A_351 = arith.andi %add3A_348, %and3A_350 : vector<16xi32>
      %add3A_352 = arith.addi %add3A_217, %and3A_351 : vector<16xi32>
      %broadcast_in_dim3A_353 = arith.constant 0 : i32
      %broadcast_in_dim3A_354 = vector.broadcast %broadcast_in_dim3A_353 : i32 to vector<16xi32>
      %gather3A_355 = tpu.vector_load_idx %arg9[%broadcast_in_dim3A_354, %add3A_352] : memref<400x32xf32, #tpu.memory_space<vmem>>[vector<16xi32>, vector<16xi32>], vector<16xf32>,
      %broadcast_in_dim3A_356 = arith.constant 0 : i32
      %broadcast_in_dim3A_357 = vector.broadcast %broadcast_in_dim3A_356 : i32 to vector<16xi32>
      %gather3A_358 = tpu.vector_load_idx %arg11[%broadcast_in_dim3A_357, %add3A_352] : memref<400x32xf32, #tpu.memory_space<vmem>>[vector<16xi32>, vector<16xi32>], vector<16xf32>,
      %add3A_359 = arith.addf %gather3A_355, %gather3A_358 : vector<16xf32>
      %max3A_360 = arith.constant 0.000000e+00 : f32
      %max3A_361 = vector.broadcast %max3A_360 : f32 to vector<16xf32>
      %max3A_362 = arith.maximumf %add3A_359, %max3A_361 : vector<16xf32>
      %mul3A_363 = arith.mulf %max3A_362, %get3A_17 : vector<16xf32>
      %add3A_364 = arith.addf %add3A_345, %mul3A_363 : vector<16xf32>
      %add3A_365 = arith.constant 1 : i32
      %add3A_366 = vector.broadcast %add3A_365 : i32 to vector<16xi32>
      %add3A_367 = arith.addi %add3A_348, %add3A_366 : vector<16xi32>
      %and3A_368 = arith.constant 31 : i32
      %and3A_369 = vector.broadcast %and3A_368 : i32 to vector<16xi32>
      %and3A_370 = arith.andi %add3A_367, %and3A_369 : vector<16xi32>
      %add3A_371 = arith.addi %add3A_217, %and3A_370 : vector<16xi32>
      %broadcast_in_dim3A_372 = arith.constant 0 : i32
      %broadcast_in_dim3A_373 = vector.broadcast %broadcast_in_dim3A_372 : i32 to vector<16xi32>
      %gather3A_374 = tpu.vector_load_idx %arg9[%broadcast_in_dim3A_373, %add3A_371] : memref<400x32xf32, #tpu.memory_space<vmem>>[vector<16xi32>, vector<16xi32>], vector<16xf32>,
      %broadcast_in_dim3A_375 = arith.constant 0 : i32
      %broadcast_in_dim3A_376 = vector.broadcast %broadcast_in_dim3A_375 : i32 to vector<16xi32>
      %gather3A_377 = tpu.vector_load_idx %arg11[%broadcast_in_dim3A_376, %add3A_371] : memref<400x32xf32, #tpu.memory_space<vmem>>[vector<16xi32>, vector<16xi32>], vector<16xf32>,
      %add3A_378 = arith.addf %gather3A_374, %gather3A_377 : vector<16xf32>
      %max3A_379 = arith.constant 0.000000e+00 : f32
      %max3A_380 = vector.broadcast %max3A_379 : f32 to vector<16xf32>
      %max3A_381 = arith.maximumf %add3A_378, %max3A_380 : vector<16xf32>
      %mul3A_382 = arith.mulf %max3A_381, %get3A_19 : vector<16xf32>
      %add3A_383 = arith.addf %add3A_364, %mul3A_382 : vector<16xf32>
      %add3A_384 = arith.constant 1 : i32
      %add3A_385 = vector.broadcast %add3A_384 : i32 to vector<16xi32>
      %add3A_386 = arith.addi %add3A_367, %add3A_385 : vector<16xi32>
      %and3A_387 = arith.constant 31 : i32
      %and3A_388 = vector.broadcast %and3A_387 : i32 to vector<16xi32>
      %and3A_389 = arith.andi %add3A_386, %and3A_388 : vector<16xi32>
      %add3A_390 = arith.addi %add3A_217, %and3A_389 : vector<16xi32>
      %broadcast_in_dim3A_391 = arith.constant 0 : i32
      %broadcast_in_dim3A_392 = vector.broadcast %broadcast_in_dim3A_391 : i32 to vector<16xi32>
      %gather3A_393 = tpu.vector_load_idx %arg9[%broadcast_in_dim3A_392, %add3A_390] : memref<400x32xf32, #tpu.memory_space<vmem>>[vector<16xi32>, vector<16xi32>], vector<16xf32>,
      %broadcast_in_dim3A_394 = arith.constant 0 : i32
      %broadcast_in_dim3A_395 = vector.broadcast %broadcast_in_dim3A_394 : i32 to vector<16xi32>
      %gather3A_396 = tpu.vector_load_idx %arg11[%broadcast_in_dim3A_395, %add3A_390] : memref<400x32xf32, #tpu.memory_space<vmem>>[vector<16xi32>, vector<16xi32>], vector<16xf32>,
      %add3A_397 = arith.addf %gather3A_393, %gather3A_396 : vector<16xf32>
      %max3A_398 = arith.constant 0.000000e+00 : f32
      %max3A_399 = vector.broadcast %max3A_398 : f32 to vector<16xf32>
      %max3A_400 = arith.maximumf %add3A_397, %max3A_399 : vector<16xf32>
      %mul3A_401 = arith.mulf %max3A_400, %get3A_21 : vector<16xf32>
      %add3A_402 = arith.addf %add3A_383, %mul3A_401 : vector<16xf32>
      %add3A_403 = arith.constant 1 : i32
      %add3A_404 = vector.broadcast %add3A_403 : i32 to vector<16xi32>
      %add3A_405 = arith.addi %add3A_386, %add3A_404 : vector<16xi32>
      %and3A_406 = arith.constant 31 : i32
      %and3A_407 = vector.broadcast %and3A_406 : i32 to vector<16xi32>
      %and3A_408 = arith.andi %add3A_405, %and3A_407 : vector<16xi32>
      %add3A_409 = arith.addi %add3A_217, %and3A_408 : vector<16xi32>
      %broadcast_in_dim3A_410 = arith.constant 0 : i32
      %broadcast_in_dim3A_411 = vector.broadcast %broadcast_in_dim3A_410 : i32 to vector<16xi32>
      %gather3A_412 = tpu.vector_load_idx %arg9[%broadcast_in_dim3A_411, %add3A_409] : memref<400x32xf32, #tpu.memory_space<vmem>>[vector<16xi32>, vector<16xi32>], vector<16xf32>,
      %broadcast_in_dim3A_413 = arith.constant 0 : i32
      %broadcast_in_dim3A_414 = vector.broadcast %broadcast_in_dim3A_413 : i32 to vector<16xi32>
      %gather3A_415 = tpu.vector_load_idx %arg11[%broadcast_in_dim3A_414, %add3A_409] : memref<400x32xf32, #tpu.memory_space<vmem>>[vector<16xi32>, vector<16xi32>], vector<16xf32>,
      %add3A_416 = arith.addf %gather3A_412, %gather3A_415 : vector<16xf32>
      %max3A_417 = arith.constant 0.000000e+00 : f32
      %max3A_418 = vector.broadcast %max3A_417 : f32 to vector<16xf32>
      %max3A_419 = arith.maximumf %add3A_416, %max3A_418 : vector<16xf32>
      %mul3A_420 = arith.mulf %max3A_419, %get3A_23 : vector<16xf32>
      %add3A_421 = arith.addf %add3A_402, %mul3A_420 : vector<16xf32>
      %add3A_422 = arith.constant 1 : i32
      %add3A_423 = vector.broadcast %add3A_422 : i32 to vector<16xi32>
      %add3A_424 = arith.addi %add3A_405, %add3A_423 : vector<16xi32>
      %and3A_425 = arith.constant 31 : i32
      %and3A_426 = vector.broadcast %and3A_425 : i32 to vector<16xi32>
      %and3A_427 = arith.andi %add3A_424, %and3A_426 : vector<16xi32>
      %add3A_428 = arith.addi %add3A_217, %and3A_427 : vector<16xi32>
      %broadcast_in_dim3A_429 = arith.constant 0 : i32
      %broadcast_in_dim3A_430 = vector.broadcast %broadcast_in_dim3A_429 : i32 to vector<16xi32>
      %gather3A_431 = tpu.vector_load_idx %arg9[%broadcast_in_dim3A_430, %add3A_428] : memref<400x32xf32, #tpu.memory_space<vmem>>[vector<16xi32>, vector<16xi32>], vector<16xf32>,
      %broadcast_in_dim3A_432 = arith.constant 0 : i32
      %broadcast_in_dim3A_433 = vector.broadcast %broadcast_in_dim3A_432 : i32 to vector<16xi32>
      %gather3A_434 = tpu.vector_load_idx %arg11[%broadcast_in_dim3A_433, %add3A_428] : memref<400x32xf32, #tpu.memory_space<vmem>>[vector<16xi32>, vector<16xi32>], vector<16xf32>,
      %add3A_435 = arith.addf %gather3A_431, %gather3A_434 : vector<16xf32>
      %max3A_436 = arith.constant 0.000000e+00 : f32
      %max3A_437 = vector.broadcast %max3A_436 : f32 to vector<16xf32>
      %max3A_438 = arith.maximumf %add3A_435, %max3A_437 : vector<16xf32>
      %mul3A_439 = arith.mulf %max3A_438, %get3A_25 : vector<16xf32>
      %add3A_440 = arith.addf %add3A_421, %mul3A_439 : vector<16xf32>
      %add3A_441 = arith.constant 1 : i32
      %add3A_442 = vector.broadcast %add3A_441 : i32 to vector<16xi32>
      %add3A_443 = arith.addi %add3A_424, %add3A_442 : vector<16xi32>
      %and3A_444 = arith.constant 31 : i32
      %and3A_445 = vector.broadcast %and3A_444 : i32 to vector<16xi32>
      %and3A_446 = arith.andi %add3A_443, %and3A_445 : vector<16xi32>
      %add3A_447 = arith.addi %add3A_217, %and3A_446 : vector<16xi32>
      %broadcast_in_dim3A_448 = arith.constant 0 : i32
      %broadcast_in_dim3A_449 = vector.broadcast %broadcast_in_dim3A_448 : i32 to vector<16xi32>
      %gather3A_450 = tpu.vector_load_idx %arg9[%broadcast_in_dim3A_449, %add3A_447] : memref<400x32xf32, #tpu.memory_space<vmem>>[vector<16xi32>, vector<16xi32>], vector<16xf32>,
      %broadcast_in_dim3A_451 = arith.constant 0 : i32
      %broadcast_in_dim3A_452 = vector.broadcast %broadcast_in_dim3A_451 : i32 to vector<16xi32>
      %gather3A_453 = tpu.vector_load_idx %arg11[%broadcast_in_dim3A_452, %add3A_447] : memref<400x32xf32, #tpu.memory_space<vmem>>[vector<16xi32>, vector<16xi32>], vector<16xf32>,
      %add3A_454 = arith.addf %gather3A_450, %gather3A_453 : vector<16xf32>
      %max3A_455 = arith.constant 0.000000e+00 : f32
      %max3A_456 = vector.broadcast %max3A_455 : f32 to vector<16xf32>
      %max3A_457 = arith.maximumf %add3A_454, %max3A_456 : vector<16xf32>
      %mul3A_458 = arith.mulf %max3A_457, %get3A_27 : vector<16xf32>
      %add3A_459 = arith.addf %add3A_440, %mul3A_458 : vector<16xf32>
      %add3A_460 = arith.constant 1 : i32
      %add3A_461 = vector.broadcast %add3A_460 : i32 to vector<16xi32>
      %add3A_462 = arith.addi %add3A_443, %add3A_461 : vector<16xi32>
      %and3A_463 = arith.constant 31 : i32
      %and3A_464 = vector.broadcast %and3A_463 : i32 to vector<16xi32>
      %and3A_465 = arith.andi %add3A_462, %and3A_464 : vector<16xi32>
      %add3A_466 = arith.addi %add3A_217, %and3A_465 : vector<16xi32>
      %broadcast_in_dim3A_467 = arith.constant 0 : i32
      %broadcast_in_dim3A_468 = vector.broadcast %broadcast_in_dim3A_467 : i32 to vector<16xi32>
      %gather3A_469 = tpu.vector_load_idx %arg9[%broadcast_in_dim3A_468, %add3A_466] : memref<400x32xf32, #tpu.memory_space<vmem>>[vector<16xi32>, vector<16xi32>], vector<16xf32>,
      %broadcast_in_dim3A_470 = arith.constant 0 : i32
      %broadcast_in_dim3A_471 = vector.broadcast %broadcast_in_dim3A_470 : i32 to vector<16xi32>
      %gather3A_472 = tpu.vector_load_idx %arg11[%broadcast_in_dim3A_471, %add3A_466] : memref<400x32xf32, #tpu.memory_space<vmem>>[vector<16xi32>, vector<16xi32>], vector<16xf32>,
      %add3A_473 = arith.addf %gather3A_469, %gather3A_472 : vector<16xf32>
      %max3A_474 = arith.constant 0.000000e+00 : f32
      %max3A_475 = vector.broadcast %max3A_474 : f32 to vector<16xf32>
      %max3A_476 = arith.maximumf %add3A_473, %max3A_475 : vector<16xf32>
      %mul3A_477 = arith.mulf %max3A_476, %get3A_29 : vector<16xf32>
      %add3A_478 = arith.addf %add3A_459, %mul3A_477 : vector<16xf32>
      %add3A_479 = arith.constant 1 : i32
      %add3A_480 = vector.broadcast %add3A_479 : i32 to vector<16xi32>
      %add3A_481 = arith.addi %add3A_462, %add3A_480 : vector<16xi32>
      %and3A_482 = arith.constant 31 : i32
      %and3A_483 = vector.broadcast %and3A_482 : i32 to vector<16xi32>
      %and3A_484 = arith.andi %add3A_481, %and3A_483 : vector<16xi32>
      %add3A_485 = arith.addi %add3A_217, %and3A_484 : vector<16xi32>
      %broadcast_in_dim3A_486 = arith.constant 0 : i32
      %broadcast_in_dim3A_487 = vector.broadcast %broadcast_in_dim3A_486 : i32 to vector<16xi32>
      %gather3A_488 = tpu.vector_load_idx %arg9[%broadcast_in_dim3A_487, %add3A_485] : memref<400x32xf32, #tpu.memory_space<vmem>>[vector<16xi32>, vector<16xi32>], vector<16xf32>,
      %broadcast_in_dim3A_489 = arith.constant 0 : i32
      %broadcast_in_dim3A_490 = vector.broadcast %broadcast_in_dim3A_489 : i32 to vector<16xi32>
      %gather3A_491 = tpu.vector_load_idx %arg11[%broadcast_in_dim3A_490, %add3A_485] : memref<400x32xf32, #tpu.memory_space<vmem>>[vector<16xi32>, vector<16xi32>], vector<16xf32>,
      %add3A_492 = arith.addf %gather3A_488, %gather3A_491 : vector<16xf32>
      %max3A_493 = arith.constant 0.000000e+00 : f32
      %max3A_494 = vector.broadcast %max3A_493 : f32 to vector<16xf32>
      %max3A_495 = arith.maximumf %add3A_492, %max3A_494 : vector<16xf32>
      %mul3A_496 = arith.mulf %max3A_495, %get3A_31 : vector<16xf32>
      %add3A_497 = arith.addf %add3A_478, %mul3A_496 : vector<16xf32>
      %add3A_498 = arith.constant 1 : i32
      %add3A_499 = vector.broadcast %add3A_498 : i32 to vector<16xi32>
      %add3A_500 = arith.addi %add3A_481, %add3A_499 : vector<16xi32>
      %and3A_501 = arith.constant 31 : i32
      %and3A_502 = vector.broadcast %and3A_501 : i32 to vector<16xi32>
      %and3A_503 = arith.andi %add3A_500, %and3A_502 : vector<16xi32>
      %add3A_504 = arith.addi %add3A_217, %and3A_503 : vector<16xi32>
      %broadcast_in_dim3A_505 = arith.constant 0 : i32
      %broadcast_in_dim3A_506 = vector.broadcast %broadcast_in_dim3A_505 : i32 to vector<16xi32>
      %gather3A_507 = tpu.vector_load_idx %arg9[%broadcast_in_dim3A_506, %add3A_504] : memref<400x32xf32, #tpu.memory_space<vmem>>[vector<16xi32>, vector<16xi32>], vector<16xf32>,
      %broadcast_in_dim3A_508 = arith.constant 0 : i32
      %broadcast_in_dim3A_509 = vector.broadcast %broadcast_in_dim3A_508 : i32 to vector<16xi32>
      %gather3A_510 = tpu.vector_load_idx %arg11[%broadcast_in_dim3A_509, %add3A_504] : memref<400x32xf32, #tpu.memory_space<vmem>>[vector<16xi32>, vector<16xi32>], vector<16xf32>,
      %add3A_511 = arith.addf %gather3A_507, %gather3A_510 : vector<16xf32>
      %max3A_512 = arith.constant 0.000000e+00 : f32
      %max3A_513 = vector.broadcast %max3A_512 : f32 to vector<16xf32>
      %max3A_514 = arith.maximumf %add3A_511, %max3A_513 : vector<16xf32>
      %mul3A_515 = arith.mulf %max3A_514, %get3A_33 : vector<16xf32>
      %add3A_516 = arith.addf %add3A_497, %mul3A_515 : vector<16xf32>
      %add3A_517 = arith.constant 1 : i32
      %add3A_518 = vector.broadcast %add3A_517 : i32 to vector<16xi32>
      %add3A_519 = arith.addi %add3A_500, %add3A_518 : vector<16xi32>
      %and3A_520 = arith.constant 31 : i32
      %and3A_521 = vector.broadcast %and3A_520 : i32 to vector<16xi32>
      %and3A_522 = arith.andi %add3A_519, %and3A_521 : vector<16xi32>
      %add3A_523 = arith.addi %add3A_217, %and3A_522 : vector<16xi32>
      %broadcast_in_dim3A_524 = arith.constant 0 : i32
      %broadcast_in_dim3A_525 = vector.broadcast %broadcast_in_dim3A_524 : i32 to vector<16xi32>
      %gather3A_526 = tpu.vector_load_idx %arg9[%broadcast_in_dim3A_525, %add3A_523] : memref<400x32xf32, #tpu.memory_space<vmem>>[vector<16xi32>, vector<16xi32>], vector<16xf32>,
      %broadcast_in_dim3A_527 = arith.constant 0 : i32
      %broadcast_in_dim3A_528 = vector.broadcast %broadcast_in_dim3A_527 : i32 to vector<16xi32>
      %gather3A_529 = tpu.vector_load_idx %arg11[%broadcast_in_dim3A_528, %add3A_523] : memref<400x32xf32, #tpu.memory_space<vmem>>[vector<16xi32>, vector<16xi32>], vector<16xf32>,
      %add3A_530 = arith.addf %gather3A_526, %gather3A_529 : vector<16xf32>
      %max3A_531 = arith.constant 0.000000e+00 : f32
      %max3A_532 = vector.broadcast %max3A_531 : f32 to vector<16xf32>
      %max3A_533 = arith.maximumf %add3A_530, %max3A_532 : vector<16xf32>
      %mul3A_534 = arith.mulf %max3A_533, %get3A_35 : vector<16xf32>
      %add3A_535 = arith.addf %add3A_516, %mul3A_534 : vector<16xf32>
      %add3A_536 = arith.constant 1 : i32
      %add3A_537 = vector.broadcast %add3A_536 : i32 to vector<16xi32>
      %add3A_538 = arith.addi %add3A_519, %add3A_537 : vector<16xi32>
      %and3A_539 = arith.constant 31 : i32
      %and3A_540 = vector.broadcast %and3A_539 : i32 to vector<16xi32>
      %and3A_541 = arith.andi %add3A_538, %and3A_540 : vector<16xi32>
      %add3A_542 = arith.addi %add3A_217, %and3A_541 : vector<16xi32>
      %broadcast_in_dim3A_543 = arith.constant 0 : i32
      %broadcast_in_dim3A_544 = vector.broadcast %broadcast_in_dim3A_543 : i32 to vector<16xi32>
      %gather3A_545 = tpu.vector_load_idx %arg9[%broadcast_in_dim3A_544, %add3A_542] : memref<400x32xf32, #tpu.memory_space<vmem>>[vector<16xi32>, vector<16xi32>], vector<16xf32>,
      %broadcast_in_dim3A_546 = arith.constant 0 : i32
      %broadcast_in_dim3A_547 = vector.broadcast %broadcast_in_dim3A_546 : i32 to vector<16xi32>
      %gather3A_548 = tpu.vector_load_idx %arg11[%broadcast_in_dim3A_547, %add3A_542] : memref<400x32xf32, #tpu.memory_space<vmem>>[vector<16xi32>, vector<16xi32>], vector<16xf32>,
      %add3A_549 = arith.addf %gather3A_545, %gather3A_548 : vector<16xf32>
      %max3A_550 = arith.constant 0.000000e+00 : f32
      %max3A_551 = vector.broadcast %max3A_550 : f32 to vector<16xf32>
      %max3A_552 = arith.maximumf %add3A_549, %max3A_551 : vector<16xf32>
      %mul3A_553 = arith.mulf %max3A_552, %get3A_37 : vector<16xf32>
      %add3A_554 = arith.addf %add3A_535, %mul3A_553 : vector<16xf32>
      %add3A_555 = arith.constant 1 : i32
      %add3A_556 = vector.broadcast %add3A_555 : i32 to vector<16xi32>
      %add3A_557 = arith.addi %add3A_538, %add3A_556 : vector<16xi32>
      %and3A_558 = arith.constant 31 : i32
      %and3A_559 = vector.broadcast %and3A_558 : i32 to vector<16xi32>
      %and3A_560 = arith.andi %add3A_557, %and3A_559 : vector<16xi32>
      %add3A_561 = arith.addi %add3A_217, %and3A_560 : vector<16xi32>
      %broadcast_in_dim3A_562 = arith.constant 0 : i32
      %broadcast_in_dim3A_563 = vector.broadcast %broadcast_in_dim3A_562 : i32 to vector<16xi32>
      %gather3A_564 = tpu.vector_load_idx %arg9[%broadcast_in_dim3A_563, %add3A_561] : memref<400x32xf32, #tpu.memory_space<vmem>>[vector<16xi32>, vector<16xi32>], vector<16xf32>,
      %broadcast_in_dim3A_565 = arith.constant 0 : i32
      %broadcast_in_dim3A_566 = vector.broadcast %broadcast_in_dim3A_565 : i32 to vector<16xi32>
      %gather3A_567 = tpu.vector_load_idx %arg11[%broadcast_in_dim3A_566, %add3A_561] : memref<400x32xf32, #tpu.memory_space<vmem>>[vector<16xi32>, vector<16xi32>], vector<16xf32>,
      %add3A_568 = arith.addf %gather3A_564, %gather3A_567 : vector<16xf32>
      %max3A_569 = arith.constant 0.000000e+00 : f32
      %max3A_570 = vector.broadcast %max3A_569 : f32 to vector<16xf32>
      %max3A_571 = arith.maximumf %add3A_568, %max3A_570 : vector<16xf32>
      %mul3A_572 = arith.mulf %max3A_571, %get3A_39 : vector<16xf32>
      %add3A_573 = arith.addf %add3A_554, %mul3A_572 : vector<16xf32>
      %add3A_574 = arith.constant 1 : i32
      %add3A_575 = vector.broadcast %add3A_574 : i32 to vector<16xi32>
      %add3A_576 = arith.addi %add3A_557, %add3A_575 : vector<16xi32>
      %and3A_577 = arith.constant 31 : i32
      %and3A_578 = vector.broadcast %and3A_577 : i32 to vector<16xi32>
      %and3A_579 = arith.andi %add3A_576, %and3A_578 : vector<16xi32>
      %add3A_580 = arith.addi %add3A_217, %and3A_579 : vector<16xi32>
      %broadcast_in_dim3A_581 = arith.constant 0 : i32
      %broadcast_in_dim3A_582 = vector.broadcast %broadcast_in_dim3A_581 : i32 to vector<16xi32>
      %gather3A_583 = tpu.vector_load_idx %arg9[%broadcast_in_dim3A_582, %add3A_580] : memref<400x32xf32, #tpu.memory_space<vmem>>[vector<16xi32>, vector<16xi32>], vector<16xf32>,
      %broadcast_in_dim3A_584 = arith.constant 0 : i32
      %broadcast_in_dim3A_585 = vector.broadcast %broadcast_in_dim3A_584 : i32 to vector<16xi32>
      %gather3A_586 = tpu.vector_load_idx %arg11[%broadcast_in_dim3A_585, %add3A_580] : memref<400x32xf32, #tpu.memory_space<vmem>>[vector<16xi32>, vector<16xi32>], vector<16xf32>,
      %add3A_587 = arith.addf %gather3A_583, %gather3A_586 : vector<16xf32>
      %max3A_588 = arith.constant 0.000000e+00 : f32
      %max3A_589 = vector.broadcast %max3A_588 : f32 to vector<16xf32>
      %max3A_590 = arith.maximumf %add3A_587, %max3A_589 : vector<16xf32>
      %mul3A_591 = arith.mulf %max3A_590, %get3A_41 : vector<16xf32>
      %add3A_592 = arith.addf %add3A_573, %mul3A_591 : vector<16xf32>
      %add3A_593 = arith.constant 1 : i32
      %add3A_594 = vector.broadcast %add3A_593 : i32 to vector<16xi32>
      %add3A_595 = arith.addi %add3A_576, %add3A_594 : vector<16xi32>
      %and3A_596 = arith.constant 31 : i32
      %and3A_597 = vector.broadcast %and3A_596 : i32 to vector<16xi32>
      %and3A_598 = arith.andi %add3A_595, %and3A_597 : vector<16xi32>
      %add3A_599 = arith.addi %add3A_217, %and3A_598 : vector<16xi32>
      %broadcast_in_dim3A_600 = arith.constant 0 : i32
      %broadcast_in_dim3A_601 = vector.broadcast %broadcast_in_dim3A_600 : i32 to vector<16xi32>
      %gather3A_602 = tpu.vector_load_idx %arg9[%broadcast_in_dim3A_601, %add3A_599] : memref<400x32xf32, #tpu.memory_space<vmem>>[vector<16xi32>, vector<16xi32>], vector<16xf32>,
      %broadcast_in_dim3A_603 = arith.constant 0 : i32
      %broadcast_in_dim3A_604 = vector.broadcast %broadcast_in_dim3A_603 : i32 to vector<16xi32>
      %gather3A_605 = tpu.vector_load_idx %arg11[%broadcast_in_dim3A_604, %add3A_599] : memref<400x32xf32, #tpu.memory_space<vmem>>[vector<16xi32>, vector<16xi32>], vector<16xf32>,
      %add3A_606 = arith.addf %gather3A_602, %gather3A_605 : vector<16xf32>
      %max3A_607 = arith.constant 0.000000e+00 : f32
      %max3A_608 = vector.broadcast %max3A_607 : f32 to vector<16xf32>
      %max3A_609 = arith.maximumf %add3A_606, %max3A_608 : vector<16xf32>
      %mul3A_610 = arith.mulf %max3A_609, %get3A_43 : vector<16xf32>
      %add3A_611 = arith.addf %add3A_592, %mul3A_610 : vector<16xf32>
      %add3A_612 = arith.constant 1 : i32
      %add3A_613 = vector.broadcast %add3A_612 : i32 to vector<16xi32>
      %add3A_614 = arith.addi %add3A_595, %add3A_613 : vector<16xi32>
      %and3A_615 = arith.constant 31 : i32
      %and3A_616 = vector.broadcast %and3A_615 : i32 to vector<16xi32>
      %and3A_617 = arith.andi %add3A_614, %and3A_616 : vector<16xi32>
      %add3A_618 = arith.addi %add3A_217, %and3A_617 : vector<16xi32>
      %broadcast_in_dim3A_619 = arith.constant 0 : i32
      %broadcast_in_dim3A_620 = vector.broadcast %broadcast_in_dim3A_619 : i32 to vector<16xi32>
      %gather3A_621 = tpu.vector_load_idx %arg9[%broadcast_in_dim3A_620, %add3A_618] : memref<400x32xf32, #tpu.memory_space<vmem>>[vector<16xi32>, vector<16xi32>], vector<16xf32>,
      %broadcast_in_dim3A_622 = arith.constant 0 : i32
      %broadcast_in_dim3A_623 = vector.broadcast %broadcast_in_dim3A_622 : i32 to vector<16xi32>
      %gather3A_624 = tpu.vector_load_idx %arg11[%broadcast_in_dim3A_623, %add3A_618] : memref<400x32xf32, #tpu.memory_space<vmem>>[vector<16xi32>, vector<16xi32>], vector<16xf32>,
      %add3A_625 = arith.addf %gather3A_621, %gather3A_624 : vector<16xf32>
      %max3A_626 = arith.constant 0.000000e+00 : f32
      %max3A_627 = vector.broadcast %max3A_626 : f32 to vector<16xf32>
      %max3A_628 = arith.maximumf %add3A_625, %max3A_627 : vector<16xf32>
      %mul3A_629 = arith.mulf %max3A_628, %get3A_45 : vector<16xf32>
      %add3A_630 = arith.addf %add3A_611, %mul3A_629 : vector<16xf32>
      %add3A_631 = arith.constant 1 : i32
      %add3A_632 = vector.broadcast %add3A_631 : i32 to vector<16xi32>
      %add3A_633 = arith.addi %add3A_614, %add3A_632 : vector<16xi32>
      %and3A_634 = arith.constant 31 : i32
      %and3A_635 = vector.broadcast %and3A_634 : i32 to vector<16xi32>
      %and3A_636 = arith.andi %add3A_633, %and3A_635 : vector<16xi32>
      %add3A_637 = arith.addi %add3A_217, %and3A_636 : vector<16xi32>
      %broadcast_in_dim3A_638 = arith.constant 0 : i32
      %broadcast_in_dim3A_639 = vector.broadcast %broadcast_in_dim3A_638 : i32 to vector<16xi32>
      %gather3A_640 = tpu.vector_load_idx %arg9[%broadcast_in_dim3A_639, %add3A_637] : memref<400x32xf32, #tpu.memory_space<vmem>>[vector<16xi32>, vector<16xi32>], vector<16xf32>,
      %broadcast_in_dim3A_641 = arith.constant 0 : i32
      %broadcast_in_dim3A_642 = vector.broadcast %broadcast_in_dim3A_641 : i32 to vector<16xi32>
      %gather3A_643 = tpu.vector_load_idx %arg11[%broadcast_in_dim3A_642, %add3A_637] : memref<400x32xf32, #tpu.memory_space<vmem>>[vector<16xi32>, vector<16xi32>], vector<16xf32>,
      %add3A_644 = arith.addf %gather3A_640, %gather3A_643 : vector<16xf32>
      %max3A_645 = arith.constant 0.000000e+00 : f32
      %max3A_646 = vector.broadcast %max3A_645 : f32 to vector<16xf32>
      %max3A_647 = arith.maximumf %add3A_644, %max3A_646 : vector<16xf32>
      %mul3A_648 = arith.mulf %max3A_647, %get3A_47 : vector<16xf32>
      %add3A_649 = arith.addf %add3A_630, %mul3A_648 : vector<16xf32>
      %add3A_650 = arith.constant 1 : i32
      %add3A_651 = vector.broadcast %add3A_650 : i32 to vector<16xi32>
      %add3A_652 = arith.addi %add3A_633, %add3A_651 : vector<16xi32>
      %and3A_653 = arith.constant 31 : i32
      %and3A_654 = vector.broadcast %and3A_653 : i32 to vector<16xi32>
      %and3A_655 = arith.andi %add3A_652, %and3A_654 : vector<16xi32>
      %add3A_656 = arith.addi %add3A_217, %and3A_655 : vector<16xi32>
      %broadcast_in_dim3A_657 = arith.constant 0 : i32
      %broadcast_in_dim3A_658 = vector.broadcast %broadcast_in_dim3A_657 : i32 to vector<16xi32>
      %gather3A_659 = tpu.vector_load_idx %arg9[%broadcast_in_dim3A_658, %add3A_656] : memref<400x32xf32, #tpu.memory_space<vmem>>[vector<16xi32>, vector<16xi32>], vector<16xf32>,
      %broadcast_in_dim3A_660 = arith.constant 0 : i32
      %broadcast_in_dim3A_661 = vector.broadcast %broadcast_in_dim3A_660 : i32 to vector<16xi32>
      %gather3A_662 = tpu.vector_load_idx %arg11[%broadcast_in_dim3A_661, %add3A_656] : memref<400x32xf32, #tpu.memory_space<vmem>>[vector<16xi32>, vector<16xi32>], vector<16xf32>,
      %add3A_663 = arith.addf %gather3A_659, %gather3A_662 : vector<16xf32>
      %max3A_664 = arith.constant 0.000000e+00 : f32
      %max3A_665 = vector.broadcast %max3A_664 : f32 to vector<16xf32>
      %max3A_666 = arith.maximumf %add3A_663, %max3A_665 : vector<16xf32>
      %mul3A_667 = arith.mulf %max3A_666, %get3A_49 : vector<16xf32>
      %add3A_668 = arith.addf %add3A_649, %mul3A_667 : vector<16xf32>
      %add3A_669 = arith.constant 1 : i32
      %add3A_670 = vector.broadcast %add3A_669 : i32 to vector<16xi32>
      %add3A_671 = arith.addi %add3A_652, %add3A_670 : vector<16xi32>
      %and3A_672 = arith.constant 31 : i32
      %and3A_673 = vector.broadcast %and3A_672 : i32 to vector<16xi32>
      %and3A_674 = arith.andi %add3A_671, %and3A_673 : vector<16xi32>
      %add3A_675 = arith.addi %add3A_217, %and3A_674 : vector<16xi32>
      %broadcast_in_dim3A_676 = arith.constant 0 : i32
      %broadcast_in_dim3A_677 = vector.broadcast %broadcast_in_dim3A_676 : i32 to vector<16xi32>
      %gather3A_678 = tpu.vector_load_idx %arg9[%broadcast_in_dim3A_677, %add3A_675] : memref<400x32xf32, #tpu.memory_space<vmem>>[vector<16xi32>, vector<16xi32>], vector<16xf32>,
      %broadcast_in_dim3A_679 = arith.constant 0 : i32
      %broadcast_in_dim3A_680 = vector.broadcast %broadcast_in_dim3A_679 : i32 to vector<16xi32>
      %gather3A_681 = tpu.vector_load_idx %arg11[%broadcast_in_dim3A_680, %add3A_675] : memref<400x32xf32, #tpu.memory_space<vmem>>[vector<16xi32>, vector<16xi32>], vector<16xf32>,
      %add3A_682 = arith.addf %gather3A_678, %gather3A_681 : vector<16xf32>
      %max3A_683 = arith.constant 0.000000e+00 : f32
      %max3A_684 = vector.broadcast %max3A_683 : f32 to vector<16xf32>
      %max3A_685 = arith.maximumf %add3A_682, %max3A_684 : vector<16xf32>
      %mul3A_686 = arith.mulf %max3A_685, %get3A_51 : vector<16xf32>
      %add3A_687 = arith.addf %add3A_668, %mul3A_686 : vector<16xf32>
      %add3A_688 = arith.constant 1 : i32
      %add3A_689 = vector.broadcast %add3A_688 : i32 to vector<16xi32>
      %add3A_690 = arith.addi %add3A_671, %add3A_689 : vector<16xi32>
      %and3A_691 = arith.constant 31 : i32
      %and3A_692 = vector.broadcast %and3A_691 : i32 to vector<16xi32>
      %and3A_693 = arith.andi %add3A_690, %and3A_692 : vector<16xi32>
      %add3A_694 = arith.addi %add3A_217, %and3A_693 : vector<16xi32>
      %broadcast_in_dim3A_695 = arith.constant 0 : i32
      %broadcast_in_dim3A_696 = vector.broadcast %broadcast_in_dim3A_695 : i32 to vector<16xi32>
      %gather3A_697 = tpu.vector_load_idx %arg9[%broadcast_in_dim3A_696, %add3A_694] : memref<400x32xf32, #tpu.memory_space<vmem>>[vector<16xi32>, vector<16xi32>], vector<16xf32>,
      %broadcast_in_dim3A_698 = arith.constant 0 : i32
      %broadcast_in_dim3A_699 = vector.broadcast %broadcast_in_dim3A_698 : i32 to vector<16xi32>
      %gather3A_700 = tpu.vector_load_idx %arg11[%broadcast_in_dim3A_699, %add3A_694] : memref<400x32xf32, #tpu.memory_space<vmem>>[vector<16xi32>, vector<16xi32>], vector<16xf32>,
      %add3A_701 = arith.addf %gather3A_697, %gather3A_700 : vector<16xf32>
      %max3A_702 = arith.constant 0.000000e+00 : f32
      %max3A_703 = vector.broadcast %max3A_702 : f32 to vector<16xf32>
      %max3A_704 = arith.maximumf %add3A_701, %max3A_703 : vector<16xf32>
      %mul3A_705 = arith.mulf %max3A_704, %get3A_53 : vector<16xf32>
      %add3A_706 = arith.addf %add3A_687, %mul3A_705 : vector<16xf32>
      %add3A_707 = arith.constant 1 : i32
      %add3A_708 = vector.broadcast %add3A_707 : i32 to vector<16xi32>
      %add3A_709 = arith.addi %add3A_690, %add3A_708 : vector<16xi32>
      %and3A_710 = arith.constant 31 : i32
      %and3A_711 = vector.broadcast %and3A_710 : i32 to vector<16xi32>
      %and3A_712 = arith.andi %add3A_709, %and3A_711 : vector<16xi32>
      %add3A_713 = arith.addi %add3A_217, %and3A_712 : vector<16xi32>
      %broadcast_in_dim3A_714 = arith.constant 0 : i32
      %broadcast_in_dim3A_715 = vector.broadcast %broadcast_in_dim3A_714 : i32 to vector<16xi32>
      %gather3A_716 = tpu.vector_load_idx %arg9[%broadcast_in_dim3A_715, %add3A_713] : memref<400x32xf32, #tpu.memory_space<vmem>>[vector<16xi32>, vector<16xi32>], vector<16xf32>,
      %broadcast_in_dim3A_717 = arith.constant 0 : i32
      %broadcast_in_dim3A_718 = vector.broadcast %broadcast_in_dim3A_717 : i32 to vector<16xi32>
      %gather3A_719 = tpu.vector_load_idx %arg11[%broadcast_in_dim3A_718, %add3A_713] : memref<400x32xf32, #tpu.memory_space<vmem>>[vector<16xi32>, vector<16xi32>], vector<16xf32>,
      %add3A_720 = arith.addf %gather3A_716, %gather3A_719 : vector<16xf32>
      %max3A_721 = arith.constant 0.000000e+00 : f32
      %max3A_722 = vector.broadcast %max3A_721 : f32 to vector<16xf32>
      %max3A_723 = arith.maximumf %add3A_720, %max3A_722 : vector<16xf32>
      %mul3A_724 = arith.mulf %max3A_723, %get3A_55 : vector<16xf32>
      %add3A_725 = arith.addf %add3A_706, %mul3A_724 : vector<16xf32>
      %add3A_726 = arith.constant 1 : i32
      %add3A_727 = vector.broadcast %add3A_726 : i32 to vector<16xi32>
      %add3A_728 = arith.addi %add3A_709, %add3A_727 : vector<16xi32>
      %and3A_729 = arith.constant 31 : i32
      %and3A_730 = vector.broadcast %and3A_729 : i32 to vector<16xi32>
      %and3A_731 = arith.andi %add3A_728, %and3A_730 : vector<16xi32>
      %add3A_732 = arith.addi %add3A_217, %and3A_731 : vector<16xi32>
      %broadcast_in_dim3A_733 = arith.constant 0 : i32
      %broadcast_in_dim3A_734 = vector.broadcast %broadcast_in_dim3A_733 : i32 to vector<16xi32>
      %gather3A_735 = tpu.vector_load_idx %arg9[%broadcast_in_dim3A_734, %add3A_732] : memref<400x32xf32, #tpu.memory_space<vmem>>[vector<16xi32>, vector<16xi32>], vector<16xf32>,
      %broadcast_in_dim3A_736 = arith.constant 0 : i32
      %broadcast_in_dim3A_737 = vector.broadcast %broadcast_in_dim3A_736 : i32 to vector<16xi32>
      %gather3A_738 = tpu.vector_load_idx %arg11[%broadcast_in_dim3A_737, %add3A_732] : memref<400x32xf32, #tpu.memory_space<vmem>>[vector<16xi32>, vector<16xi32>], vector<16xf32>,
      %add3A_739 = arith.addf %gather3A_735, %gather3A_738 : vector<16xf32>
      %max3A_740 = arith.constant 0.000000e+00 : f32
      %max3A_741 = vector.broadcast %max3A_740 : f32 to vector<16xf32>
      %max3A_742 = arith.maximumf %add3A_739, %max3A_741 : vector<16xf32>
      %mul3A_743 = arith.mulf %max3A_742, %get3A_57 : vector<16xf32>
      %add3A_744 = arith.addf %add3A_725, %mul3A_743 : vector<16xf32>
      %add3A_745 = arith.constant 1 : i32
      %add3A_746 = vector.broadcast %add3A_745 : i32 to vector<16xi32>
      %add3A_747 = arith.addi %add3A_728, %add3A_746 : vector<16xi32>
      %and3A_748 = arith.constant 31 : i32
      %and3A_749 = vector.broadcast %and3A_748 : i32 to vector<16xi32>
      %and3A_750 = arith.andi %add3A_747, %and3A_749 : vector<16xi32>
      %add3A_751 = arith.addi %add3A_217, %and3A_750 : vector<16xi32>
      %broadcast_in_dim3A_752 = arith.constant 0 : i32
      %broadcast_in_dim3A_753 = vector.broadcast %broadcast_in_dim3A_752 : i32 to vector<16xi32>
      %gather3A_754 = tpu.vector_load_idx %arg9[%broadcast_in_dim3A_753, %add3A_751] : memref<400x32xf32, #tpu.memory_space<vmem>>[vector<16xi32>, vector<16xi32>], vector<16xf32>,
      %broadcast_in_dim3A_755 = arith.constant 0 : i32
      %broadcast_in_dim3A_756 = vector.broadcast %broadcast_in_dim3A_755 : i32 to vector<16xi32>
      %gather3A_757 = tpu.vector_load_idx %arg11[%broadcast_in_dim3A_756, %add3A_751] : memref<400x32xf32, #tpu.memory_space<vmem>>[vector<16xi32>, vector<16xi32>], vector<16xf32>,
      %add3A_758 = arith.addf %gather3A_754, %gather3A_757 : vector<16xf32>
      %max3A_759 = arith.constant 0.000000e+00 : f32
      %max3A_760 = vector.broadcast %max3A_759 : f32 to vector<16xf32>
      %max3A_761 = arith.maximumf %add3A_758, %max3A_760 : vector<16xf32>
      %mul3A_762 = arith.mulf %max3A_761, %get3A_59 : vector<16xf32>
      %add3A_763 = arith.addf %add3A_744, %mul3A_762 : vector<16xf32>
      %add3A_764 = arith.constant 1 : i32
      %add3A_765 = vector.broadcast %add3A_764 : i32 to vector<16xi32>
      %add3A_766 = arith.addi %add3A_747, %add3A_765 : vector<16xi32>
      %and3A_767 = arith.constant 31 : i32
      %and3A_768 = vector.broadcast %and3A_767 : i32 to vector<16xi32>
      %and3A_769 = arith.andi %add3A_766, %and3A_768 : vector<16xi32>
      %add3A_770 = arith.addi %add3A_217, %and3A_769 : vector<16xi32>
      %broadcast_in_dim3A_771 = arith.constant 0 : i32
      %broadcast_in_dim3A_772 = vector.broadcast %broadcast_in_dim3A_771 : i32 to vector<16xi32>
      %gather3A_773 = tpu.vector_load_idx %arg9[%broadcast_in_dim3A_772, %add3A_770] : memref<400x32xf32, #tpu.memory_space<vmem>>[vector<16xi32>, vector<16xi32>], vector<16xf32>,
      %broadcast_in_dim3A_774 = arith.constant 0 : i32
      %broadcast_in_dim3A_775 = vector.broadcast %broadcast_in_dim3A_774 : i32 to vector<16xi32>
      %gather3A_776 = tpu.vector_load_idx %arg11[%broadcast_in_dim3A_775, %add3A_770] : memref<400x32xf32, #tpu.memory_space<vmem>>[vector<16xi32>, vector<16xi32>], vector<16xf32>,
      %add3A_777 = arith.addf %gather3A_773, %gather3A_776 : vector<16xf32>
      %max3A_778 = arith.constant 0.000000e+00 : f32
      %max3A_779 = vector.broadcast %max3A_778 : f32 to vector<16xf32>
      %max3A_780 = arith.maximumf %add3A_777, %max3A_779 : vector<16xf32>
      %mul3A_781 = arith.mulf %max3A_780, %get3A_61 : vector<16xf32>
      %add3A_782 = arith.addf %add3A_763, %mul3A_781 : vector<16xf32>
      %add3A_783 = arith.constant 1 : i32
      %add3A_784 = vector.broadcast %add3A_783 : i32 to vector<16xi32>
      %add3A_785 = arith.addi %add3A_766, %add3A_784 : vector<16xi32>
      %and3A_786 = arith.constant 31 : i32
      %and3A_787 = vector.broadcast %and3A_786 : i32 to vector<16xi32>
      %and3A_788 = arith.andi %add3A_785, %and3A_787 : vector<16xi32>
      %add3A_789 = arith.addi %add3A_217, %and3A_788 : vector<16xi32>
      %broadcast_in_dim3A_790 = arith.constant 0 : i32
      %broadcast_in_dim3A_791 = vector.broadcast %broadcast_in_dim3A_790 : i32 to vector<16xi32>
      %gather3A_792 = tpu.vector_load_idx %arg9[%broadcast_in_dim3A_791, %add3A_789] : memref<400x32xf32, #tpu.memory_space<vmem>>[vector<16xi32>, vector<16xi32>], vector<16xf32>,
      %broadcast_in_dim3A_793 = arith.constant 0 : i32
      %broadcast_in_dim3A_794 = vector.broadcast %broadcast_in_dim3A_793 : i32 to vector<16xi32>
      %gather3A_795 = tpu.vector_load_idx %arg11[%broadcast_in_dim3A_794, %add3A_789] : memref<400x32xf32, #tpu.memory_space<vmem>>[vector<16xi32>, vector<16xi32>], vector<16xf32>,
      %add3A_796 = arith.addf %gather3A_792, %gather3A_795 : vector<16xf32>
      %max3A_797 = arith.constant 0.000000e+00 : f32
      %max3A_798 = vector.broadcast %max3A_797 : f32 to vector<16xf32>
      %max3A_799 = arith.maximumf %add3A_796, %max3A_798 : vector<16xf32>
      %mul3A_800 = arith.mulf %max3A_799, %get3A_63 : vector<16xf32>
      %add3A_801 = arith.addf %add3A_782, %mul3A_800 : vector<16xf32>
      %add3A_802 = arith.constant 1 : i32
      %add3A_803 = vector.broadcast %add3A_802 : i32 to vector<16xi32>
      %add3A_804 = arith.addi %add3A_785, %add3A_803 : vector<16xi32>
      %and3A_805 = arith.constant 31 : i32
      %and3A_806 = vector.broadcast %and3A_805 : i32 to vector<16xi32>
      %and3A_807 = arith.andi %add3A_804, %and3A_806 : vector<16xi32>
      %add3A_808 = arith.addi %add3A_217, %and3A_807 : vector<16xi32>
      %broadcast_in_dim3A_809 = arith.constant 0 : i32
      %broadcast_in_dim3A_810 = vector.broadcast %broadcast_in_dim3A_809 : i32 to vector<16xi32>
      %gather3A_811 = tpu.vector_load_idx %arg9[%broadcast_in_dim3A_810, %add3A_808] : memref<400x32xf32, #tpu.memory_space<vmem>>[vector<16xi32>, vector<16xi32>], vector<16xf32>,
      %broadcast_in_dim3A_812 = arith.constant 0 : i32
      %broadcast_in_dim3A_813 = vector.broadcast %broadcast_in_dim3A_812 : i32 to vector<16xi32>
      %gather3A_814 = tpu.vector_load_idx %arg11[%broadcast_in_dim3A_813, %add3A_808] : memref<400x32xf32, #tpu.memory_space<vmem>>[vector<16xi32>, vector<16xi32>], vector<16xf32>,
      %add3A_815 = arith.addf %gather3A_811, %gather3A_814 : vector<16xf32>
      %max3A_816 = arith.constant 0.000000e+00 : f32
      %max3A_817 = vector.broadcast %max3A_816 : f32 to vector<16xf32>
      %max3A_818 = arith.maximumf %add3A_815, %max3A_817 : vector<16xf32>
      %mul3A_819 = arith.mulf %max3A_818, %get3A_65 : vector<16xf32>
      %add3A_820 = arith.addf %add3A_801, %mul3A_819 : vector<16xf32>
      %add3A_821 = arith.constant 800 : i32
      %add3A_822 = arith.addi %add3A_821, %mul3A_213 : i32
      %get3A_823 = arith.index_cast %add3A_822 : i32 to index
      %get3A_824 = tpu.vector_load %arg7[%get3A_823] {strides = array<i32>} : memref<1600xi32, #tpu.memory_space<vmem>>, vector<16xi32>,
      %bitcast3A = vector.bitcast %get3A_824 : vector<16xi32> to vector<16xf32>
      %add3A_825 = arith.constant 1200 : i32
      %add3A_826 = arith.addi %add3A_825, %mul3A_213 : i32
      %get3A_827 = arith.index_cast %add3A_826 : i32 to index
      %get3A_828 = tpu.vector_load %arg7[%get3A_827] {strides = array<i32>} : memref<1600xi32, #tpu.memory_space<vmem>>, vector<16xi32>,
      %bitcast3A_829 = vector.bitcast %get3A_828 : vector<16xi32> to vector<16xf32>
      %add3A_830 = arith.addf %add3A_820, %bitcast3A : vector<16xf32>
      %max3A_831 = arith.constant -4.595120e+00 : f32
      %max3A_832 = vector.broadcast %max3A_831 : f32 to vector<16xf32>
      %max3A_833 = arith.maximumf %add3A_830, %max3A_832 : vector<16xf32>
      %min3A = arith.constant 4.59512091 : f32
      %min3A_834 = vector.broadcast %min3A : f32 to vector<16xf32>
      %min3A_835 = arith.minimumf %max3A_833, %min3A_834 : vector<16xf32>
      %add3A_836 = arith.addf %min3A_835, %bitcast3A_829 : vector<16xf32>
      %div3A = arith.constant 0.899999976 : f32
      %div3A_837 = vector.broadcast %div3A : f32 to vector<16xf32>
      %div3A_838 = arith.divf %add3A_836, %div3A_837 : vector<16xf32>
      %neg3A = arith.constant 0.000000e+00 : f32
      %neg3A_839 = vector.broadcast %neg3A : f32 to vector<16xf32>
      %neg3A_840 = arith.subf %neg3A_839, %div3A_838 : vector<16xf32>
      %exp3A = math.exp %neg3A_840 : vector<16xf32>
      %add3A_841 = arith.constant 1.000000e+00 : f32
      %add3A_842 = vector.broadcast %add3A_841 : f32 to vector<16xf32>
      %add3A_843 = arith.addf %add3A_842, %exp3A : vector<16xf32>
      %div3A_844 = arith.constant 1.000000e+00 : f32
      %div3A_845 = vector.broadcast %div3A_844 : f32 to vector<16xf32>
      %div3A_846 = arith.divf %div3A_845, %add3A_843 : vector<16xf32>
      %ne3A = arith.constant 0.000000e+00 : f32
      %ne3A_847 = vector.broadcast %ne3A : f32 to vector<16xf32>
      %ne3A_848 = arith.cmpf one, %div3A_846, %ne3A_847 : vector<16xf32>
      %get3A_849 = arith.index_cast %mul3A_213 : i32 to index
      %get3A_850 = tpu.vector_load %arg7[%get3A_849] {strides = array<i32>} : memref<1600xi32, #tpu.memory_space<vmem>>, vector<16xi32>,
      %add3A_851 = arith.constant 400 : i32
      %add3A_852 = arith.addi %add3A_851, %mul3A_213 : i32
      %get3A_853 = arith.index_cast %add3A_852 : i32 to index
      %get3A_854 = tpu.vector_load %arg7[%get3A_853] {strides = array<i32>} : memref<1600xi32, #tpu.memory_space<vmem>>, vector<16xi32>,
      %bitcast3A_855 = vector.bitcast %div3A_846 : vector<16xf32> to vector<16xi32>
      %swap3A = arith.index_cast %mul3A_213 : i32 to index
      %swap3A_856 = tpu.vector_load %arg13[%swap3A] {strides = array<i32>} : memref<1200xi32, #tpu.memory_space<vmem>>, vector<16xi32>,
      tpu.vector_store %arg13[%swap3A], %bitcast3A_855 {strides = array<i32>} : memref<1200xi32, #tpu.memory_space<vmem>>, vector<16xi32>,
      %jit3A = arith.constant -1 : i32
      %broadcast_in_dim3A_857 = vector.broadcast %jit3A : i32 to vector<16xi32>
      %select_n3A = arith.select %ne3A_848, %get3A_850, %broadcast_in_dim3A_857 : vector<16xi1>, vector<16xi32>
      %add3A_858 = arith.constant 400 : i32
      %add3A_859 = arith.addi %add3A_858, %mul3A_213 : i32
      %swap3A_860 = arith.index_cast %add3A_859 : i32 to index
      %swap3A_861 = tpu.vector_load %arg13[%swap3A_860] {strides = array<i32>} : memref<1200xi32, #tpu.memory_space<vmem>>, vector<16xi32>,
      tpu.vector_store %arg13[%swap3A_860], %select_n3A {strides = array<i32>} : memref<1200xi32, #tpu.memory_space<vmem>>, vector<16xi32>,
      %jit3A_862 = arith.constant -1 : i32
      %broadcast_in_dim3A_863 = vector.broadcast %jit3A_862 : i32 to vector<16xi32>
      %select_n3A_864 = arith.select %ne3A_848, %get3A_854, %broadcast_in_dim3A_863 : vector<16xi1>, vector<16xi32>
      %add3A_865 = arith.constant 800 : i32
      %add3A_866 = arith.addi %add3A_865, %mul3A_213 : i32
      %swap3A_867 = arith.index_cast %add3A_866 : i32 to index
      %swap3A_868 = tpu.vector_load %arg13[%swap3A_867] {strides = array<i32>} : memref<1200xi32, #tpu.memory_space<vmem>>, vector<16xi32>,
      tpu.vector_store %arg13[%swap3A_867], %select_n3A_864 {strides = array<i32>} : memref<1200xi32, #tpu.memory_space<vmem>>, vector<16xi32>,
    }
    %scan3A_190 = arith.constant 25 : i32
    %mul3A_191 = arith.constant 1200 : i32
    %mul3A_192 = arith.muli %add3A_167, %mul3A_191 : i32
    %dma_start3A_193 = tpu.memref_slice %arg6[%mul3A_192] : memref<960000xi32, #tpu.memory_space<hbm>> -> memref<1200xi32, #tpu.memory_space<hbm>>
    %dma_start3A_194 = tpu.memref_slice %arg6[%mul3A_192] : memref<960000xi32, #tpu.memory_space<hbm>> -> memref<1200xi32, #tpu.memory_space<hbm>>
    tpu.enqueue_dma source(%arg13 : memref<1200xi32, #tpu.memory_space<vmem>>) target(%dma_start3A_194 : memref<1200xi32, #tpu.memory_space<hbm>>) target_semaphore(%arg22 : memref<!tpu.dma_semaphore, #tpu.memory_space<semaphore_mem>>)
    %add3A_195 = arith.constant 25 : i32
    %add3A_196 = arith.addi %mul3A_2, %add3A_195 : i32
    %sub3A_197 = arith.constant 2 : i32
    %sub3A_198 = arith.subi %add3A_196, %sub3A_197 : i32
    %mul3A_199 = arith.constant 1200 : i32
    %mul3A_200 = arith.muli %sub3A_198, %mul3A_199 : i32
    %dma_wait3A_201 = tpu.memref_slice %arg6[%mul3A_200] : memref<960000xi32, #tpu.memory_space<hbm>> -> memref<1200xi32, #tpu.memory_space<hbm>>
    %dma_wait3A_202 = tpu.memref_slice %arg6[%mul3A_200] : memref<960000xi32, #tpu.memory_space<hbm>> -> memref<1200xi32, #tpu.memory_space<hbm>>
    tpu.wait_dma2 semaphore(%arg23 : memref<!tpu.dma_semaphore, #tpu.memory_space<semaphore_mem>>) src(%arg14 : memref<1200xi32, #tpu.memory_space<vmem>>) dst(%dma_wait3A_202 : memref<1200xi32, #tpu.memory_space<hbm>>)
    %add3A_203 = arith.constant 25 : i32
    %add3A_204 = arith.addi %mul3A_2, %add3A_203 : i32
    %sub3A_205 = arith.constant 1 : i32
    %sub3A_206 = arith.subi %add3A_204, %sub3A_205 : i32
    %mul3A_207 = arith.constant 1200 : i32
    %mul3A_208 = arith.muli %sub3A_206, %mul3A_207 : i32
    %dma_wait3A_209 = tpu.memref_slice %arg6[%mul3A_208] : memref<960000xi32, #tpu.memory_space<hbm>> -> memref<1200xi32, #tpu.memory_space<hbm>>
    %dma_wait3A_210 = tpu.memref_slice %arg6[%mul3A_208] : memref<960000xi32, #tpu.memory_space<hbm>> -> memref<1200xi32, #tpu.memory_space<hbm>>
    tpu.wait_dma2 semaphore(%arg22 : memref<!tpu.dma_semaphore, #tpu.memory_space<semaphore_mem>>) src(%arg13 : memref<1200xi32, #tpu.memory_space<vmem>>) dst(%dma_wait3A_210 : memref<1200xi32, #tpu.memory_space<hbm>>)
    return
  }
}

module attributes {stable_mosaic.version = 14 : i64} {
  func.func @_tc_tables_body(%arg0: i32, %arg1: memref<1000x128xf32, #tpu.memory_space<vmem>>, %arg2: memref<128x32xf32, #tpu.memory_space<vmem>>, %arg3: memref<128x32xf32, #tpu.memory_space<vmem>>, %arg4: memref<1x32xf32, #tpu.memory_space<vmem>>, %arg5: memref<1000x32xf32, #tpu.memory_space<vmem>>, %arg6: memref<1000x32xf32, #tpu.memory_space<vmem>>) attributes {dimension_semantics = [#tpu.dimension_semantics<arbitrary>], iteration_bounds = array<i64: 10>, scalar_prefetch = 0 : i64, scratch_operands = 0 : i64, tpu.core_type = #tpu.core_type<tc>, window_params = [{transform_indices = @transform_0, window_bounds = array<i64: 1000, 128>}, {pipeline_mode = #tpu.pipeline_mode<synchronous>, transform_indices = @transform_1, window_bounds = array<i64: 128, 32>}, {pipeline_mode = #tpu.pipeline_mode<synchronous>, transform_indices = @transform_2, window_bounds = array<i64: 128, 32>}, {pipeline_mode = #tpu.pipeline_mode<synchronous>, transform_indices = @transform_3, window_bounds = array<i64: 1, 32>}, {transform_indices = @transform_4, window_bounds = array<i64: 1000, 32>}, {transform_indices = @transform_5, window_bounds = array<i64: 1000, 32>}]} {
    %get3A = arith.constant 0 : index
    %get3A_0 = arith.constant 0 : index
    %get3A_1 = vector.load %arg1[%get3A, %get3A_0] : memref<1000x128xf32, #tpu.memory_space<vmem>>, vector<1000x128xf32>
    %get3A_2 = arith.constant 0 : index
    %get3A_3 = arith.constant 0 : index
    %get3A_4 = vector.load %arg2[%get3A_2, %get3A_3] : memref<128x32xf32, #tpu.memory_space<vmem>>, vector<128x32xf32>
    %dot_general3A = arith.constant dense<0.000000e+00> : vector<1000x32xf32>
    %dot_general3A_5 = tpu.matmul %get3A_1, %get3A_4, %dot_general3A {dimension_numbers = #tpu.dot_dimension_numbers<[1], [0], [0], [1], [0, 0, 1, 1], [], []>, transpose_lhs_hint = false} : vector<1000x128xf32>, vector<128x32xf32>, vector<1000x32xf32> -> vector<1000x32xf32>
    %swap3A = arith.constant 0 : index
    %swap3A_6 = arith.constant 0 : index
    %swap3A_7 = vector.load %arg5[%swap3A, %swap3A_6] : memref<1000x32xf32, #tpu.memory_space<vmem>>, vector<1000x32xf32>
    tpu.vector_store %arg5[%swap3A, %swap3A_6], %dot_general3A_5 {strides = array<i32>} : memref<1000x32xf32, #tpu.memory_space<vmem>>, vector<1000x32xf32>,
    %get3A_8 = arith.constant 0 : index
    %get3A_9 = arith.constant 0 : index
    %get3A_10 = vector.load %arg3[%get3A_8, %get3A_9] : memref<128x32xf32, #tpu.memory_space<vmem>>, vector<128x32xf32>
    %dot_general3A_11 = arith.constant dense<0.000000e+00> : vector<1000x32xf32>
    %dot_general3A_12 = tpu.matmul %get3A_1, %get3A_10, %dot_general3A_11 {dimension_numbers = #tpu.dot_dimension_numbers<[1], [0], [0], [1], [0, 0, 1, 1], [], []>, transpose_lhs_hint = false} : vector<1000x128xf32>, vector<128x32xf32>, vector<1000x32xf32> -> vector<1000x32xf32>
    %get3A_13 = arith.constant 0 : index
    %get3A_14 = arith.constant 0 : index
    %get3A_15 = vector.load %arg4[%get3A_13, %get3A_14] : memref<1x32xf32, #tpu.memory_space<vmem>>, vector<1x32xf32>
    %add3A = vector.broadcast %get3A_15 : vector<1x32xf32> to vector<1000x32xf32>
    %add3A_16 = arith.addf %dot_general3A_12, %add3A : vector<1000x32xf32>
    %swap3A_17 = arith.constant 0 : index
    %swap3A_18 = arith.constant 0 : index
    %swap3A_19 = vector.load %arg6[%swap3A_17, %swap3A_18] : memref<1000x32xf32, #tpu.memory_space<vmem>>, vector<1000x32xf32>
    tpu.vector_store %arg6[%swap3A_17, %swap3A_18], %add3A_16 {strides = array<i32>} : memref<1000x32xf32, #tpu.memory_space<vmem>>, vector<1000x32xf32>,
    return
  }
  func.func @transform_0(%arg0: i32) -> (i32, i32) {
    %c0_i32 = arith.constant 0 : i32
    %c0_i32_0 = arith.constant 0 : i32
    return %arg0, %c0_i32 : i32, i32
  }
  func.func @transform_1(%arg0: i32) -> (i32, i32) {
    %c0_i32 = arith.constant 0 : i32
    %c0_i32_0 = arith.constant 0 : i32
    %c0_i32_1 = arith.constant 0 : i32
    return %c0_i32, %c0_i32_0 : i32, i32
  }
  func.func @transform_2(%arg0: i32) -> (i32, i32) {
    %c0_i32 = arith.constant 0 : i32
    %c0_i32_0 = arith.constant 0 : i32
    %c0_i32_1 = arith.constant 0 : i32
    return %c0_i32, %c0_i32_0 : i32, i32
  }
  func.func @transform_3(%arg0: i32) -> (i32, i32) {
    %c0_i32 = arith.constant 0 : i32
    %c0_i32_0 = arith.constant 0 : i32
    %c0_i32_1 = arith.constant 0 : i32
    return %c0_i32, %c0_i32_0 : i32, i32
  }
  func.func @transform_4(%arg0: i32) -> (i32, i32) {
    %c0_i32 = arith.constant 0 : i32
    %c0_i32_0 = arith.constant 0 : i32
    return %arg0, %c0_i32 : i32, i32
  }
  func.func @transform_5(%arg0: i32) -> (i32, i32) {
    %c0_i32 = arith.constant 0 : i32
    %c0_i32_0 = arith.constant 0 : i32
    return %arg0, %c0_i32 : i32, i32
  }
}

</mosaic_0001>

<sc_bundles>
// kernel: kernel.4.cloned.1.call-start
scs
__scs_entry_jumppad:
0x0: {  	(pc) =	sbr.rel $0x88, $3  }
0x1: {  	(tag) =	ssettag $0x0;
	lr =	simm.s32 $0x1  }
0x2: {  	[smem:$0x3F9B] =	sst lr;
	_ =	strace $0xD0000000  }
0x3: {  	_ = 	snop  }
0x4: {  	_ = 	snop  }
0x5: {  	_ = 	snop  }
0x6: {  	_ = 	snop  }
0x7: {  	_ = 	snop  }
__scs_overlays_trampoline_lowered:
0x8: {  	[smem:$0x3FAA] =	sst s0  }
0x9: {  	[smem:$0x3FAB] =	sst s1  }
0xa: {  	[smem:$0x3FAC] =	sst s2  }
0xb: {  	[smem:$0x3FAD] =	sst s3  }
0xc: {  	[smem:$0x3FAE] =	sst s4  }
0xd: {  	[smem:$0x3FAF] =	sst s5  }
0xe: {  	[smem:$0x3FB0] =	sst s6  }
0xf: {  	[smem:$0x3FB1] =	sst s7  }
0x10: {  	[smem:$0x3FB2] =	sst s8  }
0x11: {  	[smem:$0x3FB3] =	sst s9;
	s0 =	simm.s32 @!p0 $0x0  }
0x12: {  	s1 =	sld [smem:$0x3F99];
	s0 =	simm.s32 @p0 $0x1  }
0x13: {  	[smem:$0x3FB4] =	sst s0;
	s0 =	simm.s32 @!p1 $0x0  }
0x14: {  	s2 =	sld [smem:$0x3F98];
	s0 =	simm.s32 @p1 $0x1  }
0x15: {  	[smem:$0x3FB5] =	sst s0;
	s0 =	simm.s32 @!p2 $0x0  }
0x16: {  	s3 =	sld [smem:$0x3FDB];
	s0 =	simm.s32 @p2 $0x1  }
0x17: {  	s4 =	simm.s32 $0x1BF5;
	[smem:$0x3FB7] =	sst s0  }
0x18: {  	s0 =	sld [smem:$0x3F9A];
	_ =	swait.ge [sflag:s4], $0x0  }
0x19: {  	s7 =	sld [smem:$0x3F9B]  }
0x1a: {  	s8 =	sadd.s32 $0xFFFFE003, lr  }
0x1b: {  	s9 =	sadd.s32 $0xFFFFFEF7, lr;
	s5 =	simm.s32 $0xFFFFFFFF;
	p2 =	slt.u32 s8, $0xFFFFF086  }
0x1c: {  	p1 =	slt.u32 s9, $0xF7A;
	s5 =	simm.s32 @!p2 $0x0  }
0x1d: {  	s5 =	simm.s32 @p1 $0x1;
	p0 =	seq.s32 s7, s2  }
0x1e: {  	s7 =	smul.u32 @!p0 $0xF7A, s2;
	p2 =	seq.s32 @!p0 s5, $0x0  }
0x1f: {  	s9 =	smul.u32 $0xF7A, s1;
	s8 =	simm.s32 @!p0 $0x1BF5;
	p2 =	por !p2, p0  }
0x20: {  	[sflag:s8] =	ssyncset.s32 @!p0 $0xFFFFF086;
	s6 =	sadd.s32 @!p0 s3, s7;
	s7 =	simm.s32 @!p0 $0x108  }
0x21: {  	s3 =	sadd.s32 s3, s9;
	s6 =	sadd.s32 @!p0 $0x88, s6;
	s7 =	simm.s32 @p2 $0x1082  }
0x22: {  	[simem:s7], [sflag:s8] =	dma.local @!p0 [hbm:s6], $0xF7A  }
0x23: {  	s9 =	sor.u32 $0xD0000000, s2;
	s6 =	simm.s32 $0x108;
	_ =	swait.ge @!p0 [sflag:s8], $0x0  }
0x24: {  	s3 =	sadd.s32 $0x88, s3;
	s6 =	simm.s32 @!p1 $0x1082;
	[sflag:s4] =	ssyncset.s32 $0xFFFFF086  }
0x25: {  	[simem:s6], [sflag:s4] =	dma.local [hbm:s3], $0xF7A  }
0x26: {  	[smem:$0x3F9B] =	sst s1;
	(tag) =	ssettag s2;
	_ =	strace s9  }
0x27: {  	s1 =	sld [smem:$0x3FAB]  }
0x28: {  	s2 =	sld [smem:$0x3FAC]  }
0x29: {  	s4 =	sld [smem:$0x3FAE]  }
0x2a: {  	p0 =	seq.s32 s5, $0x0;
	s5 =	sld [smem:$0x3FAF]  }
0x2b: {  	s6 =	sld [smem:$0x3FB0]  }
0x2c: {  	s7 =	sld [smem:$0x3FB1]  }
0x2d: {  	s3 =	simm.s32 $0x108;
	s8 =	sld [smem:$0x3FB2]  }
0x2e: {  	s3 =	simm.s32 @!p0 $0x1082;
	s9 =	sld [smem:$0x3FB3]  }
0x2f: {  	lr =	sadd.s32 s0, s3;
	s0 =	sld [smem:$0x3FAA]  }
0x30: {  	s3 =	sld [smem:$0x3FAD]  }
0x31: {  	[smem:$0x3FB6] =	sst s10  }
0x32: {  	s10 =	sld [smem:$0x3FB4];
	_ =	sdelay $0x3  }
0x33: {  	p0 =	seq.s32 s10, $0x1;
	s10 =	sld [smem:$0x3FB6];
	_ =	sdelay $0x3  }
0x34: {  	[smem:$0x3FB6] =	sst s10  }
0x35: {  	s10 =	sld [smem:$0x3FB5];
	_ =	sdelay $0x3  }
0x36: {  	p1 =	seq.s32 s10, $0x1;
	s10 =	sld [smem:$0x3FB6];
	_ =	sdelay $0x3  }
0x37: {  	[smem:$0x3FB6] =	sst s10  }
0x38: {  	s10 =	sld [smem:$0x3FB7]  }
0x39: {  	_ = 	snop;
	(pc) =	sbr.ind lr, $3  }
0x3a: {  	_ = 	snop  }
0x3b: {  	_ = 	snop  }
0x3c: {  	p2 =	seq.s32 s10, $0x1;
	s10 =	sld [smem:$0x3FB6]  }
0x3d: {  	_ =	shalt  }
0x3e: {  	_ =	shalt  }
0x3f: {  	_ =	shalt  }
0x40: {  	_ =	shalt  }
0x41: {  	_ =	shalt  }
0x42: {  	_ =	shalt  }
0x43: {  	_ =	shalt  }
0x44: {  	_ =	shalt  }
0x45: {  	_ =	shalt  }
0x46: {  	_ =	shalt  }
0x47: {  	_ =	shalt  }
0x48: {  	_ =	shalt  }
0x49: {  	_ =	shalt  }
0x4a: {  	_ =	shalt  }
0x4b: {  	_ =	shalt  }
0x4c: {  	_ =	shalt  }
0x4d: {  	_ =	shalt  }
0x4e: {  	_ =	shalt  }
0x4f: {  	_ =	shalt  }
0x50: {  	_ =	shalt  }
0x51: {  	_ =	shalt  }
0x52: {  	_ =	shalt  }
0x53: {  	_ =	shalt  }
0x54: {  	_ =	shalt  }
0x55: {  	_ =	shalt  }
0x56: {  	_ =	shalt  }
0x57: {  	_ =	shalt  }
0x58: {  	_ =	shalt  }
0x59: {  	_ =	shalt  }
0x5a: {  	_ =	shalt  }
0x5b: {  	_ =	shalt  }
0x5c: {  	_ =	shalt  }
0x5d: {  	_ =	shalt  }
0x5e: {  	_ =	shalt  }
0x5f: {  	_ =	shalt  }
0x60: {  	_ =	shalt  }
0x61: {  	_ =	shalt  }
0x62: {  	_ =	shalt  }
0x63: {  	_ =	shalt  }
0x64: {  	_ =	shalt  }
0x65: {  	_ =	shalt  }
0x66: {  	_ =	shalt  }
0x67: {  	_ =	shalt  }
0x68: {  	_ =	shalt  }
0x69: {  	_ =	shalt  }
0x6a: {  	_ =	shalt  }
0x6b: {  	_ =	shalt  }
0x6c: {  	_ =	shalt  }
0x6d: {  	_ =	shalt  }
0x6e: {  	_ =	shalt  }
0x6f: {  	_ =	shalt  }
0x70: {  	_ =	shalt  }
0x71: {  	_ =	shalt  }
0x72: {  	_ =	shalt  }
0x73: {  	_ =	shalt  }
0x74: {  	_ =	shalt  }
0x75: {  	_ =	shalt  }
0x76: {  	_ =	shalt  }
0x77: {  	_ =	shalt  }
0x78: {  	_ =	shalt  }
0x79: {  	_ =	shalt  }
0x7a: {  	_ =	shalt  }
0x7b: {  	_ =	shalt  }
0x7c: {  	_ =	shalt  }
0x7d: {  	_ =	shalt  }
0x7e: {  	_ =	shalt  }
0x7f: {  	_ =	shalt  }
0x80: {  	_ =	shalt  }
0x81: {  	_ =	shalt  }
0x82: {  	_ =	shalt  }
0x83: {  	_ =	shalt  }
0x84: {  	_ =	shalt  }
0x85: {  	_ =	shalt  }
0x86: {  	_ =	shalt  }
0x87: {  	_ =	shalt  }
.Lfunc_end0:
.L_simem_size_0:
called_computation_lowered:
.L_overlay_start_0:
0x88: {  	s2 =	sld [smem:$0x3FD9]  }
0x89: {  	s3 =	sld [smem:$0x3FFE];
	_ =	sdelay $0x1  }
0x8a: {  	s1 =	srdreg.scid  }
0x8b: {  	s0 =	sand.u32 $0x1, s1  }
0x8c: {  	s14 =	sshll.u32 s0, $0xA;
	s2 =	sadd.s32 s3, s2  }
0x8d: {  	s2 =	sadd.s32 s2, s14  }
0x8e: {  	[smem:$0x3FC2] =	sst s2  }
0x8f: {  	_ = 	snop  }
0x90: {  	s2 =	sld [smem:$0x3FD0];
	_ =	sdelay $0x2  }
0x91: {  	s15 =	simm.s32 $0xA;
	s4 =	simm.s32 $0x10  }
0x92: {  	[smem:s4], [sflag:s15] =	dma.local [hbm:s2], $0x1  }
0x93: {  	_ =	swait.eq [sflag:s15], $0x1  }
0x94: {  	s16 =	sld [smem:$0x10];
	[sflag:s15] =	ssyncset.done $0x0  }
0x95: {  	s17 =	sld [smem:$0x11];
	[sflag:s15] =	ssyncadd.s32 $0xFFFFFFFF  }
0x96: {  	s18 =	sld [smem:$0x12];
	(tm) =	ssettm $0x1  }
0x97: {  	s5 =	sld [smem:$0x3FFB];
	_ =	sdelay $0x3  }
0x98: {  	_ =	strace s5  }
0x99: {  	s5 =	sld [smem:$0x3FFC];
	_ =	sdelay $0x3  }
0x9a: {  	_ =	strace s5  }
0x9b: {  	s5 =	sld [smem:$0x3FFD];
	_ =	sdelay $0x3  }
0x9c: {  	_ =	strace s5  }
0x9d: {  	_ =	strace $0x8FFFFFFF  }
0x9e: {  	s19 =	sld [smem:$0x3FDB];
	_ =	sdelay $0x1  }
0x9f: {  	s6 =	simm.s32 $_scs_section_size  }
0xa0: {  	s7 =	simm.s32 $_size__tile_overlayer_lowered;
	s8 =	simm.s32 $_tile_overlayer_lowered  }
0xa1: {  	s22 =	simm.s32 $0x1BFF;
	s21 =	sshll.u32 s8, $0x1;
	s5 =	sadd.s32 s6, s19  }
0xa2: {  	s9 =	simm.s32 $0x0;
	s20 =	sshll.u32 s7, $0x1;
	s7 =	sadd.s32 s21, s5  }
0xa3: {  	[timem:s9], [sflag:s22] =	dma.local [hbm:s7], s20  }
0xa4: {  	_ =	swait.ge [sflag:s22], s20  }
0xa5: {  	s6 =	ssub.s32 $0x0, s20;
	[sflag:s22] =	ssyncset.done $0x0  }
0xa6: {  	[sflag:s22] =	ssyncadd.s32 s6;
	_ =	sdelay $0x1  }
0xa7: {  	s23 =	simm.s32 $0x1B8B  }
0xa8: {  	_ =	swait.ge [sflag:s23], $0x1  }
0xa9: {  	[sflag:s23] =	ssyncset.done $0x0  }
0xaa: {  	s25 =	simm.s32 $0x1B8E;
	s24 =	sld [smem:$0x3FFE];
	[sflag:s23] =	ssyncadd.s32 $0xFFFFFFFF  }
0xab: {  	s26 =	simm.s32 $execute0_lowered;
	[smem:$0x3FD2] =	sst s25  }
0xac: {  	s7 =	sshll.u32 s26, $0x1;
	_ =	strace $0x80000046;
	[dreg:$0x1] =	wrdreg $0xFFFFFFFF  }
0xad: {  	s28 =	simm.s32 $_size_execute0_lowered;
	s5 =	sadd.s32 s5, s7;
	[dreg:$0x0] =	wrdreg $0x0  }
0xae: {  	s7 =	sshll.u32 s28, $0x1;
	[dreg:$0x2] =	wrdreg s5  }
0xaf: {  	[dreg:$0x3] =	wrdreg s7  }
0xb0: {  	[dreg:$0x4] =	wrdreg $0xC0  }
0xb1: {  	_ =	task [dreg:s9], $0x5FFFF  }
0xb2: {  	[dreg:$0x1] =	wrdreg $0xFFFFFFFF  }
0xb3: {  	[dreg:$0x0] =	wrdreg $0x60  }
0xb4: {  	[dreg:$0x2] =	wrdreg s18  }
0xb5: {  	[dreg:$0x3] =	wrdreg s17  }
0xb6: {  	[dreg:$0x4] =	wrdreg s24  }
0xb7: {  	[dreg:$0x5] =	wrdreg s16  }
0xb8: {  	[dreg:$0x6] =	wrdreg $0x9  }
0xb9: {  	_ =	task.clear_ibuf [dreg:s9], $0x7FFFF;
	_ =	strace $0x90000046  }
0xba: {  	s29 =	simm.s32 $0x9;
	_ =	strace $0x80000048  }
0xbb: {  	_ =	swait.ge [sflag:s29], $0x1  }
0xbc: {  	[sflag:s29] =	ssyncadd.s32 $0xFFFFFFFF  }
0xbd: {  	_ =	strace $0x90000048  }
0xbe: {  	_ =	sfence  }
0xbf: {  	s30 =	sld [smem:$0x0];
	_ =	sdelay $0x2  }
0xc0: {  	s31 =	sshll.u32 s1, $0xD;
	s1 =	sshrl.u32 s1, $0x2  }
0xc1: {  	s3 =	sand.u32 $0x4000, s31;
	s1 =	sadd.s32 s1, s30  }
0xc2: {  	s0 =	sor.u32 s3, s0;
	s1 =	sshll.u32 s1, $0x11  }
0xc3: {  	s0 =	sor.u32 s1, s0  }
0xc4: {  	s0 =	sadd.s32 $0x8F2B, s0  }
0xc5: {  	[sflag:s0] =	ssyncadd.remote.s32 $0x1  }
0xc6: {  	_ =	sfence.sel $0xFFFF  }
0xc7: {  	[dreg:$0x0] =	wrdreg $0xFFFFFFFF;
	(pc) =	sbr.abs _section_cstart, $3  }
0xc8: {  	[dreg:$0x1] =	wrdreg $0xFFFFFFFF  }
0xc9: {  	_ =	task.clear_ibuf [dreg:s9], $0x2FFFF;
	_ =	strace $0x9FFFFFFF  }
0xca: {  	(tm) =	ssettm $0x7FFFFFFF  }
0xcb: {  	_ =	shalt  }
tec
execute0_lowered:
.L_overlay_start_1:
0x0: {  	(tag) =	ssettag $0x1  }
0x1: {  	v0 =	vlaneseq.u32;
	v40 =	vimm.f32 $8.999999760e-01  }
0x2: {  	v46 =	vimm.s32 $0x74533211;
	v47 =	vimm.s32 $0xF8D7B695;
	vm8 =	vcmask $0xF00  }
0x3: {  	vm7 =	vcmask $0x1F10;
	vm6 =	vcmask $0x2320;
	vm5 =	vcmask $0x2724  }
0x4: {  	vm4 =	vcmask $0x2B28;
	v54 =	vimm.s32 $0x75543312;
	vm3 =	vcmask $0x2F2C  }
0x5: {  	v55 =	vimm.s32 $0xF9D8B796;
	vm1 =	vcmask $0x3330;
	vm0 =	vcmask $0x3734  }
0x6: {  	v56 =	vimm.s32 $0x76553413;
	v57 =	vimm.s32 $0xFAD9B897;
	v61 =	vimm.s32 $0x77563514  }
0x7: {  	v62 =	vimm.s32 $0xFBDAB998;
	v6 =	vimm.s32 $0x78573615;
	v7 =	vimm.s32 $0xFCDBBA99  }
0x8: {  	s1 =	rddreg [dreg:$0x0];
	v11 =	vimm.s32 $0x79583716;
	v20 =	vimm.s32 $0xFDDCBB9A;
	v13 =	vmul.u32 $0x21, v0  }
0x9: {  	s2 =	rddreg [dreg:$0x1];
	s5 =	simm.s32 $0x0;
	v24 =	vimm.s32 $0x7A593817;
	v25 =	vimm.s32 $0xFEDDBC9B;
	v29 =	vimm.s32 $0x7B5A3918  }
0xa: {  	v30 =	vimm.s32 $0xFFDEBD9C;
	v34 =	vimm.s32 $0x7C5B3A19;
	[smem:$0x7FF] =	sst s5;
	v44 =	vadd.s32 $0x5, v13  }
0xb: {  	s3 =	rddreg [dreg:$0x2];
	vm2 =	vcmask $0x3B38;
	v35 =	vimm.s32 $0xE0DFBE9D;
	_ =	strace $0x80000047;
	v45 =	vadd.s32 $0x6, v13;
	[tilespmem:$0x1FE40] =	vst v44  }
0xc: {  	v39 =	vimm.s32 $0x7D5C3B1A;
	v0 =	vunpack.c.0.s8.s32 v46;
	v1 =	vadd.s32 $0x7, v13;
	[tilespmem:$0x1FE50] =	vst v45  }
0xd: {  	(erf) = vrcp.f32 v40;
	v41 =	vadd.s32 $0x2, v13;
	v2 =	vadd.s32 $0x9, v13;
	[tilespmem:$0x1FE60] =	vst v1  }
0xe: {  	v42 =	vadd.s32 $0x3, v13;
	v43 =	vadd.s32 $0x4, v13;
	v49 =	vadd.s32 $0xB, v13;
	[tilespmem:$0x1FE70] =	vst v2  }
0xf: {  	v48 =	vadd.s32 $0xA, v13;
	v0 =	vand.u32 $0xFF, v0;
	v50 =	vadd.s32 $0xC, v13;
	[tilespmem:$0x1FE90] =	vst v49  }
0x10: {  	v51 =	vadd.s32 $0xD, v13;
	v52 =	vadd.s32 $0xE, v13;
	v53 =	vadd.s32 $0xF, v13;
	[tilespmem:$0x1FEA0] =	vst v50  }
0x11: {  	v3 =	vadd.s32 $0x10, v13;
	v40 =	vimm.s32 $0xE1C0BF9E;
	v1 =	vunpack.c.0.s8.s32 v47;
	[tilespmem:$0x1FEB0] =	vst v51  }
0x12: {  	v0 =	vnsel vm8, $0x1E0, v0;
	v2 =	vunpack.c.0.s8.s32 v55;
	[tilespmem:$0x1FEE0] =	vst v3;
	v3 =	vunpack.c.0.s8.s32 v57  }
0x13: {  	v44 =	vimm.s32 $0x7E5D3C1B;
	v45 =	vimm.s32 $0xE2C1A09F;
	v49 =	vimm.s32 $0x7F5E3D1C  }
0x14: {  	[tilespmem:$0x1FEC0] =	vst v52;
	v51 =	vimm.s32 $0xE3C2A180;
	v52 =	vimm.s32 $0x605F3E1D;
	v50 =	vunpack.c.0.s8.s32 v49  }
0x15: {  	v1 =	vand.u32 $0xFF, v1;
	v60 =	vand.u32 $0xFF, v3;
	v3 =	vunpack.c.0.s8.s32 v62  }
0x16: {  	v2 =	vand.u32 $0xFF, v2;
	v0 =	vsel vm7, v1, v0;
	v1 =	vunpack.c.0.s8.s32 v54  }
0x17: {  	v0 =	vsel vm6, $0x119, v0;
	v5 =	vand.u32 $0xFF, v3;
	v3 =	vunpack.c.0.s8.s32 v7  }
0x18: {  	v54 =	vimm.s32 $0xE6C5A483;
	v0 =	vsel vm5, $0x13A, v0;
	v1 =	vand.u32 $0xFF, v1  }
0x19: {  	v0 =	vsel vm4, $0x15B, v0;
	v1 =	vnsel vm8, $0x1E1, v1;
	v10 =	vand.u32 $0xFF, v3  }
0x1a: {  	v3 =	vunpack.c.0.s8.s32 v20;
	v0 =	vsel vm3, $0x17C, v0;
	v1 =	vsel vm7, v2, v1  }
0x1b: {  	v2 =	vunpack.c.0.s8.s32 v56;
	v0 =	vsel vm1, $0x19D, v0;
	v1 =	vsel vm6, $0x11A, v1  }
0x1c: {  	v23 =	vand.u32 $0xFF, v3;
	v3 =	vunpack.c.0.s8.s32 v25;
	v25 =	vimm.s32 $0xE4C3A281  }
0x1d: {  	v0 =	vsel vm0, $0x1BE, v0;
	v1 =	vsel vm5, $0x13B, v1;
	v59 =	vand.u32 $0xFF, v2  }
0x1e: {  	v2 =	vunpack.c.0.s8.s32 v61;
	v25 =	vunpack.c.0.s8.s32 v25;
	v0 =	vsel vm2, $0x1DF, v0  }
0x1f: {  	v58 =	vsel vm4, $0x15C, v1;
	v1 =	vnsel vm8, $0x1E2, v59;
	v28 =	vand.u32 $0xFF, v3  }
0x20: {  	v3 =	vunpack.c.0.s8.s32 v30;
	[tilespmem:$0x1FEF0] =	vst v0;
	v0 =	vsel vm3, $0x17D, v58;
	v1 =	vsel vm7, v60, v1  }
0x21: {  	v4 =	vand.u32 $0xFF, v2;
	v2 =	vunpack.c.0.s8.s32 v6;
	v25 =	vand.u32 $0xFF, v25  }
0x22: {  	v0 =	vsel vm1, $0x19E, v0;
	v1 =	vsel vm6, $0x11B, v1;
	v33 =	vand.u32 $0xFF, v3  }
0x23: {  	v3 =	vunpack.c.0.s8.s32 v35;
	v0 =	vsel vm0, $0x1BF, v0;
	v1 =	vsel vm5, $0x13C, v1  }
0x24: {  	v9 =	vand.u32 $0xFF, v2;
	v2 =	vunpack.c.0.s8.s32 v11;
	v0 =	vsel vm2, $0x1C0, v0  }
0x25: {  	v63 =	vsel vm4, $0x15D, v1;
	v1 =	vnsel vm8, $0x1E3, v4;
	v38 =	vand.u32 $0xFF, v3  }
0x26: {  	v3 =	vunpack.c.0.s8.s32 v40;
	v4 =	vadd.s32 $0x8, v13;
	[tilespmem:$0x1FF00] =	vst v0;
	v0 =	vsel vm3, $0x17E, v63  }
0x27: {  	v1 =	vsel vm7, v5, v1;
	v22 =	vand.u32 $0xFF, v2;
	v2 =	vunpack.c.0.s8.s32 v24  }
0x28: {  	[tilespmem:$0x1FE30] =	vst v43;
	v0 =	vsel vm1, $0x19F, v0;
	v1 =	vsel vm6, $0x11C, v1;
	v43 =	vand.u32 $0xFF, v3  }
0x29: {  	v0 =	vsel vm0, $0x1A0, v0;
	v1 =	vsel vm5, $0x13D, v1;
	v27 =	vand.u32 $0xFF, v2  }
0x2a: {  	v2 =	vunpack.c.0.s8.s32 v29;
	v0 =	vsel vm2, $0x1C1, v0;
	v8 =	vsel vm4, $0x15E, v1  }
0x2b: {  	v3 =	vunpack.c.0.s8.s32 v45;
	v1 =	vnsel vm8, $0x1E4, v9;
	[tilespmem:$0x1FF10] =	vst v0;
	v0 =	vsel vm3, $0x17F, v8  }
0x2c: {  	v1 =	vsel vm7, v10, v1;
	v32 =	vand.u32 $0xFF, v2;
	v2 =	vunpack.c.0.s8.s32 v34  }
0x2d: {  	[tilespmem:$0x1FE80] =	vst v48;
	v48 =	vand.u32 $0xFF, v3;
	v0 =	vsel vm1, $0x180, v0;
	v1 =	vsel vm6, $0x11D, v1  }
0x2e: {  	v0 =	vsel vm0, $0x1A1, v0;
	v1 =	vsel vm5, $0x13E, v1;
	v37 =	vand.u32 $0xFF, v2  }
0x2f: {  	v2 =	vunpack.c.0.s8.s32 v39;
	v0 =	vsel vm2, $0x1C2, v0;
	v21 =	vsel vm4, $0x15F, v1  }
0x30: {  	v3 =	vunpack.c.0.s8.s32 v51;
	v1 =	vnsel vm8, $0x1E5, v22;
	[tilespmem:$0x1FF20] =	vst v0;
	v0 =	vsel vm3, $0x160, v21  }
0x31: {  	[tilespmem:$0x1FE20] =	vst v42;
	v1 =	vsel vm7, v23, v1;
	v42 =	vand.u32 $0xFF, v2;
	v2 =	vunpack.c.0.s8.s32 v44  }
0x32: {  	v3 =	vand.u32 $0xFF, v3;
	v0 =	vsel vm1, $0x181, v0;
	v1 =	vsel vm6, $0x11E, v1  }
0x33: {  	v0 =	vsel vm0, $0x1A2, v0;
	v1 =	vsel vm5, $0x13F, v1;
	v47 =	vand.u32 $0xFF, v2  }
0x34: {  	v2 =	vand.u32 $0xFF, v50;
	v0 =	vsel vm2, $0x1C3, v0;
	v26 =	vsel vm4, $0x140, v1  }
0x35: {  	v1 =	vnsel vm8, $0x1E6, v27;
	v2 =	vnsel vm8, $0x1EB, v2;
	v27 =	vimm.s32 $0x6241201F  }
0x36: {  	[tilespmem:$0x1FF30] =	vst v0;
	v0 =	vsel vm3, $0x161, v26;
	v1 =	vsel vm7, v28, v1;
	v2 =	vsel vm7, v3, v2  }
0x37: {  	v3 =	vunpack.c.0.s8.s32 v52;
	v26 =	vimm.s32 $0x61403F1E;
	v27 =	vunpack.c.0.s8.s32 v27  }
0x38: {  	v28 =	vimm.s32 $0xE5C4A382;
	v0 =	vsel vm1, $0x182, v0;
	v1 =	vsel vm6, $0x11F, v1  }
0x39: {  	v2 =	vsel vm6, $0x104, v2;
	v26 =	vunpack.c.0.s8.s32 v26;
	v28 =	vunpack.c.0.s8.s32 v28  }
0x3a: {  	v0 =	vsel vm0, $0x1A3, v0;
	v1 =	vsel vm5, $0x120, v1;
	v2 =	vsel vm5, $0x125, v2  }
0x3b: {  	[tilespmem:$0x1FED0] =	vst v53;
	v3 =	vand.u32 $0xFF, v3;
	v53 =	vand.u32 $0xFF, v27;
	v0 =	vsel vm2, $0x1C4, v0  }
0x3c: {  	v31 =	vsel vm4, $0x141, v1;
	v1 =	vnsel vm8, $0x1E7, v32;
	v2 =	vsel vm4, $0x146, v2  }
0x3d: {  	v3 =	vnsel vm8, $0x1EC, v3;
	[tilespmem:$0x1FF40] =	vst v0;
	v0 =	vsel vm3, $0x162, v31;
	v1 =	vsel vm7, v33, v1  }
0x3e: {  	v26 =	vand.u32 $0xFF, v26;
	v0 =	vsel vm1, $0x183, v0;
	v1 =	vsel vm6, $0x100, v1  }
0x3f: {  	v30 =	vnsel vm8, $0x1EE, v53;
	v0 =	vsel vm0, $0x1A4, v0;
	v1 =	vsel vm5, $0x121, v1  }
0x40: {  	v0 =	vsel vm2, $0x1C5, v0;
	v36 =	vsel vm4, $0x142, v1;
	v1 =	vnsel vm8, $0x1E8, v37  }
0x41: {  	v57 =	vand.u32 $0xFF, v28;
	[tilespmem:$0x1FF50] =	vst v0;
	v0 =	vsel vm3, $0x163, v36;
	v1 =	vsel vm7, v38, v1  }
0x42: {  	v3 =	vsel vm7, v25, v3;
	v0 =	vsel vm1, $0x184, v0;
	v1 =	vsel vm6, $0x101, v1  }
0x43: {  	v29 =	vnsel vm8, $0x1ED, v26;
	v0 =	vsel vm0, $0x1A5, v0;
	v1 =	vsel vm5, $0x122, v1  }
0x44: {  	[tilespmem:$0x1FE10] =	vst v41;
	v0 =	vsel vm2, $0x1C6, v0;
	v41 =	vsel vm4, $0x143, v1;
	v1 =	vnsel vm8, $0x1E9, v42  }
0x45: {  	v2 =	vsel vm3, $0x167, v2;
	[tilespmem:$0x1FF60] =	vst v0;
	v0 =	vsel vm3, $0x164, v41;
	v1 =	vsel vm7, v43, v1  }
0x46: {  	v31 =	vunpack.c.0.s8.s32 v54;
	v0 =	vsel vm1, $0x185, v0;
	v1 =	vsel vm6, $0x102, v1  }
0x47: {  	v56 =	vsel vm1, $0x188, v2;
	v0 =	vsel vm0, $0x1A6, v0;
	v1 =	vsel vm5, $0x123, v1  }
0x48: {  	v0 =	vsel vm2, $0x1C7, v0;
	v46 =	vsel vm4, $0x144, v1;
	v1 =	vnsel vm8, $0x1EA, v47  }
0x49: {  	v59 =	vsel vm7, v57, v29;
	[tilespmem:$0x1FF70] =	vst v0;
	v1 =	vsel vm7, v48, v1;
	v0 =	vsel vm3, $0x165, v46  }
0x4a: {  	s0 =	srdreg.scid;
	s4 =	stileid.u32;
	v61 =	vsel vm6, $0x105, v3;
	v1 =	vsel vm6, $0x103, v1;
	v0 =	vsel vm1, $0x186, v0  }
0x4b: {  	s15 =	simm.s32 $0x640;
	s16 =	simm.s32 $0x1;
	s17 =	simm.s32 $0x50;
	v58 =	vand.u32 $0xFF, v31;
	v1 =	vsel vm5, $0x124, v1;
	v0 =	vsel vm0, $0x1A7, v0  }
0x4c: {  	s18 =	simm.s32 $0xC80;
	s20 =	simm.s32 $0x7080;
	s12 =	simm.s32 $0x2D0;
	v2 =	vsel vm5, $0x126, v61;
	v1 =	vsel vm4, $0x145, v1;
	v0 =	vsel vm2, $0x1C8, v0  }
0x4d: {  	s11 =	simm.s32 $0x5;
	s0 =	sand.u32 $0x1, s0;
	s4 =	sshll.u32 s4, $0x1;
	v60 =	vsel vm7, v58, v30;
	v1 =	vsel vm3, $0x166, v1;
	[tilespmem:$0x1FF90] =	vst v0;
	v0 =	vsel vm0, $0x1A9, v56  }
0x4e: {  	s13 =	simm.s32 $0x3E80;
	s19 =	simm.s32 $0xA280;
	s4 =	sor.u32 s0, s4;
	v2 =	vsel vm4, $0x147, v2;
	v1 =	vsel vm1, $0x187, v1;
	v0 =	vsel vm2, $0x1CA, v0  }
0x4f: {  	s14 =	simm.s32 $0x2;
	s21 =	simm.s32 $0xD480;
	s6 =	smul.u32 $0x9C40, s4;
	v2 =	vsel vm3, $0x168, v2;
	v1 =	vsel vm0, $0x1A8, v1;
	[tilespmem:$0x1FFB0] =	vst v0;
	v0 =	vsel vm6, $0x106, v59  }
0x50: {  	s22 =	simm.s32 $0x4;
	s0 =	ssub.s32 $0x2, s0;
	s9 =	smul.u32 $0x7530, s4;
	v55 =	vsel vm2, $0x1C9, v1;
	v1 =	vsel vm6, $0x107, v60;
	v0 =	vsel vm5, $0x127, v0  }
0x51: {  	s23 =	simm.s32 $0x6;
	s8 =	sshrl.u32 s0, $0x1;
	s10 =	smul.u32 $0x1388, s4;
	v62 =	vpop (erf);
	v2 =	vsel vm1, $0x189, v2;
	v1 =	vsel vm5, $0x128, v1;
	v0 =	vsel vm4, $0x148, v0  }
0x52: {  	s7 =	sadd.s32 $0x27200, s3;
	s0 =	ssub.s32 s0, s8;
	s8 =	smul.u32 $0x19, s4;
	[tilespmem:$0x1FFC0] =	vst v62;
	v2 =	vsel vm0, $0x1AA, v2;
	v1 =	vsel vm4, $0x149, v1;
	v0 =	vsel vm3, $0x169, v0  }
0x53: {  	s6 =	sshrl.u32 s6, $0x3;
	s29 =	sshrl.u32 s9, $0x3;
	s30 =	sadd.s32 s3, s10;
	[tilespmem:$0x1FF80] =	vst v4;
	v2 =	vsel vm2, $0x1CB, v2;
	v1 =	vsel vm3, $0x16A, v1;
	v0 =	vsel vm1, $0x18A, v0  }
0x54: {  	s0 =	smax.u32 s0, $0x1;
	s28 =	sadd.s32 s3, s6;
	[dreg:$0x5] =	wrdreg s30;
	[tilespmem:$0x1FFD0] =	vst v2;
	v1 =	vsel vm1, $0x18B, v1;
	v0 =	vsel vm0, $0x1AB, v0  }
0x55: {  	s31 =	sadd.s32 s7, s29;
	[dreg:$0x8] =	wrdreg s0;
	s4 =	sadd.s32 $0xC8, s28;
	[tilespmem:$0x1FFA0] =	vst v55;
	v1 =	vsel vm0, $0x1AC, v1;
	v0 =	vsel vm2, $0x1CC, v0  }
0x56: {  	s9 =	simm.s32 $0x9880;
	[dreg:$0x6] =	wrdreg s4;
	s4 =	sadd.s32 $0xE10, s31;
	[tilespmem:$0x1FFE0] =	vst v0;
	v63 =	vsel vm2, $0x1CD, v1  }
0x57: {  	v16 =	vadd.s32 $0x1, v13;
	s10 =	simm.s32 $0x3;
	[dreg:$0x7] =	wrdreg s4;
	s4 =	simm.s32 $0x0;
	[tilespmem:$0x1FFF0] =	vst v63  }
.LBB2_1:
0x58: {  	[dreg:$0x9] =	wrdreg s4  }
0x59: {  	s0 =	rddreg [dreg:$0x3];
	s31 =	simm.s32 $0xDDE0;
	s4 =	simm.s32 $0x9  }
0x5a: {  	[tilespmem:s31], [sflag:$0x9] =	stream.linear.gather [hbm4b:s0+s5], $0x200, $0x38;
	[tilespmem:$0xDFE0] =	vst v63  }
0x5b: {  	_ =	swait.ge [sflag:s4], $0x200  }
0x5c: {  	[sflag:s4] =	ssyncset.done $0x0  }
0x5d: {  	[sflag:s4] =	ssyncadd.s32 $0xFFFFFE00  }
0x5e: {  	v12 =	vld [tilespmem:$0xDDE0]  }
0x5f: {  	v29 =	vld [tilespmem:$0xDDF0]  }
0x60: {  	v28 =	vld [tilespmem:$0xDE00]  }
0x61: {  	v27 =	vld [tilespmem:$0xDE10]  }
0x62: {  	v26 =	vld [tilespmem:$0xDE20]  }
0x63: {  	v25 =	vld [tilespmem:$0xDE30]  }
0x64: {  	v24 =	vld [tilespmem:$0xDE40]  }
0x65: {  	v23 =	vld [tilespmem:$0xDE50]  }
0x66: {  	v22 =	vld [tilespmem:$0xDE60]  }
0x67: {  	v40 =	vld [tilespmem:$0xDE70]  }
0x68: {  	v21 =	vld [tilespmem:$0xDE80]  }
0x69: {  	v20 =	vld [tilespmem:$0xDE90]  }
0x6a: {  	v19 =	vld [tilespmem:$0xDEA0]  }
0x6b: {  	v18 =	vld [tilespmem:$0xDEB0]  }
0x6c: {  	v17 =	vld [tilespmem:$0xDEC0]  }
0x6d: {  	v0 =	vld [tilespmem:$0xDED0]  }
0x6e: {  	v1 =	vld [tilespmem:$0xDEE0]  }
0x6f: {  	v49 =	vld [tilespmem:$0xDEF0]  }
0x70: {  	v50 =	vld [tilespmem:$0xDF00]  }
0x71: {  	v51 =	vld [tilespmem:$0xDF10]  }
0x72: {  	v52 =	vld [tilespmem:$0xDF20]  }
0x73: {  	v53 =	vld [tilespmem:$0xDF30]  }
0x74: {  	v54 =	vld [tilespmem:$0xDF40]  }
0x75: {  	v55 =	vld [tilespmem:$0xDF50]  }
0x76: {  	v56 =	vld [tilespmem:$0xDF60]  }
0x77: {  	v57 =	vld [tilespmem:$0xDF70]  }
0x78: {  	v58 =	vld [tilespmem:$0xDF80]  }
0x79: {  	v59 =	vld [tilespmem:$0xDF90]  }
0x7a: {  	v60 =	vld [tilespmem:$0xDFA0]  }
0x7b: {  	v61 =	vld [tilespmem:$0xDFB0]  }
0x7c: {  	s6 =	rddreg [dreg:$0x5];
	v62 =	vld [tilespmem:$0xDFC0]  }
0x7d: {  	v63 =	vld [tilespmem:$0xDFD0];
	[tilespmem:s5], [sflag:$0x1] =	stream.linear.gather [hbm4b:s6+s5], $0x640, $0x38  }
0x7e: {  	s24 =	rddreg [dreg:$0x6]  }
0x7f: {  	[tilespmem:s15], [sflag:$0x2] =	stream.linear.gather [hbm4b:s24+s5], $0x640, $0x38;
	[tilespmem:$0xDFE0] =	vst v63  }
0x80: {  	[tilespmem:$0x1FC10] =	vst v0  }
0x81: {  	[tilespmem:$0x1FC20] =	vst v1  }
0x82: {  	[tilespmem:$0x1FC30] =	vst v49  }
0x83: {  	[tilespmem:$0x1FC40] =	vst v50  }
0x84: {  	[tilespmem:$0x1FC50] =	vst v51  }
0x85: {  	[tilespmem:$0x1FC60] =	vst v52  }
0x86: {  	[tilespmem:$0x1FC70] =	vst v53  }
0x87: {  	[tilespmem:$0x1FC80] =	vst v54  }
0x88: {  	[tilespmem:$0x1FC90] =	vst v55  }
0x89: {  	[tilespmem:$0x1FCA0] =	vst v56  }
0x8a: {  	[tilespmem:$0x1FCB0] =	vst v57  }
0x8b: {  	[tilespmem:$0x1FCC0] =	vst v58  }
0x8c: {  	[tilespmem:$0x1FCD0] =	vst v59  }
0x8d: {  	[tilespmem:$0x1FCE0] =	vst v60  }
0x8e: {  	[tilespmem:$0x1FCF0] =	vst v61  }
0x8f: {  	[tilespmem:$0x1FD00] =	vst v62  }
0x90: {  	[tilespmem:$0x1FD10] =	vst v63  }
0x91: {  	_ =	swait.ge [sflag:s16], $0x640  }
0x92: {  	[tilespmem:$0x1FD20] =	vst v17  }
0x93: {  	[tilespmem:$0x1FD30] =	vst v18  }
0x94: {  	[tilespmem:$0x1FD40] =	vst v19  }
0x95: {  	[tilespmem:$0x1FD50] =	vst v20  }
0x96: {  	[sflag:s16] =	ssyncset.done $0x0;
	[tilespmem:$0x1FD60] =	vst v21  }
0x97: {  	[tilespmem:$0x1FD70] =	vst v40;
	[sflag:s16] =	ssyncadd.s32 $0xFFFFF9C0  }
0x98: {  	[tilespmem:s18], [sflag:$0x3] =	stream.indirect.gather [hbm4b:s1+s17], $0x20, s5, s17, $0xb8;
	[tilespmem:$0xDFE0] =	vst v63  }
0x99: {  	s25 =	simm.s32 $0x190;
	[tilespmem:$0x1FD80] =	vst v22  }
0x9a: {  	[tilespmem:s20], [sflag:$0x5] =	stream.indirect.gather [hbm4b:s2+s17], $0x20, s25, s17, $0xb8;
	[tilespmem:$0xDFE0] =	vst v63  }
0x9b: {  	s26 =	simm.s32 $0x1680;
	[tilespmem:$0x1FD90] =	vst v23  }
0x9c: {  	[tilespmem:s26], [sflag:$0x3] =	stream.indirect.gather [hbm4b:s1+s17], $0x20, s17, s17, $0xb8;
	[tilespmem:$0xDFE0] =	vst v63  }
0x9d: {  	s28 =	simm.s32 $0x1E0;
	s29 =	simm.s32 $0x7A80;
	[tilespmem:$0x1FDA0] =	vst v24  }
0x9e: {  	[tilespmem:s29], [sflag:$0x5] =	stream.indirect.gather [hbm4b:s2+s17], $0x20, s28, s17, $0xb8;
	[tilespmem:$0xDFE0] =	vst v63  }
0x9f: {  	s30 =	simm.s32 $0xA0;
	s31 =	simm.s32 $0x2080;
	[tilespmem:$0x1FDB0] =	vst v25  }
0xa0: {  	[tilespmem:s31], [sflag:$0x3] =	stream.indirect.gather [hbm4b:s1+s17], $0x20, s30, s17, $0xb8;
	[tilespmem:$0xDFE0] =	vst v63  }
0xa1: {  	s6 =	simm.s32 $0x230;
	s24 =	simm.s32 $0x8480;
	[tilespmem:$0x1FDC0] =	vst v26  }
0xa2: {  	[tilespmem:s24], [sflag:$0x5] =	stream.indirect.gather [hbm4b:s2+s17], $0x20, s6, s17, $0xb8;
	[tilespmem:$0xDFE0] =	vst v63  }
0xa3: {  	[tilespmem:$0x1FDD0] =	vst v27;
	s25 =	simm.s32 $0xF0;
	s26 =	simm.s32 $0x2A80  }
0xa4: {  	[tilespmem:s26], [sflag:$0x3] =	stream.indirect.gather [hbm4b:s1+s17], $0x20, s25, s17, $0xb8;
	[tilespmem:$0xDFE0] =	vst v63  }
0xa5: {  	[tilespmem:$0x1FDE0] =	vst v28;
	s28 =	simm.s32 $0x280;
	s29 =	simm.s32 $0x8E80  }
0xa6: {  	[tilespmem:s29], [sflag:$0x5] =	stream.indirect.gather [hbm4b:s2+s17], $0x20, s28, s17, $0xb8;
	[tilespmem:$0xDFE0] =	vst v63  }
0xa7: {  	[tilespmem:$0x1FDF0] =	vst v29;
	s30 =	simm.s32 $0x140;
	s31 =	simm.s32 $0x3480  }
0xa8: {  	[tilespmem:s31], [sflag:$0x3] =	stream.indirect.gather [hbm4b:s1+s17], $0x20, s30, s17, $0xb8;
	[tilespmem:$0xDFE0] =	vst v63  }
0xa9: {  	[tilespmem:$0x1FE00] =	vst v12;
	s24 =	simm.s32 $0x0  }
0xaa: {  	[tilespmem:s9], [sflag:$0x5] =	stream.indirect.gather [hbm4b:s2+s17], $0x20, s12, s17, $0xb8;
	[tilespmem:$0xDFE0] =	vst v63  }
.LBB2_2:
0xab: {  	_ =	swait.ge [sflag:s10], $0x3200  }
0xac: {  	[sflag:s10] =	ssyncset.done $0x0  }
0xad: {  	[sflag:s10] =	ssyncadd.s32 $0xFFFFCE00  }
0xae: {  	_ =	swait.ge [sflag:s11], $0x3200  }
0xaf: {  	[sflag:s11] =	ssyncset.done $0x0  }
0xb0: {  	[sflag:s11] =	ssyncadd.s32 $0xFFFFCE00  }
0xb1: {  	_ =	swait.ge [sflag:s14], $0x640  }
0xb2: {  	[sflag:s14] =	ssyncset.done $0x0  }
0xb3: {  	[sflag:s14] =	ssyncadd.s32 $0xFFFFF9C0  }
0xb4: {  	[tilespmem:s13], [sflag:$0x4] =	stream.indirect.gather [hbm4b:s1+s17], $0x20, s15, s17, $0xb8;
	[tilespmem:$0xDFE0] =	vst v63  }
0xb5: {  	s0 =	simm.s32 $0x7D0  }
0xb6: {  	[tilespmem:s19], [sflag:$0x6] =	stream.indirect.gather [hbm4b:s2+s17], $0x20, s0, s17, $0xb8;
	[tilespmem:$0xDFE0] =	vst v63  }
0xb7: {  	s26 =	simm.s32 $0x690;
	s4 =	simm.s32 $0x4880  }
0xb8: {  	[tilespmem:s4], [sflag:$0x4] =	stream.indirect.gather [hbm4b:s1+s17], $0x20, s26, s17, $0xb8;
	[tilespmem:$0xDFE0] =	vst v63  }
0xb9: {  	s6 =	simm.s32 $0xAC80;
	s4 =	simm.s32 $0x820  }
0xba: {  	[tilespmem:s6], [sflag:$0x6] =	stream.indirect.gather [hbm4b:s2+s17], $0x20, s4, s17, $0xb8;
	[tilespmem:$0xDFE0] =	vst v63  }
0xbb: {  	s25 =	simm.s32 $0x6E0;
	s26 =	simm.s32 $0x5280  }
0xbc: {  	[tilespmem:s26], [sflag:$0x4] =	stream.indirect.gather [hbm4b:s1+s17], $0x20, s25, s17, $0xb8;
	[tilespmem:$0xDFE0] =	vst v63  }
0xbd: {  	s4 =	simm.s32 $0x870;
	s6 =	simm.s32 $0xB680  }
0xbe: {  	[tilespmem:s6], [sflag:$0x6] =	stream.indirect.gather [hbm4b:s2+s17], $0x20, s4, s17, $0xb8;
	[tilespmem:$0xDFE0] =	vst v63  }
0xbf: {  	s25 =	simm.s32 $0x730;
	s26 =	simm.s32 $0x5C80  }
0xc0: {  	[tilespmem:s26], [sflag:$0x4] =	stream.indirect.gather [hbm4b:s1+s17], $0x20, s25, s17, $0xb8;
	[tilespmem:$0xDFE0] =	vst v63  }
0xc1: {  	s4 =	simm.s32 $0x8C0;
	s6 =	simm.s32 $0xC080  }
0xc2: {  	[tilespmem:s6], [sflag:$0x6] =	stream.indirect.gather [hbm4b:s2+s17], $0x20, s4, s17, $0xb8;
	[tilespmem:$0xDFE0] =	vst v63  }
0xc3: {  	p0 =	seq.s32 s24, $0x0;
	s25 =	simm.s32 $0x780;
	s26 =	simm.s32 $0x6680  }
0xc4: {  	[tilespmem:s26], [sflag:$0x4] =	stream.indirect.gather [hbm4b:s1+s17], $0x20, s25, s17, $0xb8;
	[tilespmem:$0xDFE0] =	vst v63  }
0xc5: {  	s6 =	simm.s32 $0x910;
	s4 =	simm.s32 @!p0 $0x7;
	s25 =	simm.s32 $0xCA80  }
0xc6: {  	[tilespmem:s25], [sflag:$0x6] =	stream.indirect.gather [hbm4b:s2+s17], $0x20, s6, s17, $0xb8;
	[tilespmem:$0xDFE0] =	vst v63  }
0xc7: {  	_ =	swait.ge @!p0 [sflag:s4], $0x4B0  }
0xc8: {  	v0 =	vld [tilespmem:$0x1FE10];
	_ =	sdelay $0x1  }
0xc9: {  	s26 =	simm.s32 $0x0  }
0xca: {  	v1 =	vor.u32 s26, v13;
	_ =	sdelay $0x1  }
0xcb: {  	v31 =	vmov v0;
	v3 =	vor.u32 s26, v0;
	v0 =	vld [tilespmem:$0x1FE20]  }
0xcc: {  	[sflag:s4] =	ssyncset.done @!p0 $0x0  }
0xcd: {  	[sflag:s4] =	ssyncadd.s32 @!p0 $0xFFFFFB50  }
0xce: {  	v2 =	vor.u32 s26, v16;
	v5 =	vld.idx.msk [tilespmem:v1+s18+$0x0], $0xffff  }
0xcf: {  	v10 =	vld.idx.msk [tilespmem:v1+s20+$0x0], $0xffff  }
0xd0: {  	v32 =	vmov v0;
	v1 =	vor.u32 s26, v0;
	v0 =	vld [tilespmem:$0x1FE30];
	_ =	sdelay $0x2  }
0xd1: {  	v4 =	vld.idx.msk [tilespmem:v2+s20+$0x0], $0xffff  }
0xd2: {  	v8 =	vld.idx.msk [tilespmem:v2+s18+$0x0], $0xffff  }
0xd3: {  	v33 =	vmov v0;
	v2 =	vor.u32 s26, v0;
	v0 =	vld [tilespmem:$0x1FE40];
	_ =	sdelay $0x2  }
0xd4: {  	v6 =	vld.idx.msk [tilespmem:v3+s20+$0x0], $0xffff  }
0xd5: {  	v9 =	vld.idx.msk [tilespmem:v3+s18+$0x0], $0xffff  }
0xd6: {  	v34 =	vmov v0;
	v3 =	vor.u32 s26, v0;
	v0 =	vld [tilespmem:$0x1FE50];
	_ =	sdelay $0x2  }
0xd7: {  	v7 =	vld.idx.msk [tilespmem:v1+s20+$0x0], $0xffff  }
0xd8: {  	v54 =	vld.idx.msk [tilespmem:v1+s18+$0x0], $0xffff  }
0xd9: {  	v1 =	vor.u32 s26, v0;
	v0 =	vld [tilespmem:$0x1FE60];
	_ =	sdelay $0x4  }
0xda: {  	v11 =	vadd.f32 v10, v5;
	v63 =	vmov v0;
	v56 =	vor.u32 s26, v0;
	v0 =	vld [tilespmem:$0x1FF80];
	_ =	sdelay $0x1  }
0xdb: {  	v15 =	vadd.f32 v4, v8;
	v14 =	vmax.f32 v11, $0.0e+00  }
0xdc: {  	v14 =	vmul.f32 v14, v12  }
0xdd: {  	v15 =	vmax.f32 v15, $0.0e+00;
	v4 =	vld.idx.msk [tilespmem:v3+s20+$0x0], $0xffff  }
0xde: {  	v57 =	vld.idx.msk [tilespmem:v3+s18+$0x0], $0xffff;
	v3 =	vmul.f32 v15, v29;
	v35 =	vmovc v0;
	v58 =	vor.u32 s26, v0;
	v0 =	vadd.f32 $0.0e+00, v14;
	_ =	sdelay $0x1  }
0xdf: {  	v30 =	vadd.f32 v3, v0;
	v0 =	vld [tilespmem:$0x1FE70];
	_ =	sdelay $0x2  }
0xe0: {  	v5 =	vld.idx.msk [tilespmem:v2+s20+$0x0], $0xffff  }
0xe1: {  	v55 =	vld.idx.msk [tilespmem:v2+s18+$0x0], $0xffff  }
0xe2: {  	v2 =	vadd.f32 v6, v9;
	v36 =	vmov v0;
	v3 =	vor.u32 s26, v0;
	v0 =	vld [tilespmem:$0x1FE80];
	_ =	sdelay $0x1  }
0xe3: {  	v2 =	vmax.f32 v2, $0.0e+00;
	v14 =	vadd.f32 v7, v54  }
0xe4: {  	v2 =	vmul.f32 v2, v28;
	v59 =	vld.idx.msk [tilespmem:v1+s20+$0x0], $0xffff  }
0xe5: {  	v15 =	vadd.f32 v5, v55;
	v41 =	vld.idx.msk [tilespmem:v1+s18+$0x0], $0xffff;
	v1 =	vmax.f32 v14, $0.0e+00  }
0xe6: {  	v43 =	vadd.f32 v2, v30;
	v62 =	vmovc v0;
	v2 =	vor.u32 s26, v0;
	v0 =	vmul.f32 v1, v27;
	_ =	sdelay $0x1  }
0xe7: {  	v1 =	vmax.f32 v15, $0.0e+00;
	v15 =	vadd.f32 v0, v43;
	v0 =	vld [tilespmem:$0x1FE90];
	_ =	sdelay $0x4  }
0xe8: {  	v37 =	vmov v0;
	v45 =	vor.u32 s26, v0;
	v0 =	vmul.f32 v1, v26;
	_ =	sdelay $0x1  }
0xe9: {  	v15 =	vadd.f32 v0, v15;
	v0 =	vld [tilespmem:$0x1FEA0];
	_ =	sdelay $0x1  }
0xea: {  	v14 =	vadd.f32 v4, v57  }
0xeb: {  	v5 =	vld.idx.msk [tilespmem:v56+s20+$0x0], $0xffff  }
0xec: {  	v46 =	vld.idx.msk [tilespmem:v3+s20+$0x0], $0xffff;
	v1 =	vmax.f32 v14, $0.0e+00  }
0xed: {  	v47 =	vld.idx.msk [tilespmem:v3+s18+$0x0], $0xffff;
	v61 =	vmov v0;
	v3 =	vor.u32 s26, v0;
	v0 =	vmul.f32 v1, v25  }
0xee: {  	v42 =	vld.idx.msk [tilespmem:v56+s18+$0x0], $0xffff  }
0xef: {  	v49 =	vadd.f32 v0, v15;
	v0 =	vld [tilespmem:$0x1FEB0];
	_ =	sdelay $0x1  }
0xf0: {  	v7 =	vadd.f32 v59, v41;
	_ =	sdelay $0x1  }
0xf1: {  	v48 =	vld.idx.msk [tilespmem:v2+s18+$0x0], $0xffff;
	v1 =	vmax.f32 v7, $0.0e+00  }
0xf2: {  	v14 =	vadd.f32 v5, v42;
	v5 =	vld.idx.msk [tilespmem:v2+s20+$0x0], $0xffff;
	v38 =	vmovc v0;
	v2 =	vor.u32 s26, v0;
	v0 =	vmul.f32 v1, v24;
	_ =	sdelay $0x1  }
0xf3: {  	v1 =	vmax.f32 v14, $0.0e+00;
	v14 =	vadd.f32 v0, v49;
	v0 =	vld [tilespmem:$0x1FEC0];
	_ =	sdelay $0x2  }
0xf4: {  	v4 =	vld.idx.msk [tilespmem:v58+s20+$0x0], $0xffff  }
0xf5: {  	v44 =	vld.idx.msk [tilespmem:v58+s18+$0x0], $0xffff  }
0xf6: {  	v39 =	vmov v0;
	v50 =	vor.u32 s26, v0;
	v0 =	vmul.f32 v1, v23;
	_ =	sdelay $0x1  }
0xf7: {  	v14 =	vadd.f32 v0, v14;
	v0 =	vld [tilespmem:$0x1FED0];
	_ =	sdelay $0x1  }
0xf8: {  	v9 =	vadd.f32 v4, v44;
	_ =	sdelay $0x1  }
0xf9: {  	v51 =	vld.idx.msk [tilespmem:v3+s20+$0x0], $0xffff;
	v1 =	vmax.f32 v9, $0.0e+00  }
0xfa: {  	v52 =	vld.idx.msk [tilespmem:v3+s18+$0x0], $0xffff;
	v60 =	vmov v0;
	v3 =	vor.u32 s26, v0;
	v0 =	vmul.f32 v1, v22;
	_ =	sdelay $0x1  }
0xfb: {  	v15 =	vadd.f32 v0, v14;
	v0 =	vld [tilespmem:$0x1FEE0];
	_ =	sdelay $0x1  }
0xfc: {  	v10 =	vadd.f32 v46, v47;
	_ =	sdelay $0x1  }
0xfd: {  	v11 =	vadd.f32 v5, v48;
	v5 =	vld.idx.msk [tilespmem:v2+s20+$0x0], $0xffff;
	v1 =	vmax.f32 v10, $0.0e+00  }
0xfe: {  	v53 =	vld.idx.msk [tilespmem:v2+s18+$0x0], $0xffff;
	v41 =	vmov v0;
	v2 =	vor.u32 s26, v0;
	v0 =	vmul.f32 v1, v40;
	_ =	sdelay $0x1  }
0xff: {  	v15 =	vadd.f32 v0, v15;
	v0 =	vld [tilespmem:$0x1FEF0];
	_ =	sdelay $0x2  }
0x100: {  	v4 =	vld.idx.msk [tilespmem:v45+s20+$0x0], $0xffff  }
0x101: {  	v8 =	vld.idx.msk [tilespmem:v45+s18+$0x0], $0xffff;
	v1 =	vmax.f32 v11, $0.0e+00  }
0x102: {  	v59 =	vmov v0;
	v55 =	vor.u32 s26, v0;
	v0 =	vmul.f32 v1, v21;
	_ =	sdelay $0x1  }
0x103: {  	v15 =	vadd.f32 v0, v15;
	v0 =	vld [tilespmem:$0x1FF00];
	_ =	sdelay $0x1  }
0x104: {  	v14 =	vadd.f32 v4, v8;
	_ =	sdelay $0x1  }
0x105: {  	v46 =	vld.idx.msk [tilespmem:v3+s20+$0x0], $0xffff;
	v1 =	vmax.f32 v14, $0.0e+00  }
0x106: {  	v47 =	vld.idx.msk [tilespmem:v3+s18+$0x0], $0xffff;
	v42 =	vmov v0;
	v3 =	vor.u32 s26, v0;
	v0 =	vmul.f32 v1, v20;
	_ =	sdelay $0x1  }
0x107: {  	v15 =	vadd.f32 v0, v15;
	v0 =	vld [tilespmem:$0x1FF10];
	_ =	sdelay $0x1  }
0x108: {  	v45 =	vadd.f32 v51, v52;
	_ =	sdelay $0x1  }
0x109: {  	v48 =	vld.idx.msk [tilespmem:v2+s18+$0x0], $0xffff;
	v1 =	vmax.f32 v45, $0.0e+00  }
0x10a: {  	v14 =	vadd.f32 v5, v53;
	v5 =	vld.idx.msk [tilespmem:v2+s20+$0x0], $0xffff;
	v58 =	vmovc v0;
	v2 =	vor.u32 s26, v0;
	v0 =	vmul.f32 v1, v19;
	_ =	sdelay $0x1  }
0x10b: {  	v15 =	vadd.f32 v0, v15;
	v0 =	vld [tilespmem:$0x1FF20];
	_ =	sdelay $0x2  }
0x10c: {  	v54 =	vld.idx.msk [tilespmem:v50+s18+$0x0], $0xffff  }
0x10d: {  	v4 =	vld.idx.msk [tilespmem:v50+s20+$0x0], $0xffff;
	v1 =	vmax.f32 v14, $0.0e+00  }
0x10e: {  	v43 =	vmov v0;
	v51 =	vor.u32 s26, v0;
	v0 =	vmul.f32 v1, v18;
	_ =	sdelay $0x1  }
0x10f: {  	v15 =	vadd.f32 v0, v15;
	v0 =	vld [tilespmem:$0x1FF30];
	_ =	sdelay $0x1  }
0x110: {  	v49 =	vadd.f32 v4, v54;
	_ =	sdelay $0x1  }
0x111: {  	v52 =	vld.idx.msk [tilespmem:v3+s20+$0x0], $0xffff;
	v1 =	vmax.f32 v49, $0.0e+00  }
0x112: {  	v53 =	vld.idx.msk [tilespmem:v3+s18+$0x0], $0xffff;
	v45 =	vmov v0;
	v3 =	vor.u32 s26, v0;
	v0 =	vmul.f32 v1, v17;
	_ =	sdelay $0x1  }
0x113: {  	v15 =	vadd.f32 v0, v15;
	v0 =	vld [tilespmem:$0x1FF40]  }
0x114: {  	v4 =	vld.idx.msk [tilespmem:v55+s20+$0x0], $0xffff  }
0x115: {  	v50 =	vld.idx.msk [tilespmem:v55+s18+$0x0], $0xffff  }
0x116: {  	v55 =	vadd.f32 v5, v48;
	v5 =	vld.idx.msk [tilespmem:v2+s20+$0x0], $0xffff  }
0x117: {  	v10 =	vld.idx.msk [tilespmem:v2+s18+$0x0], $0xffff  }
0x118: {  	v14 =	vadd.f32 v46, v47;
	v46 =	vmov v0;
	v2 =	vor.u32 s26, v0;
	v0 =	vld [tilespmem:$0x1FC10];
	_ =	sdelay $0x3  }
0x119: {  	v1 =	vmax.f32 v14, $0.0e+00  }
0x11a: {  	v57 =	vmov v0;
	v0 =	vmul.f32 v1, v0;
	_ =	sdelay $0x1  }
0x11b: {  	v15 =	vadd.f32 v0, v15;
	v0 =	vld [tilespmem:$0x1FF50];
	_ =	sdelay $0x4  }
0x11c: {  	v47 =	vmov v0;
	v49 =	vor.u32 s26, v0;
	v0 =	vld [tilespmem:$0x1FC20];
	_ =	sdelay $0x3  }
0x11d: {  	v1 =	vmax.f32 v55, $0.0e+00  }
0x11e: {  	v56 =	vmov v0;
	v0 =	vmul.f32 v1, v0;
	_ =	sdelay $0x1  }
0x11f: {  	v15 =	vadd.f32 v0, v15;
	v0 =	vld [tilespmem:$0x1FF60];
	_ =	sdelay $0x2  }
0x120: {  	v6 =	vld.idx.msk [tilespmem:v3+s20+$0x0], $0xffff  }
0x121: {  	v9 =	vld.idx.msk [tilespmem:v3+s18+$0x0], $0xffff  }
0x122: {  	v14 =	vadd.f32 v4, v50;
	v50 =	vadd.f32 v52, v53;
	v53 =	vmovc v0;
	v3 =	vor.u32 s26, v0;
	v0 =	vld [tilespmem:$0x1FC30];
	_ =	sdelay $0x3  }
0x123: {  	v1 =	vmax.f32 v14, $0.0e+00  }
0x124: {  	v55 =	vmov v0;
	v0 =	vmul.f32 v1, v0;
	_ =	sdelay $0x1  }
0x125: {  	v15 =	vadd.f32 v0, v15;
	v0 =	vld [tilespmem:$0x1FF70];
	_ =	sdelay $0x2  }
0x126: {  	v14 =	vadd.f32 v5, v10;
	v5 =	vld.idx.msk [tilespmem:v2+s20+$0x0], $0xffff  }
0x127: {  	v10 =	vld.idx.msk [tilespmem:v2+s18+$0x0], $0xffff  }
0x128: {  	v52 =	vmov v0;
	v2 =	vor.u32 s26, v0;
	v0 =	vld [tilespmem:$0x1FC40];
	_ =	sdelay $0x3  }
0x129: {  	v1 =	vmax.f32 v50, $0.0e+00  }
0x12a: {  	v54 =	vmov v0;
	v0 =	vmul.f32 v1, v0;
	_ =	sdelay $0x1  }
0x12b: {  	v15 =	vadd.f32 v0, v15;
	v0 =	vld [tilespmem:$0x1FF90];
	_ =	sdelay $0x4  }
0x12c: {  	v50 =	vmov v0;
	v7 =	vor.u32 s26, v0;
	v0 =	vld [tilespmem:$0x1FC50];
	_ =	sdelay $0x3  }
0x12d: {  	v48 =	vld.idx.msk [tilespmem:v51+s18+$0x0], $0xffff;
	v1 =	vmax.f32 v14, $0.0e+00  }
0x12e: {  	v4 =	vld.idx.msk [tilespmem:v51+s20+$0x0], $0xffff;
	v51 =	vmov v0;
	v0 =	vmul.f32 v1, v0;
	_ =	sdelay $0x1  }
0x12f: {  	v15 =	vadd.f32 v0, v15;
	v0 =	vld [tilespmem:$0x1FFA0];
	_ =	sdelay $0x2  }
0x130: {  	v14 =	vadd.f32 v6, v9;
	v6 =	vld.idx.msk [tilespmem:v3+s20+$0x0], $0xffff  }
0x131: {  	v9 =	vld.idx.msk [tilespmem:v3+s18+$0x0], $0xffff  }
0x132: {  	v44 =	vadd.f32 v4, v48;
	v48 =	vmov v0;
	v3 =	vor.u32 s26, v0;
	v0 =	vld [tilespmem:$0x1FC60];
	_ =	sdelay $0x3  }
0x133: {  	v4 =	vld.idx.msk [tilespmem:v49+s20+$0x0], $0xffff;
	v1 =	vmax.f32 v44, $0.0e+00  }
0x134: {  	v8 =	vld.idx.msk [tilespmem:v49+s18+$0x0], $0xffff;
	v49 =	vmov v0;
	v0 =	vmul.f32 v1, v0;
	_ =	sdelay $0x1  }
0x135: {  	v1 =	vmax.f32 v14, $0.0e+00;
	v14 =	vadd.f32 v0, v15;
	v0 =	vld [tilespmem:$0x1FFB0];
	_ =	sdelay $0x2  }
0x136: {  	v11 =	vadd.f32 v5, v10;
	v5 =	vld.idx.msk [tilespmem:v2+s20+$0x0], $0xffff  }
0x137: {  	v10 =	vld.idx.msk [tilespmem:v2+s18+$0x0], $0xffff  }
0x138: {  	v2 =	vor.u32 s26, v0;
	v0 =	vld [tilespmem:$0x1FC70];
	_ =	sdelay $0x4  }
0x139: {  	v44 =	vmov v0;
	v0 =	vmul.f32 v1, v0;
	_ =	sdelay $0x1  }
0x13a: {  	v15 =	vadd.f32 v0, v14;
	v0 =	vld [tilespmem:$0x1FFD0];
	_ =	sdelay $0x2  }
0x13b: {  	v8 =	vadd.f32 v4, v8;
	v4 =	vld.idx.msk [tilespmem:v7+s20+$0x0], $0xffff  }
0x13c: {  	v1 =	vmax.f32 v11, $0.0e+00;
	v11 =	vld.idx.msk [tilespmem:v7+s18+$0x0], $0xffff  }
0x13d: {  	v7 =	vor.u32 s26, v0;
	v0 =	vld [tilespmem:$0x1FC80];
	_ =	sdelay $0x4  }
0x13e: {  	v14 =	vadd.f32 v6, v9;
	v6 =	vld.idx.msk [tilespmem:v3+s20+$0x0], $0xffff;
	v0 =	vmul.f32 v1, v0  }
0x13f: {  	v9 =	vld.idx.msk [tilespmem:v3+s18+$0x0], $0xffff  }
0x140: {  	v3 =	vadd.f32 v0, v15;
	v0 =	vld [tilespmem:$0x1FFE0];
	_ =	sdelay $0x4  }
0x141: {  	v1 =	vmax.f32 v8, $0.0e+00;
	v8 =	vor.u32 s26, v0;
	v0 =	vld [tilespmem:$0x1FC90];
	_ =	sdelay $0x4  }
0x142: {  	v0 =	vmul.f32 v1, v0;
	_ =	sdelay $0x1  }
0x143: {  	v1 =	vmax.f32 v14, $0.0e+00;
	v14 =	vadd.f32 v0, v3;
	v0 =	vld [tilespmem:$0x1FFF0];
	_ =	sdelay $0x2  }
0x144: {  	v15 =	vadd.f32 v5, v10;
	v5 =	vld.idx.msk [tilespmem:v2+s20+$0x0], $0xffff  }
0x145: {  	v10 =	vld.idx.msk [tilespmem:v2+s18+$0x0], $0xffff  }
0x146: {  	v2 =	vor.u32 s26, v0;
	v0 =	vld [tilespmem:$0x1FCA0];
	_ =	sdelay $0x4  }
0x147: {  	v3 =	vmul.f32 v1, v0;
	v0 =	vld [tilespmem:$0x1FCB0];
	_ =	sdelay $0x3  }
0x148: {  	v1 =	vmax.f32 v15, $0.0e+00  }
0x149: {  	v14 =	vadd.f32 v3, v14;
	v3 =	vmul.f32 v1, v0;
	v0 =	vld [tilespmem:$0x1FCC0];
	_ =	sdelay $0x1  }
0x14a: {  	v11 =	vadd.f32 v4, v11;
	_ =	sdelay $0x1  }
0x14b: {  	v1 =	vmax.f32 v11, $0.0e+00  }
0x14c: {  	v11 =	vadd.f32 v3, v14;
	v3 =	vmul.f32 v1, v0;
	v0 =	vld [tilespmem:$0x1FCD0];
	_ =	sdelay $0x1  }
0x14d: {  	v9 =	vadd.f32 v6, v9  }
0x14e: {  	v10 =	vadd.f32 v5, v10;
	v5 =	vld.idx.msk [tilespmem:v2+s20+$0x0], $0xffff  }
0x14f: {  	v1 =	vmax.f32 v9, $0.0e+00;
	v9 =	vld.idx.msk [tilespmem:v2+s18+$0x0], $0xffff  }
0x150: {  	v2 =	vmul.f32 v1, v0;
	v0 =	vld [tilespmem:$0x1FCE0]  }
0x151: {  	v4 =	vld.idx.msk [tilespmem:v7+s20+$0x0], $0xffff  }
0x152: {  	v7 =	vld.idx.msk [tilespmem:v7+s18+$0x0], $0xffff  }
0x153: {  	v3 =	vadd.f32 v3, v11  }
0x154: {  	v1 =	vmax.f32 v10, $0.0e+00  }
0x155: {  	v3 =	vadd.f32 v2, v3;
	v2 =	vmul.f32 v1, v0;
	v0 =	vld [tilespmem:$0x1FCF0]  }
0x156: {  	v6 =	vld.idx.msk [tilespmem:v8+s20+$0x0], $0xffff  }
0x157: {  	v4 =	vadd.f32 v4, v7;
	v8 =	vld.idx.msk [tilespmem:v8+s18+$0x0], $0xffff;
	_ =	sdelay $0x1  }
0x158: {  	v1 =	vmax.f32 v4, $0.0e+00  }
0x159: {  	v4 =	vadd.f32 v2, v3;
	v2 =	vmul.f32 v1, v0;
	v0 =	vld [tilespmem:$0x1FD00];
	_ =	sdelay $0x1  }
0x15a: {  	v6 =	vadd.f32 v6, v8;
	_ =	sdelay $0x1  }
0x15b: {  	v1 =	vmax.f32 v6, $0.0e+00  }
0x15c: {  	v1 =	vmul.f32 v1, v0;
	v0 =	vld [tilespmem:$0x1FD10];
	_ =	sdelay $0x1  }
0x15d: {  	v3 =	vadd.f32 v5, v9  }
0x15e: {  	s29 =	simm.s32 $0x320;
	v2 =	vadd.f32 v2, v4  }
0x15f: {  	v3 =	vmax.f32 v3, $0.0e+00;
	v4 =	vld [tilespmem:s29+$0x0]  }
0x160: {  	v1 =	vadd.f32 v1, v2;
	v2 =	vmul.f32 v3, v0;
	_ =	sdelay $0x1  }
0x161: {  	v1 =	vadd.f32 v2, v1  }
0x162: {  	v2 =	vld [tilespmem:s29+$0x190]  }
0x163: {  	v1 =	vadd.f32 v1, v4  }
0x164: {  	v0 =	vld [tilespmem:$0x1FFC0]  }
0x165: {  	v1 =	vmax.f32 v1, $-4.595119950e+00  }
0x166: {  	v1 =	vmin.f32 v1, $4.595120910e+00  }
0x167: {  	v1 =	vadd.f32 v1, v2;
	_ =	sdelay $0x1  }
0x168: {  	v1 =	vmul.f32 v1, v0;
	_ =	sdelay $0x1  }
0x169: {  	v1 =	vsub.f32 $0.0e+00, v1;
	_ =	sdelay $0x1  }
0x16a: {  	v1 =	vmul.f32 $1.442695020e+00, v1;
	_ =	sdelay $0x1  }
0x16b: {  	(erf) = vpow2.f32 v1;
	_ =	sdelay $0x8  }
0x16c: {  	v1 =	vpop (erf)  }
0x16d: {  	v1 =	vadd.f32 $1.000000000e+00, v1;
	_ =	sdelay $0x1  }
0x16e: {  	(erf) = vrcp.f32 v1;
	_ =	sdelay $0x8  }
0x16f: {  	s28 =	simm.s32 $0xD610;
	s30 =	simm.s32 $0x200;
	s25 =	sshll.u32 s24, $0x1;
	v3 =	vld [tilespmem:s29+$0xFFFFFCE0];
	v2 =	vpop (erf)  }
0x170: {  	s31 =	simm.s32 $0xD610;
	s0 =	simm.s32 $0x400;
	s26 =	sadd.s32 s8, s25;
	v1 =	vld [tilespmem:s29+$0xFFFFFE70];
	vm0 =	vlt.f32 v2, $0.0e+00;
	vm1 =	vgt.f32 v2, $0.0e+00;
	[tilespmem:s28+$0xFFFFFE70] =	vst v2;
	v2 =	vor.u32 s30, v13  }
.LBB2_3:
0x171: {  	_ =	sdelay $0x1  }
0x172: {  	vm0 =	vmor vm1, vm0  }
0x173: {  	v4 =	vor.u32 s30, v16;
	v3 =	vnsel vm0, $0xFFFFFFFF, v3  }
0x174: {  	v1 =	vnsel vm0, $0xFFFFFFFF, v1;
	[tilespmem:s31+$0x0] =	vst v3  }
0x175: {  	v0 =	vld [tilespmem:$0x1FE50];
	v3 =	vor.u32 s30, v31;
	[tilespmem:s31+$0x190] =	vst v1  }
0x176: {  	v1 =	vld.idx.msk [tilespmem:v2+s18+$0x0], $0xffff  }
0x177: {  	v5 =	vor.u32 s30, v32;
	v2 =	vld.idx.msk [tilespmem:v2+s20+$0x0], $0xffff  }
0x178: {  	v6 =	vld.idx.msk [tilespmem:v4+s20+$0x0], $0xffff  }
0x179: {  	v7 =	vor.u32 s30, v33;
	v4 =	vld.idx.msk [tilespmem:v4+s18+$0x0], $0xffff  }
0x17a: {  	v8 =	vld.idx.msk [tilespmem:v3+s20+$0x0], $0xffff  }
0x17b: {  	v9 =	vor.u32 s30, v34;
	v3 =	vld.idx.msk [tilespmem:v3+s18+$0x0], $0xffff  }
0x17c: {  	v10 =	vld.idx.msk [tilespmem:v5+s20+$0x0], $0xffff;
	v1 =	vadd.f32 v2, v1  }
0x17d: {  	v2 =	vld.idx.msk [tilespmem:v5+s18+$0x0], $0xffff;
	v5 =	vor.u32 s30, v0  }
0x17e: {  	v11 =	vld.idx.msk [tilespmem:v7+s20+$0x0], $0xffff;
	v4 =	vadd.f32 v6, v4;
	v1 =	vmax.f32 v1, $0.0e+00  }
0x17f: {  	v6 =	vld.idx.msk [tilespmem:v7+s18+$0x0], $0xffff;
	v7 =	vor.u32 s30, v63;
	v1 =	vmul.f32 v1, v12  }
0x180: {  	v0 =	vmov v12;
	v4 =	vmax.f32 v4, $0.0e+00;
	v12 =	vld.idx.msk [tilespmem:v9+s20+$0x0], $0xffff;
	v3 =	vadd.f32 v8, v3  }
0x181: {  	v4 =	vmul.f32 v4, v29;
	v8 =	vld.idx.msk [tilespmem:v9+s18+$0x0], $0xffff;
	v9 =	vor.u32 s30, v35;
	v1 =	vadd.f32 $0.0e+00, v1  }
0x182: {  	v14 =	vmov v13;
	v13 =	vld.idx.msk [tilespmem:v5+s20+$0x0], $0xffff;
	v2 =	vadd.f32 v10, v2;
	v3 =	vmax.f32 v3, $0.0e+00  }
0x183: {  	v5 =	vld.idx.msk [tilespmem:v5+s18+$0x0], $0xffff;
	v10 =	vor.u32 s30, v36;
	v1 =	vadd.f32 v4, v1;
	v3 =	vmul.f32 v3, v28  }
0x184: {  	v6 =	vadd.f32 v11, v6;
	v4 =	vld.idx.msk [tilespmem:v7+s20+$0x0], $0xffff;
	v2 =	vmax.f32 v2, $0.0e+00  }
0x185: {  	v11 =	vor.u32 s30, v62;
	v7 =	vld.idx.msk [tilespmem:v7+s18+$0x0], $0xffff;
	v2 =	vmul.f32 v2, v27;
	v1 =	vadd.f32 v3, v1  }
0x186: {  	v6 =	vmax.f32 v6, $0.0e+00;
	v3 =	vld.idx.msk [tilespmem:v9+s20+$0x0], $0xffff;
	v8 =	vadd.f32 v12, v8  }
0x187: {  	v9 =	vld.idx.msk [tilespmem:v9+s18+$0x0], $0xffff;
	v12 =	vor.u32 s30, v37;
	v1 =	vadd.f32 v2, v1;
	v2 =	vmul.f32 v6, v26  }
0x188: {  	v5 =	vadd.f32 v13, v5;
	v6 =	vld.idx.msk [tilespmem:v10+s20+$0x0], $0xffff;
	v8 =	vmax.f32 v8, $0.0e+00  }
0x189: {  	v13 =	vor.u32 s30, v61;
	v10 =	vld.idx.msk [tilespmem:v10+s18+$0x0], $0xffff;
	v1 =	vadd.f32 v2, v1;
	v2 =	vmul.f32 v8, v25  }
0x18a: {  	v5 =	vmax.f32 v5, $0.0e+00;
	v4 =	vadd.f32 v4, v7;
	v7 =	vld.idx.msk [tilespmem:v11+s18+$0x0], $0xffff  }
0x18b: {  	v8 =	vld.idx.msk [tilespmem:v11+s20+$0x0], $0xffff;
	v11 =	vor.u32 s30, v38;
	v1 =	vadd.f32 v2, v1;
	v2 =	vmul.f32 v5, v24  }
0x18c: {  	v4 =	vmax.f32 v4, $0.0e+00;
	v3 =	vadd.f32 v3, v9;
	v9 =	vld.idx.msk [tilespmem:v12+s18+$0x0], $0xffff  }
0x18d: {  	v5 =	vld.idx.msk [tilespmem:v12+s20+$0x0], $0xffff;
	v12 =	vor.u32 s30, v39;
	v1 =	vadd.f32 v2, v1;
	v2 =	vmul.f32 v4, v23  }
0x18e: {  	v3 =	vmax.f32 v3, $0.0e+00;
	v6 =	vadd.f32 v6, v10;
	v10 =	vld.idx.msk [tilespmem:v13+s18+$0x0], $0xffff  }
0x18f: {  	v4 =	vld.idx.msk [tilespmem:v13+s20+$0x0], $0xffff;
	v13 =	vor.u32 s30, v60;
	v1 =	vadd.f32 v2, v1;
	v2 =	vmul.f32 v3, v22  }
0x190: {  	v6 =	vmax.f32 v6, $0.0e+00;
	v7 =	vadd.f32 v8, v7;
	v8 =	vld.idx.msk [tilespmem:v11+s18+$0x0], $0xffff  }
0x191: {  	v3 =	vld.idx.msk [tilespmem:v11+s20+$0x0], $0xffff;
	v11 =	vor.u32 s30, v41;
	v1 =	vadd.f32 v2, v1;
	v2 =	vmul.f32 v6, v40  }
0x192: {  	v7 =	vmax.f32 v7, $0.0e+00;
	v5 =	vadd.f32 v5, v9;
	v9 =	vld.idx.msk [tilespmem:v12+s18+$0x0], $0xffff  }
0x193: {  	v6 =	vld.idx.msk [tilespmem:v12+s20+$0x0], $0xffff;
	v12 =	vor.u32 s30, v59;
	v1 =	vadd.f32 v2, v1;
	v2 =	vmul.f32 v7, v21  }
0x194: {  	v5 =	vmax.f32 v5, $0.0e+00;
	v4 =	vadd.f32 v4, v10;
	v10 =	vld.idx.msk [tilespmem:v13+s18+$0x0], $0xffff  }
0x195: {  	v7 =	vld.idx.msk [tilespmem:v13+s20+$0x0], $0xffff;
	v13 =	vor.u32 s30, v42;
	v1 =	vadd.f32 v2, v1;
	v2 =	vmul.f32 v5, v20  }
0x196: {  	v4 =	vmax.f32 v4, $0.0e+00;
	v3 =	vadd.f32 v3, v8;
	v8 =	vld.idx.msk [tilespmem:v11+s18+$0x0], $0xffff  }
0x197: {  	v5 =	vld.idx.msk [tilespmem:v11+s20+$0x0], $0xffff;
	v11 =	vor.u32 s30, v58;
	v1 =	vadd.f32 v2, v1;
	v2 =	vmul.f32 v4, v19  }
0x198: {  	v3 =	vmax.f32 v3, $0.0e+00;
	v6 =	vadd.f32 v6, v9;
	v9 =	vld.idx.msk [tilespmem:v12+s18+$0x0], $0xffff  }
0x199: {  	v4 =	vld.idx.msk [tilespmem:v12+s20+$0x0], $0xffff;
	v12 =	vor.u32 s30, v43;
	v1 =	vadd.f32 v2, v1;
	v2 =	vmul.f32 v3, v18  }
0x19a: {  	v6 =	vmax.f32 v6, $0.0e+00;
	v7 =	vadd.f32 v7, v10;
	v10 =	vld.idx.msk [tilespmem:v13+s18+$0x0], $0xffff  }
0x19b: {  	v3 =	vld.idx.msk [tilespmem:v13+s20+$0x0], $0xffff;
	v13 =	vor.u32 s30, v45;
	v1 =	vadd.f32 v2, v1;
	v2 =	vmul.f32 v6, v17  }
0x19c: {  	v7 =	vmax.f32 v7, $0.0e+00;
	v5 =	vadd.f32 v5, v8;
	v8 =	vld.idx.msk [tilespmem:v11+s18+$0x0], $0xffff  }
0x19d: {  	v6 =	vld.idx.msk [tilespmem:v11+s20+$0x0], $0xffff;
	v1 =	vadd.f32 v2, v1;
	v2 =	vmul.f32 v7, v57  }
0x19e: {  	v5 =	vmax.f32 v5, $0.0e+00;
	v4 =	vadd.f32 v4, v9;
	v9 =	vld.idx.msk [tilespmem:v12+s18+$0x0], $0xffff  }
0x19f: {  	v7 =	vld.idx.msk [tilespmem:v12+s20+$0x0], $0xffff;
	v1 =	vadd.f32 v2, v1;
	v2 =	vmul.f32 v5, v56  }
0x1a0: {  	v4 =	vmax.f32 v4, $0.0e+00;
	v3 =	vadd.f32 v3, v10;
	v10 =	vld.idx.msk [tilespmem:v13+s18+$0x0], $0xffff  }
0x1a1: {  	v5 =	vld.idx.msk [tilespmem:v13+s20+$0x0], $0xffff;
	v1 =	vadd.f32 v2, v1;
	v2 =	vmul.f32 v4, v55  }
0x1a2: {  	v11 =	vor.u32 s30, v46;
	v3 =	vmax.f32 v3, $0.0e+00;
	v6 =	vadd.f32 v6, v8  }
0x1a3: {  	v1 =	vadd.f32 v2, v1;
	v2 =	vmul.f32 v3, v54  }
0x1a4: {  	v6 =	vmax.f32 v6, $0.0e+00;
	v7 =	vadd.f32 v7, v9  }
0x1a5: {  	v1 =	vadd.f32 v2, v1;
	v2 =	vmul.f32 v6, v51  }
0x1a6: {  	v7 =	vmax.f32 v7, $0.0e+00;
	v5 =	vadd.f32 v5, v10  }
0x1a7: {  	v8 =	vld.idx.msk [tilespmem:v11+s18+$0x0], $0xffff;
	v1 =	vadd.f32 v2, v1;
	v2 =	vmul.f32 v7, v49  }
0x1a8: {  	v4 =	vld.idx.msk [tilespmem:v11+s20+$0x0], $0xffff;
	v5 =	vmax.f32 v5, $0.0e+00  }
0x1a9: {  	v12 =	vor.u32 s30, v47;
	v1 =	vadd.f32 v2, v1;
	v2 =	vmul.f32 v5, v44;
	_ =	sdelay $0x1  }
0x1aa: {  	v1 =	vadd.f32 v2, v1;
	v2 =	vld [tilespmem:$0x1FC80];
	_ =	sdelay $0x1  }
0x1ab: {  	v4 =	vadd.f32 v4, v8  }
0x1ac: {  	v9 =	vld.idx.msk [tilespmem:v12+s18+$0x0], $0xffff  }
0x1ad: {  	v3 =	vld.idx.msk [tilespmem:v12+s20+$0x0], $0xffff;
	v4 =	vmax.f32 v4, $0.0e+00  }
0x1ae: {  	v13 =	vor.u32 s30, v53;
	v2 =	vmul.f32 v4, v2;
	_ =	sdelay $0x1  }
0x1af: {  	v1 =	vadd.f32 v2, v1;
	v2 =	vld [tilespmem:$0x1FC90];
	_ =	sdelay $0x1  }
0x1b0: {  	v3 =	vadd.f32 v3, v9  }
0x1b1: {  	v10 =	vld.idx.msk [tilespmem:v13+s18+$0x0], $0xffff  }
0x1b2: {  	v6 =	vld.idx.msk [tilespmem:v13+s20+$0x0], $0xffff;
	v3 =	vmax.f32 v3, $0.0e+00  }
0x1b3: {  	v11 =	vor.u32 s30, v52;
	v2 =	vmul.f32 v3, v2;
	_ =	sdelay $0x1  }
0x1b4: {  	v1 =	vadd.f32 v2, v1;
	v2 =	vld [tilespmem:$0x1FCA0];
	_ =	sdelay $0x1  }
0x1b5: {  	v6 =	vadd.f32 v6, v10  }
0x1b6: {  	v8 =	vld.idx.msk [tilespmem:v11+s18+$0x0], $0xffff  }
0x1b7: {  	v7 =	vld.idx.msk [tilespmem:v11+s20+$0x0], $0xffff;
	v6 =	vmax.f32 v6, $0.0e+00  }
0x1b8: {  	v12 =	vor.u32 s30, v50;
	v2 =	vmul.f32 v6, v2;
	_ =	sdelay $0x1  }
0x1b9: {  	v1 =	vadd.f32 v2, v1;
	v2 =	vld [tilespmem:$0x1FCB0];
	_ =	sdelay $0x1  }
0x1ba: {  	v7 =	vadd.f32 v7, v8  }
0x1bb: {  	v9 =	vld.idx.msk [tilespmem:v12+s18+$0x0], $0xffff  }
0x1bc: {  	v5 =	vld.idx.msk [tilespmem:v12+s20+$0x0], $0xffff;
	v7 =	vmax.f32 v7, $0.0e+00  }
0x1bd: {  	v13 =	vor.u32 s30, v48;
	v2 =	vmul.f32 v7, v2  }
0x1be: {  	v11 =	vld [tilespmem:$0x1FFB0]  }
0x1bf: {  	v1 =	vadd.f32 v2, v1;
	v2 =	vld [tilespmem:$0x1FCC0];
	_ =	sdelay $0x1  }
0x1c0: {  	v5 =	vadd.f32 v5, v9  }
0x1c1: {  	v10 =	vld.idx.msk [tilespmem:v13+s18+$0x0], $0xffff  }
0x1c2: {  	v4 =	vld.idx.msk [tilespmem:v13+s20+$0x0], $0xffff;
	v5 =	vmax.f32 v5, $0.0e+00  }
0x1c3: {  	v11 =	vor.u32 s30, v11;
	v2 =	vmul.f32 v5, v2  }
0x1c4: {  	v12 =	vld [tilespmem:$0x1FFD0]  }
0x1c5: {  	v1 =	vadd.f32 v2, v1;
	v2 =	vld [tilespmem:$0x1FCD0];
	_ =	sdelay $0x1  }
0x1c6: {  	v4 =	vadd.f32 v4, v10  }
0x1c7: {  	v8 =	vld.idx.msk [tilespmem:v11+s18+$0x0], $0xffff  }
0x1c8: {  	v3 =	vld.idx.msk [tilespmem:v11+s20+$0x0], $0xffff;
	v4 =	vmax.f32 v4, $0.0e+00  }
0x1c9: {  	v12 =	vor.u32 s30, v12;
	v2 =	vmul.f32 v4, v2  }
0x1ca: {  	v13 =	vld [tilespmem:$0x1FFE0]  }
0x1cb: {  	v1 =	vadd.f32 v2, v1;
	v2 =	vld [tilespmem:$0x1FCE0];
	_ =	sdelay $0x1  }
0x1cc: {  	v3 =	vadd.f32 v3, v8  }
0x1cd: {  	v9 =	vld.idx.msk [tilespmem:v12+s18+$0x0], $0xffff  }
0x1ce: {  	v6 =	vld.idx.msk [tilespmem:v12+s20+$0x0], $0xffff;
	v3 =	vmax.f32 v3, $0.0e+00  }
0x1cf: {  	v13 =	vor.u32 s30, v13;
	v2 =	vmul.f32 v3, v2  }
0x1d0: {  	v11 =	vld [tilespmem:$0x1FFF0]  }
0x1d1: {  	v1 =	vadd.f32 v2, v1;
	v2 =	vld [tilespmem:$0x1FCF0];
	_ =	sdelay $0x1  }
0x1d2: {  	v4 =	vadd.f32 v6, v9  }
0x1d3: {  	v10 =	vld.idx.msk [tilespmem:v13+s18+$0x0], $0xffff  }
0x1d4: {  	v7 =	vld.idx.msk [tilespmem:v13+s20+$0x0], $0xffff;
	v3 =	vmax.f32 v4, $0.0e+00  }
0x1d5: {  	v11 =	vor.u32 s30, v11;
	v2 =	vmul.f32 v3, v2;
	_ =	sdelay $0x1  }
0x1d6: {  	v1 =	vadd.f32 v2, v1;
	v2 =	vld [tilespmem:$0x1FD00];
	_ =	sdelay $0x1  }
0x1d7: {  	v4 =	vadd.f32 v7, v10  }
0x1d8: {  	v8 =	vld.idx.msk [tilespmem:v11+s18+$0x0], $0xffff  }
0x1d9: {  	v5 =	vld.idx.msk [tilespmem:v11+s20+$0x0], $0xffff;
	v3 =	vmax.f32 v4, $0.0e+00  }
0x1da: {  	v2 =	vmul.f32 v3, v2;
	_ =	sdelay $0x1  }
0x1db: {  	v1 =	vadd.f32 v2, v1;
	v2 =	vld [tilespmem:$0x1FD10];
	_ =	sdelay $0x1  }
0x1dc: {  	v4 =	vadd.f32 v5, v8  }
0x1dd: {  	s29 =	sadd.s32 $0x10, s29  }
0x1de: {  	v3 =	vmax.f32 v4, $0.0e+00;
	v4 =	vld [tilespmem:s29+$0x0]  }
0x1df: {  	v2 =	vmul.f32 v3, v2;
	_ =	sdelay $0x1  }
0x1e0: {  	v1 =	vadd.f32 v2, v1  }
0x1e1: {  	v2 =	vld [tilespmem:s29+$0x190]  }
0x1e2: {  	v1 =	vadd.f32 v1, v4;
	_ =	sdelay $0x1  }
0x1e3: {  	v1 =	vmax.f32 v1, $-4.595119950e+00  }
0x1e4: {  	v1 =	vmin.f32 v1, $4.595120910e+00  }
0x1e5: {  	v1 =	vadd.f32 v1, v2;
	v2 =	vld [tilespmem:$0x1FFC0];
	_ =	sdelay $0x4  }
0x1e6: {  	v1 =	vmul.f32 v1, v2;
	_ =	sdelay $0x1  }
0x1e7: {  	v1 =	vsub.f32 $0.0e+00, v1;
	_ =	sdelay $0x1  }
0x1e8: {  	v1 =	vmul.f32 $1.442695020e+00, v1;
	_ =	sdelay $0x1  }
0x1e9: {  	(erf) = vpow2.f32 v1;
	_ =	sdelay $0x8  }
0x1ea: {  	v1 =	vpop (erf)  }
0x1eb: {  	v1 =	vadd.f32 $1.000000000e+00, v1;
	_ =	sdelay $0x1  }
0x1ec: {  	(erf) = vrcp.f32 v1;
	_ =	sdelay $0x4  }
0x1ed: {  	p1 =	sne.s32 s0, $0x3000  }
.Ltmp0:
0x1ee: {  	_ = 	snop;
	(pc) =	sbr.rel @p1 .LBB2_3-.Ltmp0, $4  }
0x1ef: {  	_ = 	snop  }
0x1f0: {  	s6 =	smov.u32 s0  }
0x1f1: {  	s28 =	sadd.s32 $0x10, s28;
	s4 =	sadd.s32 $0x200, s0;
	s30 =	smov.u32 s6;
	v3 =	vld [tilespmem:s29+$0xFFFFFCE0];
	v4 =	vpop (erf)  }
0x1f2: {  	s0 =	smov.u32 s4;
	s31 =	smov.u32 s28;
	v12 =	vmovc v0;
	v13 =	vmovc v14;
	v2 =	vor.u32 s30, v14;
	v1 =	vld [tilespmem:s29+$0xFFFFFE70];
	vm0 =	vlt.f32 v4, $0.0e+00;
	vm1 =	vgt.f32 v4, $0.0e+00;
	[tilespmem:s28+$0xFFFFFE70] =	vst v4  }
0x1f3: {  	_ =	sdelay $0x1  }
0x1f4: {  	vm0 =	vmor vm1, vm0  }
0x1f5: {  	v3 =	vnsel vm0, $0xFFFFFFFF, v3  }
0x1f6: {  	v1 =	vnsel vm0, $0xFFFFFFFF, v1;
	[tilespmem:s31+$0x0] =	vst v3  }
0x1f7: {  	[tilespmem:s31+$0x190] =	vst v1  }
0x1f8: {  	v4 =	vor.u32 s30, v16;
	v1 =	vld.idx.msk [tilespmem:v2+s18+$0x0], $0xffff  }
0x1f9: {  	v2 =	vld.idx.msk [tilespmem:v2+s20+$0x0], $0xffff;
	_ =	sdelay $0x1  }
0x1fa: {  	v3 =	vor.u32 s30, v31;
	_ =	sdelay $0x1  }
0x1fb: {  	v5 =	vor.u32 s30, v32;
	v6 =	vld.idx.msk [tilespmem:v4+s20+$0x0], $0xffff  }
0x1fc: {  	v1 =	vadd.f32 v2, v1;
	v2 =	vld [tilespmem:$0x1FE50]  }
0x1fd: {  	v7 =	vor.u32 s30, v33;
	v4 =	vld.idx.msk [tilespmem:v4+s18+$0x0], $0xffff  }
0x1fe: {  	v8 =	vld.idx.msk [tilespmem:v3+s20+$0x0], $0xffff  }
0x1ff: {  	v9 =	vor.u32 s30, v34;
	v3 =	vld.idx.msk [tilespmem:v3+s18+$0x0], $0xffff  }
0x200: {  	v30 =	vld.idx.msk [tilespmem:v5+s20+$0x0], $0xffff  }
0x201: {  	v10 =	vld.idx.msk [tilespmem:v5+s18+$0x0], $0xffff;
	v5 =	vor.u32 s30, v2  }
0x202: {  	v11 =	vld.idx.msk [tilespmem:v7+s20+$0x0], $0xffff;
	v4 =	vadd.f32 v6, v4;
	v1 =	vmax.f32 v1, $0.0e+00  }
0x203: {  	v6 =	vld.idx.msk [tilespmem:v7+s18+$0x0], $0xffff;
	v7 =	vor.u32 s30, v63;
	v2 =	vmul.f32 v1, v12  }
0x204: {  	v4 =	vmax.f32 v4, $0.0e+00;
	v3 =	vadd.f32 v8, v3;
	v8 =	vld.idx.msk [tilespmem:v9+s18+$0x0], $0xffff  }
0x205: {  	v4 =	vmul.f32 v4, v29;
	v12 =	vld.idx.msk [tilespmem:v9+s20+$0x0], $0xffff;
	v9 =	vor.u32 s30, v35;
	v1 =	vadd.f32 $0.0e+00, v2  }
0x206: {  	v3 =	vmax.f32 v3, $0.0e+00;
	v2 =	vadd.f32 v30, v10;
	v10 =	vld.idx.msk [tilespmem:v5+s20+$0x0], $0xffff  }
0x207: {  	v3 =	vmul.f32 v3, v28;
	v1 =	vadd.f32 v4, v1;
	v4 =	vor.u32 s30, v36;
	v5 =	vld.idx.msk [tilespmem:v5+s18+$0x0], $0xffff  }
0x208: {  	v6 =	vadd.f32 v11, v6;
	v11 =	vld.idx.msk [tilespmem:v7+s20+$0x0], $0xffff;
	v2 =	vmax.f32 v2, $0.0e+00  }
0x209: {  	v7 =	vld.idx.msk [tilespmem:v7+s18+$0x0], $0xffff;
	v2 =	vmul.f32 v2, v27;
	v1 =	vadd.f32 v3, v1;
	v3 =	vor.u32 s30, v62  }
0x20a: {  	v6 =	vmax.f32 v6, $0.0e+00;
	v8 =	vadd.f32 v12, v8;
	v12 =	vld.idx.msk [tilespmem:v9+s20+$0x0], $0xffff  }
0x20b: {  	v6 =	vmul.f32 v6, v26;
	v9 =	vld.idx.msk [tilespmem:v9+s18+$0x0], $0xffff;
	v1 =	vadd.f32 v2, v1;
	v2 =	vor.u32 s30, v37  }
0x20c: {  	v8 =	vmax.f32 v8, $0.0e+00;
	v5 =	vadd.f32 v10, v5;
	v10 =	vld.idx.msk [tilespmem:v4+s20+$0x0], $0xffff  }
0x20d: {  	v8 =	vmul.f32 v8, v25;
	v4 =	vld.idx.msk [tilespmem:v4+s18+$0x0], $0xffff;
	v1 =	vadd.f32 v6, v1;
	v6 =	vor.u32 s30, v61  }
0x20e: {  	v7 =	vadd.f32 v11, v7;
	v11 =	vld.idx.msk [tilespmem:v3+s20+$0x0], $0xffff;
	v5 =	vmax.f32 v5, $0.0e+00  }
0x20f: {  	v3 =	vld.idx.msk [tilespmem:v3+s18+$0x0], $0xffff;
	v1 =	vadd.f32 v8, v1;
	v8 =	vor.u32 s30, v38;
	v5 =	vmul.f32 v5, v24  }
0x210: {  	v7 =	vmax.f32 v7, $0.0e+00;
	v9 =	vadd.f32 v12, v9;
	v12 =	vld.idx.msk [tilespmem:v2+s20+$0x0], $0xffff  }
0x211: {  	v7 =	vmul.f32 v7, v23;
	v2 =	vld.idx.msk [tilespmem:v2+s18+$0x0], $0xffff;
	v1 =	vadd.f32 v5, v1;
	v5 =	vor.u32 s30, v39  }
0x212: {  	v9 =	vmax.f32 v9, $0.0e+00;
	v4 =	vadd.f32 v10, v4;
	v10 =	vld.idx.msk [tilespmem:v6+s20+$0x0], $0xffff  }
0x213: {  	v9 =	vmul.f32 v9, v22;
	v6 =	vld.idx.msk [tilespmem:v6+s18+$0x0], $0xffff;
	v1 =	vadd.f32 v7, v1  }
0x214: {  	v3 =	vadd.f32 v11, v3;
	v7 =	vor.u32 s30, v60;
	v11 =	vld.idx.msk [tilespmem:v8+s20+$0x0], $0xffff;
	v4 =	vmax.f32 v4, $0.0e+00  }
0x215: {  	v8 =	vld.idx.msk [tilespmem:v8+s18+$0x0], $0xffff;
	v4 =	vmul.f32 v4, v40;
	v1 =	vadd.f32 v9, v1;
	v9 =	vor.u32 s30, v41  }
0x216: {  	v2 =	vadd.f32 v12, v2;
	v3 =	vmax.f32 v3, $0.0e+00;
	v12 =	vld.idx.msk [tilespmem:v5+s20+$0x0], $0xffff  }
0x217: {  	v3 =	vmul.f32 v3, v21;
	v5 =	vld.idx.msk [tilespmem:v5+s18+$0x0], $0xffff;
	v1 =	vadd.f32 v4, v1  }
0x218: {  	v6 =	vadd.f32 v10, v6;
	v2 =	vmax.f32 v2, $0.0e+00  }
0x219: {  	v4 =	vor.u32 s30, v59;
	v2 =	vmul.f32 v2, v20;
	v10 =	vld.idx.msk [tilespmem:v7+s20+$0x0], $0xffff;
	v1 =	vadd.f32 v3, v1  }
0x21a: {  	v8 =	vadd.f32 v11, v8;
	v6 =	vmax.f32 v6, $0.0e+00;
	v11 =	vld.idx.msk [tilespmem:v9+s20+$0x0], $0xffff  }
0x21b: {  	v6 =	vmul.f32 v6, v19;
	v9 =	vld.idx.msk [tilespmem:v9+s18+$0x0], $0xffff;
	v1 =	vadd.f32 v2, v1;
	v2 =	vor.u32 s30, v58  }
0x21c: {  	v7 =	vld.idx.msk [tilespmem:v7+s18+$0x0], $0xffff;
	v8 =	vmax.f32 v8, $0.0e+00;
	v5 =	vadd.f32 v12, v5  }
0x21d: {  	v3 =	vor.u32 s30, v42;
	v8 =	vmul.f32 v8, v18;
	v1 =	vadd.f32 v6, v1  }
0x21e: {  	v12 =	vld.idx.msk [tilespmem:v4+s20+$0x0], $0xffff;
	v5 =	vmax.f32 v5, $0.0e+00  }
0x21f: {  	v4 =	vld.idx.msk [tilespmem:v4+s18+$0x0], $0xffff;
	v6 =	vor.u32 s30, v43;
	v5 =	vmul.f32 v5, v17;
	v1 =	vadd.f32 v8, v1  }
0x220: {  	v9 =	vadd.f32 v11, v9;
	v11 =	vld.idx.msk [tilespmem:v2+s20+$0x0], $0xffff  }
0x221: {  	v7 =	vadd.f32 v10, v7;
	v2 =	vld.idx.msk [tilespmem:v2+s18+$0x0], $0xffff;
	v1 =	vadd.f32 v5, v1;
	v5 =	vor.u32 s30, v46  }
0x222: {  	v10 =	vld.idx.msk [tilespmem:v3+s20+$0x0], $0xffff  }
0x223: {  	v3 =	vld.idx.msk [tilespmem:v3+s18+$0x0], $0xffff;
	v7 =	vmax.f32 v7, $0.0e+00  }
0x224: {  	v8 =	vor.u32 s30, v45;
	v7 =	vmul.f32 v7, v57;
	v4 =	vadd.f32 v12, v4;
	v12 =	vld.idx.msk [tilespmem:v6+s20+$0x0], $0xffff  }
0x225: {  	v6 =	vld.idx.msk [tilespmem:v6+s18+$0x0], $0xffff  }
0x226: {  	v1 =	vadd.f32 v7, v1;
	v7 =	vor.u32 s30, v47;
	v2 =	vadd.f32 v11, v2;
	v11 =	vld.idx.msk [tilespmem:v5+s20+$0x0], $0xffff  }
0x227: {  	v5 =	vld.idx.msk [tilespmem:v5+s18+$0x0], $0xffff  }
0x228: {  	v30 =	vld [tilespmem:$0x1FC80];
	v9 =	vmax.f32 v9, $0.0e+00  }
0x229: {  	v9 =	vmul.f32 v9, v56;
	v3 =	vadd.f32 v10, v3;
	v4 =	vmax.f32 v4, $0.0e+00;
	v10 =	vld.idx.msk [tilespmem:v8+s20+$0x0], $0xffff  }
0x22a: {  	v8 =	vld.idx.msk [tilespmem:v8+s18+$0x0], $0xffff;
	v4 =	vmul.f32 v4, v55  }
0x22b: {  	v1 =	vadd.f32 v9, v1;
	v9 =	vor.u32 s30, v53;
	v6 =	vadd.f32 v12, v6;
	v12 =	vld.idx.msk [tilespmem:v7+s20+$0x0], $0xffff  }
0x22c: {  	v3 =	vmax.f32 v3, $0.0e+00;
	v7 =	vld.idx.msk [tilespmem:v7+s18+$0x0], $0xffff;
	v5 =	vadd.f32 v11, v5  }
0x22d: {  	v3 =	vmul.f32 v3, v54;
	v1 =	vadd.f32 v4, v1  }
0x22e: {  	v2 =	vmax.f32 v2, $0.0e+00;
	v5 =	vmax.f32 v5, $0.0e+00  }
0x22f: {  	v2 =	vmul.f32 v2, v51;
	v1 =	vadd.f32 v3, v1;
	v5 =	vmul.f32 v5, v30;
	v30 =	vld [tilespmem:$0x1FC90]  }
0x230: {  	v8 =	vadd.f32 v10, v8;
	v6 =	vmax.f32 v6, $0.0e+00;
	v10 =	vld.idx.msk [tilespmem:v9+s20+$0x0], $0xffff  }
0x231: {  	v9 =	vld.idx.msk [tilespmem:v9+s18+$0x0], $0xffff;
	v6 =	vmul.f32 v6, v49;
	v1 =	vadd.f32 v2, v1;
	v7 =	vadd.f32 v12, v7  }
0x232: {  	v4 =	vor.u32 s30, v52;
	v8 =	vmax.f32 v8, $0.0e+00  }
0x233: {  	v8 =	vmul.f32 v8, v44;
	v1 =	vadd.f32 v6, v1;
	v7 =	vmax.f32 v7, $0.0e+00  }
0x234: {  	v7 =	vmul.f32 v7, v30;
	v30 =	vld [tilespmem:$0x1FCA0]  }
0x235: {  	v1 =	vadd.f32 v8, v1  }
0x236: {  	v9 =	vadd.f32 v10, v9  }
0x237: {  	v11 =	vld.idx.msk [tilespmem:v4+s20+$0x0], $0xffff;
	v1 =	vadd.f32 v5, v1  }
0x238: {  	v4 =	vld.idx.msk [tilespmem:v4+s18+$0x0], $0xffff;
	v9 =	vmax.f32 v9, $0.0e+00  }
0x239: {  	v3 =	vor.u32 s30, v50;
	v1 =	vadd.f32 v7, v1;
	v9 =	vmul.f32 v9, v30;
	_ =	sdelay $0x1  }
0x23a: {  	v1 =	vadd.f32 v9, v1;
	v9 =	vld [tilespmem:$0x1FCB0];
	_ =	sdelay $0x1  }
0x23b: {  	v4 =	vadd.f32 v11, v4  }
0x23c: {  	v12 =	vld.idx.msk [tilespmem:v3+s20+$0x0], $0xffff  }
0x23d: {  	v3 =	vld.idx.msk [tilespmem:v3+s18+$0x0], $0xffff;
	v4 =	vmax.f32 v4, $0.0e+00  }
0x23e: {  	v2 =	vor.u32 s30, v48;
	v4 =	vmul.f32 v4, v9  }
0x23f: {  	v6 =	vld [tilespmem:$0x1FFB0]  }
0x240: {  	v1 =	vadd.f32 v4, v1;
	v4 =	vld [tilespmem:$0x1FCC0];
	_ =	sdelay $0x1  }
0x241: {  	v3 =	vadd.f32 v12, v3  }
0x242: {  	v10 =	vld.idx.msk [tilespmem:v2+s20+$0x0], $0xffff  }
0x243: {  	v2 =	vld.idx.msk [tilespmem:v2+s18+$0x0], $0xffff;
	v3 =	vmax.f32 v3, $0.0e+00  }
0x244: {  	v6 =	vor.u32 s30, v6;
	v3 =	vmul.f32 v3, v4  }
0x245: {  	v8 =	vld [tilespmem:$0x1FFD0]  }
0x246: {  	v1 =	vadd.f32 v3, v1;
	v3 =	vld [tilespmem:$0x1FCD0];
	_ =	sdelay $0x1  }
0x247: {  	v2 =	vadd.f32 v10, v2  }
0x248: {  	v11 =	vld.idx.msk [tilespmem:v6+s20+$0x0], $0xffff  }
0x249: {  	v6 =	vld.idx.msk [tilespmem:v6+s18+$0x0], $0xffff;
	v2 =	vmax.f32 v2, $0.0e+00  }
0x24a: {  	v8 =	vor.u32 s30, v8;
	v2 =	vmul.f32 v2, v3  }
0x24b: {  	v5 =	vld [tilespmem:$0x1FFE0]  }
0x24c: {  	v1 =	vadd.f32 v2, v1;
	v2 =	vld [tilespmem:$0x1FCE0];
	_ =	sdelay $0x1  }
0x24d: {  	v6 =	vadd.f32 v11, v6  }
0x24e: {  	v12 =	vld.idx.msk [tilespmem:v8+s20+$0x0], $0xffff  }
0x24f: {  	v8 =	vld.idx.msk [tilespmem:v8+s18+$0x0], $0xffff;
	v3 =	vmax.f32 v6, $0.0e+00  }
0x250: {  	v5 =	vor.u32 s30, v5;
	v2 =	vmul.f32 v3, v2  }
0x251: {  	v7 =	vld [tilespmem:$0x1FFF0]  }
0x252: {  	v1 =	vadd.f32 v2, v1;
	v2 =	vld [tilespmem:$0x1FCF0];
	_ =	sdelay $0x1  }
0x253: {  	v11 =	vadd.f32 v12, v8  }
0x254: {  	v9 =	vld.idx.msk [tilespmem:v5+s20+$0x0], $0xffff  }
0x255: {  	v5 =	vld.idx.msk [tilespmem:v5+s18+$0x0], $0xffff;
	v3 =	vmax.f32 v11, $0.0e+00  }
0x256: {  	v7 =	vor.u32 s30, v7;
	v2 =	vmul.f32 v3, v2;
	_ =	sdelay $0x1  }
0x257: {  	v1 =	vadd.f32 v2, v1;
	v2 =	vld [tilespmem:$0x1FD00];
	_ =	sdelay $0x1  }
0x258: {  	v5 =	vadd.f32 v9, v5  }
0x259: {  	v4 =	vld.idx.msk [tilespmem:v7+s20+$0x0], $0xffff  }
0x25a: {  	v7 =	vld.idx.msk [tilespmem:v7+s18+$0x0], $0xffff;
	v3 =	vmax.f32 v5, $0.0e+00  }
0x25b: {  	v2 =	vmul.f32 v3, v2;
	_ =	sdelay $0x1  }
0x25c: {  	v1 =	vadd.f32 v2, v1;
	v2 =	vld [tilespmem:$0x1FD10];
	_ =	sdelay $0x1  }
0x25d: {  	v4 =	vadd.f32 v4, v7  }
0x25e: {  	s0 =	sadd.s32 $0x10, s29  }
0x25f: {  	v3 =	vmax.f32 v4, $0.0e+00;
	v4 =	vld [tilespmem:s0+$0x0]  }
0x260: {  	v2 =	vmul.f32 v3, v2;
	_ =	sdelay $0x1  }
0x261: {  	v1 =	vadd.f32 v2, v1  }
0x262: {  	v2 =	vld [tilespmem:s0+$0x190]  }
0x263: {  	v1 =	vadd.f32 v1, v4;
	_ =	sdelay $0x1  }
0x264: {  	v1 =	vmax.f32 v1, $-4.595119950e+00  }
0x265: {  	v1 =	vmin.f32 v1, $4.595120910e+00  }
0x266: {  	v1 =	vadd.f32 v1, v2;
	v2 =	vld [tilespmem:$0x1FFC0];
	_ =	sdelay $0x4  }
0x267: {  	v1 =	vmul.f32 v1, v2;
	_ =	sdelay $0x1  }
0x268: {  	v1 =	vsub.f32 $0.0e+00, v1;
	_ =	sdelay $0x1  }
0x269: {  	v1 =	vmul.f32 $1.442695020e+00, v1;
	_ =	sdelay $0x1  }
0x26a: {  	(erf) = vpow2.f32 v1;
	_ =	sdelay $0x8  }
0x26b: {  	v1 =	vpop (erf)  }
0x26c: {  	v1 =	vadd.f32 $1.000000000e+00, v1;
	_ =	sdelay $0x1  }
0x26d: {  	(erf) = vrcp.f32 v1;
	_ =	sdelay $0x6  }
0x26e: {  	v1 =	vld [tilespmem:s0+$0xFFFFFCE0]  }
0x26f: {  	v2 =	vld [tilespmem:s0+$0xFFFFFE70]  }
0x270: {  	v3 =	vpop (erf)  }
0x271: {  	vm0 =	vlt.f32 v3, $0.0e+00;
	vm1 =	vgt.f32 v3, $0.0e+00  }
0x272: {  	s4 =	smul.u32 $0x96, s26;
	s31 =	sadd.s32 $0x10, s28;
	vm0 =	vmor vm1, vm0  }
0x273: {  	s26 =	smul.u32 $0x640, s26;
	[tilespmem:s31+$0xFFFFFE70] =	vst v3;
	v1 =	vnsel vm0, $0xFFFFFFFF, v1  }
0x274: {  	v2 =	vnsel vm0, $0xFFFFFFFF, v2;
	[tilespmem:s31+$0x0] =	vst v1  }
0x275: {  	s6 =	sadd.s32 s7, s4;
	[tilespmem:s31+$0x190] =	vst v2;
	s31 =	sshrl.u32 s26, $0x3  }
0x276: {  	[hbm4b:s6+s5] =	stream.linear.scatter [tilespmem:s21], [sflag:$0x7], $0x4B0, $0x38;
	[tilespmem:$0xDFE0] =	vst v63  }
0x277: {  	s0 =	sadd.s32 s3, s31  }
0x278: {  	s0 =	sadd.s32 $0x190, s0  }
0x279: {  	[tilespmem:s5], [sflag:$0x1] =	stream.linear.gather [hbm4b:s0+s5], $0x640, $0x38;
	[tilespmem:$0xDFE0] =	vst v63  }
0x27a: {  	_ =	swait.ge [sflag:s22], $0x3200  }
0x27b: {  	[sflag:s22] =	ssyncset.done $0x0  }
0x27c: {  	[sflag:s22] =	ssyncadd.s32 $0xFFFFCE00  }
0x27d: {  	_ =	swait.ge [sflag:s23], $0x3200  }
0x27e: {  	[sflag:s23] =	ssyncset.done $0x0  }
0x27f: {  	[sflag:s23] =	ssyncadd.s32 $0xFFFFCE00  }
0x280: {  	_ =	swait.ge [sflag:s16], $0x640  }
0x281: {  	[sflag:s16] =	ssyncset.done $0x0  }
0x282: {  	[sflag:s16] =	ssyncadd.s32 $0xFFFFF9C0  }
0x283: {  	[tilespmem:s18], [sflag:$0x3] =	stream.indirect.gather [hbm4b:s1+s17], $0x20, s5, s17, $0xb8;
	[tilespmem:$0xDFE0] =	vst v63  }
0x284: {  	s4 =	simm.s32 $0x190  }
0x285: {  	[tilespmem:s20], [sflag:$0x5] =	stream.indirect.gather [hbm4b:s2+s17], $0x20, s4, s17, $0xb8;
	[tilespmem:$0xDFE0] =	vst v63  }
0x286: {  	s6 =	simm.s32 $0x1680  }
0x287: {  	[tilespmem:s6], [sflag:$0x3] =	stream.indirect.gather [hbm4b:s1+s17], $0x20, s17, s17, $0xb8;
	[tilespmem:$0xDFE0] =	vst v63  }
0x288: {  	s26 =	simm.s32 $0x1E0;
	s31 =	simm.s32 $0x7A80  }
0x289: {  	[tilespmem:s31], [sflag:$0x5] =	stream.indirect.gather [hbm4b:s2+s17], $0x20, s26, s17, $0xb8;
	[tilespmem:$0xDFE0] =	vst v63  }
0x28a: {  	s4 =	simm.s32 $0xA0;
	s6 =	simm.s32 $0x2080  }
0x28b: {  	[tilespmem:s6], [sflag:$0x3] =	stream.indirect.gather [hbm4b:s1+s17], $0x20, s4, s17, $0xb8;
	[tilespmem:$0xDFE0] =	vst v63  }
0x28c: {  	s26 =	simm.s32 $0x230;
	s31 =	simm.s32 $0x8480  }
0x28d: {  	[tilespmem:s31], [sflag:$0x5] =	stream.indirect.gather [hbm4b:s2+s17], $0x20, s26, s17, $0xb8;
	[tilespmem:$0xDFE0] =	vst v63  }
0x28e: {  	s4 =	simm.s32 $0xF0;
	s6 =	simm.s32 $0x2A80  }
0x28f: {  	[tilespmem:s6], [sflag:$0x3] =	stream.indirect.gather [hbm4b:s1+s17], $0x20, s4, s17, $0xb8;
	[tilespmem:$0xDFE0] =	vst v63  }
0x290: {  	s26 =	simm.s32 $0x280;
	s31 =	simm.s32 $0x8E80  }
0x291: {  	[tilespmem:s31], [sflag:$0x5] =	stream.indirect.gather [hbm4b:s2+s17], $0x20, s26, s17, $0xb8;
	[tilespmem:$0xDFE0] =	vst v63  }
0x292: {  	s4 =	simm.s32 $0x140;
	s6 =	simm.s32 $0x3480  }
0x293: {  	[tilespmem:s6], [sflag:$0x3] =	stream.indirect.gather [hbm4b:s1+s17], $0x20, s4, s17, $0xb8;
	[tilespmem:$0xDFE0] =	vst v63  }
0x294: {  	s4 =	simm.s32 @!p0 $0x8  }
0x295: {  	[tilespmem:s9], [sflag:$0x5] =	stream.indirect.gather [hbm4b:s2+s17], $0x20, s12, s17, $0xb8;
	[tilespmem:$0xDFE0] =	vst v63  }
0x296: {  	s26 =	simm.s32 $0x0;
	_ =	swait.ge @!p0 [sflag:s4], $0x4B0  }
0x297: {  	v1 =	vor.u32 s26, v13;
	v3 =	vld [tilespmem:$0x1FE10];
	_ =	sdelay $0x1  }
0x298: {  	v2 =	vor.u32 s26, v16;
	v5 =	vld [tilespmem:$0x1FE20]  }
0x299: {  	[sflag:s4] =	ssyncset.done @!p0 $0x0;
	v9 =	vld [tilespmem:$0x1FE30]  }
0x29a: {  	v12 =	vld [tilespmem:$0x1FE00];
	[sflag:s4] =	ssyncadd.s32 @!p0 $0xFFFFFB50  }
0x29b: {  	v4 =	vld.idx.msk [tilespmem:v1+s13+$0x0], $0xffff;
	v3 =	vor.u32 s26, v3  }
0x29c: {  	v1 =	vld.idx.msk [tilespmem:v1+s19+$0x0], $0xffff  }
0x29d: {  	v6 =	vld.idx.msk [tilespmem:v2+s19+$0x0], $0xffff;
	v5 =	vor.u32 s26, v5  }
0x29e: {  	v7 =	vor.u32 s26, v9;
	v9 =	vld [tilespmem:$0x1FE40]  }
0x29f: {  	v2 =	vld.idx.msk [tilespmem:v2+s13+$0x0], $0xffff  }
0x2a0: {  	v8 =	vld.idx.msk [tilespmem:v3+s19+$0x0], $0xffff  }
0x2a1: {  	v3 =	vld.idx.msk [tilespmem:v3+s13+$0x0], $0xffff  }
0x2a2: {  	v10 =	vld.idx.msk [tilespmem:v5+s19+$0x0], $0xffff  }
0x2a3: {  	v1 =	vadd.f32 v1, v4;
	v9 =	vor.u32 s26, v9;
	v4 =	vld.idx.msk [tilespmem:v5+s13+$0x0], $0xffff  }
0x2a4: {  	v5 =	vld [tilespmem:$0x1FE50]  }
0x2a5: {  	v11 =	vld.idx.msk [tilespmem:v7+s19+$0x0], $0xffff  }
0x2a6: {  	v2 =	vadd.f32 v6, v2;
	v1 =	vmax.f32 v1, $0.0e+00;
	v6 =	vld.idx.msk [tilespmem:v7+s13+$0x0], $0xffff  }
0x2a7: {  	v7 =	vld [tilespmem:$0x1FE60];
	v1 =	vmul.f32 v1, v12  }
0x2a8: {  	v30 =	vmov v12;
	v2 =	vmax.f32 v2, $0.0e+00;
	v12 =	vld.idx.msk [tilespmem:v9+s19+$0x0], $0xffff  }
0x2a9: {  	v2 =	vmul.f32 v2, v29;
	v1 =	vadd.f32 $0.0e+00, v1;
	v3 =	vadd.f32 v8, v3;
	v8 =	vld.idx.msk [tilespmem:v9+s13+$0x0], $0xffff  }
0x2aa: {  	v5 =	vor.u32 s26, v5;
	v9 =	vld [tilespmem:$0x1FF80]  }
0x2ab: {  	v1 =	vadd.f32 v2, v1;
	v3 =	vmax.f32 v3, $0.0e+00  }
0x2ac: {  	v2 =	vld [tilespmem:$0x1FE70];
	v7 =	vor.u32 s26, v7;
	v4 =	vadd.f32 v10, v4;
	v3 =	vmul.f32 v3, v28;
	_ =	sdelay $0x1  }
0x2ad: {  	v6 =	vadd.f32 v11, v6;
	v4 =	vmax.f32 v4, $0.0e+00;
	v1 =	vadd.f32 v3, v1;
	v3 =	vld [tilespmem:$0x1FE80]  }
0x2ae: {  	v4 =	vmul.f32 v4, v27;
	v9 =	vor.u32 s26, v9;
	v10 =	vld.idx.msk [tilespmem:v5+s19+$0x0], $0xffff  }
0x2af: {  	v6 =	vmax.f32 v6, $0.0e+00;
	v5 =	vld.idx.msk [tilespmem:v5+s13+$0x0], $0xffff  }
0x2b0: {  	v6 =	vmul.f32 v6, v26;
	v2 =	vor.u32 s26, v2;
	v11 =	vld.idx.msk [tilespmem:v7+s19+$0x0], $0xffff;
	v1 =	vadd.f32 v4, v1  }
0x2b1: {  	v7 =	vld.idx.msk [tilespmem:v7+s13+$0x0], $0xffff  }
0x2b2: {  	v1 =	vadd.f32 v6, v1;
	v6 =	vld [tilespmem:$0x1FEA0];
	v3 =	vor.u32 s26, v3  }
0x2b3: {  	v8 =	vadd.f32 v12, v8;
	v12 =	vld.idx.msk [tilespmem:v9+s19+$0x0], $0xffff  }
0x2b4: {  	v9 =	vld.idx.msk [tilespmem:v9+s13+$0x0], $0xffff  }
0x2b5: {  	v8 =	vmax.f32 v8, $0.0e+00;
	v5 =	vadd.f32 v10, v5;
	v10 =	vld.idx.msk [tilespmem:v2+s19+$0x0], $0xffff  }
0x2b6: {  	v8 =	vmul.f32 v8, v25;
	v2 =	vld.idx.msk [tilespmem:v2+s13+$0x0], $0xffff  }
0x2b7: {  	v7 =	vadd.f32 v11, v7;
	v5 =	vmax.f32 v5, $0.0e+00;
	v11 =	vld.idx.msk [tilespmem:v3+s19+$0x0], $0xffff  }
0x2b8: {  	v1 =	vadd.f32 v8, v1;
	v5 =	vmul.f32 v5, v24;
	v3 =	vld.idx.msk [tilespmem:v3+s13+$0x0], $0xffff  }
0x2b9: {  	v7 =	vmax.f32 v7, $0.0e+00;
	v9 =	vadd.f32 v12, v9  }
0x2ba: {  	v7 =	vmul.f32 v7, v23;
	v1 =	vadd.f32 v5, v1  }
0x2bb: {  	v6 =	vor.u32 s26, v6;
	v2 =	vadd.f32 v10, v2;
	v9 =	vmax.f32 v9, $0.0e+00  }
0x2bc: {  	v1 =	vadd.f32 v7, v1;
	v7 =	vld [tilespmem:$0x1FED0];
	v9 =	vmul.f32 v9, v22  }
0x2bd: {  	v2 =	vmax.f32 v2, $0.0e+00;
	v3 =	vadd.f32 v11, v3  }
0x2be: {  	v4 =	vld [tilespmem:$0x1FE90];
	v2 =	vmul.f32 v2, v40;
	v1 =	vadd.f32 v9, v1  }
0x2bf: {  	v8 =	vld [tilespmem:$0x1FEB0];
	v3 =	vmax.f32 v3, $0.0e+00  }
0x2c0: {  	v10 =	vld.idx.msk [tilespmem:v6+s19+$0x0], $0xffff;
	v1 =	vadd.f32 v2, v1;
	v3 =	vmul.f32 v3, v21  }
0x2c1: {  	v6 =	vld.idx.msk [tilespmem:v6+s13+$0x0], $0xffff;
	v7 =	vor.u32 s26, v7  }
0x2c2: {  	v1 =	vadd.f32 v3, v1;
	v3 =	vld [tilespmem:$0x1FF00]  }
0x2c3: {  	v4 =	vor.u32 s26, v4  }
0x2c4: {  	v5 =	vld [tilespmem:$0x1FEC0];
	_ =	sdelay $0x1  }
0x2c5: {  	v8 =	vor.u32 s26, v8;
	v6 =	vadd.f32 v10, v6;
	v10 =	vld.idx.msk [tilespmem:v7+s19+$0x0], $0xffff  }
0x2c6: {  	v7 =	vld.idx.msk [tilespmem:v7+s13+$0x0], $0xffff;
	v3 =	vor.u32 s26, v3  }
0x2c7: {  	v12 =	vld.idx.msk [tilespmem:v4+s19+$0x0], $0xffff  }
0x2c8: {  	v4 =	vld.idx.msk [tilespmem:v4+s13+$0x0], $0xffff;
	v5 =	vor.u32 s26, v5  }
0x2c9: {  	v9 =	vld [tilespmem:$0x1FEE0]  }
0x2ca: {  	v11 =	vld.idx.msk [tilespmem:v8+s19+$0x0], $0xffff  }
0x2cb: {  	v7 =	vadd.f32 v10, v7;
	v10 =	vld.idx.msk [tilespmem:v3+s19+$0x0], $0xffff  }
0x2cc: {  	v8 =	vld.idx.msk [tilespmem:v8+s13+$0x0], $0xffff  }
0x2cd: {  	v4 =	vadd.f32 v12, v4;
	v12 =	vld.idx.msk [tilespmem:v5+s19+$0x0], $0xffff  }
0x2ce: {  	v5 =	vld.idx.msk [tilespmem:v5+s13+$0x0], $0xffff  }
0x2cf: {  	v4 =	vmax.f32 v4, $0.0e+00  }
0x2d0: {  	v4 =	vmul.f32 v4, v20;
	[tilespmem:$0x1FBC0] =	vst v10;
	v10 =	vld [tilespmem:$0x1FC10]  }
0x2d1: {  	v9 =	vor.u32 s26, v9;
	v8 =	vadd.f32 v11, v8;
	v6 =	vmax.f32 v6, $0.0e+00  }
0x2d2: {  	v1 =	vadd.f32 v4, v1;
	v6 =	vmul.f32 v6, v19  }
0x2d3: {  	v8 =	vmax.f32 v8, $0.0e+00;
	v5 =	vadd.f32 v12, v5  }
0x2d4: {  	v1 =	vadd.f32 v6, v1;
	v8 =	vmul.f32 v8, v18;
	v7 =	vmax.f32 v7, $0.0e+00  }
0x2d5: {  	v5 =	vmax.f32 v5, $0.0e+00;
	v7 =	vmul.f32 v7, v10;
	v10 =	vld [tilespmem:$0x1FF50]  }
0x2d6: {  	v11 =	vld.idx.msk [tilespmem:v9+s19+$0x0], $0xffff;
	v1 =	vadd.f32 v8, v1;
	v5 =	vmul.f32 v5, v17  }
0x2d7: {  	v9 =	vld.idx.msk [tilespmem:v9+s13+$0x0], $0xffff  }
0x2d8: {  	v1 =	vadd.f32 v5, v1  }
0x2d9: {  	v8 =	vld [tilespmem:$0x1FF30]  }
0x2da: {  	v1 =	vadd.f32 v7, v1;
	v7 =	vor.u32 s26, v10;
	v10 =	vld [tilespmem:$0x1FC20]  }
0x2db: {  	v2 =	vld [tilespmem:$0x1FEF0]  }
0x2dc: {  	v9 =	vadd.f32 v11, v9;
	_ =	sdelay $0x1  }
0x2dd: {  	v3 =	vld.idx.msk [tilespmem:v3+s13+$0x0], $0xffff;
	v9 =	vmax.f32 v9, $0.0e+00  }
0x2de: {  	v8 =	vor.u32 s26, v8;
	v9 =	vmul.f32 v9, v10;
	v10 =	vld [tilespmem:$0x1FBC0]  }
0x2df: {  	v2 =	vor.u32 s26, v2;
	_ =	sdelay $0x2  }
0x2e0: {  	v4 =	vld [tilespmem:$0x1FF10]  }
0x2e1: {  	v3 =	vadd.f32 v10, v3;
	v10 =	vld.idx.msk [tilespmem:v8+s19+$0x0], $0xffff  }
0x2e2: {  	v12 =	vld.idx.msk [tilespmem:v2+s19+$0x0], $0xffff  }
0x2e3: {  	v2 =	vld.idx.msk [tilespmem:v2+s13+$0x0], $0xffff;
	_ =	sdelay $0x2  }
0x2e4: {  	[tilespmem:$0x1FBD0] =	vst v10;
	v10 =	vld [tilespmem:$0x1FC30]  }
0x2e5: {  	v4 =	vor.u32 s26, v4  }
0x2e6: {  	v2 =	vadd.f32 v12, v2;
	_ =	sdelay $0x1  }
0x2e7: {  	v2 =	vmax.f32 v2, $0.0e+00  }
0x2e8: {  	v2 =	vmul.f32 v2, v10;
	v10 =	vld [tilespmem:$0x1FC40]  }
0x2e9: {  	v11 =	vld.idx.msk [tilespmem:v4+s19+$0x0], $0xffff  }
0x2ea: {  	v4 =	vld.idx.msk [tilespmem:v4+s13+$0x0], $0xffff;
	_ =	sdelay $0x1  }
0x2eb: {  	v1 =	vadd.f32 v9, v1;
	v9 =	vld [tilespmem:$0x1FF60];
	v3 =	vmax.f32 v3, $0.0e+00  }
0x2ec: {  	v3 =	vmul.f32 v3, v10;
	v10 =	vld [tilespmem:$0x1FC50]  }
0x2ed: {  	v6 =	vld [tilespmem:$0x1FF20]  }
0x2ee: {  	v4 =	vadd.f32 v11, v4;
	_ =	sdelay $0x1  }
0x2ef: {  	v4 =	vmax.f32 v4, $0.0e+00;
	v8 =	vld.idx.msk [tilespmem:v8+s13+$0x0], $0xffff  }
0x2f0: {  	v9 =	vor.u32 s26, v9;
	v4 =	vmul.f32 v4, v10;
	v10 =	vld [tilespmem:$0x1FBD0]  }
0x2f1: {  	v6 =	vor.u32 s26, v6;
	_ =	sdelay $0x2  }
0x2f2: {  	v1 =	vadd.f32 v2, v1;
	v2 =	vld [tilespmem:$0x1FF70]  }
0x2f3: {  	v8 =	vadd.f32 v10, v8;
	v10 =	vld.idx.msk [tilespmem:v9+s19+$0x0], $0xffff  }
0x2f4: {  	v12 =	vld.idx.msk [tilespmem:v6+s19+$0x0], $0xffff  }
0x2f5: {  	v6 =	vld.idx.msk [tilespmem:v6+s13+$0x0], $0xffff;
	_ =	sdelay $0x2  }
0x2f6: {  	v2 =	vor.u32 s26, v2;
	[tilespmem:$0x1FBE0] =	vst v10;
	v10 =	vld [tilespmem:$0x1FC60];
	_ =	sdelay $0x1  }
0x2f7: {  	v6 =	vadd.f32 v12, v6  }
0x2f8: {  	v5 =	vld [tilespmem:$0x1FF40]  }
0x2f9: {  	v6 =	vmax.f32 v6, $0.0e+00;
	v1 =	vadd.f32 v3, v1;
	v3 =	vld [tilespmem:$0x1FF90]  }
0x2fa: {  	v6 =	vmul.f32 v6, v10;
	v10 =	vld.idx.msk [tilespmem:v2+s19+$0x0], $0xffff;
	_ =	sdelay $0x2  }
0x2fb: {  	v5 =	vor.u32 s26, v5;
	_ =	sdelay $0x1  }
0x2fc: {  	v3 =	vor.u32 s26, v3;
	[tilespmem:$0x1FBF0] =	vst v10;
	v10 =	vld [tilespmem:$0x1FC70];
	_ =	sdelay $0x2  }
0x2fd: {  	v11 =	vld.idx.msk [tilespmem:v5+s19+$0x0], $0xffff  }
0x2fe: {  	v5 =	vld.idx.msk [tilespmem:v5+s13+$0x0], $0xffff;
	v8 =	vmax.f32 v8, $0.0e+00  }
0x2ff: {  	v8 =	vmul.f32 v8, v10;
	v10 =	vld.idx.msk [tilespmem:v3+s19+$0x0], $0xffff;
	_ =	sdelay $0x3  }
0x300: {  	v5 =	vadd.f32 v11, v5;
	v11 =	vld [tilespmem:$0x1FFB0]  }
0x301: {  	[tilespmem:$0x1FC00] =	vst v10;
	v10 =	vld [tilespmem:$0x1FC80]  }
0x302: {  	v12 =	vld.idx.msk [tilespmem:v7+s19+$0x0], $0xffff  }
0x303: {  	v7 =	vld.idx.msk [tilespmem:v7+s13+$0x0], $0xffff;
	_ =	sdelay $0x1  }
0x304: {  	v5 =	vmax.f32 v5, $0.0e+00;
	v1 =	vadd.f32 v4, v1;
	v9 =	vld.idx.msk [tilespmem:v9+s13+$0x0], $0xffff  }
0x305: {  	v5 =	vmul.f32 v5, v10;
	v10 =	vld [tilespmem:$0x1FBE0]  }
0x306: {  	v1 =	vadd.f32 v6, v1;
	v6 =	vor.u32 s26, v11;
	v11 =	vld [tilespmem:$0x1FC90]  }
0x307: {  	v7 =	vadd.f32 v12, v7;
	v12 =	vld [tilespmem:$0x1FCA0]  }
0x308: {  	v4 =	vld [tilespmem:$0x1FFA0]  }
0x309: {  	v1 =	vadd.f32 v8, v1  }
0x30a: {  	v7 =	vmax.f32 v7, $0.0e+00;
	v2 =	vld.idx.msk [tilespmem:v2+s13+$0x0], $0xffff;
	v9 =	vadd.f32 v10, v9  }
0x30b: {  	v7 =	vmul.f32 v7, v11;
	v1 =	vadd.f32 v5, v1;
	v5 =	vld [tilespmem:$0x1FFE0]  }
0x30c: {  	v11 =	vld [tilespmem:$0x1FBF0];
	v9 =	vmax.f32 v9, $0.0e+00  }
0x30d: {  	v4 =	vor.u32 s26, v4;
	v1 =	vadd.f32 v7, v1;
	v9 =	vmul.f32 v9, v12;
	_ =	sdelay $0x1  }
0x30e: {  	v1 =	vadd.f32 v9, v1;
	v9 =	vld [tilespmem:$0x1FCB0]  }
0x30f: {  	v5 =	vor.u32 s26, v5  }
0x310: {  	v3 =	vld.idx.msk [tilespmem:v3+s13+$0x0], $0xffff;
	v2 =	vadd.f32 v11, v2  }
0x311: {  	v10 =	vld.idx.msk [tilespmem:v4+s19+$0x0], $0xffff  }
0x312: {  	v2 =	vmax.f32 v2, $0.0e+00;
	v4 =	vld.idx.msk [tilespmem:v4+s13+$0x0], $0xffff  }
0x313: {  	v12 =	vld [tilespmem:$0x1FC00];
	v2 =	vmul.f32 v2, v9  }
0x314: {  	v9 =	vld.idx.msk [tilespmem:v5+s19+$0x0], $0xffff  }
0x315: {  	v1 =	vadd.f32 v2, v1;
	v2 =	vld.idx.msk [tilespmem:v5+s13+$0x0], $0xffff  }
0x316: {  	v5 =	vld [tilespmem:$0x1FCC0]  }
0x317: {  	v8 =	vld [tilespmem:$0x1FFD0]  }
0x318: {  	v4 =	vadd.f32 v10, v4;
	v10 =	vld [tilespmem:$0x1FCD0];
	v3 =	vadd.f32 v12, v3;
	_ =	sdelay $0x1  }
0x319: {  	v3 =	vmax.f32 v3, $0.0e+00  }
0x31a: {  	v11 =	vld.idx.msk [tilespmem:v6+s19+$0x0], $0xffff;
	v3 =	vmul.f32 v3, v5  }
0x31b: {  	v6 =	vld.idx.msk [tilespmem:v6+s13+$0x0], $0xffff;
	v4 =	vmax.f32 v4, $0.0e+00  }
0x31c: {  	v8 =	vor.u32 s26, v8;
	v4 =	vmul.f32 v4, v10;
	v1 =	vadd.f32 v3, v1;
	_ =	sdelay $0x1  }
0x31d: {  	v1 =	vadd.f32 v4, v1;
	v4 =	vld [tilespmem:$0x1FCE0];
	_ =	sdelay $0x1  }
0x31e: {  	v5 =	vadd.f32 v11, v6  }
0x31f: {  	v12 =	vld.idx.msk [tilespmem:v8+s19+$0x0], $0xffff  }
0x320: {  	v8 =	vld.idx.msk [tilespmem:v8+s13+$0x0], $0xffff;
	v5 =	vmax.f32 v5, $0.0e+00  }
0x321: {  	v4 =	vmul.f32 v5, v4  }
0x322: {  	v7 =	vld [tilespmem:$0x1FFF0]  }
0x323: {  	v1 =	vadd.f32 v4, v1;
	v4 =	vld [tilespmem:$0x1FCF0];
	_ =	sdelay $0x1  }
0x324: {  	v11 =	vadd.f32 v12, v8;
	_ =	sdelay $0x1  }
0x325: {  	v5 =	vmax.f32 v11, $0.0e+00  }
0x326: {  	v7 =	vor.u32 s26, v7;
	v4 =	vmul.f32 v5, v4;
	_ =	sdelay $0x1  }
0x327: {  	v1 =	vadd.f32 v4, v1;
	v4 =	vld [tilespmem:$0x1FD00];
	_ =	sdelay $0x1  }
0x328: {  	v2 =	vadd.f32 v9, v2  }
0x329: {  	v6 =	vld.idx.msk [tilespmem:v7+s19+$0x0], $0xffff  }
0x32a: {  	v3 =	vld.idx.msk [tilespmem:v7+s13+$0x0], $0xffff;
	v2 =	vmax.f32 v2, $0.0e+00  }
0x32b: {  	v2 =	vmul.f32 v2, v4;
	_ =	sdelay $0x1  }
0x32c: {  	v1 =	vadd.f32 v2, v1;
	v2 =	vld [tilespmem:$0x1FD10];
	_ =	sdelay $0x1  }
0x32d: {  	v3 =	vadd.f32 v6, v3  }
0x32e: {  	s28 =	simm.s32 $0x960  }
0x32f: {  	v3 =	vmax.f32 v3, $0.0e+00;
	v4 =	vld [tilespmem:s28+$0x0]  }
0x330: {  	v2 =	vmul.f32 v3, v2;
	_ =	sdelay $0x1  }
0x331: {  	v1 =	vadd.f32 v2, v1  }
0x332: {  	v2 =	vld [tilespmem:s28+$0x190]  }
0x333: {  	v1 =	vadd.f32 v1, v4;
	_ =	sdelay $0x1  }
0x334: {  	v1 =	vmax.f32 v1, $-4.595119950e+00  }
0x335: {  	v1 =	vmin.f32 v1, $4.595120910e+00  }
0x336: {  	v1 =	vadd.f32 v1, v2;
	v2 =	vld [tilespmem:$0x1FFC0];
	_ =	sdelay $0x4  }
0x337: {  	v1 =	vmul.f32 v1, v2;
	_ =	sdelay $0x1  }
0x338: {  	v1 =	vsub.f32 $0.0e+00, v1;
	_ =	sdelay $0x1  }
0x339: {  	v1 =	vmul.f32 $1.442695020e+00, v1;
	_ =	sdelay $0x1  }
0x33a: {  	(erf) = vpow2.f32 v1;
	_ =	sdelay $0x8  }
0x33b: {  	v1 =	vpop (erf)  }
0x33c: {  	v1 =	vadd.f32 $1.000000000e+00, v1;
	_ =	sdelay $0x1  }
0x33d: {  	(erf) = vrcp.f32 v1;
	_ =	sdelay $0x8  }
0x33e: {  	s29 =	simm.s32 $0x200;
	s31 =	sadd.s32 s25, s8;
	s26 =	simm.s32 $0xDAC0;
	v3 =	vld [tilespmem:s28+$0xFFFFFCE0];
	v2 =	vpop (erf)  }
0x33f: {  	v15 =	vmovc v16;
	s30 =	simm.s32 $0xDAC0;
	s25 =	sadd.s32 $0x1, s31;
	s4 =	simm.s32 $0x400;
	v1 =	vld [tilespmem:s28+$0xFFFFFE70];
	vm0 =	vlt.f32 v2, $0.0e+00;
	vm1 =	vgt.f32 v2, $0.0e+00;
	[tilespmem:s26+$0xFFFFFE70] =	vst v2;
	v2 =	vor.u32 s29, v13  }
.LBB2_5:
0x340: {  	_ =	sdelay $0x1  }
0x341: {  	vm0 =	vmor vm1, vm0  }
0x342: {  	v3 =	vnsel vm0, $0xFFFFFFFF, v3  }
0x343: {  	v1 =	vnsel vm0, $0xFFFFFFFF, v1;
	[tilespmem:s30+$0x0] =	vst v3  }
0x344: {  	v4 =	vor.u32 s29, v16;
	[tilespmem:s30+$0x190] =	vst v1  }
0x345: {  	v5 =	vor.u32 s29, v32;
	v1 =	vld.idx.msk [tilespmem:v2+s13+$0x0], $0xffff  }
0x346: {  	v2 =	vld.idx.msk [tilespmem:v2+s19+$0x0], $0xffff;
	_ =	sdelay $0x2  }
0x347: {  	v3 =	vor.u32 s29, v31;
	v6 =	vld.idx.msk [tilespmem:v4+s19+$0x0], $0xffff  }
0x348: {  	v10 =	vld.idx.msk [tilespmem:v5+s19+$0x0], $0xffff  }
0x349: {  	v1 =	vadd.f32 v2, v1;
	v2 =	vld.idx.msk [tilespmem:v5+s13+$0x0], $0xffff  }
0x34a: {  	v5 =	vld [tilespmem:$0x1FE50]  }
0x34b: {  	v7 =	vor.u32 s29, v33;
	v4 =	vld.idx.msk [tilespmem:v4+s13+$0x0], $0xffff  }
0x34c: {  	v8 =	vld.idx.msk [tilespmem:v3+s19+$0x0], $0xffff  }
0x34d: {  	v9 =	vor.u32 s29, v34;
	v3 =	vld.idx.msk [tilespmem:v3+s13+$0x0], $0xffff;
	_ =	sdelay $0x1  }
0x34e: {  	v5 =	vor.u32 s29, v5  }
0x34f: {  	v11 =	vld.idx.msk [tilespmem:v7+s19+$0x0], $0xffff;
	v4 =	vadd.f32 v6, v4;
	v1 =	vmax.f32 v1, $0.0e+00  }
0x350: {  	v6 =	vld.idx.msk [tilespmem:v7+s13+$0x0], $0xffff;
	v7 =	vor.u32 s29, v63;
	v1 =	vmul.f32 v1, v30  }
0x351: {  	v12 =	vld.idx.msk [tilespmem:v9+s19+$0x0], $0xffff;
	v4 =	vmax.f32 v4, $0.0e+00;
	v3 =	vadd.f32 v8, v3  }
0x352: {  	v4 =	vmul.f32 v4, v29;
	v8 =	vld.idx.msk [tilespmem:v9+s13+$0x0], $0xffff;
	v9 =	vor.u32 s29, v35;
	v1 =	vadd.f32 $0.0e+00, v1  }
0x353: {  	v2 =	vadd.f32 v10, v2;
	v3 =	vmax.f32 v3, $0.0e+00;
	v13 =	vld.idx.msk [tilespmem:v5+s19+$0x0], $0xffff  }
0x354: {  	v10 =	vor.u32 s29, v36;
	v1 =	vadd.f32 v4, v1;
	v3 =	vmul.f32 v3, v28;
	v5 =	vld.idx.msk [tilespmem:v5+s13+$0x0], $0xffff  }
0x355: {  	v6 =	vadd.f32 v11, v6;
	v4 =	vld.idx.msk [tilespmem:v7+s19+$0x0], $0xffff;
	v2 =	vmax.f32 v2, $0.0e+00  }
0x356: {  	v11 =	vor.u32 s29, v62;
	v7 =	vld.idx.msk [tilespmem:v7+s13+$0x0], $0xffff;
	v2 =	vmul.f32 v2, v27;
	v1 =	vadd.f32 v3, v1  }
0x357: {  	v6 =	vmax.f32 v6, $0.0e+00;
	v3 =	vld.idx.msk [tilespmem:v9+s19+$0x0], $0xffff;
	v8 =	vadd.f32 v12, v8  }
0x358: {  	v9 =	vld.idx.msk [tilespmem:v9+s13+$0x0], $0xffff;
	v12 =	vor.u32 s29, v37;
	v1 =	vadd.f32 v2, v1;
	v2 =	vmul.f32 v6, v26  }
0x359: {  	v6 =	vld.idx.msk [tilespmem:v10+s19+$0x0], $0xffff;
	v8 =	vmax.f32 v8, $0.0e+00;
	v5 =	vadd.f32 v13, v5  }
0x35a: {  	v10 =	vld.idx.msk [tilespmem:v10+s13+$0x0], $0xffff;
	v1 =	vadd.f32 v2, v1;
	v2 =	vmul.f32 v8, v25;
	v13 =	vor.u32 s29, v61  }
0x35b: {  	v4 =	vadd.f32 v4, v7;
	v7 =	vld.idx.msk [tilespmem:v11+s13+$0x0], $0xffff;
	v5 =	vmax.f32 v5, $0.0e+00  }
0x35c: {  	v8 =	vld.idx.msk [tilespmem:v11+s19+$0x0], $0xffff;
	v11 =	vor.u32 s29, v38;
	v1 =	vadd.f32 v2, v1;
	v2 =	vmul.f32 v5, v24  }
0x35d: {  	v4 =	vmax.f32 v4, $0.0e+00;
	v3 =	vadd.f32 v3, v9;
	v9 =	vld.idx.msk [tilespmem:v12+s13+$0x0], $0xffff  }
0x35e: {  	v5 =	vld.idx.msk [tilespmem:v12+s19+$0x0], $0xffff;
	v12 =	vor.u32 s29, v39;
	v1 =	vadd.f32 v2, v1;
	v2 =	vmul.f32 v4, v23  }
0x35f: {  	v3 =	vmax.f32 v3, $0.0e+00;
	v6 =	vadd.f32 v6, v10;
	v4 =	vld.idx.msk [tilespmem:v13+s19+$0x0], $0xffff  }
0x360: {  	v10 =	vld.idx.msk [tilespmem:v13+s13+$0x0], $0xffff;
	v13 =	vor.u32 s29, v60;
	v1 =	vadd.f32 v2, v1;
	v2 =	vmul.f32 v3, v22  }
0x361: {  	v6 =	vmax.f32 v6, $0.0e+00;
	v7 =	vadd.f32 v8, v7;
	v8 =	vld.idx.msk [tilespmem:v11+s13+$0x0], $0xffff  }
0x362: {  	v3 =	vld.idx.msk [tilespmem:v11+s19+$0x0], $0xffff;
	v11 =	vor.u32 s29, v41;
	v1 =	vadd.f32 v2, v1;
	v2 =	vmul.f32 v6, v40  }
0x363: {  	v7 =	vmax.f32 v7, $0.0e+00;
	v5 =	vadd.f32 v5, v9;
	v9 =	vld.idx.msk [tilespmem:v12+s13+$0x0], $0xffff  }
0x364: {  	v6 =	vld.idx.msk [tilespmem:v12+s19+$0x0], $0xffff;
	v12 =	vor.u32 s29, v59;
	v1 =	vadd.f32 v2, v1;
	v2 =	vmul.f32 v7, v21  }
0x365: {  	v5 =	vmax.f32 v5, $0.0e+00;
	v4 =	vadd.f32 v4, v10;
	v10 =	vld.idx.msk [tilespmem:v13+s13+$0x0], $0xffff  }
0x366: {  	v7 =	vld.idx.msk [tilespmem:v13+s19+$0x0], $0xffff;
	v13 =	vor.u32 s29, v42;
	v1 =	vadd.f32 v2, v1;
	v2 =	vmul.f32 v5, v20  }
0x367: {  	v4 =	vmax.f32 v4, $0.0e+00;
	v3 =	vadd.f32 v3, v8;
	v8 =	vld.idx.msk [tilespmem:v11+s13+$0x0], $0xffff  }
0x368: {  	v5 =	vld.idx.msk [tilespmem:v11+s19+$0x0], $0xffff;
	v11 =	vor.u32 s29, v58;
	v1 =	vadd.f32 v2, v1;
	v2 =	vmul.f32 v4, v19  }
0x369: {  	v3 =	vmax.f32 v3, $0.0e+00;
	v6 =	vadd.f32 v6, v9;
	v9 =	vld.idx.msk [tilespmem:v12+s13+$0x0], $0xffff  }
0x36a: {  	v4 =	vld.idx.msk [tilespmem:v12+s19+$0x0], $0xffff;
	v12 =	vor.u32 s29, v43;
	v1 =	vadd.f32 v2, v1;
	v2 =	vmul.f32 v3, v18  }
0x36b: {  	v6 =	vmax.f32 v6, $0.0e+00;
	v7 =	vadd.f32 v7, v10;
	v10 =	vld.idx.msk [tilespmem:v13+s13+$0x0], $0xffff  }
0x36c: {  	v3 =	vld.idx.msk [tilespmem:v13+s19+$0x0], $0xffff;
	v13 =	vor.u32 s29, v45;
	v1 =	vadd.f32 v2, v1;
	v2 =	vmul.f32 v6, v17  }
0x36d: {  	v7 =	vmax.f32 v7, $0.0e+00;
	v5 =	vadd.f32 v5, v8;
	v8 =	vld.idx.msk [tilespmem:v11+s13+$0x0], $0xffff  }
0x36e: {  	v6 =	vld.idx.msk [tilespmem:v11+s19+$0x0], $0xffff;
	v1 =	vadd.f32 v2, v1;
	v2 =	vmul.f32 v7, v57  }
0x36f: {  	v5 =	vmax.f32 v5, $0.0e+00;
	v4 =	vadd.f32 v4, v9;
	v9 =	vld.idx.msk [tilespmem:v12+s13+$0x0], $0xffff  }
0x370: {  	v7 =	vld.idx.msk [tilespmem:v12+s19+$0x0], $0xffff;
	v1 =	vadd.f32 v2, v1;
	v2 =	vmul.f32 v5, v56  }
0x371: {  	v4 =	vmax.f32 v4, $0.0e+00;
	v3 =	vadd.f32 v3, v10;
	v10 =	vld.idx.msk [tilespmem:v13+s13+$0x0], $0xffff  }
0x372: {  	v5 =	vld.idx.msk [tilespmem:v13+s19+$0x0], $0xffff;
	v1 =	vadd.f32 v2, v1;
	v2 =	vmul.f32 v4, v55  }
0x373: {  	v11 =	vor.u32 s29, v46;
	v3 =	vmax.f32 v3, $0.0e+00;
	v6 =	vadd.f32 v6, v8  }
0x374: {  	v1 =	vadd.f32 v2, v1;
	v2 =	vmul.f32 v3, v54  }
0x375: {  	v6 =	vmax.f32 v6, $0.0e+00;
	v7 =	vadd.f32 v7, v9  }
0x376: {  	v1 =	vadd.f32 v2, v1;
	v2 =	vmul.f32 v6, v51  }
0x377: {  	v7 =	vmax.f32 v7, $0.0e+00;
	v5 =	vadd.f32 v5, v10  }
0x378: {  	v8 =	vld.idx.msk [tilespmem:v11+s13+$0x0], $0xffff;
	v1 =	vadd.f32 v2, v1;
	v2 =	vmul.f32 v7, v49  }
0x379: {  	v4 =	vld.idx.msk [tilespmem:v11+s19+$0x0], $0xffff;
	v5 =	vmax.f32 v5, $0.0e+00  }
0x37a: {  	v12 =	vor.u32 s29, v47;
	v1 =	vadd.f32 v2, v1;
	v2 =	vmul.f32 v5, v44;
	_ =	sdelay $0x1  }
0x37b: {  	v1 =	vadd.f32 v2, v1;
	v2 =	vld [tilespmem:$0x1FC80];
	_ =	sdelay $0x1  }
0x37c: {  	v4 =	vadd.f32 v4, v8  }
0x37d: {  	v9 =	vld.idx.msk [tilespmem:v12+s13+$0x0], $0xffff  }
0x37e: {  	v3 =	vld.idx.msk [tilespmem:v12+s19+$0x0], $0xffff;
	v4 =	vmax.f32 v4, $0.0e+00  }
0x37f: {  	v13 =	vor.u32 s29, v53;
	v2 =	vmul.f32 v4, v2;
	_ =	sdelay $0x1  }
0x380: {  	v1 =	vadd.f32 v2, v1;
	v2 =	vld [tilespmem:$0x1FC90];
	_ =	sdelay $0x1  }
0x381: {  	v3 =	vadd.f32 v3, v9  }
0x382: {  	v10 =	vld.idx.msk [tilespmem:v13+s13+$0x0], $0xffff  }
0x383: {  	v6 =	vld.idx.msk [tilespmem:v13+s19+$0x0], $0xffff;
	v3 =	vmax.f32 v3, $0.0e+00  }
0x384: {  	v11 =	vor.u32 s29, v52;
	v2 =	vmul.f32 v3, v2;
	_ =	sdelay $0x1  }
0x385: {  	v1 =	vadd.f32 v2, v1;
	v2 =	vld [tilespmem:$0x1FCA0];
	_ =	sdelay $0x1  }
0x386: {  	v6 =	vadd.f32 v6, v10  }
0x387: {  	v8 =	vld.idx.msk [tilespmem:v11+s13+$0x0], $0xffff  }
0x388: {  	v7 =	vld.idx.msk [tilespmem:v11+s19+$0x0], $0xffff;
	v6 =	vmax.f32 v6, $0.0e+00  }
0x389: {  	v12 =	vor.u32 s29, v50;
	v2 =	vmul.f32 v6, v2;
	_ =	sdelay $0x1  }
0x38a: {  	v1 =	vadd.f32 v2, v1;
	v2 =	vld [tilespmem:$0x1FCB0];
	_ =	sdelay $0x1  }
0x38b: {  	v7 =	vadd.f32 v7, v8  }
0x38c: {  	v9 =	vld.idx.msk [tilespmem:v12+s13+$0x0], $0xffff  }
0x38d: {  	v5 =	vld.idx.msk [tilespmem:v12+s19+$0x0], $0xffff;
	v7 =	vmax.f32 v7, $0.0e+00  }
0x38e: {  	v13 =	vor.u32 s29, v48;
	v2 =	vmul.f32 v7, v2  }
0x38f: {  	v11 =	vld [tilespmem:$0x1FFB0]  }
0x390: {  	v1 =	vadd.f32 v2, v1;
	v2 =	vld [tilespmem:$0x1FCC0];
	_ =	sdelay $0x1  }
0x391: {  	v5 =	vadd.f32 v5, v9  }
0x392: {  	v10 =	vld.idx.msk [tilespmem:v13+s13+$0x0], $0xffff  }
0x393: {  	v4 =	vld.idx.msk [tilespmem:v13+s19+$0x0], $0xffff;
	v5 =	vmax.f32 v5, $0.0e+00  }
0x394: {  	v11 =	vor.u32 s29, v11;
	v2 =	vmul.f32 v5, v2  }
0x395: {  	v12 =	vld [tilespmem:$0x1FFD0]  }
0x396: {  	v1 =	vadd.f32 v2, v1;
	v2 =	vld [tilespmem:$0x1FCD0];
	_ =	sdelay $0x1  }
0x397: {  	v4 =	vadd.f32 v4, v10  }
0x398: {  	v8 =	vld.idx.msk [tilespmem:v11+s13+$0x0], $0xffff  }
0x399: {  	v3 =	vld.idx.msk [tilespmem:v11+s19+$0x0], $0xffff;
	v4 =	vmax.f32 v4, $0.0e+00  }
0x39a: {  	v12 =	vor.u32 s29, v12;
	v2 =	vmul.f32 v4, v2  }
0x39b: {  	v13 =	vld [tilespmem:$0x1FFE0]  }
0x39c: {  	v1 =	vadd.f32 v2, v1;
	v2 =	vld [tilespmem:$0x1FCE0];
	_ =	sdelay $0x1  }
0x39d: {  	v3 =	vadd.f32 v3, v8  }
0x39e: {  	v9 =	vld.idx.msk [tilespmem:v12+s13+$0x0], $0xffff  }
0x39f: {  	v6 =	vld.idx.msk [tilespmem:v12+s19+$0x0], $0xffff;
	v3 =	vmax.f32 v3, $0.0e+00  }
0x3a0: {  	v13 =	vor.u32 s29, v13;
	v2 =	vmul.f32 v3, v2  }
0x3a1: {  	v11 =	vld [tilespmem:$0x1FFF0]  }
0x3a2: {  	v1 =	vadd.f32 v2, v1;
	v2 =	vld [tilespmem:$0x1FCF0];
	_ =	sdelay $0x1  }
0x3a3: {  	v4 =	vadd.f32 v6, v9  }
0x3a4: {  	v10 =	vld.idx.msk [tilespmem:v13+s13+$0x0], $0xffff  }
0x3a5: {  	v7 =	vld.idx.msk [tilespmem:v13+s19+$0x0], $0xffff;
	v3 =	vmax.f32 v4, $0.0e+00  }
0x3a6: {  	v11 =	vor.u32 s29, v11;
	v2 =	vmul.f32 v3, v2;
	_ =	sdelay $0x1  }
0x3a7: {  	v1 =	vadd.f32 v2, v1;
	v2 =	vld [tilespmem:$0x1FD00];
	_ =	sdelay $0x1  }
0x3a8: {  	v4 =	vadd.f32 v7, v10  }
0x3a9: {  	v8 =	vld.idx.msk [tilespmem:v11+s13+$0x0], $0xffff  }
0x3aa: {  	v5 =	vld.idx.msk [tilespmem:v11+s19+$0x0], $0xffff;
	v3 =	vmax.f32 v4, $0.0e+00  }
0x3ab: {  	v2 =	vmul.f32 v3, v2;
	_ =	sdelay $0x1  }
0x3ac: {  	v1 =	vadd.f32 v2, v1;
	v2 =	vld [tilespmem:$0x1FD10];
	_ =	sdelay $0x1  }
0x3ad: {  	v4 =	vadd.f32 v5, v8  }
0x3ae: {  	s28 =	sadd.s32 $0x10, s28  }
0x3af: {  	v3 =	vmax.f32 v4, $0.0e+00;
	v4 =	vld [tilespmem:s28+$0x0]  }
0x3b0: {  	v2 =	vmul.f32 v3, v2;
	_ =	sdelay $0x1  }
0x3b1: {  	v1 =	vadd.f32 v2, v1  }
0x3b2: {  	v2 =	vld [tilespmem:s28+$0x190]  }
0x3b3: {  	v1 =	vadd.f32 v1, v4;
	_ =	sdelay $0x1  }
0x3b4: {  	v1 =	vmax.f32 v1, $-4.595119950e+00  }
0x3b5: {  	v1 =	vmin.f32 v1, $4.595120910e+00  }
0x3b6: {  	v1 =	vadd.f32 v1, v2;
	v2 =	vld [tilespmem:$0x1FFC0];
	_ =	sdelay $0x4  }
0x3b7: {  	v1 =	vmul.f32 v1, v2;
	_ =	sdelay $0x1  }
0x3b8: {  	v1 =	vsub.f32 $0.0e+00, v1;
	_ =	sdelay $0x1  }
0x3b9: {  	v1 =	vmul.f32 $1.442695020e+00, v1;
	_ =	sdelay $0x1  }
0x3ba: {  	(erf) = vpow2.f32 v1;
	_ =	sdelay $0x8  }
0x3bb: {  	v1 =	vpop (erf)  }
0x3bc: {  	v1 =	vadd.f32 $1.000000000e+00, v1;
	_ =	sdelay $0x1  }
0x3bd: {  	(erf) = vrcp.f32 v1;
	_ =	sdelay $0x4  }
0x3be: {  	p0 =	sne.s32 s4, $0x3000  }
.Ltmp1:
0x3bf: {  	_ = 	snop;
	(pc) =	sbr.rel @p0 .LBB2_5-.Ltmp1, $4  }
0x3c0: {  	_ = 	snop  }
0x3c1: {  	s6 =	smov.u32 s4  }
0x3c2: {  	s26 =	sadd.s32 $0x10, s26;
	s0 =	sadd.s32 $0x200, s4;
	s29 =	smov.u32 s6;
	v3 =	vld [tilespmem:s28+$0xFFFFFCE0];
	v4 =	vpop (erf)  }
0x3c3: {  	s4 =	smov.u32 s0;
	s30 =	smov.u32 s26;
	v2 =	vor.u32 s29, v14;
	v1 =	vld [tilespmem:s28+$0xFFFFFE70];
	vm0 =	vlt.f32 v4, $0.0e+00;
	vm1 =	vgt.f32 v4, $0.0e+00;
	[tilespmem:s26+$0xFFFFFE70] =	vst v4  }
0x3c4: {  	_ =	sdelay $0x1  }
0x3c5: {  	vm0 =	vmor vm1, vm0  }
0x3c6: {  	v4 =	vor.u32 s29, v16;
	v3 =	vnsel vm0, $0xFFFFFFFF, v3  }
0x3c7: {  	v5 =	vor.u32 s29, v32;
	v7 =	vor.u32 s29, v33;
	v16 =	vld [tilespmem:$0x1FC90];
	v1 =	vnsel vm0, $0xFFFFFFFF, v1;
	[tilespmem:s30+$0x0] =	vst v3  }
0x3c8: {  	v9 =	vor.u32 s29, v34;
	v3 =	vor.u32 s29, v31;
	v31 =	vmovc v32;
	v32 =	vmovc v33;
	v33 =	vmov v34;
	v34 =	vld [tilespmem:$0x1FE50];
	[tilespmem:s30+$0x190] =	vst v1  }
0x3c9: {  	v1 =	vld.idx.msk [tilespmem:v2+s13+$0x0], $0xffff  }
0x3ca: {  	v2 =	vld.idx.msk [tilespmem:v2+s19+$0x0], $0xffff  }
0x3cb: {  	v6 =	vld.idx.msk [tilespmem:v4+s19+$0x0], $0xffff  }
0x3cc: {  	v4 =	vld.idx.msk [tilespmem:v4+s13+$0x0], $0xffff  }
0x3cd: {  	v8 =	vld.idx.msk [tilespmem:v3+s19+$0x0], $0xffff  }
0x3ce: {  	v3 =	vld.idx.msk [tilespmem:v3+s13+$0x0], $0xffff  }
0x3cf: {  	v10 =	vld.idx.msk [tilespmem:v5+s19+$0x0], $0xffff  }
0x3d0: {  	v1 =	vadd.f32 v2, v1;
	v2 =	vld.idx.msk [tilespmem:v5+s13+$0x0], $0xffff;
	v5 =	vor.u32 s29, v34  }
0x3d1: {  	v11 =	vld.idx.msk [tilespmem:v7+s19+$0x0], $0xffff;
	v4 =	vadd.f32 v6, v4  }
0x3d2: {  	v6 =	vld.idx.msk [tilespmem:v7+s13+$0x0], $0xffff;
	v7 =	vor.u32 s29, v63;
	v1 =	vmax.f32 v1, $0.0e+00  }
0x3d3: {  	v12 =	vld.idx.msk [tilespmem:v9+s19+$0x0], $0xffff;
	v4 =	vmax.f32 v4, $0.0e+00;
	v1 =	vmul.f32 v1, v30;
	v3 =	vadd.f32 v8, v3  }
0x3d4: {  	v8 =	vld.idx.msk [tilespmem:v9+s13+$0x0], $0xffff;
	v9 =	vor.u32 s29, v35;
	v4 =	vmul.f32 v4, v29  }
0x3d5: {  	v1 =	vadd.f32 $0.0e+00, v1;
	v2 =	vadd.f32 v10, v2;
	v10 =	vld.idx.msk [tilespmem:v5+s19+$0x0], $0xffff;
	v3 =	vmax.f32 v3, $0.0e+00  }
0x3d6: {  	v5 =	vld.idx.msk [tilespmem:v5+s13+$0x0], $0xffff;
	v3 =	vmul.f32 v3, v28  }
0x3d7: {  	v35 =	vld.idx.msk [tilespmem:v7+s19+$0x0], $0xffff;
	v1 =	vadd.f32 v4, v1;
	v4 =	vor.u32 s29, v36;
	v2 =	vmax.f32 v2, $0.0e+00  }
0x3d8: {  	v6 =	vadd.f32 v11, v6;
	v7 =	vld.idx.msk [tilespmem:v7+s13+$0x0], $0xffff;
	v2 =	vmul.f32 v2, v27  }
0x3d9: {  	v8 =	vadd.f32 v12, v8;
	v12 =	vld.idx.msk [tilespmem:v9+s19+$0x0], $0xffff;
	v1 =	vadd.f32 v3, v1;
	v3 =	vor.u32 s29, v62  }
0x3da: {  	v6 =	vmax.f32 v6, $0.0e+00;
	v9 =	vld.idx.msk [tilespmem:v9+s13+$0x0], $0xffff  }
0x3db: {  	v5 =	vadd.f32 v10, v5;
	v10 =	vld [tilespmem:$0x1FCC0];
	v1 =	vadd.f32 v2, v1;
	v2 =	vor.u32 s29, v37  }
0x3dc: {  	v6 =	vmul.f32 v6, v26;
	v26 =	vld.idx.msk [tilespmem:v4+s19+$0x0], $0xffff  }
0x3dd: {  	v8 =	vmax.f32 v8, $0.0e+00;
	v7 =	vadd.f32 v35, v7;
	v35 =	vmovc v38;
	v38 =	vor.u32 s29, v38;
	v4 =	vld.idx.msk [tilespmem:v4+s13+$0x0], $0xffff  }
0x3de: {  	v8 =	vmul.f32 v8, v25;
	v1 =	vadd.f32 v6, v1;
	v6 =	vor.u32 s29, v61;
	v27 =	vld.idx.msk [tilespmem:v3+s19+$0x0], $0xffff  }
0x3df: {  	v25 =	vor.u32 s29, v39;
	v5 =	vmax.f32 v5, $0.0e+00;
	v7 =	vmax.f32 v7, $0.0e+00;
	v3 =	vld.idx.msk [tilespmem:v3+s13+$0x0], $0xffff  }
0x3e0: {  	v5 =	vmul.f32 v5, v24;
	v9 =	vadd.f32 v12, v9;
	v1 =	vadd.f32 v8, v1;
	v12 =	vld.idx.msk [tilespmem:v2+s19+$0x0], $0xffff  }
0x3e1: {  	v7 =	vmul.f32 v7, v23;
	v2 =	vld.idx.msk [tilespmem:v2+s13+$0x0], $0xffff  }
0x3e2: {  	v9 =	vmax.f32 v9, $0.0e+00;
	v8 =	vld.idx.msk [tilespmem:v38+s13+$0x0], $0xffff;
	v1 =	vadd.f32 v5, v1;
	v4 =	vadd.f32 v26, v4  }
0x3e3: {  	v24 =	vor.u32 s29, v41;
	v9 =	vmul.f32 v9, v22;
	v26 =	vld.idx.msk [tilespmem:v6+s19+$0x0], $0xffff  }
0x3e4: {  	v6 =	vld.idx.msk [tilespmem:v6+s13+$0x0], $0xffff;
	v1 =	vadd.f32 v7, v1;
	v7 =	vor.u32 s29, v60;
	v4 =	vmax.f32 v4, $0.0e+00  }
0x3e5: {  	v5 =	vld.idx.msk [tilespmem:v25+s13+$0x0], $0xffff;
	v3 =	vadd.f32 v27, v3;
	v4 =	vmul.f32 v4, v40  }
0x3e6: {  	v1 =	vadd.f32 v9, v1;
	v2 =	vadd.f32 v12, v2;
	v12 =	vld.idx.msk [tilespmem:v25+s19+$0x0], $0xffff;
	v25 =	vor.u32 s29, v59  }
0x3e7: {  	v27 =	vld.idx.msk [tilespmem:v38+s19+$0x0], $0xffff;
	v3 =	vmax.f32 v3, $0.0e+00  }
0x3e8: {  	v9 =	vld.idx.msk [tilespmem:v24+s13+$0x0], $0xffff;
	v3 =	vmul.f32 v3, v21;
	v1 =	vadd.f32 v4, v1  }
0x3e9: {  	v40 =	vor.u32 s29, v43;
	v6 =	vadd.f32 v26, v6;
	v2 =	vmax.f32 v2, $0.0e+00;
	v26 =	vld.idx.msk [tilespmem:v7+s19+$0x0], $0xffff  }
0x3ea: {  	v7 =	vld.idx.msk [tilespmem:v7+s13+$0x0], $0xffff;
	v2 =	vmul.f32 v2, v20;
	v1 =	vadd.f32 v3, v1;
	v3 =	vor.u32 s29, v42  }
0x3eb: {  	v6 =	vmax.f32 v6, $0.0e+00;
	v5 =	vadd.f32 v12, v5;
	v12 =	vld.idx.msk [tilespmem:v25+s19+$0x0], $0xffff  }
0x3ec: {  	v6 =	vmul.f32 v6, v19;
	v4 =	vld.idx.msk [tilespmem:v25+s13+$0x0], $0xffff;
	v1 =	vadd.f32 v2, v1  }
0x3ed: {  	v8 =	vadd.f32 v27, v8;
	v27 =	vld.idx.msk [tilespmem:v24+s19+$0x0], $0xffff;
	v2 =	vor.u32 s29, v58  }
0x3ee: {  	v1 =	vadd.f32 v6, v1;
	v6 =	vld.idx.msk [tilespmem:v40+s13+$0x0], $0xffff  }
0x3ef: {  	v38 =	vmov v59;
	v59 =	vor.u32 s29, v45;
	v8 =	vmax.f32 v8, $0.0e+00;
	v41 =	vld.idx.msk [tilespmem:v3+s19+$0x0], $0xffff  }
0x3f0: {  	v8 =	vmul.f32 v8, v18;
	v3 =	vld.idx.msk [tilespmem:v3+s13+$0x0], $0xffff  }
0x3f1: {  	v5 =	vmax.f32 v5, $0.0e+00;
	v7 =	vadd.f32 v26, v7;
	v4 =	vadd.f32 v12, v4;
	v12 =	vld.idx.msk [tilespmem:v40+s19+$0x0], $0xffff  }
0x3f2: {  	v5 =	vmul.f32 v5, v17;
	v26 =	vor.u32 s29, v47;
	v1 =	vadd.f32 v8, v1;
	v24 =	vld.idx.msk [tilespmem:v2+s19+$0x0], $0xffff  }
0x3f3: {  	v9 =	vadd.f32 v27, v9;
	v7 =	vmax.f32 v7, $0.0e+00;
	v2 =	vld.idx.msk [tilespmem:v2+s13+$0x0], $0xffff  }
0x3f4: {  	v25 =	vor.u32 s29, v46;
	v27 =	vld.idx.msk [tilespmem:v59+s19+$0x0], $0xffff;
	v7 =	vmul.f32 v7, v57;
	v1 =	vadd.f32 v5, v1  }
0x3f5: {  	v9 =	vmax.f32 v9, $0.0e+00;
	v8 =	vld.idx.msk [tilespmem:v59+s13+$0x0], $0xffff;
	v40 =	vor.u32 s29, v53  }
0x3f6: {  	v30 =	vmovc v57;
	v9 =	vmul.f32 v9, v56;
	v57 =	vld [tilespmem:$0x1FC80];
	v4 =	vmax.f32 v4, $0.0e+00;
	v1 =	vadd.f32 v7, v1  }
0x3f7: {  	v4 =	vmul.f32 v4, v55;
	v3 =	vadd.f32 v41, v3;
	v7 =	vld.idx.msk [tilespmem:v26+s13+$0x0], $0xffff;
	v6 =	vadd.f32 v12, v6  }
0x3f8: {  	v12 =	vld.idx.msk [tilespmem:v26+s19+$0x0], $0xffff;
	v1 =	vadd.f32 v9, v1;
	v2 =	vadd.f32 v24, v2;
	v24 =	vor.u32 s29, v52  }
0x3f9: {  	v5 =	vld.idx.msk [tilespmem:v25+s13+$0x0], $0xffff;
	v3 =	vmax.f32 v3, $0.0e+00  }
0x3fa: {  	v41 =	vld.idx.msk [tilespmem:v25+s19+$0x0], $0xffff;
	v3 =	vmul.f32 v3, v54;
	v6 =	vmax.f32 v6, $0.0e+00;
	v1 =	vadd.f32 v4, v1  }
0x3fb: {  	v59 =	vmov v49;
	v6 =	vmul.f32 v6, v49;
	v49 =	vld [tilespmem:$0x1FFB0]  }
0x3fc: {  	v25 =	vld.idx.msk [tilespmem:v40+s19+$0x0], $0xffff;
	v2 =	vmax.f32 v2, $0.0e+00;
	v1 =	vadd.f32 v3, v1;
	v3 =	vor.u32 s29, v50  }
0x3fd: {  	v2 =	vmul.f32 v2, v51;
	v7 =	vadd.f32 v12, v7;
	v26 =	vld.idx.msk [tilespmem:v24+s19+$0x0], $0xffff  }
0x3fe: {  	v4 =	vld.idx.msk [tilespmem:v24+s13+$0x0], $0xffff  }
0x3ff: {  	v9 =	vld.idx.msk [tilespmem:v40+s13+$0x0], $0xffff;
	v1 =	vadd.f32 v2, v1;
	v2 =	vor.u32 s29, v48;
	v7 =	vmax.f32 v7, $0.0e+00  }
0x400: {  	v8 =	vadd.f32 v27, v8;
	v27 =	vor.u32 s29, v49;
	v7 =	vmul.f32 v7, v16;
	v16 =	vld [tilespmem:$0x1FCA0]  }
0x401: {  	v12 =	vld.idx.msk [tilespmem:v3+s19+$0x0], $0xffff  }
0x402: {  	v3 =	vld.idx.msk [tilespmem:v3+s13+$0x0], $0xffff  }
0x403: {  	v8 =	vmax.f32 v8, $0.0e+00;
	v5 =	vadd.f32 v41, v5;
	v4 =	vadd.f32 v26, v4;
	v26 =	vld [tilespmem:$0x1FFF0]  }
0x404: {  	v8 =	vmul.f32 v8, v44;
	v1 =	vadd.f32 v6, v1;
	v41 =	vld.idx.msk [tilespmem:v2+s19+$0x0], $0xffff  }
0x405: {  	v5 =	vmax.f32 v5, $0.0e+00;
	v9 =	vadd.f32 v25, v9;
	v25 =	vld.idx.msk [tilespmem:v27+s19+$0x0], $0xffff  }
0x406: {  	v5 =	vmul.f32 v5, v57;
	v1 =	vadd.f32 v8, v1;
	v6 =	vld.idx.msk [tilespmem:v27+s13+$0x0], $0xffff  }
0x407: {  	v27 =	vld [tilespmem:$0x1FCB0]  }
0x408: {  	v2 =	vld.idx.msk [tilespmem:v2+s13+$0x0], $0xffff;
	v1 =	vadd.f32 v5, v1  }
0x409: {  	v40 =	vld [tilespmem:$0x1FFD0];
	v9 =	vmax.f32 v9, $0.0e+00  }
0x40a: {  	v24 =	vld [tilespmem:$0x1FFE0];
	v9 =	vmul.f32 v9, v16;
	v1 =	vadd.f32 v7, v1  }
0x40b: {  	v4 =	vmax.f32 v4, $0.0e+00;
	v3 =	vadd.f32 v12, v3;
	v7 =	vor.u32 s29, v26;
	v26 =	vld [tilespmem:$0x1FCD0]  }
0x40c: {  	v1 =	vadd.f32 v9, v1;
	v4 =	vmul.f32 v4, v27  }
0x40d: {  	v2 =	vadd.f32 v41, v2;
	v3 =	vmax.f32 v3, $0.0e+00  }
0x40e: {  	v8 =	vor.u32 s29, v40;
	v3 =	vmul.f32 v3, v10;
	v1 =	vadd.f32 v4, v1  }
0x40f: {  	v2 =	vmax.f32 v2, $0.0e+00  }
0x410: {  	v5 =	vor.u32 s29, v24;
	v2 =	vmul.f32 v2, v26;
	v1 =	vadd.f32 v3, v1;
	_ =	sdelay $0x1  }
0x411: {  	v1 =	vadd.f32 v2, v1;
	v2 =	vld [tilespmem:$0x1FCE0]  }
0x412: {  	v12 =	vld.idx.msk [tilespmem:v8+s19+$0x0], $0xffff  }
0x413: {  	v8 =	vld.idx.msk [tilespmem:v8+s13+$0x0], $0xffff;
	v24 =	vadd.f32 v25, v6  }
0x414: {  	v40 =	vld.idx.msk [tilespmem:v5+s19+$0x0], $0xffff  }
0x415: {  	v41 =	vld.idx.msk [tilespmem:v5+s13+$0x0], $0xffff;
	v5 =	vmax.f32 v24, $0.0e+00  }
0x416: {  	v2 =	vmul.f32 v5, v2;
	_ =	sdelay $0x1  }
0x417: {  	v1 =	vadd.f32 v2, v1;
	v2 =	vld [tilespmem:$0x1FCF0];
	_ =	sdelay $0x1  }
0x418: {  	v27 =	vadd.f32 v12, v8;
	_ =	sdelay $0x1  }
0x419: {  	v4 =	vadd.f32 v40, v41;
	v40 =	vmax.f32 v27, $0.0e+00  }
0x41a: {  	v2 =	vmul.f32 v40, v2;
	_ =	sdelay $0x1  }
0x41b: {  	v1 =	vadd.f32 v2, v1;
	v2 =	vld [tilespmem:$0x1FD00];
	_ =	sdelay $0x2  }
0x41c: {  	v25 =	vld.idx.msk [tilespmem:v7+s19+$0x0], $0xffff  }
0x41d: {  	v3 =	vld.idx.msk [tilespmem:v7+s13+$0x0], $0xffff;
	v4 =	vmax.f32 v4, $0.0e+00  }
0x41e: {  	v2 =	vmul.f32 v4, v2;
	_ =	sdelay $0x1  }
0x41f: {  	v1 =	vadd.f32 v2, v1;
	v2 =	vld [tilespmem:$0x1FD10];
	_ =	sdelay $0x1  }
0x420: {  	v3 =	vadd.f32 v25, v3  }
0x421: {  	s0 =	sadd.s32 $0x10, s28  }
0x422: {  	v41 =	vld [tilespmem:s0+$0x0];
	v3 =	vmax.f32 v3, $0.0e+00  }
0x423: {  	v2 =	vmul.f32 v3, v2;
	_ =	sdelay $0x1  }
0x424: {  	v1 =	vadd.f32 v2, v1  }
0x425: {  	v2 =	vld [tilespmem:s0+$0x190]  }
0x426: {  	v1 =	vadd.f32 v1, v41;
	_ =	sdelay $0x1  }
0x427: {  	v1 =	vmax.f32 v1, $-4.595119950e+00  }
0x428: {  	v1 =	vmin.f32 v1, $4.595120910e+00  }
0x429: {  	v1 =	vadd.f32 v1, v2;
	v2 =	vld [tilespmem:$0x1FFC0];
	_ =	sdelay $0x4  }
0x42a: {  	v1 =	vmul.f32 v1, v2;
	_ =	sdelay $0x1  }
0x42b: {  	v1 =	vsub.f32 $0.0e+00, v1;
	_ =	sdelay $0x1  }
0x42c: {  	v1 =	vmul.f32 $1.442695020e+00, v1;
	_ =	sdelay $0x1  }
0x42d: {  	(erf) = vpow2.f32 v1;
	_ =	sdelay $0x8  }
0x42e: {  	v1 =	vpop (erf)  }
0x42f: {  	v1 =	vadd.f32 $1.000000000e+00, v1;
	_ =	sdelay $0x1  }
0x430: {  	(erf) = vrcp.f32 v1;
	_ =	sdelay $0x6  }
0x431: {  	v1 =	vld [tilespmem:s0+$0xFFFFFCE0]  }
0x432: {  	v2 =	vld [tilespmem:s0+$0xFFFFFE70]  }
0x433: {  	v3 =	vpop (erf)  }
0x434: {  	p0 =	seq.s32 s24, $0xB;
	vm14 =	vlt.f32 v3, $0.0e+00;
	vm15 =	vgt.f32 v3, $0.0e+00  }
.Ltmp2:
0x435: {  	s29 =	sadd.s32 $0x10, s26;
	vm0 =	vmor vm15, vm14;
	(pc) =	sbr.rel @p0 .LBB2_8-.Ltmp2, $4  }
0x436: {  	s4 =	smul.u32 $0x96, s25;
	[tilespmem:s29+$0xFFFFFE70] =	vst v3;
	v1 =	vnsel vm0, $0xFFFFFFFF, v1  }
0x437: {  	[tilespmem:s29+$0x0] =	vst v1;
	v1 =	vnsel vm0, $0xFFFFFFFF, v2  }
0x438: {  	s31 =	simm.s32 $0xD930;
	s30 =	sadd.s32 s7, s4;
	v17 =	vld [tilespmem:$0x1FE10];
	[tilespmem:s29+$0x190] =	vst v1  }
0x439: {  	v13 =	vmov v14;
	v20 =	vmov v33;
	v33 =	vmov v58;
	v40 =	vld [tilespmem:$0x1FF80];
	[hbm4b:s30+s5] =	stream.linear.scatter [tilespmem:s31], [sflag:$0x8], $0x4B0, $0x38  }
0x43a: {  	v17 =	vld [tilespmem:$0x1FD20]  }
0x43b: {  	v18 =	vld [tilespmem:$0x1FD30]  }
0x43c: {  	v19 =	vld [tilespmem:$0x1FD40]  }
0x43d: {  	v20 =	vld [tilespmem:$0x1FD50]  }
0x43e: {  	v21 =	vld [tilespmem:$0x1FD60]  }
0x43f: {  	v40 =	vld [tilespmem:$0x1FD70]  }
0x440: {  	v22 =	vld [tilespmem:$0x1FD80]  }
0x441: {  	v23 =	vld [tilespmem:$0x1FD90]  }
0x442: {  	s0 =	smul.u32 $0x640, s25;
	v24 =	vld [tilespmem:$0x1FDA0]  }
.Ltmp3:
0x443: {  	v25 =	vld [tilespmem:$0x1FDB0];
	(pc) =	sbr.rel .LBB2_2-.Ltmp3, $4  }
0x444: {  	v26 =	vld [tilespmem:$0x1FDC0];
	s0 =	sshrl.u32 s0, $0x3  }
0x445: {  	v27 =	vld [tilespmem:$0x1FDD0];
	s0 =	sadd.s32 s3, s0  }
0x446: {  	s24 =	sadd.s32 $0x1, s24;
	v28 =	vld [tilespmem:$0x1FDE0];
	s0 =	sadd.s32 $0x190, s0  }
0x447: {  	v16 =	vmov v15;
	v29 =	vld [tilespmem:$0x1FDF0];
	v12 =	vmov v0;
	[tilespmem:s15], [sflag:$0x2] =	stream.linear.gather [hbm4b:s0+s5], $0x640, $0x38  }
.LBB2_8:
0x448: {  	_ =	swait.ge [sflag:s10], $0x3200  }
0x449: {  	[sflag:s10] =	ssyncset.done $0x0  }
0x44a: {  	[sflag:s10] =	ssyncadd.s32 $0xFFFFCE00  }
0x44b: {  	_ =	swait.ge [sflag:s11], $0x3200  }
0x44c: {  	[sflag:s11] =	ssyncset.done $0x0  }
0x44d: {  	s29 =	simm.s32 $0x7;
	[sflag:s11] =	ssyncadd.s32 $0xFFFFCE00  }
0x44e: {  	_ =	swait.ge [sflag:s29], $0x4B0  }
0x44f: {  	v27 =	vmov v35;
	v35 =	vmov v45;
	v45 =	vld [tilespmem:$0x1FDF0]  }
0x450: {  	v24 =	vmov v62;
	v62 =	vmov v55;
	s0 =	simm.s32 $0x0;
	v55 =	vld [tilespmem:$0x1FDE0]  }
0x451: {  	v58 =	vmov v46;
	v1 =	vor.u32 s0, v13;
	v46 =	vld [tilespmem:$0x1FDD0]  }
0x452: {  	v26 =	vmov v61;
	v61 =	vmov v54;
	v54 =	vld [tilespmem:$0x1FDC0]  }
0x453: {  	v11 =	vmov v47;
	v2 =	vor.u32 s0, v15;
	v47 =	vld [tilespmem:$0x1FDB0]  }
0x454: {  	v41 =	vmov v53;
	[sflag:s29] =	ssyncset.done $0x0;
	v53 =	vld [tilespmem:$0x1FDA0]  }
0x455: {  	v10 =	vmov v42;
	v42 =	vmov v52;
	v3 =	vor.u32 s0, v17;
	v52 =	vld [tilespmem:$0x1FD90];
	[sflag:s29] =	ssyncadd.s32 $0xFFFFFB50  }
0x456: {  	v18 =	vmov v31;
	v4 =	vld.idx.msk [tilespmem:v1+s18+$0x0], $0xffff  }
0x457: {  	v19 =	vmov v32;
	v5 =	vor.u32 s0, v18;
	v1 =	vld.idx.msk [tilespmem:v1+s20+$0x0], $0xffff  }
0x458: {  	v9 =	vmov v39;
	v7 =	vor.u32 s0, v19;
	v6 =	vld.idx.msk [tilespmem:v2+s20+$0x0], $0xffff  }
0x459: {  	v28 =	vmov v9;
	v9 =	vor.u32 s0, v20;
	v2 =	vld.idx.msk [tilespmem:v2+s18+$0x0], $0xffff  }
0x45a: {  	v8 =	vld.idx.msk [tilespmem:v3+s20+$0x0], $0xffff  }
0x45b: {  	v3 =	vld.idx.msk [tilespmem:v3+s18+$0x0], $0xffff  }
0x45c: {  	v32 =	vmov v10;
	v10 =	vld.idx.msk [tilespmem:v5+s20+$0x0], $0xffff  }
0x45d: {  	v25 =	vmov v37;
	v37 =	vmov v11;
	v11 =	vld.idx.msk [tilespmem:v7+s20+$0x0], $0xffff  }
0x45e: {  	v31 =	vmovc v38;
	v38 =	vmov v41;
	v41 =	vmov v50;
	v50 =	vor.u32 s0, v40;
	v12 =	vld.idx.msk [tilespmem:v9+s20+$0x0], $0xffff  }
0x45f: {  	v21 =	vmov v34;
	v34 =	vmov v43;
	v43 =	vmov v49;
	v49 =	vld.idx.msk [tilespmem:v9+s18+$0x0], $0xffff  }
0x460: {  	v1 =	vadd.f32 v1, v4;
	v4 =	vld.idx.msk [tilespmem:v5+s18+$0x0], $0xffff;
	v5 =	vor.u32 s0, v21  }
0x461: {  	v22 =	vmov v63;
	v39 =	vmov v42;
	v42 =	vmov v48;
	v48 =	vld.idx.msk [tilespmem:v7+s18+$0x0], $0xffff  }
0x462: {  	v29 =	vmovc v36;
	v16 =	vld [tilespmem:$0x1FD30];
	v7 =	vor.u32 s0, v22;
	v2 =	vadd.f32 v6, v2;
	v1 =	vmax.f32 v1, $0.0e+00  }
0x463: {  	v9 =	vld.idx.msk [tilespmem:v50+s18+$0x0], $0xffff;
	v1 =	vmul.f32 v1, v0  }
0x464: {  	v23 =	vmovc v29;
	v3 =	vadd.f32 v8, v3;
	v8 =	vadd.f32 v12, v49;
	v12 =	vld.idx.msk [tilespmem:v50+s20+$0x0], $0xffff;
	v2 =	vmax.f32 v2, $0.0e+00  }
0x465: {  	v29 =	vmovc v60;
	v60 =	vmovc v51;
	v50 =	vor.u32 s0, v26;
	v2 =	vmul.f32 v2, v45;
	v1 =	vadd.f32 $0.0e+00, v1;
	v51 =	vld.idx.msk [tilespmem:v5+s20+$0x0], $0xffff  }
0x466: {  	v6 =	vadd.f32 v11, v48;
	v3 =	vmax.f32 v3, $0.0e+00;
	v5 =	vld.idx.msk [tilespmem:v5+s18+$0x0], $0xffff  }
0x467: {  	v48 =	vld.idx.msk [tilespmem:v7+s20+$0x0], $0xffff;
	v3 =	vmul.f32 v3, v55;
	v1 =	vadd.f32 v2, v1;
	v2 =	vor.u32 s0, v23  }
0x468: {  	v7 =	vld.idx.msk [tilespmem:v7+s18+$0x0], $0xffff;
	v4 =	vadd.f32 v10, v4  }
0x469: {  	v63 =	vmovc v56;
	v56 =	vmovc v30;
	v30 =	vmov v0;
	v0 =	vld [tilespmem:$0x1FEE0];
	v1 =	vadd.f32 v3, v1;
	v3 =	vor.u32 s0, v24  }
0x46a: {  	v10 =	vld.idx.msk [tilespmem:v50+s20+$0x0], $0xffff;
	v4 =	vmax.f32 v4, $0.0e+00  }
0x46b: {  	v4 =	vmul.f32 v4, v46;
	v5 =	vadd.f32 v51, v5;
	v51 =	vld [tilespmem:$0x1FD80]  }
0x46c: {  	v36 =	vmovc v58;
	v58 =	vmov v44;
	v44 =	vor.u32 s0, v27;
	v6 =	vmax.f32 v6, $0.0e+00;
	v49 =	vld.idx.msk [tilespmem:v2+s20+$0x0], $0xffff  }
0x46d: {  	v6 =	vmul.f32 v6, v54;
	v1 =	vadd.f32 v4, v1;
	v4 =	vor.u32 s0, v25;
	v2 =	vld.idx.msk [tilespmem:v2+s18+$0x0], $0xffff  }
0x46e: {  	v8 =	vmax.f32 v8, $0.0e+00;
	v11 =	vld.idx.msk [tilespmem:v3+s20+$0x0], $0xffff  }
0x46f: {  	v8 =	vmul.f32 v8, v47;
	v1 =	vadd.f32 v6, v1;
	v3 =	vld.idx.msk [tilespmem:v3+s18+$0x0], $0xffff  }
0x470: {  	v5 =	vmax.f32 v5, $0.0e+00;
	v6 =	vld.idx.msk [tilespmem:v50+s18+$0x0], $0xffff  }
0x471: {  	v5 =	vmul.f32 v5, v53;
	v1 =	vadd.f32 v8, v1;
	v8 =	vld.idx.msk [tilespmem:v44+s18+$0x0], $0xffff  }
0x472: {  	v9 =	vadd.f32 v12, v9;
	v12 =	vld.idx.msk [tilespmem:v4+s20+$0x0], $0xffff  }
0x473: {  	v7 =	vadd.f32 v48, v7;
	v4 =	vld.idx.msk [tilespmem:v4+s18+$0x0], $0xffff;
	v1 =	vadd.f32 v5, v1;
	v5 =	vor.u32 s0, v28  }
0x474: {  	v3 =	vadd.f32 v11, v3;
	v11 =	vld.idx.msk [tilespmem:v44+s20+$0x0], $0xffff;
	v44 =	vor.u32 s0, v0  }
0x475: {  	v7 =	vmax.f32 v7, $0.0e+00;
	v50 =	vld [tilespmem:$0x1FD70]  }
0x476: {  	v48 =	vld [tilespmem:$0x1FD50];
	v9 =	vmax.f32 v9, $0.0e+00;
	v7 =	vmul.f32 v7, v52  }
0x477: {  	v9 =	vmul.f32 v9, v51;
	v2 =	vadd.f32 v49, v2;
	v49 =	vld [tilespmem:$0x1FD60]  }
0x478: {  	v1 =	vadd.f32 v7, v1;
	v7 =	vor.u32 s0, v29;
	v4 =	vadd.f32 v12, v4;
	v12 =	vld.idx.msk [tilespmem:v5+s20+$0x0], $0xffff  }
0x479: {  	v2 =	vmax.f32 v2, $0.0e+00;
	v8 =	vadd.f32 v11, v8;
	v11 =	vld.idx.msk [tilespmem:v44+s20+$0x0], $0xffff  }
0x47a: {  	v2 =	vmul.f32 v2, v50;
	v1 =	vadd.f32 v9, v1;
	v9 =	vld.idx.msk [tilespmem:v44+s18+$0x0], $0xffff  }
0x47b: {  	v3 =	vmax.f32 v3, $0.0e+00;
	v44 =	vld [tilespmem:$0x1FD40]  }
0x47c: {  	v5 =	vld.idx.msk [tilespmem:v5+s18+$0x0], $0xffff;
	v3 =	vmul.f32 v3, v49;
	v1 =	vadd.f32 v2, v1;
	v2 =	vor.u32 s0, v31  }
0x47d: {  	v6 =	vadd.f32 v10, v6;
	v4 =	vmax.f32 v4, $0.0e+00;
	v10 =	vld.idx.msk [tilespmem:v7+s20+$0x0], $0xffff  }
0x47e: {  	v7 =	vld.idx.msk [tilespmem:v7+s18+$0x0], $0xffff;
	v4 =	vmul.f32 v4, v48;
	v1 =	vadd.f32 v3, v1;
	v3 =	vor.u32 s0, v32  }
0x47f: {  	v0 =	vld [tilespmem:$0x1FD20];
	v6 =	vmax.f32 v6, $0.0e+00  }
0x480: {  	v1 =	vadd.f32 v4, v1;
	v6 =	vmul.f32 v6, v44  }
0x481: {  	v8 =	vmax.f32 v8, $0.0e+00;
	v5 =	vadd.f32 v12, v5;
	v12 =	vld.idx.msk [tilespmem:v2+s20+$0x0], $0xffff  }
0x482: {  	v8 =	vmul.f32 v8, v16;
	v2 =	vld.idx.msk [tilespmem:v2+s18+$0x0], $0xffff;
	v1 =	vadd.f32 v6, v1;
	v6 =	vor.u32 s0, v34  }
0x483: {  	v7 =	vadd.f32 v10, v7;
	v5 =	vmax.f32 v5, $0.0e+00;
	v10 =	vld.idx.msk [tilespmem:v3+s20+$0x0], $0xffff  }
0x484: {  	v3 =	vld.idx.msk [tilespmem:v3+s18+$0x0], $0xffff;
	v5 =	vmul.f32 v5, v0;
	v1 =	vadd.f32 v8, v1  }
0x485: {  	v9 =	vadd.f32 v11, v9;
	v7 =	vmax.f32 v7, $0.0e+00  }
0x486: {  	v7 =	vmul.f32 v7, v56;
	v1 =	vadd.f32 v5, v1  }
0x487: {  	v9 =	vmax.f32 v9, $0.0e+00;
	v2 =	vadd.f32 v12, v2;
	v12 =	vld.idx.msk [tilespmem:v6+s20+$0x0], $0xffff  }
0x488: {  	v9 =	vmul.f32 v9, v63;
	v6 =	vld.idx.msk [tilespmem:v6+s18+$0x0], $0xffff;
	v1 =	vadd.f32 v7, v1;
	v7 =	vor.u32 s0, v37  }
0x489: {  	v3 =	vadd.f32 v10, v3;
	v2 =	vmax.f32 v2, $0.0e+00  }
0x48a: {  	v4 =	vor.u32 s0, v33;
	v2 =	vmul.f32 v2, v62;
	v1 =	vadd.f32 v9, v1  }
0x48b: {  	v3 =	vmax.f32 v3, $0.0e+00  }
0x48c: {  	v3 =	vmul.f32 v3, v61;
	v1 =	vadd.f32 v2, v1  }
0x48d: {  	v8 =	vor.u32 s0, v35;
	v6 =	vadd.f32 v12, v6;
	v12 =	vld.idx.msk [tilespmem:v7+s20+$0x0], $0xffff  }
0x48e: {  	v7 =	vld.idx.msk [tilespmem:v7+s18+$0x0], $0xffff;
	v1 =	vadd.f32 v3, v1;
	v3 =	vor.u32 s0, v41  }
0x48f: {  	v11 =	vld.idx.msk [tilespmem:v4+s20+$0x0], $0xffff  }
0x490: {  	v4 =	vld.idx.msk [tilespmem:v4+s18+$0x0], $0xffff;
	v5 =	vor.u32 s0, v36;
	_ =	sdelay $0x1  }
0x491: {  	v10 =	vld.idx.msk [tilespmem:v8+s20+$0x0], $0xffff  }
0x492: {  	v7 =	vadd.f32 v12, v7;
	v12 =	vld.idx.msk [tilespmem:v3+s20+$0x0], $0xffff  }
0x493: {  	v8 =	vld.idx.msk [tilespmem:v8+s18+$0x0], $0xffff;
	v9 =	vor.u32 s0, v38  }
0x494: {  	v4 =	vadd.f32 v11, v4;
	v11 =	vld.idx.msk [tilespmem:v5+s20+$0x0], $0xffff  }
0x495: {  	v5 =	vld.idx.msk [tilespmem:v5+s18+$0x0], $0xffff  }
0x496: {  	v4 =	vmax.f32 v4, $0.0e+00  }
0x497: {  	v4 =	vmul.f32 v4, v60;
	[tilespmem:$0x1FBB0] =	vst v12;
	v12 =	vld [tilespmem:$0x1FC90]  }
0x498: {  	v8 =	vadd.f32 v10, v8;
	v6 =	vmax.f32 v6, $0.0e+00;
	v10 =	vld.idx.msk [tilespmem:v9+s20+$0x0], $0xffff  }
0x499: {  	v2 =	vor.u32 s0, v39;
	v9 =	vld.idx.msk [tilespmem:v9+s18+$0x0], $0xffff;
	v6 =	vmul.f32 v6, v59;
	v1 =	vadd.f32 v4, v1  }
0x49a: {  	v5 =	vadd.f32 v11, v5;
	v8 =	vmax.f32 v8, $0.0e+00  }
0x49b: {  	v8 =	vmul.f32 v8, v58;
	v1 =	vadd.f32 v6, v1;
	v7 =	vmax.f32 v7, $0.0e+00  }
0x49c: {  	v5 =	vmax.f32 v5, $0.0e+00;
	v7 =	vmul.f32 v7, v12;
	v12 =	vld [tilespmem:$0x1FCA0]  }
0x49d: {  	v5 =	vmul.f32 v5, v57;
	v1 =	vadd.f32 v8, v1  }
0x49e: {  	v11 =	vld.idx.msk [tilespmem:v2+s20+$0x0], $0xffff;
	v9 =	vadd.f32 v10, v9  }
0x49f: {  	v1 =	vadd.f32 v5, v1;
	v5 =	vld [tilespmem:$0x1FFE0]  }
0x4a0: {  	v2 =	vld.idx.msk [tilespmem:v2+s18+$0x0], $0xffff;
	v9 =	vmax.f32 v9, $0.0e+00  }
0x4a1: {  	v4 =	vor.u32 s0, v42;
	v1 =	vadd.f32 v7, v1;
	v9 =	vmul.f32 v9, v12;
	_ =	sdelay $0x1  }
0x4a2: {  	v1 =	vadd.f32 v9, v1;
	v9 =	vld [tilespmem:$0x1FCB0]  }
0x4a3: {  	v5 =	vor.u32 s0, v5  }
0x4a4: {  	v3 =	vld.idx.msk [tilespmem:v3+s18+$0x0], $0xffff;
	v2 =	vadd.f32 v11, v2  }
0x4a5: {  	v10 =	vld.idx.msk [tilespmem:v4+s20+$0x0], $0xffff  }
0x4a6: {  	v4 =	vld.idx.msk [tilespmem:v4+s18+$0x0], $0xffff;
	v2 =	vmax.f32 v2, $0.0e+00  }
0x4a7: {  	v12 =	vld [tilespmem:$0x1FBB0];
	v2 =	vmul.f32 v2, v9  }
0x4a8: {  	v9 =	vld.idx.msk [tilespmem:v5+s20+$0x0], $0xffff  }
0x4a9: {  	v1 =	vadd.f32 v2, v1;
	v2 =	vld.idx.msk [tilespmem:v5+s18+$0x0], $0xffff  }
0x4aa: {  	v6 =	vor.u32 s0, v43;
	v5 =	vld [tilespmem:$0x1FCC0]  }
0x4ab: {  	v8 =	vld [tilespmem:$0x1FFD0]  }
0x4ac: {  	v4 =	vadd.f32 v10, v4;
	v10 =	vld [tilespmem:$0x1FCD0];
	v3 =	vadd.f32 v12, v3;
	_ =	sdelay $0x1  }
0x4ad: {  	v3 =	vmax.f32 v3, $0.0e+00  }
0x4ae: {  	v11 =	vld.idx.msk [tilespmem:v6+s20+$0x0], $0xffff;
	v3 =	vmul.f32 v3, v5  }
0x4af: {  	v6 =	vld.idx.msk [tilespmem:v6+s18+$0x0], $0xffff;
	v4 =	vmax.f32 v4, $0.0e+00  }
0x4b0: {  	v8 =	vor.u32 s0, v8;
	v4 =	vmul.f32 v4, v10;
	v1 =	vadd.f32 v3, v1;
	_ =	sdelay $0x1  }
0x4b1: {  	v1 =	vadd.f32 v4, v1;
	v4 =	vld [tilespmem:$0x1FCE0];
	_ =	sdelay $0x1  }
0x4b2: {  	v5 =	vadd.f32 v11, v6  }
0x4b3: {  	v12 =	vld.idx.msk [tilespmem:v8+s20+$0x0], $0xffff  }
0x4b4: {  	v8 =	vld.idx.msk [tilespmem:v8+s18+$0x0], $0xffff;
	v5 =	vmax.f32 v5, $0.0e+00  }
0x4b5: {  	v4 =	vmul.f32 v5, v4  }
0x4b6: {  	v7 =	vld [tilespmem:$0x1FFF0]  }
0x4b7: {  	v1 =	vadd.f32 v4, v1;
	v4 =	vld [tilespmem:$0x1FCF0];
	_ =	sdelay $0x1  }
0x4b8: {  	v11 =	vadd.f32 v12, v8;
	_ =	sdelay $0x1  }
0x4b9: {  	v5 =	vmax.f32 v11, $0.0e+00  }
0x4ba: {  	v7 =	vor.u32 s0, v7;
	v4 =	vmul.f32 v5, v4;
	_ =	sdelay $0x1  }
0x4bb: {  	v1 =	vadd.f32 v4, v1;
	v4 =	vld [tilespmem:$0x1FD00];
	_ =	sdelay $0x1  }
0x4bc: {  	v2 =	vadd.f32 v9, v2  }
0x4bd: {  	v6 =	vld.idx.msk [tilespmem:v7+s20+$0x0], $0xffff  }
0x4be: {  	v3 =	vld.idx.msk [tilespmem:v7+s18+$0x0], $0xffff;
	v2 =	vmax.f32 v2, $0.0e+00  }
0x4bf: {  	v2 =	vmul.f32 v2, v4;
	_ =	sdelay $0x1  }
0x4c0: {  	v1 =	vadd.f32 v2, v1;
	v2 =	vld [tilespmem:$0x1FD10];
	_ =	sdelay $0x1  }
0x4c1: {  	v3 =	vadd.f32 v6, v3  }
0x4c2: {  	s25 =	simm.s32 $0x320  }
0x4c3: {  	v3 =	vmax.f32 v3, $0.0e+00;
	v4 =	vld [tilespmem:s25+$0x0]  }
0x4c4: {  	v2 =	vmul.f32 v3, v2;
	_ =	sdelay $0x1  }
0x4c5: {  	v1 =	vadd.f32 v2, v1  }
0x4c6: {  	v2 =	vld [tilespmem:s25+$0x190]  }
0x4c7: {  	v1 =	vadd.f32 v1, v4;
	_ =	sdelay $0x1  }
0x4c8: {  	v1 =	vmax.f32 v1, $-4.595119950e+00  }
0x4c9: {  	v1 =	vmin.f32 v1, $4.595120910e+00  }
0x4ca: {  	v1 =	vadd.f32 v1, v2;
	v2 =	vld [tilespmem:$0x1FFC0];
	_ =	sdelay $0x4  }
0x4cb: {  	v1 =	vmul.f32 v1, v2;
	_ =	sdelay $0x1  }
0x4cc: {  	v1 =	vsub.f32 $0.0e+00, v1;
	_ =	sdelay $0x1  }
0x4cd: {  	v1 =	vmul.f32 $1.442695020e+00, v1;
	_ =	sdelay $0x1  }
0x4ce: {  	(erf) = vpow2.f32 v1;
	_ =	sdelay $0x8  }
0x4cf: {  	v1 =	vpop (erf)  }
0x4d0: {  	v1 =	vadd.f32 $1.000000000e+00, v1;
	_ =	sdelay $0x1  }
0x4d1: {  	(erf) = vrcp.f32 v1;
	_ =	sdelay $0x8  }
0x4d2: {  	s24 =	simm.s32 $0xD610;
	s26 =	simm.s32 $0x200;
	v3 =	vld [tilespmem:s25+$0xFFFFFCE0];
	v1 =	vpop (erf)  }
0x4d3: {  	s4 =	simm.s32 $0x400;
	s28 =	simm.s32 $0xD610;
	v2 =	vld [tilespmem:s25+$0xFFFFFE70];
	vm0 =	vlt.f32 v1, $0.0e+00;
	vm1 =	vgt.f32 v1, $0.0e+00;
	[tilespmem:s24+$0xFFFFFE70] =	vst v1;
	v1 =	vor.u32 s26, v13  }
.LBB2_9:
0x4d4: {  	_ =	sdelay $0x1  }
0x4d5: {  	vm0 =	vmor vm1, vm0  }
0x4d6: {  	v4 =	vor.u32 s26, v15;
	v3 =	vnsel vm0, $0xFFFFFFFF, v3  }
0x4d7: {  	v2 =	vnsel vm0, $0xFFFFFFFF, v2;
	[tilespmem:s28+$0x0] =	vst v3  }
0x4d8: {  	v5 =	vor.u32 s26, v18;
	[tilespmem:s28+$0x190] =	vst v2  }
0x4d9: {  	v3 =	vor.u32 s26, v17;
	v2 =	vld.idx.msk [tilespmem:v1+s18+$0x0], $0xffff  }
0x4da: {  	v1 =	vld.idx.msk [tilespmem:v1+s20+$0x0], $0xffff  }
0x4db: {  	v6 =	vld.idx.msk [tilespmem:v4+s20+$0x0], $0xffff  }
0x4dc: {  	v7 =	vor.u32 s26, v19;
	v4 =	vld.idx.msk [tilespmem:v4+s18+$0x0], $0xffff  }
0x4dd: {  	v10 =	vld.idx.msk [tilespmem:v5+s20+$0x0], $0xffff  }
0x4de: {  	v9 =	vor.u32 s26, v20;
	v8 =	vld.idx.msk [tilespmem:v3+s20+$0x0], $0xffff  }
0x4df: {  	v3 =	vld.idx.msk [tilespmem:v3+s18+$0x0], $0xffff  }
0x4e0: {  	v1 =	vadd.f32 v1, v2;
	v2 =	vld.idx.msk [tilespmem:v5+s18+$0x0], $0xffff;
	v5 =	vor.u32 s26, v21  }
0x4e1: {  	v11 =	vld.idx.msk [tilespmem:v7+s20+$0x0], $0xffff  }
0x4e2: {  	v4 =	vadd.f32 v6, v4;
	v6 =	vld.idx.msk [tilespmem:v7+s18+$0x0], $0xffff;
	v7 =	vor.u32 s26, v22;
	v1 =	vmax.f32 v1, $0.0e+00  }
0x4e3: {  	v12 =	vld.idx.msk [tilespmem:v9+s20+$0x0], $0xffff;
	v1 =	vmul.f32 v1, v30  }
0x4e4: {  	v4 =	vmax.f32 v4, $0.0e+00;
	v3 =	vadd.f32 v8, v3;
	v8 =	vld.idx.msk [tilespmem:v9+s18+$0x0], $0xffff  }
0x4e5: {  	v4 =	vmul.f32 v4, v45;
	v1 =	vadd.f32 $0.0e+00, v1;
	v13 =	vld.idx.msk [tilespmem:v5+s20+$0x0], $0xffff  }
0x4e6: {  	v9 =	vor.u32 s26, v40;
	v5 =	vld.idx.msk [tilespmem:v5+s18+$0x0], $0xffff  }
0x4e7: {  	v2 =	vadd.f32 v10, v2;
	v3 =	vmax.f32 v3, $0.0e+00;
	v1 =	vadd.f32 v4, v1;
	v4 =	vld.idx.msk [tilespmem:v7+s20+$0x0], $0xffff  }
0x4e8: {  	v6 =	vadd.f32 v11, v6;
	v11 =	vor.u32 s26, v24;
	v3 =	vmul.f32 v3, v55;
	v7 =	vld.idx.msk [tilespmem:v7+s18+$0x0], $0xffff  }
0x4e9: {  	v2 =	vmax.f32 v2, $0.0e+00  }
0x4ea: {  	v2 =	vmul.f32 v2, v46;
	v1 =	vadd.f32 v3, v1  }
0x4eb: {  	v10 =	vor.u32 s26, v23;
	v6 =	vmax.f32 v6, $0.0e+00;
	v3 =	vld.idx.msk [tilespmem:v9+s20+$0x0], $0xffff;
	v8 =	vadd.f32 v12, v8  }
0x4ec: {  	v9 =	vld.idx.msk [tilespmem:v9+s18+$0x0], $0xffff;
	v12 =	vor.u32 s26, v25;
	v1 =	vadd.f32 v2, v1;
	v2 =	vmul.f32 v6, v54  }
0x4ed: {  	v5 =	vadd.f32 v13, v5;
	v8 =	vmax.f32 v8, $0.0e+00;
	v4 =	vadd.f32 v4, v7;
	v7 =	vld.idx.msk [tilespmem:v11+s18+$0x0], $0xffff  }
0x4ee: {  	v1 =	vadd.f32 v2, v1;
	v2 =	vmul.f32 v8, v47;
	v8 =	vld.idx.msk [tilespmem:v11+s20+$0x0], $0xffff;
	v11 =	vor.u32 s26, v27  }
0x4ef: {  	v5 =	vmax.f32 v5, $0.0e+00  }
0x4f0: {  	v6 =	vld.idx.msk [tilespmem:v10+s20+$0x0], $0xffff;
	v1 =	vadd.f32 v2, v1;
	v2 =	vmul.f32 v5, v53  }
0x4f1: {  	v10 =	vld.idx.msk [tilespmem:v10+s18+$0x0], $0xffff;
	v4 =	vmax.f32 v4, $0.0e+00;
	v3 =	vadd.f32 v3, v9  }
0x4f2: {  	v13 =	vor.u32 s26, v26;
	v9 =	vld.idx.msk [tilespmem:v12+s18+$0x0], $0xffff;
	v1 =	vadd.f32 v2, v1;
	v2 =	vmul.f32 v4, v52  }
0x4f3: {  	v3 =	vmax.f32 v3, $0.0e+00;
	v7 =	vadd.f32 v8, v7;
	v8 =	vld.idx.msk [tilespmem:v11+s18+$0x0], $0xffff  }
0x4f4: {  	v1 =	vadd.f32 v2, v1;
	v2 =	vmul.f32 v3, v51;
	v3 =	vld.idx.msk [tilespmem:v11+s20+$0x0], $0xffff  }
0x4f5: {  	v11 =	vld [tilespmem:$0x1FEE0]  }
0x4f6: {  	v5 =	vld.idx.msk [tilespmem:v12+s20+$0x0], $0xffff;
	v12 =	vor.u32 s26, v28  }
0x4f7: {  	v6 =	vadd.f32 v6, v10;
	v10 =	vld.idx.msk [tilespmem:v13+s18+$0x0], $0xffff  }
0x4f8: {  	v4 =	vld.idx.msk [tilespmem:v13+s20+$0x0], $0xffff;
	v13 =	vor.u32 s26, v29  }
0x4f9: {  	v6 =	vmax.f32 v6, $0.0e+00  }
0x4fa: {  	v1 =	vadd.f32 v2, v1;
	v2 =	vmul.f32 v6, v50;
	v11 =	vor.u32 s26, v11  }
0x4fb: {  	v7 =	vmax.f32 v7, $0.0e+00;
	v5 =	vadd.f32 v5, v9;
	v9 =	vld.idx.msk [tilespmem:v12+s18+$0x0], $0xffff  }
0x4fc: {  	v6 =	vld.idx.msk [tilespmem:v12+s20+$0x0], $0xffff;
	v12 =	vor.u32 s26, v31;
	v1 =	vadd.f32 v2, v1;
	v2 =	vmul.f32 v7, v49  }
0x4fd: {  	v5 =	vmax.f32 v5, $0.0e+00;
	v4 =	vadd.f32 v4, v10;
	v10 =	vld.idx.msk [tilespmem:v13+s18+$0x0], $0xffff  }
0x4fe: {  	v7 =	vld.idx.msk [tilespmem:v13+s20+$0x0], $0xffff;
	v13 =	vor.u32 s26, v32;
	v1 =	vadd.f32 v2, v1;
	v2 =	vmul.f32 v5, v48  }
0x4ff: {  	v4 =	vmax.f32 v4, $0.0e+00;
	v3 =	vadd.f32 v3, v8;
	v5 =	vld.idx.msk [tilespmem:v11+s20+$0x0], $0xffff  }
0x500: {  	v1 =	vadd.f32 v2, v1;
	v2 =	vmul.f32 v4, v44;
	v8 =	vld.idx.msk [tilespmem:v11+s18+$0x0], $0xffff;
	v11 =	vor.u32 s26, v33  }
0x501: {  	v3 =	vmax.f32 v3, $0.0e+00;
	v6 =	vadd.f32 v6, v9;
	v9 =	vld.idx.msk [tilespmem:v12+s18+$0x0], $0xffff  }
0x502: {  	v4 =	vld.idx.msk [tilespmem:v12+s20+$0x0], $0xffff;
	v12 =	vor.u32 s26, v34;
	v1 =	vadd.f32 v2, v1;
	v2 =	vmul.f32 v3, v16  }
0x503: {  	v6 =	vmax.f32 v6, $0.0e+00;
	v7 =	vadd.f32 v7, v10;
	v10 =	vld.idx.msk [tilespmem:v13+s18+$0x0], $0xffff  }
0x504: {  	v3 =	vld.idx.msk [tilespmem:v13+s20+$0x0], $0xffff;
	v13 =	vor.u32 s26, v35;
	v1 =	vadd.f32 v2, v1;
	v2 =	vmul.f32 v6, v0  }
0x505: {  	v7 =	vmax.f32 v7, $0.0e+00;
	v6 =	vld.idx.msk [tilespmem:v11+s20+$0x0], $0xffff;
	v5 =	vadd.f32 v5, v8  }
0x506: {  	v1 =	vadd.f32 v2, v1;
	v2 =	vmul.f32 v7, v56;
	v8 =	vld.idx.msk [tilespmem:v11+s18+$0x0], $0xffff;
	v11 =	vor.u32 s26, v36  }
0x507: {  	v4 =	vadd.f32 v4, v9;
	v9 =	vld.idx.msk [tilespmem:v12+s18+$0x0], $0xffff;
	v5 =	vmax.f32 v5, $0.0e+00  }
0x508: {  	v7 =	vld.idx.msk [tilespmem:v12+s20+$0x0], $0xffff;
	v1 =	vadd.f32 v2, v1;
	v2 =	vmul.f32 v5, v63  }
0x509: {  	v4 =	vmax.f32 v4, $0.0e+00;
	v3 =	vadd.f32 v3, v10;
	v10 =	vld.idx.msk [tilespmem:v13+s18+$0x0], $0xffff  }
0x50a: {  	v5 =	vld.idx.msk [tilespmem:v13+s20+$0x0], $0xffff;
	v1 =	vadd.f32 v2, v1;
	v2 =	vmul.f32 v4, v62  }
0x50b: {  	v3 =	vmax.f32 v3, $0.0e+00;
	v4 =	vld.idx.msk [tilespmem:v11+s20+$0x0], $0xffff;
	v6 =	vadd.f32 v6, v8  }
0x50c: {  	v8 =	vld.idx.msk [tilespmem:v11+s18+$0x0], $0xffff;
	v1 =	vadd.f32 v2, v1;
	v2 =	vmul.f32 v3, v61  }
0x50d: {  	v12 =	vor.u32 s26, v37;
	v7 =	vadd.f32 v7, v9;
	v6 =	vmax.f32 v6, $0.0e+00  }
0x50e: {  	v1 =	vadd.f32 v2, v1;
	v2 =	vmul.f32 v6, v60  }
0x50f: {  	v7 =	vmax.f32 v7, $0.0e+00;
	v5 =	vadd.f32 v5, v10  }
0x510: {  	v1 =	vadd.f32 v2, v1;
	v2 =	vmul.f32 v7, v59  }
0x511: {  	v5 =	vmax.f32 v5, $0.0e+00;
	v4 =	vadd.f32 v4, v8  }
0x512: {  	v9 =	vld.idx.msk [tilespmem:v12+s18+$0x0], $0xffff;
	v1 =	vadd.f32 v2, v1;
	v2 =	vmul.f32 v5, v58  }
0x513: {  	v3 =	vld.idx.msk [tilespmem:v12+s20+$0x0], $0xffff;
	v4 =	vmax.f32 v4, $0.0e+00  }
0x514: {  	v13 =	vor.u32 s26, v38;
	v1 =	vadd.f32 v2, v1;
	v2 =	vmul.f32 v4, v57;
	_ =	sdelay $0x1  }
0x515: {  	v1 =	vadd.f32 v2, v1;
	v2 =	vld [tilespmem:$0x1FC90];
	_ =	sdelay $0x1  }
0x516: {  	v3 =	vadd.f32 v3, v9  }
0x517: {  	v10 =	vld.idx.msk [tilespmem:v13+s18+$0x0], $0xffff  }
0x518: {  	v6 =	vld.idx.msk [tilespmem:v13+s20+$0x0], $0xffff;
	v3 =	vmax.f32 v3, $0.0e+00  }
0x519: {  	v11 =	vor.u32 s26, v39;
	v2 =	vmul.f32 v3, v2;
	_ =	sdelay $0x1  }
0x51a: {  	v1 =	vadd.f32 v2, v1;
	v2 =	vld [tilespmem:$0x1FCA0];
	_ =	sdelay $0x1  }
0x51b: {  	v6 =	vadd.f32 v6, v10  }
0x51c: {  	v8 =	vld.idx.msk [tilespmem:v11+s18+$0x0], $0xffff  }
0x51d: {  	v7 =	vld.idx.msk [tilespmem:v11+s20+$0x0], $0xffff;
	v6 =	vmax.f32 v6, $0.0e+00  }
0x51e: {  	v12 =	vor.u32 s26, v41;
	v2 =	vmul.f32 v6, v2;
	_ =	sdelay $0x1  }
0x51f: {  	v1 =	vadd.f32 v2, v1;
	v2 =	vld [tilespmem:$0x1FCB0];
	_ =	sdelay $0x1  }
0x520: {  	v7 =	vadd.f32 v7, v8  }
0x521: {  	v9 =	vld.idx.msk [tilespmem:v12+s18+$0x0], $0xffff  }
0x522: {  	v5 =	vld.idx.msk [tilespmem:v12+s20+$0x0], $0xffff;
	v7 =	vmax.f32 v7, $0.0e+00  }
0x523: {  	v13 =	vor.u32 s26, v42;
	v2 =	vmul.f32 v7, v2;
	_ =	sdelay $0x1  }
0x524: {  	v1 =	vadd.f32 v2, v1;
	v2 =	vld [tilespmem:$0x1FCC0];
	_ =	sdelay $0x1  }
0x525: {  	v5 =	vadd.f32 v5, v9  }
0x526: {  	v10 =	vld.idx.msk [tilespmem:v13+s18+$0x0], $0xffff  }
0x527: {  	v4 =	vld.idx.msk [tilespmem:v13+s20+$0x0], $0xffff;
	v5 =	vmax.f32 v5, $0.0e+00  }
0x528: {  	v11 =	vor.u32 s26, v43;
	v2 =	vmul.f32 v5, v2  }
0x529: {  	v12 =	vld [tilespmem:$0x1FFD0]  }
0x52a: {  	v1 =	vadd.f32 v2, v1;
	v2 =	vld [tilespmem:$0x1FCD0];
	_ =	sdelay $0x1  }
0x52b: {  	v4 =	vadd.f32 v4, v10  }
0x52c: {  	v8 =	vld.idx.msk [tilespmem:v11+s18+$0x0], $0xffff  }
0x52d: {  	v3 =	vld.idx.msk [tilespmem:v11+s20+$0x0], $0xffff;
	v4 =	vmax.f32 v4, $0.0e+00  }
0x52e: {  	v12 =	vor.u32 s26, v12;
	v2 =	vmul.f32 v4, v2  }
0x52f: {  	v13 =	vld [tilespmem:$0x1FFE0]  }
0x530: {  	v1 =	vadd.f32 v2, v1;
	v2 =	vld [tilespmem:$0x1FCE0];
	_ =	sdelay $0x1  }
0x531: {  	v3 =	vadd.f32 v3, v8  }
0x532: {  	v9 =	vld.idx.msk [tilespmem:v12+s18+$0x0], $0xffff  }
0x533: {  	v6 =	vld.idx.msk [tilespmem:v12+s20+$0x0], $0xffff;
	v3 =	vmax.f32 v3, $0.0e+00  }
0x534: {  	v13 =	vor.u32 s26, v13;
	v2 =	vmul.f32 v3, v2  }
0x535: {  	v11 =	vld [tilespmem:$0x1FFF0]  }
0x536: {  	v1 =	vadd.f32 v2, v1;
	v2 =	vld [tilespmem:$0x1FCF0];
	_ =	sdelay $0x1  }
0x537: {  	v4 =	vadd.f32 v6, v9  }
0x538: {  	v10 =	vld.idx.msk [tilespmem:v13+s18+$0x0], $0xffff  }
0x539: {  	v7 =	vld.idx.msk [tilespmem:v13+s20+$0x0], $0xffff;
	v3 =	vmax.f32 v4, $0.0e+00  }
0x53a: {  	v11 =	vor.u32 s26, v11;
	v2 =	vmul.f32 v3, v2;
	_ =	sdelay $0x1  }
0x53b: {  	v1 =	vadd.f32 v2, v1;
	v2 =	vld [tilespmem:$0x1FD00];
	_ =	sdelay $0x1  }
0x53c: {  	v4 =	vadd.f32 v7, v10  }
0x53d: {  	v8 =	vld.idx.msk [tilespmem:v11+s18+$0x0], $0xffff  }
0x53e: {  	v5 =	vld.idx.msk [tilespmem:v11+s20+$0x0], $0xffff;
	v3 =	vmax.f32 v4, $0.0e+00  }
0x53f: {  	v2 =	vmul.f32 v3, v2;
	_ =	sdelay $0x1  }
0x540: {  	v1 =	vadd.f32 v2, v1;
	v2 =	vld [tilespmem:$0x1FD10];
	_ =	sdelay $0x1  }
0x541: {  	v4 =	vadd.f32 v5, v8  }
0x542: {  	s25 =	sadd.s32 $0x10, s25  }
0x543: {  	v3 =	vmax.f32 v4, $0.0e+00;
	v4 =	vld [tilespmem:s25+$0x0]  }
0x544: {  	v2 =	vmul.f32 v3, v2;
	_ =	sdelay $0x1  }
0x545: {  	v1 =	vadd.f32 v2, v1  }
0x546: {  	v2 =	vld [tilespmem:s25+$0x190]  }
0x547: {  	v1 =	vadd.f32 v1, v4;
	_ =	sdelay $0x1  }
0x548: {  	v1 =	vmax.f32 v1, $-4.595119950e+00  }
0x549: {  	v1 =	vmin.f32 v1, $4.595120910e+00  }
0x54a: {  	v1 =	vadd.f32 v1, v2;
	v2 =	vld [tilespmem:$0x1FFC0];
	_ =	sdelay $0x4  }
0x54b: {  	v1 =	vmul.f32 v1, v2;
	_ =	sdelay $0x1  }
0x54c: {  	v1 =	vsub.f32 $0.0e+00, v1;
	_ =	sdelay $0x1  }
0x54d: {  	v1 =	vmul.f32 $1.442695020e+00, v1;
	_ =	sdelay $0x1  }
0x54e: {  	(erf) = vpow2.f32 v1;
	_ =	sdelay $0x8  }
0x54f: {  	v1 =	vpop (erf)  }
0x550: {  	v1 =	vadd.f32 $1.000000000e+00, v1;
	_ =	sdelay $0x1  }
0x551: {  	(erf) = vrcp.f32 v1;
	_ =	sdelay $0x4  }
0x552: {  	p0 =	sne.s32 s4, $0x3000  }
.Ltmp4:
0x553: {  	_ = 	snop;
	(pc) =	sbr.rel @p0 .LBB2_9-.Ltmp4, $4  }
0x554: {  	_ = 	snop  }
0x555: {  	s6 =	smov.u32 s4  }
0x556: {  	s24 =	sadd.s32 $0x10, s24;
	s0 =	sadd.s32 $0x200, s4;
	s26 =	smov.u32 s6;
	v3 =	vld [tilespmem:s25+$0xFFFFFCE0];
	v4 =	vpop (erf)  }
0x557: {  	s4 =	smov.u32 s0;
	s28 =	smov.u32 s24;
	v2 =	vld [tilespmem:s25+$0xFFFFFE70];
	v1 =	vor.u32 s26, v14;
	vm0 =	vlt.f32 v4, $0.0e+00;
	vm1 =	vgt.f32 v4, $0.0e+00;
	[tilespmem:s24+$0xFFFFFE70] =	vst v4  }
0x558: {  	_ =	sdelay $0x1  }
0x559: {  	vm0 =	vmor vm1, vm0  }
0x55a: {  	v4 =	vor.u32 s26, v15;
	v3 =	vnsel vm0, $0xFFFFFFFF, v3  }
0x55b: {  	v2 =	vnsel vm0, $0xFFFFFFFF, v2;
	[tilespmem:s28+$0x0] =	vst v3  }
0x55c: {  	v5 =	vor.u32 s26, v18;
	[tilespmem:s28+$0x190] =	vst v2  }
0x55d: {  	v3 =	vor.u32 s26, v17;
	v2 =	vld.idx.msk [tilespmem:v1+s18+$0x0], $0xffff  }
0x55e: {  	v1 =	vld.idx.msk [tilespmem:v1+s20+$0x0], $0xffff  }
0x55f: {  	v6 =	vld.idx.msk [tilespmem:v4+s20+$0x0], $0xffff  }
0x560: {  	v7 =	vor.u32 s26, v19;
	v4 =	vld.idx.msk [tilespmem:v4+s18+$0x0], $0xffff  }
0x561: {  	v9 =	vor.u32 s26, v20;
	v10 =	vld.idx.msk [tilespmem:v5+s20+$0x0], $0xffff  }
0x562: {  	v8 =	vld.idx.msk [tilespmem:v3+s20+$0x0], $0xffff  }
0x563: {  	v3 =	vld.idx.msk [tilespmem:v3+s18+$0x0], $0xffff  }
0x564: {  	v1 =	vadd.f32 v1, v2;
	v2 =	vld.idx.msk [tilespmem:v5+s18+$0x0], $0xffff;
	v5 =	vor.u32 s26, v21  }
0x565: {  	v4 =	vadd.f32 v6, v4;
	v6 =	vld.idx.msk [tilespmem:v7+s20+$0x0], $0xffff  }
0x566: {  	v21 =	vor.u32 s26, v22;
	v22 =	vld.idx.msk [tilespmem:v9+s20+$0x0], $0xffff  }
0x567: {  	v11 =	vor.u32 s26, v40;
	v9 =	vld.idx.msk [tilespmem:v9+s18+$0x0], $0xffff  }
0x568: {  	v7 =	vld.idx.msk [tilespmem:v7+s18+$0x0], $0xffff;
	v1 =	vmax.f32 v1, $0.0e+00  }
0x569: {  	v4 =	vmax.f32 v4, $0.0e+00;
	v20 =	vmul.f32 v1, v30;
	v30 =	vld.idx.msk [tilespmem:v5+s20+$0x0], $0xffff  }
0x56a: {  	v3 =	vadd.f32 v8, v3;
	v4 =	vmul.f32 v4, v45;
	v45 =	vor.u32 s26, v23;
	v40 =	vld.idx.msk [tilespmem:v5+s18+$0x0], $0xffff  }
0x56b: {  	v1 =	vld.idx.msk [tilespmem:v21+s18+$0x0], $0xffff  }
0x56c: {  	v23 =	vor.u32 s26, v25;
	v3 =	vmax.f32 v3, $0.0e+00;
	v8 =	vadd.f32 v22, v9;
	v22 =	vld.idx.msk [tilespmem:v11+s18+$0x0], $0xffff  }
0x56d: {  	v3 =	vmul.f32 v3, v55;
	v55 =	vld.idx.msk [tilespmem:v21+s20+$0x0], $0xffff  }
0x56e: {  	v2 =	vadd.f32 v10, v2;
	v21 =	vld.idx.msk [tilespmem:v11+s20+$0x0], $0xffff  }
0x56f: {  	v12 =	vmov v0;
	v0 =	vadd.f32 $0.0e+00, v20;
	v20 =	vor.u32 s26, v24;
	v24 =	vld.idx.msk [tilespmem:v45+s20+$0x0], $0xffff  }
0x570: {  	v2 =	vmax.f32 v2, $0.0e+00;
	v5 =	vld.idx.msk [tilespmem:v45+s18+$0x0], $0xffff  }
0x571: {  	v8 =	vmax.f32 v8, $0.0e+00;
	v2 =	vmul.f32 v2, v46;
	v45 =	vor.u32 s26, v27;
	v46 =	vld.idx.msk [tilespmem:v23+s20+$0x0], $0xffff  }
0x572: {  	v0 =	vadd.f32 v4, v0;
	v25 =	vmul.f32 v8, v47;
	v47 =	vld.idx.msk [tilespmem:v23+s18+$0x0], $0xffff  }
0x573: {  	v23 =	vld [tilespmem:$0x1FEE0];
	v4 =	vadd.f32 v30, v40;
	v30 =	vor.u32 s26, v26  }
0x574: {  	v0 =	vadd.f32 v3, v0;
	v40 =	vld.idx.msk [tilespmem:v20+s20+$0x0], $0xffff  }
0x575: {  	v6 =	vadd.f32 v6, v7;
	v3 =	vld.idx.msk [tilespmem:v20+s18+$0x0], $0xffff;
	v20 =	vor.u32 s26, v29  }
0x576: {  	v0 =	vadd.f32 v2, v0;
	v2 =	vadd.f32 v21, v22;
	v21 =	vld.idx.msk [tilespmem:v45+s20+$0x0], $0xffff  }
0x577: {  	v6 =	vmax.f32 v6, $0.0e+00;
	v26 =	vor.u32 s26, v31;
	v22 =	vld.idx.msk [tilespmem:v45+s18+$0x0], $0xffff  }
0x578: {  	v6 =	vmul.f32 v6, v54;
	v54 =	vld.idx.msk [tilespmem:v30+s20+$0x0], $0xffff  }
0x579: {  	v29 =	vor.u32 s26, v32;
	v1 =	vadd.f32 v55, v1;
	v55 =	vld.idx.msk [tilespmem:v30+s18+$0x0], $0xffff  }
0x57a: {  	v4 =	vmax.f32 v4, $0.0e+00;
	v27 =	vld.idx.msk [tilespmem:v20+s20+$0x0], $0xffff  }
0x57b: {  	v0 =	vadd.f32 v6, v0;
	v4 =	vmul.f32 v4, v53;
	v53 =	vor.u32 s26, v28;
	v28 =	vld.idx.msk [tilespmem:v20+s18+$0x0], $0xffff  }
0x57c: {  	v32 =	vor.u32 s26, v33;
	v33 =	vld.idx.msk [tilespmem:v26+s20+$0x0], $0xffff  }
0x57d: {  	v1 =	vmax.f32 v1, $0.0e+00;
	v0 =	vadd.f32 v25, v0;
	v3 =	vadd.f32 v40, v3;
	v40 =	vld.idx.msk [tilespmem:v26+s18+$0x0], $0xffff  }
0x57e: {  	v5 =	vadd.f32 v24, v5;
	v2 =	vmax.f32 v2, $0.0e+00;
	v6 =	vor.u32 s26, v23;
	v45 =	vld.idx.msk [tilespmem:v29+s20+$0x0], $0xffff  }
0x57f: {  	v1 =	vmul.f32 v1, v52;
	v20 =	vor.u32 s26, v39;
	v39 =	vld [tilespmem:$0x1FCA0];
	v0 =	vadd.f32 v4, v0  }
0x580: {  	v2 =	vmul.f32 v2, v51;
	v5 =	vmax.f32 v5, $0.0e+00;
	v26 =	vor.u32 s26, v42;
	v42 =	vld [tilespmem:$0x1FCB0]  }
0x581: {  	v5 =	vmul.f32 v5, v50;
	v50 =	vor.u32 s26, v36;
	v36 =	vld [tilespmem:$0x1FFE0];
	v0 =	vadd.f32 v1, v0  }
0x582: {  	v4 =	vadd.f32 v46, v47;
	v46 =	vld.idx.msk [tilespmem:v29+s18+$0x0], $0xffff  }
0x583: {  	v47 =	vor.u32 s26, v35;
	v35 =	vld [tilespmem:$0x1FC90];
	v0 =	vadd.f32 v2, v0  }
0x584: {  	v3 =	vmax.f32 v3, $0.0e+00;
	v24 =	vld.idx.msk [tilespmem:v53+s20+$0x0], $0xffff  }
0x585: {  	v25 =	vld.idx.msk [tilespmem:v53+s18+$0x0], $0xffff;
	v3 =	vmul.f32 v3, v49;
	v0 =	vadd.f32 v5, v0  }
0x586: {  	v30 =	vld.idx.msk [tilespmem:v6+s20+$0x0], $0xffff;
	v4 =	vmax.f32 v4, $0.0e+00;
	v1 =	vadd.f32 v54, v55  }
0x587: {  	v31 =	vld.idx.msk [tilespmem:v6+s18+$0x0], $0xffff;
	v4 =	vmul.f32 v4, v48;
	v0 =	vadd.f32 v3, v0  }
0x588: {  	v29 =	vor.u32 s26, v43;
	v49 =	vld.idx.msk [tilespmem:v32+s18+$0x0], $0xffff;
	v2 =	vadd.f32 v21, v22;
	v1 =	vmax.f32 v1, $0.0e+00  }
0x589: {  	v53 =	vor.u32 s26, v37;
	v48 =	vld.idx.msk [tilespmem:v32+s20+$0x0], $0xffff;
	v1 =	vmul.f32 v1, v44;
	v0 =	vadd.f32 v4, v0  }
0x58a: {  	v32 =	vld [tilespmem:$0x1FFD0];
	v5 =	vadd.f32 v24, v25;
	v2 =	vmax.f32 v2, $0.0e+00  }
0x58b: {  	v54 =	vld.idx.msk [tilespmem:v47+s20+$0x0], $0xffff;
	v44 =	vor.u32 s26, v34;
	v2 =	vmul.f32 v2, v16;
	v0 =	vadd.f32 v1, v0  }
0x58c: {  	v55 =	vld.idx.msk [tilespmem:v47+s18+$0x0], $0xffff;
	v3 =	vadd.f32 v27, v28;
	v5 =	vmax.f32 v5, $0.0e+00  }
0x58d: {  	v37 =	vld.idx.msk [tilespmem:v29+s20+$0x0], $0xffff;
	v5 =	vmul.f32 v5, v12;
	v0 =	vadd.f32 v2, v0  }
0x58e: {  	v21 =	vld.idx.msk [tilespmem:v53+s20+$0x0], $0xffff;
	v4 =	vadd.f32 v30, v31;
	v3 =	vmax.f32 v3, $0.0e+00  }
0x58f: {  	v22 =	vld.idx.msk [tilespmem:v53+s18+$0x0], $0xffff;
	v3 =	vmul.f32 v3, v56;
	v0 =	vadd.f32 v5, v0  }
0x590: {  	v51 =	vld.idx.msk [tilespmem:v44+s20+$0x0], $0xffff;
	v1 =	vadd.f32 v33, v40;
	v4 =	vmax.f32 v4, $0.0e+00  }
0x591: {  	v52 =	vld.idx.msk [tilespmem:v44+s18+$0x0], $0xffff;
	v4 =	vmul.f32 v4, v63;
	v0 =	vadd.f32 v3, v0  }
0x592: {  	v34 =	vld.idx.msk [tilespmem:v26+s18+$0x0], $0xffff;
	v2 =	vadd.f32 v45, v46;
	v1 =	vmax.f32 v1, $0.0e+00  }
0x593: {  	v53 =	vld [tilespmem:$0x1FCF0];
	v56 =	vor.u32 s26, v38;
	v1 =	vmul.f32 v1, v62;
	v0 =	vadd.f32 v4, v0  }
0x594: {  	v63 =	vld.idx.msk [tilespmem:v50+s18+$0x0], $0xffff;
	v5 =	vadd.f32 v48, v49;
	v2 =	vmax.f32 v2, $0.0e+00  }
0x595: {  	v23 =	vor.u32 s26, v41;
	v62 =	vld.idx.msk [tilespmem:v50+s20+$0x0], $0xffff;
	v2 =	vmul.f32 v2, v61;
	v0 =	vadd.f32 v1, v0  }
0x596: {  	v27 =	vld.idx.msk [tilespmem:v20+s20+$0x0], $0xffff;
	v3 =	vadd.f32 v51, v52;
	v5 =	vmax.f32 v5, $0.0e+00  }
0x597: {  	v28 =	vld.idx.msk [tilespmem:v20+s18+$0x0], $0xffff;
	v5 =	vmul.f32 v5, v60;
	v0 =	vadd.f32 v2, v0  }
0x598: {  	v24 =	vld.idx.msk [tilespmem:v56+s20+$0x0], $0xffff;
	v4 =	vadd.f32 v54, v55;
	v3 =	vmax.f32 v3, $0.0e+00  }
0x599: {  	v8 =	vor.u32 s26, v36;
	v25 =	vld.idx.msk [tilespmem:v56+s18+$0x0], $0xffff;
	v3 =	vmul.f32 v3, v59;
	v0 =	vadd.f32 v5, v0  }
0x59a: {  	v30 =	vld.idx.msk [tilespmem:v23+s20+$0x0], $0xffff;
	v1 =	vadd.f32 v62, v63;
	v4 =	vmax.f32 v4, $0.0e+00  }
0x59b: {  	v31 =	vld.idx.msk [tilespmem:v23+s18+$0x0], $0xffff;
	v4 =	vmul.f32 v4, v58;
	v0 =	vadd.f32 v3, v0  }
0x59c: {  	v11 =	vor.u32 s26, v32;
	v40 =	vld [tilespmem:$0x1FFF0];
	v2 =	vadd.f32 v21, v22;
	v1 =	vmax.f32 v1, $0.0e+00  }
0x59d: {  	v38 =	vld.idx.msk [tilespmem:v29+s18+$0x0], $0xffff;
	v1 =	vmul.f32 v1, v57;
	v0 =	vadd.f32 v4, v0  }
0x59e: {  	v44 =	vld.idx.msk [tilespmem:v8+s20+$0x0], $0xffff;
	v5 =	vadd.f32 v24, v25;
	v2 =	vmax.f32 v2, $0.0e+00  }
0x59f: {  	v33 =	vld.idx.msk [tilespmem:v26+s20+$0x0], $0xffff;
	v2 =	vmul.f32 v2, v35;
	v0 =	vadd.f32 v1, v0  }
0x5a0: {  	v45 =	vld [tilespmem:$0x1FCC0];
	v3 =	vadd.f32 v27, v28;
	v5 =	vmax.f32 v5, $0.0e+00  }
0x5a1: {  	v41 =	vld.idx.msk [tilespmem:v11+s20+$0x0], $0xffff;
	v6 =	vor.u32 s26, v40;
	v5 =	vmul.f32 v5, v39;
	v0 =	vadd.f32 v2, v0  }
0x5a2: {  	v48 =	vld [tilespmem:$0x1FCD0];
	v4 =	vadd.f32 v30, v31;
	v3 =	vmax.f32 v3, $0.0e+00  }
0x5a3: {  	v43 =	vld.idx.msk [tilespmem:v11+s18+$0x0], $0xffff;
	v3 =	vmul.f32 v3, v42;
	v0 =	vadd.f32 v5, v0  }
0x5a4: {  	v50 =	vld [tilespmem:$0x1FCE0];
	v1 =	vadd.f32 v33, v34;
	v4 =	vmax.f32 v4, $0.0e+00  }
0x5a5: {  	v46 =	vld.idx.msk [tilespmem:v8+s18+$0x0], $0xffff;
	v0 =	vadd.f32 v3, v0;
	v3 =	vmul.f32 v4, v45  }
0x5a6: {  	v47 =	vld.idx.msk [tilespmem:v6+s20+$0x0], $0xffff;
	v2 =	vadd.f32 v37, v38;
	v1 =	vmax.f32 v1, $0.0e+00  }
0x5a7: {  	v49 =	vld.idx.msk [tilespmem:v6+s18+$0x0], $0xffff;
	v1 =	vmul.f32 v1, v48;
	v0 =	vadd.f32 v3, v0  }
0x5a8: {  	v54 =	vld [tilespmem:$0x1FD00];
	v5 =	vadd.f32 v41, v43;
	v2 =	vmax.f32 v2, $0.0e+00  }
0x5a9: {  	v0 =	vadd.f32 v1, v0;
	v1 =	vmul.f32 v2, v50  }
0x5aa: {  	v51 =	vadd.f32 v44, v46;
	v57 =	vld [tilespmem:$0x1FD10];
	v52 =	vmax.f32 v5, $0.0e+00  }
0x5ab: {  	v0 =	vadd.f32 v1, v0;
	v1 =	vmul.f32 v52, v53  }
0x5ac: {  	v3 =	vadd.f32 v47, v49;
	v2 =	vmax.f32 v51, $0.0e+00  }
0x5ad: {  	s0 =	sadd.s32 $0x10, s25;
	v0 =	vadd.f32 v1, v0;
	v1 =	vmul.f32 v2, v54  }
0x5ae: {  	v56 =	vld [tilespmem:s0+$0x0];
	v55 =	vmax.f32 v3, $0.0e+00  }
0x5af: {  	v0 =	vadd.f32 v1, v0;
	v1 =	vmul.f32 v55, v57;
	_ =	sdelay $0x1  }
0x5b0: {  	v0 =	vadd.f32 v1, v0  }
0x5b1: {  	v58 =	vld [tilespmem:s0+$0x190]  }
0x5b2: {  	v0 =	vadd.f32 v0, v56  }
0x5b3: {  	v59 =	vld [tilespmem:$0x1FFC0]  }
0x5b4: {  	v0 =	vmax.f32 v0, $-4.595119950e+00  }
0x5b5: {  	v0 =	vmin.f32 v0, $4.595120910e+00  }
0x5b6: {  	v0 =	vadd.f32 v0, v58;
	_ =	sdelay $0x1  }
0x5b7: {  	v0 =	vmul.f32 v0, v59;
	_ =	sdelay $0x1  }
0x5b8: {  	v0 =	vsub.f32 $0.0e+00, v0;
	_ =	sdelay $0x1  }
0x5b9: {  	v0 =	vmul.f32 $1.442695020e+00, v0;
	_ =	sdelay $0x1  }
0x5ba: {  	(erf) = vpow2.f32 v0;
	_ =	sdelay $0x8  }
0x5bb: {  	v0 =	vpop (erf)  }
0x5bc: {  	v0 =	vadd.f32 $1.000000000e+00, v0;
	_ =	sdelay $0x1  }
0x5bd: {  	(erf) = vrcp.f32 v0;
	_ =	sdelay $0x6  }
0x5be: {  	v60 =	vld [tilespmem:s0+$0xFFFFFCE0]  }
0x5bf: {  	v61 =	vld [tilespmem:s0+$0xFFFFFE70]  }
0x5c0: {  	v62 =	vpop (erf)  }
0x5c1: {  	vm14 =	vlt.f32 v62, $0.0e+00;
	vm15 =	vgt.f32 v62, $0.0e+00  }
0x5c2: {  	s26 =	sadd.s32 $0x10, s24;
	vm0 =	vmor vm15, vm14  }
0x5c3: {  	[tilespmem:s26+$0xFFFFFE70] =	vst v62;
	v0 =	vnsel vm0, $0xFFFFFFFF, v60  }
0x5c4: {  	v63 =	vnsel vm0, $0xFFFFFFFF, v61;
	[tilespmem:s26+$0x0] =	vst v0  }
0x5c5: {  	s30 =	simm.s32 $0x8;
	s28 =	rddreg [dreg:$0x7];
	[tilespmem:s26+$0x190] =	vst v63  }
0x5c6: {  	[hbm4b:s28+s5] =	stream.linear.scatter [tilespmem:s21], [sflag:$0x7], $0x4B0, $0x38;
	[tilespmem:$0xDFE0] =	vst v63  }
0x5c7: {  	_ =	swait.ge [sflag:s30], $0x4B0  }
0x5c8: {  	[sflag:s30] =	ssyncset.done $0x0  }
0x5c9: {  	[sflag:s30] =	ssyncadd.s32 $0xFFFFFB50  }
0x5ca: {  	_ =	swait.ge [sflag:s29], $0x4B0  }
0x5cb: {  	s4 =	rddreg [dreg:$0x9]  }
0x5cc: {  	s31 =	rddreg [dreg:$0x8];
	s4 =	sadd.s32 $0x1, s4  }
0x5cd: {  	p0 =	sne.s32 s4, s31  }
.Ltmp5:
0x5ce: {  	_ = 	snop;
	(pc) =	sbr.rel @p0 .LBB2_1-.Ltmp5, $3  }
0x5cf: {  	_ =	sdelay $0x1  }
0x5d0: {  	[sflag:s29] =	ssyncset.done $0x0  }
0x5d1: {  	v13 =	vmov v14;
	v16 =	vmov v15;
	[sflag:s29] =	ssyncadd.s32 $0xFFFFFB50  }
0x5d2: {  	_ =	sfence.sel $0x180000  }
0x5d3: {  	[bflag:$0x0] =	sbarrier.arrive $0xFFFF  }
0x5d4: {  	_ =	strace $0x90000047  }
0x5d5: {  	s0 =	stileid.u32;
	[bflag:$0x2] =	sbarrier.arrive $0xFFFF  }
0x5d6: {  	p0 =	sne.s32 s0, $0x0;
	s0 =	rddreg [dreg:$0x4]  }
0x5d7: {  	s0 =	sadd.s32 @!p0 $0x100000, s0  }
0x5d8: {  	[sflag:s0] =	ssyncadd.tile.s32 @!p0 $0x1;
	_ =	shalt  }
.Lfunc_end2:
_tile_overlayer_lowered:
.L_overlay_start_2:
0x5d9: {  	(tag) =	ssettag $0x2  }
0x5da: {  	s0 =	rddreg [dreg:$0x0];
	s2 =	stileid.u32  }
0x5db: {  	s1 =	rddreg [dreg:$0x1];
	p0 =	sne.s32 s2, $0x0  }
0x5dc: {  	s3 =	rddreg [dreg:$0x2];
	[bflag:$0x3] =	sbarrier.arrive $0xFFFF;
	s2 =	simm.s32 @!p0 $0x1C09  }
0x5dd: {  	[timem:s3], [sflag:s2] =	dma.local @!p0 [hbm:s0], s1  }
0x5de: {  	s0 =	simm.s32 @!p0 $0x9  }
0x5df: {  	_ =	swait.ge @!p0 [sflag:s0], s1  }
0x5e0: {  	s1 =	ssub.s32 @!p0 $0x0, s1;
	[sflag:s0] =	ssyncset.done @!p0 $0x0  }
0x5e1: {  	[sflag:s0] =	ssyncadd.s32 @!p0 s1  }
0x5e2: {  	[bflag:$0x3] =	sbarrier.arrive $0xFFFF  }
0x5e3: {  	_ =	shalt  }

</sc_bundles>
